<compile_context>
chip_gen: v7x
topology: tpu7x:2x2x1
jax: 0.10.2.dev20260603
libtpu: 0.0.44.dev20260713+nightly
codegen_flags: <defaults>
</compile_context>

<pallas_src>
import functools

import jax
import jax.numpy as jnp
from jax import lax
from jax.experimental import pallas as pl
from jax.experimental.pallas import tpu as pltpu
from jax.experimental.pallas import tpu_sc as plsc

D = 768
H = 2048
E = 8
K = 2
N = 2048
BLK = 128
NBLK = (N * K) // BLK + E
NC = 2
NS = 16
NW = NC * NS
TPW = N // NW
HTPW = TPW // 2
LANES = 16


def _router_body(x_ref, rw_ref, rb_ref, dest_ref, wn_ref, meta_ref):
    xf = x_ref[...]
    rw = rw_ref[...]
    logits = lax.dot_general(xf, rw, (((1,), (1,)), ((), ())),
                             preferred_element_type=jnp.float32)
    logits = logits + rb_ref[...]
    m = jnp.max(logits, axis=1, keepdims=True)
    p = jnp.exp(logits - m)
    probs = p / jnp.sum(p, axis=1, keepdims=True)

    lane = lax.broadcasted_iota(jnp.int32, (N, E), 1)
    idx0 = jnp.argmax(probs, axis=1).astype(jnp.int32)
    v0 = jnp.max(probs, axis=1)
    oh0 = lane == idx0[:, None]
    probs2 = jnp.where(oh0, -1.0, probs)
    idx1 = jnp.argmax(probs2, axis=1).astype(jnp.int32)
    v1 = jnp.max(probs2, axis=1)
    oh1 = lane == idx1[:, None]

    wsum = v0 + v1 + 1e-9
    w0 = v0 / wsum
    w1 = v1 / wsum
    wn_ref[...] = jnp.concatenate([w0[None, :], w1[None, :]], axis=0)

    occ = oh0.astype(jnp.float32) + oh1.astype(jnp.float32)
    ri = lax.broadcasted_iota(jnp.int32, (N, N), 0)
    ci = lax.broadcasted_iota(jnp.int32, (N, N), 1)
    ltri = (ci < ri).astype(jnp.float32)
    rank_full = lax.dot_general(ltri, occ, (((1,), (0,)), ((), ())),
                                preferred_element_type=jnp.float32)

    counts = jnp.sum(occ, axis=0, keepdims=True)
    counts_i = counts.astype(jnp.int32)
    bpe = (counts_i + (BLK - 1)) // BLK
    ui = lax.broadcasted_iota(jnp.int32, (E, E), 0)
    uj = lax.broadcasted_iota(jnp.int32, (E, E), 1)
    utri = (ui <= uj).astype(jnp.float32)
    cum_bpe = lax.dot_general(bpe.astype(jnp.float32), utri,
                              (((1,), (0,)), ((), ())),
                              preferred_element_type=jnp.float32)
    off = (cum_bpe - bpe.astype(jnp.float32)) * BLK

    rank0 = jnp.sum(jnp.where(oh0, rank_full, 0.0), axis=1)
    rank1 = jnp.sum(jnp.where(oh1, rank_full, 0.0), axis=1)
    off0 = jnp.sum(jnp.where(oh0, off, 0.0), axis=1)
    off1 = jnp.sum(jnp.where(oh1, off, 0.0), axis=1)
    dest0 = (off0 + rank0).astype(jnp.int32)
    dest1 = (off1 + rank1).astype(jnp.int32)
    dest_ref[...] = jnp.concatenate([dest0[None, :], dest1[None, :]], axis=0)

    cum_i = cum_bpe.astype(jnp.int32)
    bb = lax.broadcasted_iota(jnp.int32, (NBLK, E), 0)
    be_raw = jnp.sum((bb >= cum_i).astype(jnp.int32), axis=1)
    lane_e = lax.broadcasted_iota(jnp.int32, (1, E), 1)
    last_e = jnp.max(jnp.where(counts_i > 0, lane_e, 0))
    be = jnp.minimum(be_raw, last_e)
    total = cum_i[0, E - 1]
    pad = jnp.zeros((64 - NBLK,), jnp.int32)
    meta = jnp.concatenate([be, pad])[None, :]
    pos = lax.broadcasted_iota(jnp.int32, (1, 64), 1)
    meta_ref[...] = jnp.where(pos == NBLK, total, meta)


def _router(flat, router_w, router_b):
    return pl.pallas_call(
        _router_body,
        out_shape=[
            jax.ShapeDtypeStruct((K, N), jnp.int32),
            jax.ShapeDtypeStruct((K, N), jnp.float32),
            jax.ShapeDtypeStruct((1, 64), jnp.int32),
        ],
    )(flat, router_w, router_b.reshape(1, E))


@functools.lru_cache(maxsize=None)
def _make_scatter_x():
    @functools.partial(
        pl.kernel,
        mesh=plsc.VectorSubcoreMesh(
            core_axis_name="c", subcore_axis_name="s", num_cores=NC),
        out_type=jax.ShapeDtypeStruct((NBLK * BLK, D), jnp.float32),
        scratch_types=[
            pltpu.VMEM((TPW, D), jnp.float32),
            pltpu.VMEM((TPW,), jnp.int32),
            pltpu.VMEM((TPW,), jnp.int32),
            pltpu.SemaphoreType.DMA,
            pltpu.SemaphoreType.DMA,
        ],
    )
    def _scatter_x(x_hbm, dest_hbm, xs_hbm, rows_v, i0_v, i1_v, sem0, sem1):
        wid = lax.axis_index("s") * NC + lax.axis_index("c")
        t0 = wid * TPW
        pltpu.sync_copy(dest_hbm.at[0, pl.ds(t0, TPW)], i0_v)
        pltpu.sync_copy(dest_hbm.at[1, pl.ds(t0, TPW)], i1_v)
        pltpu.sync_copy(x_hbm.at[pl.ds(t0, TPW)], rows_v)
        c0 = pltpu.async_copy(rows_v, xs_hbm.at[i0_v], sem0)
        c1 = pltpu.async_copy(rows_v, xs_hbm.at[i1_v], sem1)
        c0.wait()
        c1.wait()

    return _scatter_x


def _moe_body(be_ref, xs_ref, gw_ref, uw_ref, dw_ref, y_ref):
    b = pl.program_id(0)
    total = be_ref[NBLK]

    @pl.when(b < total)
    def _():
        xb = xs_ref[...].astype(jnp.bfloat16)
        g = lax.dot_general(xb, gw_ref[0], (((1,), (1,)), ((), ())),
                            preferred_element_type=jnp.float32)
        u = lax.dot_general(xb, uw_ref[0], (((1,), (1,)), ((), ())),
                            preferred_element_type=jnp.float32)
        h = (g * jax.nn.sigmoid(g) * u).astype(jnp.bfloat16)
        y_ref[...] = lax.dot_general(h, dw_ref[0], (((1,), (1,)), ((), ())),
                                     preferred_element_type=jnp.float32)


def _moe_mm(be_vec, xs, gate_w, up_w, down_w):
    grid_spec = pltpu.PrefetchScalarGridSpec(
        num_scalar_prefetch=1,
        grid=(NBLK,),
        in_specs=[
            pl.BlockSpec((BLK, D), lambda b, be: (b, 0)),
            pl.BlockSpec((1, H, D), lambda b, be: (be[b], 0, 0)),
            pl.BlockSpec((1, H, D), lambda b, be: (be[b], 0, 0)),
            pl.BlockSpec((1, D, H), lambda b, be: (be[b], 0, 0)),
        ],
        out_specs=pl.BlockSpec((BLK, D), lambda b, be: (b, 0)),
    )
    return pl.pallas_call(
        _moe_body,
        grid_spec=grid_spec,
        out_shape=jax.ShapeDtypeStruct((NBLK * BLK, D), jnp.float32),
    )(be_vec, xs, gate_w, up_w, down_w)


@functools.lru_cache(maxsize=None)
def _make_combine():
    @functools.partial(
        pl.kernel,
        mesh=plsc.VectorSubcoreMesh(
            core_axis_name="c", subcore_axis_name="s", num_cores=NC),
        out_type=jax.ShapeDtypeStruct((N, D), jnp.float32),
        scratch_types=[
            pltpu.VMEM((HTPW, D), jnp.float32),
            pltpu.VMEM((HTPW, D), jnp.float32),
            pltpu.VMEM((HTPW,), jnp.int32),
            pltpu.VMEM((HTPW,), jnp.int32),
            pltpu.VMEM((HTPW, LANES), jnp.float32),
            pltpu.VMEM((HTPW, LANES), jnp.float32),
            pltpu.SemaphoreType.DMA,
            pltpu.SemaphoreType.DMA,
        ],
    )
    def _combine(y_hbm, dest_hbm, wn_hbm, out_hbm,
                 r0_v, r1_v, i0_v, i1_v, w0_v, w1_v, sem0, sem1):
        wid = lax.axis_index("s") * NC + lax.axis_index("c")
        for half in range(2):
            t0 = wid * TPW + half * HTPW
            pltpu.sync_copy(dest_hbm.at[0, pl.ds(t0, HTPW)], i0_v)
            pltpu.sync_copy(dest_hbm.at[1, pl.ds(t0, HTPW)], i1_v)
            pltpu.sync_copy(wn_hbm.at[0, pl.ds(t0, HTPW)], w0_v)
            pltpu.sync_copy(wn_hbm.at[1, pl.ds(t0, HTPW)], w1_v)
            a0 = pltpu.async_copy(y_hbm.at[i0_v], r0_v, sem0)
            a1 = pltpu.async_copy(y_hbm.at[i1_v], r1_v, sem1)
            a0.wait()
            a1.wait()

            def row_body(r, _):
                w0 = w0_v[r, :]
                w1 = w1_v[r, :]
                for c in range(D // LANES):
                    sl = pl.ds(c * LANES, LANES)
                    r0_v[r, sl] = w0 * r0_v[r, sl] + w1 * r1_v[r, sl]
                return 0

            lax.fori_loop(0, HTPW, row_body, 0)
            pltpu.sync_copy(r0_v, out_hbm.at[pl.ds(t0, HTPW)])

    return _combine


def kernel(x, router_w, router_b, gate_w, up_w, down_w):
    Bb, Tt, Dd = x.shape
    flat = x.reshape(N, D)
    dest, wn, meta = _router(flat, router_w, router_b)
    be_vec = meta.reshape(-1)[: NBLK + 1]
    xs = _make_scatter_x()(flat, dest)
    y = _moe_mm(be_vec, xs, gate_w.astype(jnp.bfloat16),
                up_w.astype(jnp.bfloat16), down_w.astype(jnp.bfloat16))
    wn_pad = jnp.broadcast_to(wn[:, :, None], (K, N, LANES))
    out = _make_combine()(y, dest, wn_pad)
    return out.reshape(Bb, Tt, Dd)

# --- scband reference (transcript-rebuilt; emitter-appended) ---
"""Pipeline reference for scband-sparse-mo-e-88751204205082 (READ-ONLY COPY).

The authoritative reference and input builder live on the scoring server;
editing this copy changes nothing except your own understanding.
"""

import jax, jax.numpy as jnp
import numpy as np

DIM = 768
HIDDEN = 2048
N_EXP = 8
TOP_K = 2
B, T = 1, 2048


def setup_inputs(seed: int = 0) -> dict:
    key = jax.random.key(seed)
    ks = jax.random.split(key, 7)
    x = jax.random.normal(ks[0], (B, T, DIM), dtype=jnp.float32)
    router_w = jax.random.normal(ks[1], (N_EXP, DIM), dtype=jnp.float32) * (1.0 / np.sqrt(DIM))
    router_b = jnp.zeros((N_EXP,), dtype=jnp.float32)
    gate_w = jax.random.normal(ks[2], (N_EXP, HIDDEN, DIM), dtype=jnp.float32) * (1.0 / np.sqrt(DIM))
    up_w = jax.random.normal(ks[3], (N_EXP, HIDDEN, DIM), dtype=jnp.float32) * (1.0 / np.sqrt(DIM))
    down_w = jax.random.normal(ks[4], (N_EXP, DIM, HIDDEN), dtype=jnp.float32) * (1.0 / np.sqrt(HIDDEN))
    return {"x": x, "router_w": router_w, "router_b": router_b,
            "gate_w": gate_w, "up_w": up_w, "down_w": down_w}


def reference(x, router_w, router_b, gate_w, up_w, down_w):
    Bb, Tt, D = x.shape
    flat = x.reshape(-1, D)                                  # [N, D]
    logits = flat @ router_w.T + router_b                    # [N, E]
    probs = jax.nn.softmax(logits, axis=-1)
    top_vals, top_idx = jax.lax.top_k(probs, TOP_K)          # [N, k]
    top_vals = top_vals / (jnp.sum(top_vals, axis=-1, keepdims=True) + 1e-9)
    # combine weight per (token, expert): zero for unselected experts -> same math as masked loop
    onehot = jax.nn.one_hot(top_idx, N_EXP, dtype=flat.dtype)  # [N, k, E]
    comb = jnp.sum(top_vals[..., None] * onehot, axis=1)       # [N, E]
    # SwiGLU experts evaluated densely, weighted by comb (0 for non-routed pairs)
    g = jnp.einsum('nd,ehd->neh', flat, gate_w)              # [N, E, H]
    u = jnp.einsum('nd,ehd->neh', flat, up_w)                # [N, E, H]
    h = jax.nn.silu(g) * u                                   # [N, E, H]
    eo = jnp.einsum('neh,edh->ned', h, down_w)               # [N, E, D]
    out = jnp.sum(comb[..., None] * eo, axis=1)              # [N, D]
    return out.reshape(Bb, Tt, D)

if __name__ == "__main__":
    import jax
    _d = setup_inputs()
    print(jax.jit(kernel)(*tuple(_d.values())))

</pallas_src>

<mosaic_0001>
#map = affine_map<(d0, d1) -> (0, 0)>
#map1 = affine_map<(d0, d1) -> (0, 0, 0)>
module attributes {stable_mosaic.version = 14 : i64} {
  func.func @_combine(%arg0: i32, %arg1: i32, %arg2: memref<5120x768xf32, #tpu.memory_space<hbm>>, %arg3: memref<2x2048xi32, #tpu.memory_space<hbm>>, %arg4: memref<2x2048x16xf32, #tpu.memory_space<hbm>>, %arg5: memref<2048x768xf32, #tpu.memory_space<hbm>>, %arg6: memref<32x768xf32, #tpu.memory_space<vmem>>, %arg7: memref<32x768xf32, #tpu.memory_space<vmem>>, %arg8: memref<32xi32, #tpu.memory_space<vmem>>, %arg9: memref<32xi32, #tpu.memory_space<vmem>>, %arg10: memref<32x16xf32, #tpu.memory_space<vmem>>, %arg11: memref<32x16xf32, #tpu.memory_space<vmem>>, %arg12: memref<!tpu.dma_semaphore, #tpu.memory_space<semaphore_mem>>, %arg13: memref<!tpu.dma_semaphore, #tpu.memory_space<semaphore_mem>>) attributes {dimension_semantics = [#tpu.dimension_semantics<core_parallel>, #tpu.dimension_semantics<subcore_parallel>], iteration_bounds = array<i64: 2, 16>, scalar_prefetch = 0 : i64, scratch_operands = 8 : i64, tpu.core_type = #tpu.core_type<sc_vector_subcore>, window_params = [{transform_indices = #map}, {transform_indices = #map}, {transform_indices = #map1}, {transform_indices = #map}]} {
    %mul3A = arith.constant 2 : i32
    %mul3A_0 = arith.muli %arg1, %mul3A : i32
    %add3A = arith.addi %mul3A_0, %arg0 : i32
    %mul3A_1 = arith.constant 64 : i32
    %mul3A_2 = arith.muli %add3A, %mul3A_1 : i32
    %add3A_3 = arith.constant 0 : i32
    %add3A_4 = arith.addi %mul3A_2, %add3A_3 : i32
    %run_scoped3A = arith.constant 0 : i32
    "tpu.region"() ({
      %run_scoped3A_51 = tpu.sem_alloc : memref<!tpu.dma_semaphore, #tpu.memory_space<semaphore_mem>>
      %dma_start3A_52 = tpu.memref_slice %arg3[%run_scoped3A, %add3A_4] : memref<2x2048xi32, #tpu.memory_space<hbm>> -> memref<1x32xi32, #tpu.memory_space<hbm>>
      %dma_start3A_53 = tpu.memref_squeeze %dma_start3A_52 : memref<1x32xi32, #tpu.memory_space<hbm>> -> memref<32xi32, #tpu.memory_space<hbm>>
      %dma_start3A_54 = tpu.memref_slice %arg3[%run_scoped3A, %add3A_4] : memref<2x2048xi32, #tpu.memory_space<hbm>> -> memref<1x32xi32, #tpu.memory_space<hbm>>
      %dma_start3A_55 = tpu.memref_squeeze %dma_start3A_54 : memref<1x32xi32, #tpu.memory_space<hbm>> -> memref<32xi32, #tpu.memory_space<hbm>>
      tpu.enqueue_dma source(%dma_start3A_55 : memref<32xi32, #tpu.memory_space<hbm>>) target(%arg8 : memref<32xi32, #tpu.memory_space<vmem>>) target_semaphore(%run_scoped3A_51 : memref<!tpu.dma_semaphore, #tpu.memory_space<semaphore_mem>>)
      %dma_wait3A_56 = tpu.memref_slice %arg3[%run_scoped3A, %add3A_4] : memref<2x2048xi32, #tpu.memory_space<hbm>> -> memref<1x32xi32, #tpu.memory_space<hbm>>
      %dma_wait3A_57 = tpu.memref_squeeze %dma_wait3A_56 : memref<1x32xi32, #tpu.memory_space<hbm>> -> memref<32xi32, #tpu.memory_space<hbm>>
      %dma_wait3A_58 = tpu.memref_slice %arg3[%run_scoped3A, %add3A_4] : memref<2x2048xi32, #tpu.memory_space<hbm>> -> memref<1x32xi32, #tpu.memory_space<hbm>>
      %dma_wait3A_59 = tpu.memref_squeeze %dma_wait3A_58 : memref<1x32xi32, #tpu.memory_space<hbm>> -> memref<32xi32, #tpu.memory_space<hbm>>
      tpu.wait_dma2 semaphore(%run_scoped3A_51 : memref<!tpu.dma_semaphore, #tpu.memory_space<semaphore_mem>>) src(%dma_wait3A_59 : memref<32xi32, #tpu.memory_space<hbm>>) dst(%arg8 : memref<32xi32, #tpu.memory_space<vmem>>)
      tpu.yield
    }) : () -> ()
    %run_scoped3A_5 = arith.constant 1 : i32
    "tpu.region"() ({
      %run_scoped3A_51 = tpu.sem_alloc : memref<!tpu.dma_semaphore, #tpu.memory_space<semaphore_mem>>
      %dma_start3A_52 = tpu.memref_slice %arg3[%run_scoped3A_5, %add3A_4] : memref<2x2048xi32, #tpu.memory_space<hbm>> -> memref<1x32xi32, #tpu.memory_space<hbm>>
      %dma_start3A_53 = tpu.memref_squeeze %dma_start3A_52 : memref<1x32xi32, #tpu.memory_space<hbm>> -> memref<32xi32, #tpu.memory_space<hbm>>
      %dma_start3A_54 = tpu.memref_slice %arg3[%run_scoped3A_5, %add3A_4] : memref<2x2048xi32, #tpu.memory_space<hbm>> -> memref<1x32xi32, #tpu.memory_space<hbm>>
      %dma_start3A_55 = tpu.memref_squeeze %dma_start3A_54 : memref<1x32xi32, #tpu.memory_space<hbm>> -> memref<32xi32, #tpu.memory_space<hbm>>
      tpu.enqueue_dma source(%dma_start3A_55 : memref<32xi32, #tpu.memory_space<hbm>>) target(%arg9 : memref<32xi32, #tpu.memory_space<vmem>>) target_semaphore(%run_scoped3A_51 : memref<!tpu.dma_semaphore, #tpu.memory_space<semaphore_mem>>)
      %dma_wait3A_56 = tpu.memref_slice %arg3[%run_scoped3A_5, %add3A_4] : memref<2x2048xi32, #tpu.memory_space<hbm>> -> memref<1x32xi32, #tpu.memory_space<hbm>>
      %dma_wait3A_57 = tpu.memref_squeeze %dma_wait3A_56 : memref<1x32xi32, #tpu.memory_space<hbm>> -> memref<32xi32, #tpu.memory_space<hbm>>
      %dma_wait3A_58 = tpu.memref_slice %arg3[%run_scoped3A_5, %add3A_4] : memref<2x2048xi32, #tpu.memory_space<hbm>> -> memref<1x32xi32, #tpu.memory_space<hbm>>
      %dma_wait3A_59 = tpu.memref_squeeze %dma_wait3A_58 : memref<1x32xi32, #tpu.memory_space<hbm>> -> memref<32xi32, #tpu.memory_space<hbm>>
      tpu.wait_dma2 semaphore(%run_scoped3A_51 : memref<!tpu.dma_semaphore, #tpu.memory_space<semaphore_mem>>) src(%dma_wait3A_59 : memref<32xi32, #tpu.memory_space<hbm>>) dst(%arg9 : memref<32xi32, #tpu.memory_space<vmem>>)
      tpu.yield
    }) : () -> ()
    %run_scoped3A_6 = arith.constant 0 : i32
    "tpu.region"() ({
      %run_scoped3A_51 = tpu.sem_alloc : memref<!tpu.dma_semaphore, #tpu.memory_space<semaphore_mem>>
      %dma_start3A_52 = arith.constant 0 : i32
      %dma_start3A_53 = tpu.memref_slice %arg4[%run_scoped3A_6, %add3A_4, %dma_start3A_52] : memref<2x2048x16xf32, #tpu.memory_space<hbm>> -> memref<1x32x16xf32, #tpu.memory_space<hbm>>
      %dma_start3A_54 = tpu.memref_squeeze %dma_start3A_53 : memref<1x32x16xf32, #tpu.memory_space<hbm>> -> memref<32x16xf32, #tpu.memory_space<hbm>>
      %dma_start3A_55 = arith.constant 0 : i32
      %dma_start3A_56 = tpu.memref_slice %arg4[%run_scoped3A_6, %add3A_4, %dma_start3A_55] : memref<2x2048x16xf32, #tpu.memory_space<hbm>> -> memref<1x32x16xf32, #tpu.memory_space<hbm>>
      %dma_start3A_57 = tpu.memref_squeeze %dma_start3A_56 : memref<1x32x16xf32, #tpu.memory_space<hbm>> -> memref<32x16xf32, #tpu.memory_space<hbm>>
      tpu.enqueue_dma source(%dma_start3A_57 : memref<32x16xf32, #tpu.memory_space<hbm>>) target(%arg10 : memref<32x16xf32, #tpu.memory_space<vmem>>) target_semaphore(%run_scoped3A_51 : memref<!tpu.dma_semaphore, #tpu.memory_space<semaphore_mem>>)
      %dma_wait3A_58 = arith.constant 0 : i32
      %dma_wait3A_59 = tpu.memref_slice %arg4[%run_scoped3A_6, %add3A_4, %dma_wait3A_58] : memref<2x2048x16xf32, #tpu.memory_space<hbm>> -> memref<1x32x16xf32, #tpu.memory_space<hbm>>
      %dma_wait3A_60 = tpu.memref_squeeze %dma_wait3A_59 : memref<1x32x16xf32, #tpu.memory_space<hbm>> -> memref<32x16xf32, #tpu.memory_space<hbm>>
      %dma_wait3A_61 = arith.constant 0 : i32
      %dma_wait3A_62 = tpu.memref_slice %arg4[%run_scoped3A_6, %add3A_4, %dma_wait3A_61] : memref<2x2048x16xf32, #tpu.memory_space<hbm>> -> memref<1x32x16xf32, #tpu.memory_space<hbm>>
      %dma_wait3A_63 = tpu.memref_squeeze %dma_wait3A_62 : memref<1x32x16xf32, #tpu.memory_space<hbm>> -> memref<32x16xf32, #tpu.memory_space<hbm>>
      tpu.wait_dma2 semaphore(%run_scoped3A_51 : memref<!tpu.dma_semaphore, #tpu.memory_space<semaphore_mem>>) src(%dma_wait3A_63 : memref<32x16xf32, #tpu.memory_space<hbm>>) dst(%arg10 : memref<32x16xf32, #tpu.memory_space<vmem>>)
      tpu.yield
    }) : () -> ()
    %run_scoped3A_7 = arith.constant 1 : i32
    "tpu.region"() ({
      %run_scoped3A_51 = tpu.sem_alloc : memref<!tpu.dma_semaphore, #tpu.memory_space<semaphore_mem>>
      %dma_start3A_52 = arith.constant 0 : i32
      %dma_start3A_53 = tpu.memref_slice %arg4[%run_scoped3A_7, %add3A_4, %dma_start3A_52] : memref<2x2048x16xf32, #tpu.memory_space<hbm>> -> memref<1x32x16xf32, #tpu.memory_space<hbm>>
      %dma_start3A_54 = tpu.memref_squeeze %dma_start3A_53 : memref<1x32x16xf32, #tpu.memory_space<hbm>> -> memref<32x16xf32, #tpu.memory_space<hbm>>
      %dma_start3A_55 = arith.constant 0 : i32
      %dma_start3A_56 = tpu.memref_slice %arg4[%run_scoped3A_7, %add3A_4, %dma_start3A_55] : memref<2x2048x16xf32, #tpu.memory_space<hbm>> -> memref<1x32x16xf32, #tpu.memory_space<hbm>>
      %dma_start3A_57 = tpu.memref_squeeze %dma_start3A_56 : memref<1x32x16xf32, #tpu.memory_space<hbm>> -> memref<32x16xf32, #tpu.memory_space<hbm>>
      tpu.enqueue_dma source(%dma_start3A_57 : memref<32x16xf32, #tpu.memory_space<hbm>>) target(%arg11 : memref<32x16xf32, #tpu.memory_space<vmem>>) target_semaphore(%run_scoped3A_51 : memref<!tpu.dma_semaphore, #tpu.memory_space<semaphore_mem>>)
      %dma_wait3A_58 = arith.constant 0 : i32
      %dma_wait3A_59 = tpu.memref_slice %arg4[%run_scoped3A_7, %add3A_4, %dma_wait3A_58] : memref<2x2048x16xf32, #tpu.memory_space<hbm>> -> memref<1x32x16xf32, #tpu.memory_space<hbm>>
      %dma_wait3A_60 = tpu.memref_squeeze %dma_wait3A_59 : memref<1x32x16xf32, #tpu.memory_space<hbm>> -> memref<32x16xf32, #tpu.memory_space<hbm>>
      %dma_wait3A_61 = arith.constant 0 : i32
      %dma_wait3A_62 = tpu.memref_slice %arg4[%run_scoped3A_7, %add3A_4, %dma_wait3A_61] : memref<2x2048x16xf32, #tpu.memory_space<hbm>> -> memref<1x32x16xf32, #tpu.memory_space<hbm>>
      %dma_wait3A_63 = tpu.memref_squeeze %dma_wait3A_62 : memref<1x32x16xf32, #tpu.memory_space<hbm>> -> memref<32x16xf32, #tpu.memory_space<hbm>>
      tpu.wait_dma2 semaphore(%run_scoped3A_51 : memref<!tpu.dma_semaphore, #tpu.memory_space<semaphore_mem>>) src(%dma_wait3A_63 : memref<32x16xf32, #tpu.memory_space<hbm>>) dst(%arg11 : memref<32x16xf32, #tpu.memory_space<vmem>>)
      tpu.yield
    }) : () -> ()
    %dma_start3A = arith.constant 0 : i32
    %dma_start3A_8 = arith.constant 0 : i32
    %dma_start3A_9 = tpu.memref_slice %arg2[%dma_start3A, %dma_start3A_8] : memref<5120x768xf32, #tpu.memory_space<hbm>> -> memref<5120x768xf32, #tpu.memory_space<hbm>>
    tpu.enqueue_indirect_dma source(%dma_start3A_9 : memref<5120x768xf32, #tpu.memory_space<hbm>>) target(%arg6 : memref<32x768xf32, #tpu.memory_space<vmem>>) offsets(%arg8 : memref<32xi32, #tpu.memory_space<vmem>>) semaphore(%arg12 : memref<!tpu.dma_semaphore, #tpu.memory_space<semaphore_mem>>)
    %dma_start3A_10 = arith.constant 0 : i32
    %dma_start3A_11 = arith.constant 0 : i32
    %dma_start3A_12 = tpu.memref_slice %arg2[%dma_start3A_10, %dma_start3A_11] : memref<5120x768xf32, #tpu.memory_space<hbm>> -> memref<5120x768xf32, #tpu.memory_space<hbm>>
    tpu.enqueue_indirect_dma source(%dma_start3A_12 : memref<5120x768xf32, #tpu.memory_space<hbm>>) target(%arg7 : memref<32x768xf32, #tpu.memory_space<vmem>>) offsets(%arg9 : memref<32xi32, #tpu.memory_space<vmem>>) semaphore(%arg13 : memref<!tpu.dma_semaphore, #tpu.memory_space<semaphore_mem>>)
    %dma_wait3A = arith.constant 0 : i32
    %dma_wait3A_13 = arith.constant 0 : i32
    %dma_wait3A_14 = tpu.memref_slice %arg2[%dma_wait3A, %dma_wait3A_13] : memref<5120x768xf32, #tpu.memory_space<hbm>> -> memref<5120x768xf32, #tpu.memory_space<hbm>>
    tpu.wait_indirect_dma semaphore(%arg12 : memref<!tpu.dma_semaphore, #tpu.memory_space<semaphore_mem>>) src(%dma_wait3A_14 : memref<5120x768xf32, #tpu.memory_space<hbm>>) dst(%arg6 : memref<32x768xf32, #tpu.memory_space<vmem>>)
    %dma_wait3A_15 = arith.constant 0 : i32
    %dma_wait3A_16 = arith.constant 0 : i32
    %dma_wait3A_17 = tpu.memref_slice %arg2[%dma_wait3A_15, %dma_wait3A_16] : memref<5120x768xf32, #tpu.memory_space<hbm>> -> memref<5120x768xf32, #tpu.memory_space<hbm>>
    tpu.wait_indirect_dma semaphore(%arg13 : memref<!tpu.dma_semaphore, #tpu.memory_space<semaphore_mem>>) src(%dma_wait3A_17 : memref<5120x768xf32, #tpu.memory_space<hbm>>) dst(%arg7 : memref<32x768xf32, #tpu.memory_space<vmem>>)
    %scan3A = arith.constant 0 : i32
    %scan3A_18 = arith.constant 0 : i32
    %scan3A_19 = arith.constant 32 : i32
    %scan3A_20 = arith.addi %scan3A_18, %scan3A_19 : i32
    %scan3A_21 = arith.constant 1 : i32
    %scan3A_22 = scf.for %scan3A_51 = %scan3A_18 to %scan3A_20 step %scan3A_21 iter_args(%scan3A_52 = %scan3A) -> (i32)  : i32 {
      %get3A = arith.index_cast %scan3A_51 : i32 to index
      %get3A_53 = arith.constant 0 : index
      %get3A_54 = tpu.vector_load %arg10[%get3A, %get3A_53] {strides = array<i32>} : memref<32x16xf32, #tpu.memory_space<vmem>>, vector<1x16xf32>,
      %get3A_55 = vector.shape_cast %get3A_54 : vector<1x16xf32> to vector<16xf32>
      %get3A_56 = arith.index_cast %scan3A_51 : i32 to index
      %get3A_57 = arith.constant 0 : index
      %get3A_58 = tpu.vector_load %arg11[%get3A_56, %get3A_57] {strides = array<i32>} : memref<32x16xf32, #tpu.memory_space<vmem>>, vector<1x16xf32>,
      %get3A_59 = vector.shape_cast %get3A_58 : vector<1x16xf32> to vector<16xf32>
      %get3A_60 = arith.index_cast %scan3A_51 : i32 to index
      %get3A_61 = arith.constant 0 : index
      %get3A_62 = tpu.vector_load %arg6[%get3A_60, %get3A_61] {strides = array<i32>} : memref<32x768xf32, #tpu.memory_space<vmem>>, vector<1x16xf32>,
      %get3A_63 = vector.shape_cast %get3A_62 : vector<1x16xf32> to vector<16xf32>
      %mul3A_64 = arith.mulf %get3A_55, %get3A_63 : vector<16xf32>
      %get3A_65 = arith.index_cast %scan3A_51 : i32 to index
      %get3A_66 = arith.constant 0 : index
      %get3A_67 = tpu.vector_load %arg7[%get3A_65, %get3A_66] {strides = array<i32>} : memref<32x768xf32, #tpu.memory_space<vmem>>, vector<1x16xf32>,
      %get3A_68 = vector.shape_cast %get3A_67 : vector<1x16xf32> to vector<16xf32>
      %mul3A_69 = arith.mulf %get3A_59, %get3A_68 : vector<16xf32>
      %add3A_70 = arith.addf %mul3A_64, %mul3A_69 : vector<16xf32>
      %swap3A = arith.index_cast %scan3A_51 : i32 to index
      %swap3A_71 = arith.constant 0 : index
      %swap3A_72 = tpu.vector_load %arg6[%swap3A, %swap3A_71] {strides = array<i32>} : memref<32x768xf32, #tpu.memory_space<vmem>>, vector<1x16xf32>,
      %swap3A_73 = vector.shape_cast %swap3A_72 : vector<1x16xf32> to vector<16xf32>
      %swap3A_74 = vector.shape_cast %add3A_70 : vector<16xf32> to vector<1x16xf32>
      tpu.vector_store %arg6[%swap3A, %swap3A_71], %swap3A_74 {strides = array<i32>} : memref<32x768xf32, #tpu.memory_space<vmem>>, vector<1x16xf32>,
      %get3A_75 = arith.index_cast %scan3A_51 : i32 to index
      %get3A_76 = arith.constant 16 : index
      %get3A_77 = tpu.vector_load %arg6[%get3A_75, %get3A_76] {strides = array<i32>} : memref<32x768xf32, #tpu.memory_space<vmem>>, vector<1x16xf32>,
      %get3A_78 = vector.shape_cast %get3A_77 : vector<1x16xf32> to vector<16xf32>
      %mul3A_79 = arith.mulf %get3A_55, %get3A_78 : vector<16xf32>
      %get3A_80 = arith.index_cast %scan3A_51 : i32 to index
      %get3A_81 = arith.constant 16 : index
      %get3A_82 = tpu.vector_load %arg7[%get3A_80, %get3A_81] {strides = array<i32>} : memref<32x768xf32, #tpu.memory_space<vmem>>, vector<1x16xf32>,
      %get3A_83 = vector.shape_cast %get3A_82 : vector<1x16xf32> to vector<16xf32>
      %mul3A_84 = arith.mulf %get3A_59, %get3A_83 : vector<16xf32>
      %add3A_85 = arith.addf %mul3A_79, %mul3A_84 : vector<16xf32>
      %swap3A_86 = arith.index_cast %scan3A_51 : i32 to index
      %swap3A_87 = arith.constant 16 : index
      %swap3A_88 = tpu.vector_load %arg6[%swap3A_86, %swap3A_87] {strides = array<i32>} : memref<32x768xf32, #tpu.memory_space<vmem>>, vector<1x16xf32>,
      %swap3A_89 = vector.shape_cast %swap3A_88 : vector<1x16xf32> to vector<16xf32>
      %swap3A_90 = vector.shape_cast %add3A_85 : vector<16xf32> to vector<1x16xf32>
      tpu.vector_store %arg6[%swap3A_86, %swap3A_87], %swap3A_90 {strides = array<i32>} : memref<32x768xf32, #tpu.memory_space<vmem>>, vector<1x16xf32>,
      %get3A_91 = arith.index_cast %scan3A_51 : i32 to index
      %get3A_92 = arith.constant 32 : index
      %get3A_93 = tpu.vector_load %arg6[%get3A_91, %get3A_92] {strides = array<i32>} : memref<32x768xf32, #tpu.memory_space<vmem>>, vector<1x16xf32>,
      %get3A_94 = vector.shape_cast %get3A_93 : vector<1x16xf32> to vector<16xf32>
      %mul3A_95 = arith.mulf %get3A_55, %get3A_94 : vector<16xf32>
      %get3A_96 = arith.index_cast %scan3A_51 : i32 to index
      %get3A_97 = arith.constant 32 : index
      %get3A_98 = tpu.vector_load %arg7[%get3A_96, %get3A_97] {strides = array<i32>} : memref<32x768xf32, #tpu.memory_space<vmem>>, vector<1x16xf32>,
      %get3A_99 = vector.shape_cast %get3A_98 : vector<1x16xf32> to vector<16xf32>
      %mul3A_100 = arith.mulf %get3A_59, %get3A_99 : vector<16xf32>
      %add3A_101 = arith.addf %mul3A_95, %mul3A_100 : vector<16xf32>
      %swap3A_102 = arith.index_cast %scan3A_51 : i32 to index
      %swap3A_103 = arith.constant 32 : index
      %swap3A_104 = tpu.vector_load %arg6[%swap3A_102, %swap3A_103] {strides = array<i32>} : memref<32x768xf32, #tpu.memory_space<vmem>>, vector<1x16xf32>,
      %swap3A_105 = vector.shape_cast %swap3A_104 : vector<1x16xf32> to vector<16xf32>
      %swap3A_106 = vector.shape_cast %add3A_101 : vector<16xf32> to vector<1x16xf32>
      tpu.vector_store %arg6[%swap3A_102, %swap3A_103], %swap3A_106 {strides = array<i32>} : memref<32x768xf32, #tpu.memory_space<vmem>>, vector<1x16xf32>,
      %get3A_107 = arith.index_cast %scan3A_51 : i32 to index
      %get3A_108 = arith.constant 48 : index
      %get3A_109 = tpu.vector_load %arg6[%get3A_107, %get3A_108] {strides = array<i32>} : memref<32x768xf32, #tpu.memory_space<vmem>>, vector<1x16xf32>,
      %get3A_110 = vector.shape_cast %get3A_109 : vector<1x16xf32> to vector<16xf32>
      %mul3A_111 = arith.mulf %get3A_55, %get3A_110 : vector<16xf32>
      %get3A_112 = arith.index_cast %scan3A_51 : i32 to index
      %get3A_113 = arith.constant 48 : index
      %get3A_114 = tpu.vector_load %arg7[%get3A_112, %get3A_113] {strides = array<i32>} : memref<32x768xf32, #tpu.memory_space<vmem>>, vector<1x16xf32>,
      %get3A_115 = vector.shape_cast %get3A_114 : vector<1x16xf32> to vector<16xf32>
      %mul3A_116 = arith.mulf %get3A_59, %get3A_115 : vector<16xf32>
      %add3A_117 = arith.addf %mul3A_111, %mul3A_116 : vector<16xf32>
      %swap3A_118 = arith.index_cast %scan3A_51 : i32 to index
      %swap3A_119 = arith.constant 48 : index
      %swap3A_120 = tpu.vector_load %arg6[%swap3A_118, %swap3A_119] {strides = array<i32>} : memref<32x768xf32, #tpu.memory_space<vmem>>, vector<1x16xf32>,
      %swap3A_121 = vector.shape_cast %swap3A_120 : vector<1x16xf32> to vector<16xf32>
      %swap3A_122 = vector.shape_cast %add3A_117 : vector<16xf32> to vector<1x16xf32>
      tpu.vector_store %arg6[%swap3A_118, %swap3A_119], %swap3A_122 {strides = array<i32>} : memref<32x768xf32, #tpu.memory_space<vmem>>, vector<1x16xf32>,
      %get3A_123 = arith.index_cast %scan3A_51 : i32 to index
      %get3A_124 = arith.constant 64 : index
      %get3A_125 = tpu.vector_load %arg6[%get3A_123, %get3A_124] {strides = array<i32>} : memref<32x768xf32, #tpu.memory_space<vmem>>, vector<1x16xf32>,
      %get3A_126 = vector.shape_cast %get3A_125 : vector<1x16xf32> to vector<16xf32>
      %mul3A_127 = arith.mulf %get3A_55, %get3A_126 : vector<16xf32>
      %get3A_128 = arith.index_cast %scan3A_51 : i32 to index
      %get3A_129 = arith.constant 64 : index
      %get3A_130 = tpu.vector_load %arg7[%get3A_128, %get3A_129] {strides = array<i32>} : memref<32x768xf32, #tpu.memory_space<vmem>>, vector<1x16xf32>,
      %get3A_131 = vector.shape_cast %get3A_130 : vector<1x16xf32> to vector<16xf32>
      %mul3A_132 = arith.mulf %get3A_59, %get3A_131 : vector<16xf32>
      %add3A_133 = arith.addf %mul3A_127, %mul3A_132 : vector<16xf32>
      %swap3A_134 = arith.index_cast %scan3A_51 : i32 to index
      %swap3A_135 = arith.constant 64 : index
      %swap3A_136 = tpu.vector_load %arg6[%swap3A_134, %swap3A_135] {strides = array<i32>} : memref<32x768xf32, #tpu.memory_space<vmem>>, vector<1x16xf32>,
      %swap3A_137 = vector.shape_cast %swap3A_136 : vector<1x16xf32> to vector<16xf32>
      %swap3A_138 = vector.shape_cast %add3A_133 : vector<16xf32> to vector<1x16xf32>
      tpu.vector_store %arg6[%swap3A_134, %swap3A_135], %swap3A_138 {strides = array<i32>} : memref<32x768xf32, #tpu.memory_space<vmem>>, vector<1x16xf32>,
      %get3A_139 = arith.index_cast %scan3A_51 : i32 to index
      %get3A_140 = arith.constant 80 : index
      %get3A_141 = tpu.vector_load %arg6[%get3A_139, %get3A_140] {strides = array<i32>} : memref<32x768xf32, #tpu.memory_space<vmem>>, vector<1x16xf32>,
      %get3A_142 = vector.shape_cast %get3A_141 : vector<1x16xf32> to vector<16xf32>
      %mul3A_143 = arith.mulf %get3A_55, %get3A_142 : vector<16xf32>
      %get3A_144 = arith.index_cast %scan3A_51 : i32 to index
      %get3A_145 = arith.constant 80 : index
      %get3A_146 = tpu.vector_load %arg7[%get3A_144, %get3A_145] {strides = array<i32>} : memref<32x768xf32, #tpu.memory_space<vmem>>, vector<1x16xf32>,
      %get3A_147 = vector.shape_cast %get3A_146 : vector<1x16xf32> to vector<16xf32>
      %mul3A_148 = arith.mulf %get3A_59, %get3A_147 : vector<16xf32>
      %add3A_149 = arith.addf %mul3A_143, %mul3A_148 : vector<16xf32>
      %swap3A_150 = arith.index_cast %scan3A_51 : i32 to index
      %swap3A_151 = arith.constant 80 : index
      %swap3A_152 = tpu.vector_load %arg6[%swap3A_150, %swap3A_151] {strides = array<i32>} : memref<32x768xf32, #tpu.memory_space<vmem>>, vector<1x16xf32>,
      %swap3A_153 = vector.shape_cast %swap3A_152 : vector<1x16xf32> to vector<16xf32>
      %swap3A_154 = vector.shape_cast %add3A_149 : vector<16xf32> to vector<1x16xf32>
      tpu.vector_store %arg6[%swap3A_150, %swap3A_151], %swap3A_154 {strides = array<i32>} : memref<32x768xf32, #tpu.memory_space<vmem>>, vector<1x16xf32>,
      %get3A_155 = arith.index_cast %scan3A_51 : i32 to index
      %get3A_156 = arith.constant 96 : index
      %get3A_157 = tpu.vector_load %arg6[%get3A_155, %get3A_156] {strides = array<i32>} : memref<32x768xf32, #tpu.memory_space<vmem>>, vector<1x16xf32>,
      %get3A_158 = vector.shape_cast %get3A_157 : vector<1x16xf32> to vector<16xf32>
      %mul3A_159 = arith.mulf %get3A_55, %get3A_158 : vector<16xf32>
      %get3A_160 = arith.index_cast %scan3A_51 : i32 to index
      %get3A_161 = arith.constant 96 : index
      %get3A_162 = tpu.vector_load %arg7[%get3A_160, %get3A_161] {strides = array<i32>} : memref<32x768xf32, #tpu.memory_space<vmem>>, vector<1x16xf32>,
      %get3A_163 = vector.shape_cast %get3A_162 : vector<1x16xf32> to vector<16xf32>
      %mul3A_164 = arith.mulf %get3A_59, %get3A_163 : vector<16xf32>
      %add3A_165 = arith.addf %mul3A_159, %mul3A_164 : vector<16xf32>
      %swap3A_166 = arith.index_cast %scan3A_51 : i32 to index
      %swap3A_167 = arith.constant 96 : index
      %swap3A_168 = tpu.vector_load %arg6[%swap3A_166, %swap3A_167] {strides = array<i32>} : memref<32x768xf32, #tpu.memory_space<vmem>>, vector<1x16xf32>,
      %swap3A_169 = vector.shape_cast %swap3A_168 : vector<1x16xf32> to vector<16xf32>
      %swap3A_170 = vector.shape_cast %add3A_165 : vector<16xf32> to vector<1x16xf32>
      tpu.vector_store %arg6[%swap3A_166, %swap3A_167], %swap3A_170 {strides = array<i32>} : memref<32x768xf32, #tpu.memory_space<vmem>>, vector<1x16xf32>,
      %get3A_171 = arith.index_cast %scan3A_51 : i32 to index
      %get3A_172 = arith.constant 112 : index
      %get3A_173 = tpu.vector_load %arg6[%get3A_171, %get3A_172] {strides = array<i32>} : memref<32x768xf32, #tpu.memory_space<vmem>>, vector<1x16xf32>,
      %get3A_174 = vector.shape_cast %get3A_173 : vector<1x16xf32> to vector<16xf32>
      %mul3A_175 = arith.mulf %get3A_55, %get3A_174 : vector<16xf32>
      %get3A_176 = arith.index_cast %scan3A_51 : i32 to index
      %get3A_177 = arith.constant 112 : index
      %get3A_178 = tpu.vector_load %arg7[%get3A_176, %get3A_177] {strides = array<i32>} : memref<32x768xf32, #tpu.memory_space<vmem>>, vector<1x16xf32>,
      %get3A_179 = vector.shape_cast %get3A_178 : vector<1x16xf32> to vector<16xf32>
      %mul3A_180 = arith.mulf %get3A_59, %get3A_179 : vector<16xf32>
      %add3A_181 = arith.addf %mul3A_175, %mul3A_180 : vector<16xf32>
      %swap3A_182 = arith.index_cast %scan3A_51 : i32 to index
      %swap3A_183 = arith.constant 112 : index
      %swap3A_184 = tpu.vector_load %arg6[%swap3A_182, %swap3A_183] {strides = array<i32>} : memref<32x768xf32, #tpu.memory_space<vmem>>, vector<1x16xf32>,
      %swap3A_185 = vector.shape_cast %swap3A_184 : vector<1x16xf32> to vector<16xf32>
      %swap3A_186 = vector.shape_cast %add3A_181 : vector<16xf32> to vector<1x16xf32>
      tpu.vector_store %arg6[%swap3A_182, %swap3A_183], %swap3A_186 {strides = array<i32>} : memref<32x768xf32, #tpu.memory_space<vmem>>, vector<1x16xf32>,
      %get3A_187 = arith.index_cast %scan3A_51 : i32 to index
      %get3A_188 = arith.constant 128 : index
      %get3A_189 = tpu.vector_load %arg6[%get3A_187, %get3A_188] {strides = array<i32>} : memref<32x768xf32, #tpu.memory_space<vmem>>, vector<1x16xf32>,
      %get3A_190 = vector.shape_cast %get3A_189 : vector<1x16xf32> to vector<16xf32>
      %mul3A_191 = arith.mulf %get3A_55, %get3A_190 : vector<16xf32>
      %get3A_192 = arith.index_cast %scan3A_51 : i32 to index
      %get3A_193 = arith.constant 128 : index
      %get3A_194 = tpu.vector_load %arg7[%get3A_192, %get3A_193] {strides = array<i32>} : memref<32x768xf32, #tpu.memory_space<vmem>>, vector<1x16xf32>,
      %get3A_195 = vector.shape_cast %get3A_194 : vector<1x16xf32> to vector<16xf32>
      %mul3A_196 = arith.mulf %get3A_59, %get3A_195 : vector<16xf32>
      %add3A_197 = arith.addf %mul3A_191, %mul3A_196 : vector<16xf32>
      %swap3A_198 = arith.index_cast %scan3A_51 : i32 to index
      %swap3A_199 = arith.constant 128 : index
      %swap3A_200 = tpu.vector_load %arg6[%swap3A_198, %swap3A_199] {strides = array<i32>} : memref<32x768xf32, #tpu.memory_space<vmem>>, vector<1x16xf32>,
      %swap3A_201 = vector.shape_cast %swap3A_200 : vector<1x16xf32> to vector<16xf32>
      %swap3A_202 = vector.shape_cast %add3A_197 : vector<16xf32> to vector<1x16xf32>
      tpu.vector_store %arg6[%swap3A_198, %swap3A_199], %swap3A_202 {strides = array<i32>} : memref<32x768xf32, #tpu.memory_space<vmem>>, vector<1x16xf32>,
      %get3A_203 = arith.index_cast %scan3A_51 : i32 to index
      %get3A_204 = arith.constant 144 : index
      %get3A_205 = tpu.vector_load %arg6[%get3A_203, %get3A_204] {strides = array<i32>} : memref<32x768xf32, #tpu.memory_space<vmem>>, vector<1x16xf32>,
      %get3A_206 = vector.shape_cast %get3A_205 : vector<1x16xf32> to vector<16xf32>
      %mul3A_207 = arith.mulf %get3A_55, %get3A_206 : vector<16xf32>
      %get3A_208 = arith.index_cast %scan3A_51 : i32 to index
      %get3A_209 = arith.constant 144 : index
      %get3A_210 = tpu.vector_load %arg7[%get3A_208, %get3A_209] {strides = array<i32>} : memref<32x768xf32, #tpu.memory_space<vmem>>, vector<1x16xf32>,
      %get3A_211 = vector.shape_cast %get3A_210 : vector<1x16xf32> to vector<16xf32>
      %mul3A_212 = arith.mulf %get3A_59, %get3A_211 : vector<16xf32>
      %add3A_213 = arith.addf %mul3A_207, %mul3A_212 : vector<16xf32>
      %swap3A_214 = arith.index_cast %scan3A_51 : i32 to index
      %swap3A_215 = arith.constant 144 : index
      %swap3A_216 = tpu.vector_load %arg6[%swap3A_214, %swap3A_215] {strides = array<i32>} : memref<32x768xf32, #tpu.memory_space<vmem>>, vector<1x16xf32>,
      %swap3A_217 = vector.shape_cast %swap3A_216 : vector<1x16xf32> to vector<16xf32>
      %swap3A_218 = vector.shape_cast %add3A_213 : vector<16xf32> to vector<1x16xf32>
      tpu.vector_store %arg6[%swap3A_214, %swap3A_215], %swap3A_218 {strides = array<i32>} : memref<32x768xf32, #tpu.memory_space<vmem>>, vector<1x16xf32>,
      %get3A_219 = arith.index_cast %scan3A_51 : i32 to index
      %get3A_220 = arith.constant 160 : index
      %get3A_221 = tpu.vector_load %arg6[%get3A_219, %get3A_220] {strides = array<i32>} : memref<32x768xf32, #tpu.memory_space<vmem>>, vector<1x16xf32>,
      %get3A_222 = vector.shape_cast %get3A_221 : vector<1x16xf32> to vector<16xf32>
      %mul3A_223 = arith.mulf %get3A_55, %get3A_222 : vector<16xf32>
      %get3A_224 = arith.index_cast %scan3A_51 : i32 to index
      %get3A_225 = arith.constant 160 : index
      %get3A_226 = tpu.vector_load %arg7[%get3A_224, %get3A_225] {strides = array<i32>} : memref<32x768xf32, #tpu.memory_space<vmem>>, vector<1x16xf32>,
      %get3A_227 = vector.shape_cast %get3A_226 : vector<1x16xf32> to vector<16xf32>
      %mul3A_228 = arith.mulf %get3A_59, %get3A_227 : vector<16xf32>
      %add3A_229 = arith.addf %mul3A_223, %mul3A_228 : vector<16xf32>
      %swap3A_230 = arith.index_cast %scan3A_51 : i32 to index
      %swap3A_231 = arith.constant 160 : index
      %swap3A_232 = tpu.vector_load %arg6[%swap3A_230, %swap3A_231] {strides = array<i32>} : memref<32x768xf32, #tpu.memory_space<vmem>>, vector<1x16xf32>,
      %swap3A_233 = vector.shape_cast %swap3A_232 : vector<1x16xf32> to vector<16xf32>
      %swap3A_234 = vector.shape_cast %add3A_229 : vector<16xf32> to vector<1x16xf32>
      tpu.vector_store %arg6[%swap3A_230, %swap3A_231], %swap3A_234 {strides = array<i32>} : memref<32x768xf32, #tpu.memory_space<vmem>>, vector<1x16xf32>,
      %get3A_235 = arith.index_cast %scan3A_51 : i32 to index
      %get3A_236 = arith.constant 176 : index
      %get3A_237 = tpu.vector_load %arg6[%get3A_235, %get3A_236] {strides = array<i32>} : memref<32x768xf32, #tpu.memory_space<vmem>>, vector<1x16xf32>,
      %get3A_238 = vector.shape_cast %get3A_237 : vector<1x16xf32> to vector<16xf32>
      %mul3A_239 = arith.mulf %get3A_55, %get3A_238 : vector<16xf32>
      %get3A_240 = arith.index_cast %scan3A_51 : i32 to index
      %get3A_241 = arith.constant 176 : index
      %get3A_242 = tpu.vector_load %arg7[%get3A_240, %get3A_241] {strides = array<i32>} : memref<32x768xf32, #tpu.memory_space<vmem>>, vector<1x16xf32>,
      %get3A_243 = vector.shape_cast %get3A_242 : vector<1x16xf32> to vector<16xf32>
      %mul3A_244 = arith.mulf %get3A_59, %get3A_243 : vector<16xf32>
      %add3A_245 = arith.addf %mul3A_239, %mul3A_244 : vector<16xf32>
      %swap3A_246 = arith.index_cast %scan3A_51 : i32 to index
      %swap3A_247 = arith.constant 176 : index
      %swap3A_248 = tpu.vector_load %arg6[%swap3A_246, %swap3A_247] {strides = array<i32>} : memref<32x768xf32, #tpu.memory_space<vmem>>, vector<1x16xf32>,
      %swap3A_249 = vector.shape_cast %swap3A_248 : vector<1x16xf32> to vector<16xf32>
      %swap3A_250 = vector.shape_cast %add3A_245 : vector<16xf32> to vector<1x16xf32>
      tpu.vector_store %arg6[%swap3A_246, %swap3A_247], %swap3A_250 {strides = array<i32>} : memref<32x768xf32, #tpu.memory_space<vmem>>, vector<1x16xf32>,
      %get3A_251 = arith.index_cast %scan3A_51 : i32 to index
      %get3A_252 = arith.constant 192 : index
      %get3A_253 = tpu.vector_load %arg6[%get3A_251, %get3A_252] {strides = array<i32>} : memref<32x768xf32, #tpu.memory_space<vmem>>, vector<1x16xf32>,
      %get3A_254 = vector.shape_cast %get3A_253 : vector<1x16xf32> to vector<16xf32>
      %mul3A_255 = arith.mulf %get3A_55, %get3A_254 : vector<16xf32>
      %get3A_256 = arith.index_cast %scan3A_51 : i32 to index
      %get3A_257 = arith.constant 192 : index
      %get3A_258 = tpu.vector_load %arg7[%get3A_256, %get3A_257] {strides = array<i32>} : memref<32x768xf32, #tpu.memory_space<vmem>>, vector<1x16xf32>,
      %get3A_259 = vector.shape_cast %get3A_258 : vector<1x16xf32> to vector<16xf32>
      %mul3A_260 = arith.mulf %get3A_59, %get3A_259 : vector<16xf32>
      %add3A_261 = arith.addf %mul3A_255, %mul3A_260 : vector<16xf32>
      %swap3A_262 = arith.index_cast %scan3A_51 : i32 to index
      %swap3A_263 = arith.constant 192 : index
      %swap3A_264 = tpu.vector_load %arg6[%swap3A_262, %swap3A_263] {strides = array<i32>} : memref<32x768xf32, #tpu.memory_space<vmem>>, vector<1x16xf32>,
      %swap3A_265 = vector.shape_cast %swap3A_264 : vector<1x16xf32> to vector<16xf32>
      %swap3A_266 = vector.shape_cast %add3A_261 : vector<16xf32> to vector<1x16xf32>
      tpu.vector_store %arg6[%swap3A_262, %swap3A_263], %swap3A_266 {strides = array<i32>} : memref<32x768xf32, #tpu.memory_space<vmem>>, vector<1x16xf32>,
      %get3A_267 = arith.index_cast %scan3A_51 : i32 to index
      %get3A_268 = arith.constant 208 : index
      %get3A_269 = tpu.vector_load %arg6[%get3A_267, %get3A_268] {strides = array<i32>} : memref<32x768xf32, #tpu.memory_space<vmem>>, vector<1x16xf32>,
      %get3A_270 = vector.shape_cast %get3A_269 : vector<1x16xf32> to vector<16xf32>
      %mul3A_271 = arith.mulf %get3A_55, %get3A_270 : vector<16xf32>
      %get3A_272 = arith.index_cast %scan3A_51 : i32 to index
      %get3A_273 = arith.constant 208 : index
      %get3A_274 = tpu.vector_load %arg7[%get3A_272, %get3A_273] {strides = array<i32>} : memref<32x768xf32, #tpu.memory_space<vmem>>, vector<1x16xf32>,
      %get3A_275 = vector.shape_cast %get3A_274 : vector<1x16xf32> to vector<16xf32>
      %mul3A_276 = arith.mulf %get3A_59, %get3A_275 : vector<16xf32>
      %add3A_277 = arith.addf %mul3A_271, %mul3A_276 : vector<16xf32>
      %swap3A_278 = arith.index_cast %scan3A_51 : i32 to index
      %swap3A_279 = arith.constant 208 : index
      %swap3A_280 = tpu.vector_load %arg6[%swap3A_278, %swap3A_279] {strides = array<i32>} : memref<32x768xf32, #tpu.memory_space<vmem>>, vector<1x16xf32>,
      %swap3A_281 = vector.shape_cast %swap3A_280 : vector<1x16xf32> to vector<16xf32>
      %swap3A_282 = vector.shape_cast %add3A_277 : vector<16xf32> to vector<1x16xf32>
      tpu.vector_store %arg6[%swap3A_278, %swap3A_279], %swap3A_282 {strides = array<i32>} : memref<32x768xf32, #tpu.memory_space<vmem>>, vector<1x16xf32>,
      %get3A_283 = arith.index_cast %scan3A_51 : i32 to index
      %get3A_284 = arith.constant 224 : index
      %get3A_285 = tpu.vector_load %arg6[%get3A_283, %get3A_284] {strides = array<i32>} : memref<32x768xf32, #tpu.memory_space<vmem>>, vector<1x16xf32>,
      %get3A_286 = vector.shape_cast %get3A_285 : vector<1x16xf32> to vector<16xf32>
      %mul3A_287 = arith.mulf %get3A_55, %get3A_286 : vector<16xf32>
      %get3A_288 = arith.index_cast %scan3A_51 : i32 to index
      %get3A_289 = arith.constant 224 : index
      %get3A_290 = tpu.vector_load %arg7[%get3A_288, %get3A_289] {strides = array<i32>} : memref<32x768xf32, #tpu.memory_space<vmem>>, vector<1x16xf32>,
      %get3A_291 = vector.shape_cast %get3A_290 : vector<1x16xf32> to vector<16xf32>
      %mul3A_292 = arith.mulf %get3A_59, %get3A_291 : vector<16xf32>
      %add3A_293 = arith.addf %mul3A_287, %mul3A_292 : vector<16xf32>
      %swap3A_294 = arith.index_cast %scan3A_51 : i32 to index
      %swap3A_295 = arith.constant 224 : index
      %swap3A_296 = tpu.vector_load %arg6[%swap3A_294, %swap3A_295] {strides = array<i32>} : memref<32x768xf32, #tpu.memory_space<vmem>>, vector<1x16xf32>,
      %swap3A_297 = vector.shape_cast %swap3A_296 : vector<1x16xf32> to vector<16xf32>
      %swap3A_298 = vector.shape_cast %add3A_293 : vector<16xf32> to vector<1x16xf32>
      tpu.vector_store %arg6[%swap3A_294, %swap3A_295], %swap3A_298 {strides = array<i32>} : memref<32x768xf32, #tpu.memory_space<vmem>>, vector<1x16xf32>,
      %get3A_299 = arith.index_cast %scan3A_51 : i32 to index
      %get3A_300 = arith.constant 240 : index
      %get3A_301 = tpu.vector_load %arg6[%get3A_299, %get3A_300] {strides = array<i32>} : memref<32x768xf32, #tpu.memory_space<vmem>>, vector<1x16xf32>,
      %get3A_302 = vector.shape_cast %get3A_301 : vector<1x16xf32> to vector<16xf32>
      %mul3A_303 = arith.mulf %get3A_55, %get3A_302 : vector<16xf32>
      %get3A_304 = arith.index_cast %scan3A_51 : i32 to index
      %get3A_305 = arith.constant 240 : index
      %get3A_306 = tpu.vector_load %arg7[%get3A_304, %get3A_305] {strides = array<i32>} : memref<32x768xf32, #tpu.memory_space<vmem>>, vector<1x16xf32>,
      %get3A_307 = vector.shape_cast %get3A_306 : vector<1x16xf32> to vector<16xf32>
      %mul3A_308 = arith.mulf %get3A_59, %get3A_307 : vector<16xf32>
      %add3A_309 = arith.addf %mul3A_303, %mul3A_308 : vector<16xf32>
      %swap3A_310 = arith.index_cast %scan3A_51 : i32 to index
      %swap3A_311 = arith.constant 240 : index
      %swap3A_312 = tpu.vector_load %arg6[%swap3A_310, %swap3A_311] {strides = array<i32>} : memref<32x768xf32, #tpu.memory_space<vmem>>, vector<1x16xf32>,
      %swap3A_313 = vector.shape_cast %swap3A_312 : vector<1x16xf32> to vector<16xf32>
      %swap3A_314 = vector.shape_cast %add3A_309 : vector<16xf32> to vector<1x16xf32>
      tpu.vector_store %arg6[%swap3A_310, %swap3A_311], %swap3A_314 {strides = array<i32>} : memref<32x768xf32, #tpu.memory_space<vmem>>, vector<1x16xf32>,
      %get3A_315 = arith.index_cast %scan3A_51 : i32 to index
      %get3A_316 = arith.constant 256 : index
      %get3A_317 = tpu.vector_load %arg6[%get3A_315, %get3A_316] {strides = array<i32>} : memref<32x768xf32, #tpu.memory_space<vmem>>, vector<1x16xf32>,
      %get3A_318 = vector.shape_cast %get3A_317 : vector<1x16xf32> to vector<16xf32>
      %mul3A_319 = arith.mulf %get3A_55, %get3A_318 : vector<16xf32>
      %get3A_320 = arith.index_cast %scan3A_51 : i32 to index
      %get3A_321 = arith.constant 256 : index
      %get3A_322 = tpu.vector_load %arg7[%get3A_320, %get3A_321] {strides = array<i32>} : memref<32x768xf32, #tpu.memory_space<vmem>>, vector<1x16xf32>,
      %get3A_323 = vector.shape_cast %get3A_322 : vector<1x16xf32> to vector<16xf32>
      %mul3A_324 = arith.mulf %get3A_59, %get3A_323 : vector<16xf32>
      %add3A_325 = arith.addf %mul3A_319, %mul3A_324 : vector<16xf32>
      %swap3A_326 = arith.index_cast %scan3A_51 : i32 to index
      %swap3A_327 = arith.constant 256 : index
      %swap3A_328 = tpu.vector_load %arg6[%swap3A_326, %swap3A_327] {strides = array<i32>} : memref<32x768xf32, #tpu.memory_space<vmem>>, vector<1x16xf32>,
      %swap3A_329 = vector.shape_cast %swap3A_328 : vector<1x16xf32> to vector<16xf32>
      %swap3A_330 = vector.shape_cast %add3A_325 : vector<16xf32> to vector<1x16xf32>
      tpu.vector_store %arg6[%swap3A_326, %swap3A_327], %swap3A_330 {strides = array<i32>} : memref<32x768xf32, #tpu.memory_space<vmem>>, vector<1x16xf32>,
      %get3A_331 = arith.index_cast %scan3A_51 : i32 to index
      %get3A_332 = arith.constant 272 : index
      %get3A_333 = tpu.vector_load %arg6[%get3A_331, %get3A_332] {strides = array<i32>} : memref<32x768xf32, #tpu.memory_space<vmem>>, vector<1x16xf32>,
      %get3A_334 = vector.shape_cast %get3A_333 : vector<1x16xf32> to vector<16xf32>
      %mul3A_335 = arith.mulf %get3A_55, %get3A_334 : vector<16xf32>
      %get3A_336 = arith.index_cast %scan3A_51 : i32 to index
      %get3A_337 = arith.constant 272 : index
      %get3A_338 = tpu.vector_load %arg7[%get3A_336, %get3A_337] {strides = array<i32>} : memref<32x768xf32, #tpu.memory_space<vmem>>, vector<1x16xf32>,
      %get3A_339 = vector.shape_cast %get3A_338 : vector<1x16xf32> to vector<16xf32>
      %mul3A_340 = arith.mulf %get3A_59, %get3A_339 : vector<16xf32>
      %add3A_341 = arith.addf %mul3A_335, %mul3A_340 : vector<16xf32>
      %swap3A_342 = arith.index_cast %scan3A_51 : i32 to index
      %swap3A_343 = arith.constant 272 : index
      %swap3A_344 = tpu.vector_load %arg6[%swap3A_342, %swap3A_343] {strides = array<i32>} : memref<32x768xf32, #tpu.memory_space<vmem>>, vector<1x16xf32>,
      %swap3A_345 = vector.shape_cast %swap3A_344 : vector<1x16xf32> to vector<16xf32>
      %swap3A_346 = vector.shape_cast %add3A_341 : vector<16xf32> to vector<1x16xf32>
      tpu.vector_store %arg6[%swap3A_342, %swap3A_343], %swap3A_346 {strides = array<i32>} : memref<32x768xf32, #tpu.memory_space<vmem>>, vector<1x16xf32>,
      %get3A_347 = arith.index_cast %scan3A_51 : i32 to index
      %get3A_348 = arith.constant 288 : index
      %get3A_349 = tpu.vector_load %arg6[%get3A_347, %get3A_348] {strides = array<i32>} : memref<32x768xf32, #tpu.memory_space<vmem>>, vector<1x16xf32>,
      %get3A_350 = vector.shape_cast %get3A_349 : vector<1x16xf32> to vector<16xf32>
      %mul3A_351 = arith.mulf %get3A_55, %get3A_350 : vector<16xf32>
      %get3A_352 = arith.index_cast %scan3A_51 : i32 to index
      %get3A_353 = arith.constant 288 : index
      %get3A_354 = tpu.vector_load %arg7[%get3A_352, %get3A_353] {strides = array<i32>} : memref<32x768xf32, #tpu.memory_space<vmem>>, vector<1x16xf32>,
      %get3A_355 = vector.shape_cast %get3A_354 : vector<1x16xf32> to vector<16xf32>
      %mul3A_356 = arith.mulf %get3A_59, %get3A_355 : vector<16xf32>
      %add3A_357 = arith.addf %mul3A_351, %mul3A_356 : vector<16xf32>
      %swap3A_358 = arith.index_cast %scan3A_51 : i32 to index
      %swap3A_359 = arith.constant 288 : index
      %swap3A_360 = tpu.vector_load %arg6[%swap3A_358, %swap3A_359] {strides = array<i32>} : memref<32x768xf32, #tpu.memory_space<vmem>>, vector<1x16xf32>,
      %swap3A_361 = vector.shape_cast %swap3A_360 : vector<1x16xf32> to vector<16xf32>
      %swap3A_362 = vector.shape_cast %add3A_357 : vector<16xf32> to vector<1x16xf32>
      tpu.vector_store %arg6[%swap3A_358, %swap3A_359], %swap3A_362 {strides = array<i32>} : memref<32x768xf32, #tpu.memory_space<vmem>>, vector<1x16xf32>,
      %get3A_363 = arith.index_cast %scan3A_51 : i32 to index
      %get3A_364 = arith.constant 304 : index
      %get3A_365 = tpu.vector_load %arg6[%get3A_363, %get3A_364] {strides = array<i32>} : memref<32x768xf32, #tpu.memory_space<vmem>>, vector<1x16xf32>,
      %get3A_366 = vector.shape_cast %get3A_365 : vector<1x16xf32> to vector<16xf32>
      %mul3A_367 = arith.mulf %get3A_55, %get3A_366 : vector<16xf32>
      %get3A_368 = arith.index_cast %scan3A_51 : i32 to index
      %get3A_369 = arith.constant 304 : index
      %get3A_370 = tpu.vector_load %arg7[%get3A_368, %get3A_369] {strides = array<i32>} : memref<32x768xf32, #tpu.memory_space<vmem>>, vector<1x16xf32>,
      %get3A_371 = vector.shape_cast %get3A_370 : vector<1x16xf32> to vector<16xf32>
      %mul3A_372 = arith.mulf %get3A_59, %get3A_371 : vector<16xf32>
      %add3A_373 = arith.addf %mul3A_367, %mul3A_372 : vector<16xf32>
      %swap3A_374 = arith.index_cast %scan3A_51 : i32 to index
      %swap3A_375 = arith.constant 304 : index
      %swap3A_376 = tpu.vector_load %arg6[%swap3A_374, %swap3A_375] {strides = array<i32>} : memref<32x768xf32, #tpu.memory_space<vmem>>, vector<1x16xf32>,
      %swap3A_377 = vector.shape_cast %swap3A_376 : vector<1x16xf32> to vector<16xf32>
      %swap3A_378 = vector.shape_cast %add3A_373 : vector<16xf32> to vector<1x16xf32>
      tpu.vector_store %arg6[%swap3A_374, %swap3A_375], %swap3A_378 {strides = array<i32>} : memref<32x768xf32, #tpu.memory_space<vmem>>, vector<1x16xf32>,
      %get3A_379 = arith.index_cast %scan3A_51 : i32 to index
      %get3A_380 = arith.constant 320 : index
      %get3A_381 = tpu.vector_load %arg6[%get3A_379, %get3A_380] {strides = array<i32>} : memref<32x768xf32, #tpu.memory_space<vmem>>, vector<1x16xf32>,
      %get3A_382 = vector.shape_cast %get3A_381 : vector<1x16xf32> to vector<16xf32>
      %mul3A_383 = arith.mulf %get3A_55, %get3A_382 : vector<16xf32>
      %get3A_384 = arith.index_cast %scan3A_51 : i32 to index
      %get3A_385 = arith.constant 320 : index
      %get3A_386 = tpu.vector_load %arg7[%get3A_384, %get3A_385] {strides = array<i32>} : memref<32x768xf32, #tpu.memory_space<vmem>>, vector<1x16xf32>,
      %get3A_387 = vector.shape_cast %get3A_386 : vector<1x16xf32> to vector<16xf32>
      %mul3A_388 = arith.mulf %get3A_59, %get3A_387 : vector<16xf32>
      %add3A_389 = arith.addf %mul3A_383, %mul3A_388 : vector<16xf32>
      %swap3A_390 = arith.index_cast %scan3A_51 : i32 to index
      %swap3A_391 = arith.constant 320 : index
      %swap3A_392 = tpu.vector_load %arg6[%swap3A_390, %swap3A_391] {strides = array<i32>} : memref<32x768xf32, #tpu.memory_space<vmem>>, vector<1x16xf32>,
      %swap3A_393 = vector.shape_cast %swap3A_392 : vector<1x16xf32> to vector<16xf32>
      %swap3A_394 = vector.shape_cast %add3A_389 : vector<16xf32> to vector<1x16xf32>
      tpu.vector_store %arg6[%swap3A_390, %swap3A_391], %swap3A_394 {strides = array<i32>} : memref<32x768xf32, #tpu.memory_space<vmem>>, vector<1x16xf32>,
      %get3A_395 = arith.index_cast %scan3A_51 : i32 to index
      %get3A_396 = arith.constant 336 : index
      %get3A_397 = tpu.vector_load %arg6[%get3A_395, %get3A_396] {strides = array<i32>} : memref<32x768xf32, #tpu.memory_space<vmem>>, vector<1x16xf32>,
      %get3A_398 = vector.shape_cast %get3A_397 : vector<1x16xf32> to vector<16xf32>
      %mul3A_399 = arith.mulf %get3A_55, %get3A_398 : vector<16xf32>
      %get3A_400 = arith.index_cast %scan3A_51 : i32 to index
      %get3A_401 = arith.constant 336 : index
      %get3A_402 = tpu.vector_load %arg7[%get3A_400, %get3A_401] {strides = array<i32>} : memref<32x768xf32, #tpu.memory_space<vmem>>, vector<1x16xf32>,
      %get3A_403 = vector.shape_cast %get3A_402 : vector<1x16xf32> to vector<16xf32>
      %mul3A_404 = arith.mulf %get3A_59, %get3A_403 : vector<16xf32>
      %add3A_405 = arith.addf %mul3A_399, %mul3A_404 : vector<16xf32>
      %swap3A_406 = arith.index_cast %scan3A_51 : i32 to index
      %swap3A_407 = arith.constant 336 : index
      %swap3A_408 = tpu.vector_load %arg6[%swap3A_406, %swap3A_407] {strides = array<i32>} : memref<32x768xf32, #tpu.memory_space<vmem>>, vector<1x16xf32>,
      %swap3A_409 = vector.shape_cast %swap3A_408 : vector<1x16xf32> to vector<16xf32>
      %swap3A_410 = vector.shape_cast %add3A_405 : vector<16xf32> to vector<1x16xf32>
      tpu.vector_store %arg6[%swap3A_406, %swap3A_407], %swap3A_410 {strides = array<i32>} : memref<32x768xf32, #tpu.memory_space<vmem>>, vector<1x16xf32>,
      %get3A_411 = arith.index_cast %scan3A_51 : i32 to index
      %get3A_412 = arith.constant 352 : index
      %get3A_413 = tpu.vector_load %arg6[%get3A_411, %get3A_412] {strides = array<i32>} : memref<32x768xf32, #tpu.memory_space<vmem>>, vector<1x16xf32>,
      %get3A_414 = vector.shape_cast %get3A_413 : vector<1x16xf32> to vector<16xf32>
      %mul3A_415 = arith.mulf %get3A_55, %get3A_414 : vector<16xf32>
      %get3A_416 = arith.index_cast %scan3A_51 : i32 to index
      %get3A_417 = arith.constant 352 : index
      %get3A_418 = tpu.vector_load %arg7[%get3A_416, %get3A_417] {strides = array<i32>} : memref<32x768xf32, #tpu.memory_space<vmem>>, vector<1x16xf32>,
      %get3A_419 = vector.shape_cast %get3A_418 : vector<1x16xf32> to vector<16xf32>
      %mul3A_420 = arith.mulf %get3A_59, %get3A_419 : vector<16xf32>
      %add3A_421 = arith.addf %mul3A_415, %mul3A_420 : vector<16xf32>
      %swap3A_422 = arith.index_cast %scan3A_51 : i32 to index
      %swap3A_423 = arith.constant 352 : index
      %swap3A_424 = tpu.vector_load %arg6[%swap3A_422, %swap3A_423] {strides = array<i32>} : memref<32x768xf32, #tpu.memory_space<vmem>>, vector<1x16xf32>,
      %swap3A_425 = vector.shape_cast %swap3A_424 : vector<1x16xf32> to vector<16xf32>
      %swap3A_426 = vector.shape_cast %add3A_421 : vector<16xf32> to vector<1x16xf32>
      tpu.vector_store %arg6[%swap3A_422, %swap3A_423], %swap3A_426 {strides = array<i32>} : memref<32x768xf32, #tpu.memory_space<vmem>>, vector<1x16xf32>,
      %get3A_427 = arith.index_cast %scan3A_51 : i32 to index
      %get3A_428 = arith.constant 368 : index
      %get3A_429 = tpu.vector_load %arg6[%get3A_427, %get3A_428] {strides = array<i32>} : memref<32x768xf32, #tpu.memory_space<vmem>>, vector<1x16xf32>,
      %get3A_430 = vector.shape_cast %get3A_429 : vector<1x16xf32> to vector<16xf32>
      %mul3A_431 = arith.mulf %get3A_55, %get3A_430 : vector<16xf32>
      %get3A_432 = arith.index_cast %scan3A_51 : i32 to index
      %get3A_433 = arith.constant 368 : index
      %get3A_434 = tpu.vector_load %arg7[%get3A_432, %get3A_433] {strides = array<i32>} : memref<32x768xf32, #tpu.memory_space<vmem>>, vector<1x16xf32>,
      %get3A_435 = vector.shape_cast %get3A_434 : vector<1x16xf32> to vector<16xf32>
      %mul3A_436 = arith.mulf %get3A_59, %get3A_435 : vector<16xf32>
      %add3A_437 = arith.addf %mul3A_431, %mul3A_436 : vector<16xf32>
      %swap3A_438 = arith.index_cast %scan3A_51 : i32 to index
      %swap3A_439 = arith.constant 368 : index
      %swap3A_440 = tpu.vector_load %arg6[%swap3A_438, %swap3A_439] {strides = array<i32>} : memref<32x768xf32, #tpu.memory_space<vmem>>, vector<1x16xf32>,
      %swap3A_441 = vector.shape_cast %swap3A_440 : vector<1x16xf32> to vector<16xf32>
      %swap3A_442 = vector.shape_cast %add3A_437 : vector<16xf32> to vector<1x16xf32>
      tpu.vector_store %arg6[%swap3A_438, %swap3A_439], %swap3A_442 {strides = array<i32>} : memref<32x768xf32, #tpu.memory_space<vmem>>, vector<1x16xf32>,
      %get3A_443 = arith.index_cast %scan3A_51 : i32 to index
      %get3A_444 = arith.constant 384 : index
      %get3A_445 = tpu.vector_load %arg6[%get3A_443, %get3A_444] {strides = array<i32>} : memref<32x768xf32, #tpu.memory_space<vmem>>, vector<1x16xf32>,
      %get3A_446 = vector.shape_cast %get3A_445 : vector<1x16xf32> to vector<16xf32>
      %mul3A_447 = arith.mulf %get3A_55, %get3A_446 : vector<16xf32>
      %get3A_448 = arith.index_cast %scan3A_51 : i32 to index
      %get3A_449 = arith.constant 384 : index
      %get3A_450 = tpu.vector_load %arg7[%get3A_448, %get3A_449] {strides = array<i32>} : memref<32x768xf32, #tpu.memory_space<vmem>>, vector<1x16xf32>,
      %get3A_451 = vector.shape_cast %get3A_450 : vector<1x16xf32> to vector<16xf32>
      %mul3A_452 = arith.mulf %get3A_59, %get3A_451 : vector<16xf32>
      %add3A_453 = arith.addf %mul3A_447, %mul3A_452 : vector<16xf32>
      %swap3A_454 = arith.index_cast %scan3A_51 : i32 to index
      %swap3A_455 = arith.constant 384 : index
      %swap3A_456 = tpu.vector_load %arg6[%swap3A_454, %swap3A_455] {strides = array<i32>} : memref<32x768xf32, #tpu.memory_space<vmem>>, vector<1x16xf32>,
      %swap3A_457 = vector.shape_cast %swap3A_456 : vector<1x16xf32> to vector<16xf32>
      %swap3A_458 = vector.shape_cast %add3A_453 : vector<16xf32> to vector<1x16xf32>
      tpu.vector_store %arg6[%swap3A_454, %swap3A_455], %swap3A_458 {strides = array<i32>} : memref<32x768xf32, #tpu.memory_space<vmem>>, vector<1x16xf32>,
      %get3A_459 = arith.index_cast %scan3A_51 : i32 to index
      %get3A_460 = arith.constant 400 : index
      %get3A_461 = tpu.vector_load %arg6[%get3A_459, %get3A_460] {strides = array<i32>} : memref<32x768xf32, #tpu.memory_space<vmem>>, vector<1x16xf32>,
      %get3A_462 = vector.shape_cast %get3A_461 : vector<1x16xf32> to vector<16xf32>
      %mul3A_463 = arith.mulf %get3A_55, %get3A_462 : vector<16xf32>
      %get3A_464 = arith.index_cast %scan3A_51 : i32 to index
      %get3A_465 = arith.constant 400 : index
      %get3A_466 = tpu.vector_load %arg7[%get3A_464, %get3A_465] {strides = array<i32>} : memref<32x768xf32, #tpu.memory_space<vmem>>, vector<1x16xf32>,
      %get3A_467 = vector.shape_cast %get3A_466 : vector<1x16xf32> to vector<16xf32>
      %mul3A_468 = arith.mulf %get3A_59, %get3A_467 : vector<16xf32>
      %add3A_469 = arith.addf %mul3A_463, %mul3A_468 : vector<16xf32>
      %swap3A_470 = arith.index_cast %scan3A_51 : i32 to index
      %swap3A_471 = arith.constant 400 : index
      %swap3A_472 = tpu.vector_load %arg6[%swap3A_470, %swap3A_471] {strides = array<i32>} : memref<32x768xf32, #tpu.memory_space<vmem>>, vector<1x16xf32>,
      %swap3A_473 = vector.shape_cast %swap3A_472 : vector<1x16xf32> to vector<16xf32>
      %swap3A_474 = vector.shape_cast %add3A_469 : vector<16xf32> to vector<1x16xf32>
      tpu.vector_store %arg6[%swap3A_470, %swap3A_471], %swap3A_474 {strides = array<i32>} : memref<32x768xf32, #tpu.memory_space<vmem>>, vector<1x16xf32>,
      %get3A_475 = arith.index_cast %scan3A_51 : i32 to index
      %get3A_476 = arith.constant 416 : index
      %get3A_477 = tpu.vector_load %arg6[%get3A_475, %get3A_476] {strides = array<i32>} : memref<32x768xf32, #tpu.memory_space<vmem>>, vector<1x16xf32>,
      %get3A_478 = vector.shape_cast %get3A_477 : vector<1x16xf32> to vector<16xf32>
      %mul3A_479 = arith.mulf %get3A_55, %get3A_478 : vector<16xf32>
      %get3A_480 = arith.index_cast %scan3A_51 : i32 to index
      %get3A_481 = arith.constant 416 : index
      %get3A_482 = tpu.vector_load %arg7[%get3A_480, %get3A_481] {strides = array<i32>} : memref<32x768xf32, #tpu.memory_space<vmem>>, vector<1x16xf32>,
      %get3A_483 = vector.shape_cast %get3A_482 : vector<1x16xf32> to vector<16xf32>
      %mul3A_484 = arith.mulf %get3A_59, %get3A_483 : vector<16xf32>
      %add3A_485 = arith.addf %mul3A_479, %mul3A_484 : vector<16xf32>
      %swap3A_486 = arith.index_cast %scan3A_51 : i32 to index
      %swap3A_487 = arith.constant 416 : index
      %swap3A_488 = tpu.vector_load %arg6[%swap3A_486, %swap3A_487] {strides = array<i32>} : memref<32x768xf32, #tpu.memory_space<vmem>>, vector<1x16xf32>,
      %swap3A_489 = vector.shape_cast %swap3A_488 : vector<1x16xf32> to vector<16xf32>
      %swap3A_490 = vector.shape_cast %add3A_485 : vector<16xf32> to vector<1x16xf32>
      tpu.vector_store %arg6[%swap3A_486, %swap3A_487], %swap3A_490 {strides = array<i32>} : memref<32x768xf32, #tpu.memory_space<vmem>>, vector<1x16xf32>,
      %get3A_491 = arith.index_cast %scan3A_51 : i32 to index
      %get3A_492 = arith.constant 432 : index
      %get3A_493 = tpu.vector_load %arg6[%get3A_491, %get3A_492] {strides = array<i32>} : memref<32x768xf32, #tpu.memory_space<vmem>>, vector<1x16xf32>,
      %get3A_494 = vector.shape_cast %get3A_493 : vector<1x16xf32> to vector<16xf32>
      %mul3A_495 = arith.mulf %get3A_55, %get3A_494 : vector<16xf32>
      %get3A_496 = arith.index_cast %scan3A_51 : i32 to index
      %get3A_497 = arith.constant 432 : index
      %get3A_498 = tpu.vector_load %arg7[%get3A_496, %get3A_497] {strides = array<i32>} : memref<32x768xf32, #tpu.memory_space<vmem>>, vector<1x16xf32>,
      %get3A_499 = vector.shape_cast %get3A_498 : vector<1x16xf32> to vector<16xf32>
      %mul3A_500 = arith.mulf %get3A_59, %get3A_499 : vector<16xf32>
      %add3A_501 = arith.addf %mul3A_495, %mul3A_500 : vector<16xf32>
      %swap3A_502 = arith.index_cast %scan3A_51 : i32 to index
      %swap3A_503 = arith.constant 432 : index
      %swap3A_504 = tpu.vector_load %arg6[%swap3A_502, %swap3A_503] {strides = array<i32>} : memref<32x768xf32, #tpu.memory_space<vmem>>, vector<1x16xf32>,
      %swap3A_505 = vector.shape_cast %swap3A_504 : vector<1x16xf32> to vector<16xf32>
      %swap3A_506 = vector.shape_cast %add3A_501 : vector<16xf32> to vector<1x16xf32>
      tpu.vector_store %arg6[%swap3A_502, %swap3A_503], %swap3A_506 {strides = array<i32>} : memref<32x768xf32, #tpu.memory_space<vmem>>, vector<1x16xf32>,
      %get3A_507 = arith.index_cast %scan3A_51 : i32 to index
      %get3A_508 = arith.constant 448 : index
      %get3A_509 = tpu.vector_load %arg6[%get3A_507, %get3A_508] {strides = array<i32>} : memref<32x768xf32, #tpu.memory_space<vmem>>, vector<1x16xf32>,
      %get3A_510 = vector.shape_cast %get3A_509 : vector<1x16xf32> to vector<16xf32>
      %mul3A_511 = arith.mulf %get3A_55, %get3A_510 : vector<16xf32>
      %get3A_512 = arith.index_cast %scan3A_51 : i32 to index
      %get3A_513 = arith.constant 448 : index
      %get3A_514 = tpu.vector_load %arg7[%get3A_512, %get3A_513] {strides = array<i32>} : memref<32x768xf32, #tpu.memory_space<vmem>>, vector<1x16xf32>,
      %get3A_515 = vector.shape_cast %get3A_514 : vector<1x16xf32> to vector<16xf32>
      %mul3A_516 = arith.mulf %get3A_59, %get3A_515 : vector<16xf32>
      %add3A_517 = arith.addf %mul3A_511, %mul3A_516 : vector<16xf32>
      %swap3A_518 = arith.index_cast %scan3A_51 : i32 to index
      %swap3A_519 = arith.constant 448 : index
      %swap3A_520 = tpu.vector_load %arg6[%swap3A_518, %swap3A_519] {strides = array<i32>} : memref<32x768xf32, #tpu.memory_space<vmem>>, vector<1x16xf32>,
      %swap3A_521 = vector.shape_cast %swap3A_520 : vector<1x16xf32> to vector<16xf32>
      %swap3A_522 = vector.shape_cast %add3A_517 : vector<16xf32> to vector<1x16xf32>
      tpu.vector_store %arg6[%swap3A_518, %swap3A_519], %swap3A_522 {strides = array<i32>} : memref<32x768xf32, #tpu.memory_space<vmem>>, vector<1x16xf32>,
      %get3A_523 = arith.index_cast %scan3A_51 : i32 to index
      %get3A_524 = arith.constant 464 : index
      %get3A_525 = tpu.vector_load %arg6[%get3A_523, %get3A_524] {strides = array<i32>} : memref<32x768xf32, #tpu.memory_space<vmem>>, vector<1x16xf32>,
      %get3A_526 = vector.shape_cast %get3A_525 : vector<1x16xf32> to vector<16xf32>
      %mul3A_527 = arith.mulf %get3A_55, %get3A_526 : vector<16xf32>
      %get3A_528 = arith.index_cast %scan3A_51 : i32 to index
      %get3A_529 = arith.constant 464 : index
      %get3A_530 = tpu.vector_load %arg7[%get3A_528, %get3A_529] {strides = array<i32>} : memref<32x768xf32, #tpu.memory_space<vmem>>, vector<1x16xf32>,
      %get3A_531 = vector.shape_cast %get3A_530 : vector<1x16xf32> to vector<16xf32>
      %mul3A_532 = arith.mulf %get3A_59, %get3A_531 : vector<16xf32>
      %add3A_533 = arith.addf %mul3A_527, %mul3A_532 : vector<16xf32>
      %swap3A_534 = arith.index_cast %scan3A_51 : i32 to index
      %swap3A_535 = arith.constant 464 : index
      %swap3A_536 = tpu.vector_load %arg6[%swap3A_534, %swap3A_535] {strides = array<i32>} : memref<32x768xf32, #tpu.memory_space<vmem>>, vector<1x16xf32>,
      %swap3A_537 = vector.shape_cast %swap3A_536 : vector<1x16xf32> to vector<16xf32>
      %swap3A_538 = vector.shape_cast %add3A_533 : vector<16xf32> to vector<1x16xf32>
      tpu.vector_store %arg6[%swap3A_534, %swap3A_535], %swap3A_538 {strides = array<i32>} : memref<32x768xf32, #tpu.memory_space<vmem>>, vector<1x16xf32>,
      %get3A_539 = arith.index_cast %scan3A_51 : i32 to index
      %get3A_540 = arith.constant 480 : index
      %get3A_541 = tpu.vector_load %arg6[%get3A_539, %get3A_540] {strides = array<i32>} : memref<32x768xf32, #tpu.memory_space<vmem>>, vector<1x16xf32>,
      %get3A_542 = vector.shape_cast %get3A_541 : vector<1x16xf32> to vector<16xf32>
      %mul3A_543 = arith.mulf %get3A_55, %get3A_542 : vector<16xf32>
      %get3A_544 = arith.index_cast %scan3A_51 : i32 to index
      %get3A_545 = arith.constant 480 : index
      %get3A_546 = tpu.vector_load %arg7[%get3A_544, %get3A_545] {strides = array<i32>} : memref<32x768xf32, #tpu.memory_space<vmem>>, vector<1x16xf32>,
      %get3A_547 = vector.shape_cast %get3A_546 : vector<1x16xf32> to vector<16xf32>
      %mul3A_548 = arith.mulf %get3A_59, %get3A_547 : vector<16xf32>
      %add3A_549 = arith.addf %mul3A_543, %mul3A_548 : vector<16xf32>
      %swap3A_550 = arith.index_cast %scan3A_51 : i32 to index
      %swap3A_551 = arith.constant 480 : index
      %swap3A_552 = tpu.vector_load %arg6[%swap3A_550, %swap3A_551] {strides = array<i32>} : memref<32x768xf32, #tpu.memory_space<vmem>>, vector<1x16xf32>,
      %swap3A_553 = vector.shape_cast %swap3A_552 : vector<1x16xf32> to vector<16xf32>
      %swap3A_554 = vector.shape_cast %add3A_549 : vector<16xf32> to vector<1x16xf32>
      tpu.vector_store %arg6[%swap3A_550, %swap3A_551], %swap3A_554 {strides = array<i32>} : memref<32x768xf32, #tpu.memory_space<vmem>>, vector<1x16xf32>,
      %get3A_555 = arith.index_cast %scan3A_51 : i32 to index
      %get3A_556 = arith.constant 496 : index
      %get3A_557 = tpu.vector_load %arg6[%get3A_555, %get3A_556] {strides = array<i32>} : memref<32x768xf32, #tpu.memory_space<vmem>>, vector<1x16xf32>,
      %get3A_558 = vector.shape_cast %get3A_557 : vector<1x16xf32> to vector<16xf32>
      %mul3A_559 = arith.mulf %get3A_55, %get3A_558 : vector<16xf32>
      %get3A_560 = arith.index_cast %scan3A_51 : i32 to index
      %get3A_561 = arith.constant 496 : index
      %get3A_562 = tpu.vector_load %arg7[%get3A_560, %get3A_561] {strides = array<i32>} : memref<32x768xf32, #tpu.memory_space<vmem>>, vector<1x16xf32>,
      %get3A_563 = vector.shape_cast %get3A_562 : vector<1x16xf32> to vector<16xf32>
      %mul3A_564 = arith.mulf %get3A_59, %get3A_563 : vector<16xf32>
      %add3A_565 = arith.addf %mul3A_559, %mul3A_564 : vector<16xf32>
      %swap3A_566 = arith.index_cast %scan3A_51 : i32 to index
      %swap3A_567 = arith.constant 496 : index
      %swap3A_568 = tpu.vector_load %arg6[%swap3A_566, %swap3A_567] {strides = array<i32>} : memref<32x768xf32, #tpu.memory_space<vmem>>, vector<1x16xf32>,
      %swap3A_569 = vector.shape_cast %swap3A_568 : vector<1x16xf32> to vector<16xf32>
      %swap3A_570 = vector.shape_cast %add3A_565 : vector<16xf32> to vector<1x16xf32>
      tpu.vector_store %arg6[%swap3A_566, %swap3A_567], %swap3A_570 {strides = array<i32>} : memref<32x768xf32, #tpu.memory_space<vmem>>, vector<1x16xf32>,
      %get3A_571 = arith.index_cast %scan3A_51 : i32 to index
      %get3A_572 = arith.constant 512 : index
      %get3A_573 = tpu.vector_load %arg6[%get3A_571, %get3A_572] {strides = array<i32>} : memref<32x768xf32, #tpu.memory_space<vmem>>, vector<1x16xf32>,
      %get3A_574 = vector.shape_cast %get3A_573 : vector<1x16xf32> to vector<16xf32>
      %mul3A_575 = arith.mulf %get3A_55, %get3A_574 : vector<16xf32>
      %get3A_576 = arith.index_cast %scan3A_51 : i32 to index
      %get3A_577 = arith.constant 512 : index
      %get3A_578 = tpu.vector_load %arg7[%get3A_576, %get3A_577] {strides = array<i32>} : memref<32x768xf32, #tpu.memory_space<vmem>>, vector<1x16xf32>,
      %get3A_579 = vector.shape_cast %get3A_578 : vector<1x16xf32> to vector<16xf32>
      %mul3A_580 = arith.mulf %get3A_59, %get3A_579 : vector<16xf32>
      %add3A_581 = arith.addf %mul3A_575, %mul3A_580 : vector<16xf32>
      %swap3A_582 = arith.index_cast %scan3A_51 : i32 to index
      %swap3A_583 = arith.constant 512 : index
      %swap3A_584 = tpu.vector_load %arg6[%swap3A_582, %swap3A_583] {strides = array<i32>} : memref<32x768xf32, #tpu.memory_space<vmem>>, vector<1x16xf32>,
      %swap3A_585 = vector.shape_cast %swap3A_584 : vector<1x16xf32> to vector<16xf32>
      %swap3A_586 = vector.shape_cast %add3A_581 : vector<16xf32> to vector<1x16xf32>
      tpu.vector_store %arg6[%swap3A_582, %swap3A_583], %swap3A_586 {strides = array<i32>} : memref<32x768xf32, #tpu.memory_space<vmem>>, vector<1x16xf32>,
      %get3A_587 = arith.index_cast %scan3A_51 : i32 to index
      %get3A_588 = arith.constant 528 : index
      %get3A_589 = tpu.vector_load %arg6[%get3A_587, %get3A_588] {strides = array<i32>} : memref<32x768xf32, #tpu.memory_space<vmem>>, vector<1x16xf32>,
      %get3A_590 = vector.shape_cast %get3A_589 : vector<1x16xf32> to vector<16xf32>
      %mul3A_591 = arith.mulf %get3A_55, %get3A_590 : vector<16xf32>
      %get3A_592 = arith.index_cast %scan3A_51 : i32 to index
      %get3A_593 = arith.constant 528 : index
      %get3A_594 = tpu.vector_load %arg7[%get3A_592, %get3A_593] {strides = array<i32>} : memref<32x768xf32, #tpu.memory_space<vmem>>, vector<1x16xf32>,
      %get3A_595 = vector.shape_cast %get3A_594 : vector<1x16xf32> to vector<16xf32>
      %mul3A_596 = arith.mulf %get3A_59, %get3A_595 : vector<16xf32>
      %add3A_597 = arith.addf %mul3A_591, %mul3A_596 : vector<16xf32>
      %swap3A_598 = arith.index_cast %scan3A_51 : i32 to index
      %swap3A_599 = arith.constant 528 : index
      %swap3A_600 = tpu.vector_load %arg6[%swap3A_598, %swap3A_599] {strides = array<i32>} : memref<32x768xf32, #tpu.memory_space<vmem>>, vector<1x16xf32>,
      %swap3A_601 = vector.shape_cast %swap3A_600 : vector<1x16xf32> to vector<16xf32>
      %swap3A_602 = vector.shape_cast %add3A_597 : vector<16xf32> to vector<1x16xf32>
      tpu.vector_store %arg6[%swap3A_598, %swap3A_599], %swap3A_602 {strides = array<i32>} : memref<32x768xf32, #tpu.memory_space<vmem>>, vector<1x16xf32>,
      %get3A_603 = arith.index_cast %scan3A_51 : i32 to index
      %get3A_604 = arith.constant 544 : index
      %get3A_605 = tpu.vector_load %arg6[%get3A_603, %get3A_604] {strides = array<i32>} : memref<32x768xf32, #tpu.memory_space<vmem>>, vector<1x16xf32>,
      %get3A_606 = vector.shape_cast %get3A_605 : vector<1x16xf32> to vector<16xf32>
      %mul3A_607 = arith.mulf %get3A_55, %get3A_606 : vector<16xf32>
      %get3A_608 = arith.index_cast %scan3A_51 : i32 to index
      %get3A_609 = arith.constant 544 : index
      %get3A_610 = tpu.vector_load %arg7[%get3A_608, %get3A_609] {strides = array<i32>} : memref<32x768xf32, #tpu.memory_space<vmem>>, vector<1x16xf32>,
      %get3A_611 = vector.shape_cast %get3A_610 : vector<1x16xf32> to vector<16xf32>
      %mul3A_612 = arith.mulf %get3A_59, %get3A_611 : vector<16xf32>
      %add3A_613 = arith.addf %mul3A_607, %mul3A_612 : vector<16xf32>
      %swap3A_614 = arith.index_cast %scan3A_51 : i32 to index
      %swap3A_615 = arith.constant 544 : index
      %swap3A_616 = tpu.vector_load %arg6[%swap3A_614, %swap3A_615] {strides = array<i32>} : memref<32x768xf32, #tpu.memory_space<vmem>>, vector<1x16xf32>,
      %swap3A_617 = vector.shape_cast %swap3A_616 : vector<1x16xf32> to vector<16xf32>
      %swap3A_618 = vector.shape_cast %add3A_613 : vector<16xf32> to vector<1x16xf32>
      tpu.vector_store %arg6[%swap3A_614, %swap3A_615], %swap3A_618 {strides = array<i32>} : memref<32x768xf32, #tpu.memory_space<vmem>>, vector<1x16xf32>,
      %get3A_619 = arith.index_cast %scan3A_51 : i32 to index
      %get3A_620 = arith.constant 560 : index
      %get3A_621 = tpu.vector_load %arg6[%get3A_619, %get3A_620] {strides = array<i32>} : memref<32x768xf32, #tpu.memory_space<vmem>>, vector<1x16xf32>,
      %get3A_622 = vector.shape_cast %get3A_621 : vector<1x16xf32> to vector<16xf32>
      %mul3A_623 = arith.mulf %get3A_55, %get3A_622 : vector<16xf32>
      %get3A_624 = arith.index_cast %scan3A_51 : i32 to index
      %get3A_625 = arith.constant 560 : index
      %get3A_626 = tpu.vector_load %arg7[%get3A_624, %get3A_625] {strides = array<i32>} : memref<32x768xf32, #tpu.memory_space<vmem>>, vector<1x16xf32>,
      %get3A_627 = vector.shape_cast %get3A_626 : vector<1x16xf32> to vector<16xf32>
      %mul3A_628 = arith.mulf %get3A_59, %get3A_627 : vector<16xf32>
      %add3A_629 = arith.addf %mul3A_623, %mul3A_628 : vector<16xf32>
      %swap3A_630 = arith.index_cast %scan3A_51 : i32 to index
      %swap3A_631 = arith.constant 560 : index
      %swap3A_632 = tpu.vector_load %arg6[%swap3A_630, %swap3A_631] {strides = array<i32>} : memref<32x768xf32, #tpu.memory_space<vmem>>, vector<1x16xf32>,
      %swap3A_633 = vector.shape_cast %swap3A_632 : vector<1x16xf32> to vector<16xf32>
      %swap3A_634 = vector.shape_cast %add3A_629 : vector<16xf32> to vector<1x16xf32>
      tpu.vector_store %arg6[%swap3A_630, %swap3A_631], %swap3A_634 {strides = array<i32>} : memref<32x768xf32, #tpu.memory_space<vmem>>, vector<1x16xf32>,
      %get3A_635 = arith.index_cast %scan3A_51 : i32 to index
      %get3A_636 = arith.constant 576 : index
      %get3A_637 = tpu.vector_load %arg6[%get3A_635, %get3A_636] {strides = array<i32>} : memref<32x768xf32, #tpu.memory_space<vmem>>, vector<1x16xf32>,
      %get3A_638 = vector.shape_cast %get3A_637 : vector<1x16xf32> to vector<16xf32>
      %mul3A_639 = arith.mulf %get3A_55, %get3A_638 : vector<16xf32>
      %get3A_640 = arith.index_cast %scan3A_51 : i32 to index
      %get3A_641 = arith.constant 576 : index
      %get3A_642 = tpu.vector_load %arg7[%get3A_640, %get3A_641] {strides = array<i32>} : memref<32x768xf32, #tpu.memory_space<vmem>>, vector<1x16xf32>,
      %get3A_643 = vector.shape_cast %get3A_642 : vector<1x16xf32> to vector<16xf32>
      %mul3A_644 = arith.mulf %get3A_59, %get3A_643 : vector<16xf32>
      %add3A_645 = arith.addf %mul3A_639, %mul3A_644 : vector<16xf32>
      %swap3A_646 = arith.index_cast %scan3A_51 : i32 to index
      %swap3A_647 = arith.constant 576 : index
      %swap3A_648 = tpu.vector_load %arg6[%swap3A_646, %swap3A_647] {strides = array<i32>} : memref<32x768xf32, #tpu.memory_space<vmem>>, vector<1x16xf32>,
      %swap3A_649 = vector.shape_cast %swap3A_648 : vector<1x16xf32> to vector<16xf32>
      %swap3A_650 = vector.shape_cast %add3A_645 : vector<16xf32> to vector<1x16xf32>
      tpu.vector_store %arg6[%swap3A_646, %swap3A_647], %swap3A_650 {strides = array<i32>} : memref<32x768xf32, #tpu.memory_space<vmem>>, vector<1x16xf32>,
      %get3A_651 = arith.index_cast %scan3A_51 : i32 to index
      %get3A_652 = arith.constant 592 : index
      %get3A_653 = tpu.vector_load %arg6[%get3A_651, %get3A_652] {strides = array<i32>} : memref<32x768xf32, #tpu.memory_space<vmem>>, vector<1x16xf32>,
      %get3A_654 = vector.shape_cast %get3A_653 : vector<1x16xf32> to vector<16xf32>
      %mul3A_655 = arith.mulf %get3A_55, %get3A_654 : vector<16xf32>
      %get3A_656 = arith.index_cast %scan3A_51 : i32 to index
      %get3A_657 = arith.constant 592 : index
      %get3A_658 = tpu.vector_load %arg7[%get3A_656, %get3A_657] {strides = array<i32>} : memref<32x768xf32, #tpu.memory_space<vmem>>, vector<1x16xf32>,
      %get3A_659 = vector.shape_cast %get3A_658 : vector<1x16xf32> to vector<16xf32>
      %mul3A_660 = arith.mulf %get3A_59, %get3A_659 : vector<16xf32>
      %add3A_661 = arith.addf %mul3A_655, %mul3A_660 : vector<16xf32>
      %swap3A_662 = arith.index_cast %scan3A_51 : i32 to index
      %swap3A_663 = arith.constant 592 : index
      %swap3A_664 = tpu.vector_load %arg6[%swap3A_662, %swap3A_663] {strides = array<i32>} : memref<32x768xf32, #tpu.memory_space<vmem>>, vector<1x16xf32>,
      %swap3A_665 = vector.shape_cast %swap3A_664 : vector<1x16xf32> to vector<16xf32>
      %swap3A_666 = vector.shape_cast %add3A_661 : vector<16xf32> to vector<1x16xf32>
      tpu.vector_store %arg6[%swap3A_662, %swap3A_663], %swap3A_666 {strides = array<i32>} : memref<32x768xf32, #tpu.memory_space<vmem>>, vector<1x16xf32>,
      %get3A_667 = arith.index_cast %scan3A_51 : i32 to index
      %get3A_668 = arith.constant 608 : index
      %get3A_669 = tpu.vector_load %arg6[%get3A_667, %get3A_668] {strides = array<i32>} : memref<32x768xf32, #tpu.memory_space<vmem>>, vector<1x16xf32>,
      %get3A_670 = vector.shape_cast %get3A_669 : vector<1x16xf32> to vector<16xf32>
      %mul3A_671 = arith.mulf %get3A_55, %get3A_670 : vector<16xf32>
      %get3A_672 = arith.index_cast %scan3A_51 : i32 to index
      %get3A_673 = arith.constant 608 : index
      %get3A_674 = tpu.vector_load %arg7[%get3A_672, %get3A_673] {strides = array<i32>} : memref<32x768xf32, #tpu.memory_space<vmem>>, vector<1x16xf32>,
      %get3A_675 = vector.shape_cast %get3A_674 : vector<1x16xf32> to vector<16xf32>
      %mul3A_676 = arith.mulf %get3A_59, %get3A_675 : vector<16xf32>
      %add3A_677 = arith.addf %mul3A_671, %mul3A_676 : vector<16xf32>
      %swap3A_678 = arith.index_cast %scan3A_51 : i32 to index
      %swap3A_679 = arith.constant 608 : index
      %swap3A_680 = tpu.vector_load %arg6[%swap3A_678, %swap3A_679] {strides = array<i32>} : memref<32x768xf32, #tpu.memory_space<vmem>>, vector<1x16xf32>,
      %swap3A_681 = vector.shape_cast %swap3A_680 : vector<1x16xf32> to vector<16xf32>
      %swap3A_682 = vector.shape_cast %add3A_677 : vector<16xf32> to vector<1x16xf32>
      tpu.vector_store %arg6[%swap3A_678, %swap3A_679], %swap3A_682 {strides = array<i32>} : memref<32x768xf32, #tpu.memory_space<vmem>>, vector<1x16xf32>,
      %get3A_683 = arith.index_cast %scan3A_51 : i32 to index
      %get3A_684 = arith.constant 624 : index
      %get3A_685 = tpu.vector_load %arg6[%get3A_683, %get3A_684] {strides = array<i32>} : memref<32x768xf32, #tpu.memory_space<vmem>>, vector<1x16xf32>,
      %get3A_686 = vector.shape_cast %get3A_685 : vector<1x16xf32> to vector<16xf32>
      %mul3A_687 = arith.mulf %get3A_55, %get3A_686 : vector<16xf32>
      %get3A_688 = arith.index_cast %scan3A_51 : i32 to index
      %get3A_689 = arith.constant 624 : index
      %get3A_690 = tpu.vector_load %arg7[%get3A_688, %get3A_689] {strides = array<i32>} : memref<32x768xf32, #tpu.memory_space<vmem>>, vector<1x16xf32>,
      %get3A_691 = vector.shape_cast %get3A_690 : vector<1x16xf32> to vector<16xf32>
      %mul3A_692 = arith.mulf %get3A_59, %get3A_691 : vector<16xf32>
      %add3A_693 = arith.addf %mul3A_687, %mul3A_692 : vector<16xf32>
      %swap3A_694 = arith.index_cast %scan3A_51 : i32 to index
      %swap3A_695 = arith.constant 624 : index
      %swap3A_696 = tpu.vector_load %arg6[%swap3A_694, %swap3A_695] {strides = array<i32>} : memref<32x768xf32, #tpu.memory_space<vmem>>, vector<1x16xf32>,
      %swap3A_697 = vector.shape_cast %swap3A_696 : vector<1x16xf32> to vector<16xf32>
      %swap3A_698 = vector.shape_cast %add3A_693 : vector<16xf32> to vector<1x16xf32>
      tpu.vector_store %arg6[%swap3A_694, %swap3A_695], %swap3A_698 {strides = array<i32>} : memref<32x768xf32, #tpu.memory_space<vmem>>, vector<1x16xf32>,
      %get3A_699 = arith.index_cast %scan3A_51 : i32 to index
      %get3A_700 = arith.constant 640 : index
      %get3A_701 = tpu.vector_load %arg6[%get3A_699, %get3A_700] {strides = array<i32>} : memref<32x768xf32, #tpu.memory_space<vmem>>, vector<1x16xf32>,
      %get3A_702 = vector.shape_cast %get3A_701 : vector<1x16xf32> to vector<16xf32>
      %mul3A_703 = arith.mulf %get3A_55, %get3A_702 : vector<16xf32>
      %get3A_704 = arith.index_cast %scan3A_51 : i32 to index
      %get3A_705 = arith.constant 640 : index
      %get3A_706 = tpu.vector_load %arg7[%get3A_704, %get3A_705] {strides = array<i32>} : memref<32x768xf32, #tpu.memory_space<vmem>>, vector<1x16xf32>,
      %get3A_707 = vector.shape_cast %get3A_706 : vector<1x16xf32> to vector<16xf32>
      %mul3A_708 = arith.mulf %get3A_59, %get3A_707 : vector<16xf32>
      %add3A_709 = arith.addf %mul3A_703, %mul3A_708 : vector<16xf32>
      %swap3A_710 = arith.index_cast %scan3A_51 : i32 to index
      %swap3A_711 = arith.constant 640 : index
      %swap3A_712 = tpu.vector_load %arg6[%swap3A_710, %swap3A_711] {strides = array<i32>} : memref<32x768xf32, #tpu.memory_space<vmem>>, vector<1x16xf32>,
      %swap3A_713 = vector.shape_cast %swap3A_712 : vector<1x16xf32> to vector<16xf32>
      %swap3A_714 = vector.shape_cast %add3A_709 : vector<16xf32> to vector<1x16xf32>
      tpu.vector_store %arg6[%swap3A_710, %swap3A_711], %swap3A_714 {strides = array<i32>} : memref<32x768xf32, #tpu.memory_space<vmem>>, vector<1x16xf32>,
      %get3A_715 = arith.index_cast %scan3A_51 : i32 to index
      %get3A_716 = arith.constant 656 : index
      %get3A_717 = tpu.vector_load %arg6[%get3A_715, %get3A_716] {strides = array<i32>} : memref<32x768xf32, #tpu.memory_space<vmem>>, vector<1x16xf32>,
      %get3A_718 = vector.shape_cast %get3A_717 : vector<1x16xf32> to vector<16xf32>
      %mul3A_719 = arith.mulf %get3A_55, %get3A_718 : vector<16xf32>
      %get3A_720 = arith.index_cast %scan3A_51 : i32 to index
      %get3A_721 = arith.constant 656 : index
      %get3A_722 = tpu.vector_load %arg7[%get3A_720, %get3A_721] {strides = array<i32>} : memref<32x768xf32, #tpu.memory_space<vmem>>, vector<1x16xf32>,
      %get3A_723 = vector.shape_cast %get3A_722 : vector<1x16xf32> to vector<16xf32>
      %mul3A_724 = arith.mulf %get3A_59, %get3A_723 : vector<16xf32>
      %add3A_725 = arith.addf %mul3A_719, %mul3A_724 : vector<16xf32>
      %swap3A_726 = arith.index_cast %scan3A_51 : i32 to index
      %swap3A_727 = arith.constant 656 : index
      %swap3A_728 = tpu.vector_load %arg6[%swap3A_726, %swap3A_727] {strides = array<i32>} : memref<32x768xf32, #tpu.memory_space<vmem>>, vector<1x16xf32>,
      %swap3A_729 = vector.shape_cast %swap3A_728 : vector<1x16xf32> to vector<16xf32>
      %swap3A_730 = vector.shape_cast %add3A_725 : vector<16xf32> to vector<1x16xf32>
      tpu.vector_store %arg6[%swap3A_726, %swap3A_727], %swap3A_730 {strides = array<i32>} : memref<32x768xf32, #tpu.memory_space<vmem>>, vector<1x16xf32>,
      %get3A_731 = arith.index_cast %scan3A_51 : i32 to index
      %get3A_732 = arith.constant 672 : index
      %get3A_733 = tpu.vector_load %arg6[%get3A_731, %get3A_732] {strides = array<i32>} : memref<32x768xf32, #tpu.memory_space<vmem>>, vector<1x16xf32>,
      %get3A_734 = vector.shape_cast %get3A_733 : vector<1x16xf32> to vector<16xf32>
      %mul3A_735 = arith.mulf %get3A_55, %get3A_734 : vector<16xf32>
      %get3A_736 = arith.index_cast %scan3A_51 : i32 to index
      %get3A_737 = arith.constant 672 : index
      %get3A_738 = tpu.vector_load %arg7[%get3A_736, %get3A_737] {strides = array<i32>} : memref<32x768xf32, #tpu.memory_space<vmem>>, vector<1x16xf32>,
      %get3A_739 = vector.shape_cast %get3A_738 : vector<1x16xf32> to vector<16xf32>
      %mul3A_740 = arith.mulf %get3A_59, %get3A_739 : vector<16xf32>
      %add3A_741 = arith.addf %mul3A_735, %mul3A_740 : vector<16xf32>
      %swap3A_742 = arith.index_cast %scan3A_51 : i32 to index
      %swap3A_743 = arith.constant 672 : index
      %swap3A_744 = tpu.vector_load %arg6[%swap3A_742, %swap3A_743] {strides = array<i32>} : memref<32x768xf32, #tpu.memory_space<vmem>>, vector<1x16xf32>,
      %swap3A_745 = vector.shape_cast %swap3A_744 : vector<1x16xf32> to vector<16xf32>
      %swap3A_746 = vector.shape_cast %add3A_741 : vector<16xf32> to vector<1x16xf32>
      tpu.vector_store %arg6[%swap3A_742, %swap3A_743], %swap3A_746 {strides = array<i32>} : memref<32x768xf32, #tpu.memory_space<vmem>>, vector<1x16xf32>,
      %get3A_747 = arith.index_cast %scan3A_51 : i32 to index
      %get3A_748 = arith.constant 688 : index
      %get3A_749 = tpu.vector_load %arg6[%get3A_747, %get3A_748] {strides = array<i32>} : memref<32x768xf32, #tpu.memory_space<vmem>>, vector<1x16xf32>,
      %get3A_750 = vector.shape_cast %get3A_749 : vector<1x16xf32> to vector<16xf32>
      %mul3A_751 = arith.mulf %get3A_55, %get3A_750 : vector<16xf32>
      %get3A_752 = arith.index_cast %scan3A_51 : i32 to index
      %get3A_753 = arith.constant 688 : index
      %get3A_754 = tpu.vector_load %arg7[%get3A_752, %get3A_753] {strides = array<i32>} : memref<32x768xf32, #tpu.memory_space<vmem>>, vector<1x16xf32>,
      %get3A_755 = vector.shape_cast %get3A_754 : vector<1x16xf32> to vector<16xf32>
      %mul3A_756 = arith.mulf %get3A_59, %get3A_755 : vector<16xf32>
      %add3A_757 = arith.addf %mul3A_751, %mul3A_756 : vector<16xf32>
      %swap3A_758 = arith.index_cast %scan3A_51 : i32 to index
      %swap3A_759 = arith.constant 688 : index
      %swap3A_760 = tpu.vector_load %arg6[%swap3A_758, %swap3A_759] {strides = array<i32>} : memref<32x768xf32, #tpu.memory_space<vmem>>, vector<1x16xf32>,
      %swap3A_761 = vector.shape_cast %swap3A_760 : vector<1x16xf32> to vector<16xf32>
      %swap3A_762 = vector.shape_cast %add3A_757 : vector<16xf32> to vector<1x16xf32>
      tpu.vector_store %arg6[%swap3A_758, %swap3A_759], %swap3A_762 {strides = array<i32>} : memref<32x768xf32, #tpu.memory_space<vmem>>, vector<1x16xf32>,
      %get3A_763 = arith.index_cast %scan3A_51 : i32 to index
      %get3A_764 = arith.constant 704 : index
      %get3A_765 = tpu.vector_load %arg6[%get3A_763, %get3A_764] {strides = array<i32>} : memref<32x768xf32, #tpu.memory_space<vmem>>, vector<1x16xf32>,
      %get3A_766 = vector.shape_cast %get3A_765 : vector<1x16xf32> to vector<16xf32>
      %mul3A_767 = arith.mulf %get3A_55, %get3A_766 : vector<16xf32>
      %get3A_768 = arith.index_cast %scan3A_51 : i32 to index
      %get3A_769 = arith.constant 704 : index
      %get3A_770 = tpu.vector_load %arg7[%get3A_768, %get3A_769] {strides = array<i32>} : memref<32x768xf32, #tpu.memory_space<vmem>>, vector<1x16xf32>,
      %get3A_771 = vector.shape_cast %get3A_770 : vector<1x16xf32> to vector<16xf32>
      %mul3A_772 = arith.mulf %get3A_59, %get3A_771 : vector<16xf32>
      %add3A_773 = arith.addf %mul3A_767, %mul3A_772 : vector<16xf32>
      %swap3A_774 = arith.index_cast %scan3A_51 : i32 to index
      %swap3A_775 = arith.constant 704 : index
      %swap3A_776 = tpu.vector_load %arg6[%swap3A_774, %swap3A_775] {strides = array<i32>} : memref<32x768xf32, #tpu.memory_space<vmem>>, vector<1x16xf32>,
      %swap3A_777 = vector.shape_cast %swap3A_776 : vector<1x16xf32> to vector<16xf32>
      %swap3A_778 = vector.shape_cast %add3A_773 : vector<16xf32> to vector<1x16xf32>
      tpu.vector_store %arg6[%swap3A_774, %swap3A_775], %swap3A_778 {strides = array<i32>} : memref<32x768xf32, #tpu.memory_space<vmem>>, vector<1x16xf32>,
      %get3A_779 = arith.index_cast %scan3A_51 : i32 to index
      %get3A_780 = arith.constant 720 : index
      %get3A_781 = tpu.vector_load %arg6[%get3A_779, %get3A_780] {strides = array<i32>} : memref<32x768xf32, #tpu.memory_space<vmem>>, vector<1x16xf32>,
      %get3A_782 = vector.shape_cast %get3A_781 : vector<1x16xf32> to vector<16xf32>
      %mul3A_783 = arith.mulf %get3A_55, %get3A_782 : vector<16xf32>
      %get3A_784 = arith.index_cast %scan3A_51 : i32 to index
      %get3A_785 = arith.constant 720 : index
      %get3A_786 = tpu.vector_load %arg7[%get3A_784, %get3A_785] {strides = array<i32>} : memref<32x768xf32, #tpu.memory_space<vmem>>, vector<1x16xf32>,
      %get3A_787 = vector.shape_cast %get3A_786 : vector<1x16xf32> to vector<16xf32>
      %mul3A_788 = arith.mulf %get3A_59, %get3A_787 : vector<16xf32>
      %add3A_789 = arith.addf %mul3A_783, %mul3A_788 : vector<16xf32>
      %swap3A_790 = arith.index_cast %scan3A_51 : i32 to index
      %swap3A_791 = arith.constant 720 : index
      %swap3A_792 = tpu.vector_load %arg6[%swap3A_790, %swap3A_791] {strides = array<i32>} : memref<32x768xf32, #tpu.memory_space<vmem>>, vector<1x16xf32>,
      %swap3A_793 = vector.shape_cast %swap3A_792 : vector<1x16xf32> to vector<16xf32>
      %swap3A_794 = vector.shape_cast %add3A_789 : vector<16xf32> to vector<1x16xf32>
      tpu.vector_store %arg6[%swap3A_790, %swap3A_791], %swap3A_794 {strides = array<i32>} : memref<32x768xf32, #tpu.memory_space<vmem>>, vector<1x16xf32>,
      %get3A_795 = arith.index_cast %scan3A_51 : i32 to index
      %get3A_796 = arith.constant 736 : index
      %get3A_797 = tpu.vector_load %arg6[%get3A_795, %get3A_796] {strides = array<i32>} : memref<32x768xf32, #tpu.memory_space<vmem>>, vector<1x16xf32>,
      %get3A_798 = vector.shape_cast %get3A_797 : vector<1x16xf32> to vector<16xf32>
      %mul3A_799 = arith.mulf %get3A_55, %get3A_798 : vector<16xf32>
      %get3A_800 = arith.index_cast %scan3A_51 : i32 to index
      %get3A_801 = arith.constant 736 : index
      %get3A_802 = tpu.vector_load %arg7[%get3A_800, %get3A_801] {strides = array<i32>} : memref<32x768xf32, #tpu.memory_space<vmem>>, vector<1x16xf32>,
      %get3A_803 = vector.shape_cast %get3A_802 : vector<1x16xf32> to vector<16xf32>
      %mul3A_804 = arith.mulf %get3A_59, %get3A_803 : vector<16xf32>
      %add3A_805 = arith.addf %mul3A_799, %mul3A_804 : vector<16xf32>
      %swap3A_806 = arith.index_cast %scan3A_51 : i32 to index
      %swap3A_807 = arith.constant 736 : index
      %swap3A_808 = tpu.vector_load %arg6[%swap3A_806, %swap3A_807] {strides = array<i32>} : memref<32x768xf32, #tpu.memory_space<vmem>>, vector<1x16xf32>,
      %swap3A_809 = vector.shape_cast %swap3A_808 : vector<1x16xf32> to vector<16xf32>
      %swap3A_810 = vector.shape_cast %add3A_805 : vector<16xf32> to vector<1x16xf32>
      tpu.vector_store %arg6[%swap3A_806, %swap3A_807], %swap3A_810 {strides = array<i32>} : memref<32x768xf32, #tpu.memory_space<vmem>>, vector<1x16xf32>,
      %get3A_811 = arith.index_cast %scan3A_51 : i32 to index
      %get3A_812 = arith.constant 752 : index
      %get3A_813 = tpu.vector_load %arg6[%get3A_811, %get3A_812] {strides = array<i32>} : memref<32x768xf32, #tpu.memory_space<vmem>>, vector<1x16xf32>,
      %get3A_814 = vector.shape_cast %get3A_813 : vector<1x16xf32> to vector<16xf32>
      %mul3A_815 = arith.mulf %get3A_55, %get3A_814 : vector<16xf32>
      %get3A_816 = arith.index_cast %scan3A_51 : i32 to index
      %get3A_817 = arith.constant 752 : index
      %get3A_818 = tpu.vector_load %arg7[%get3A_816, %get3A_817] {strides = array<i32>} : memref<32x768xf32, #tpu.memory_space<vmem>>, vector<1x16xf32>,
      %get3A_819 = vector.shape_cast %get3A_818 : vector<1x16xf32> to vector<16xf32>
      %mul3A_820 = arith.mulf %get3A_59, %get3A_819 : vector<16xf32>
      %add3A_821 = arith.addf %mul3A_815, %mul3A_820 : vector<16xf32>
      %swap3A_822 = arith.index_cast %scan3A_51 : i32 to index
      %swap3A_823 = arith.constant 752 : index
      %swap3A_824 = tpu.vector_load %arg6[%swap3A_822, %swap3A_823] {strides = array<i32>} : memref<32x768xf32, #tpu.memory_space<vmem>>, vector<1x16xf32>,
      %swap3A_825 = vector.shape_cast %swap3A_824 : vector<1x16xf32> to vector<16xf32>
      %swap3A_826 = vector.shape_cast %add3A_821 : vector<16xf32> to vector<1x16xf32>
      tpu.vector_store %arg6[%swap3A_822, %swap3A_823], %swap3A_826 {strides = array<i32>} : memref<32x768xf32, #tpu.memory_space<vmem>>, vector<1x16xf32>,
      %scan3A_827 = arith.constant 0 : i32
      scf.yield %scan3A_827 : i32
    }
    %scan3A_23 = arith.constant 32 : i32
    "tpu.region"() ({
      %run_scoped3A_51 = tpu.sem_alloc : memref<!tpu.dma_semaphore, #tpu.memory_space<semaphore_mem>>
      %dma_start3A_52 = arith.constant 0 : i32
      %dma_start3A_53 = tpu.memref_slice %arg5[%add3A_4, %dma_start3A_52] : memref<2048x768xf32, #tpu.memory_space<hbm>> -> memref<32x768xf32, #tpu.memory_space<hbm>>
      %dma_start3A_54 = arith.constant 0 : i32
      %dma_start3A_55 = tpu.memref_slice %arg5[%add3A_4, %dma_start3A_54] : memref<2048x768xf32, #tpu.memory_space<hbm>> -> memref<32x768xf32, #tpu.memory_space<hbm>>
      tpu.enqueue_dma source(%arg6 : memref<32x768xf32, #tpu.memory_space<vmem>>) target(%dma_start3A_55 : memref<32x768xf32, #tpu.memory_space<hbm>>) target_semaphore(%run_scoped3A_51 : memref<!tpu.dma_semaphore, #tpu.memory_space<semaphore_mem>>)
      %dma_wait3A_56 = arith.constant 0 : i32
      %dma_wait3A_57 = tpu.memref_slice %arg5[%add3A_4, %dma_wait3A_56] : memref<2048x768xf32, #tpu.memory_space<hbm>> -> memref<32x768xf32, #tpu.memory_space<hbm>>
      %dma_wait3A_58 = arith.constant 0 : i32
      %dma_wait3A_59 = tpu.memref_slice %arg5[%add3A_4, %dma_wait3A_58] : memref<2048x768xf32, #tpu.memory_space<hbm>> -> memref<32x768xf32, #tpu.memory_space<hbm>>
      tpu.wait_dma2 semaphore(%run_scoped3A_51 : memref<!tpu.dma_semaphore, #tpu.memory_space<semaphore_mem>>) src(%arg6 : memref<32x768xf32, #tpu.memory_space<vmem>>) dst(%dma_wait3A_59 : memref<32x768xf32, #tpu.memory_space<hbm>>)
      tpu.yield
    }) : () -> ()
    %mul3A_24 = arith.constant 64 : i32
    %mul3A_25 = arith.muli %add3A, %mul3A_24 : i32
    %add3A_26 = arith.constant 32 : i32
    %add3A_27 = arith.addi %mul3A_25, %add3A_26 : i32
    %run_scoped3A_28 = arith.constant 0 : i32
    "tpu.region"() ({
      %run_scoped3A_51 = tpu.sem_alloc : memref<!tpu.dma_semaphore, #tpu.memory_space<semaphore_mem>>
      %dma_start3A_52 = tpu.memref_slice %arg3[%run_scoped3A_28, %add3A_27] : memref<2x2048xi32, #tpu.memory_space<hbm>> -> memref<1x32xi32, #tpu.memory_space<hbm>>
      %dma_start3A_53 = tpu.memref_squeeze %dma_start3A_52 : memref<1x32xi32, #tpu.memory_space<hbm>> -> memref<32xi32, #tpu.memory_space<hbm>>
      %dma_start3A_54 = tpu.memref_slice %arg3[%run_scoped3A_28, %add3A_27] : memref<2x2048xi32, #tpu.memory_space<hbm>> -> memref<1x32xi32, #tpu.memory_space<hbm>>
      %dma_start3A_55 = tpu.memref_squeeze %dma_start3A_54 : memref<1x32xi32, #tpu.memory_space<hbm>> -> memref<32xi32, #tpu.memory_space<hbm>>
      tpu.enqueue_dma source(%dma_start3A_55 : memref<32xi32, #tpu.memory_space<hbm>>) target(%arg8 : memref<32xi32, #tpu.memory_space<vmem>>) target_semaphore(%run_scoped3A_51 : memref<!tpu.dma_semaphore, #tpu.memory_space<semaphore_mem>>)
      %dma_wait3A_56 = tpu.memref_slice %arg3[%run_scoped3A_28, %add3A_27] : memref<2x2048xi32, #tpu.memory_space<hbm>> -> memref<1x32xi32, #tpu.memory_space<hbm>>
      %dma_wait3A_57 = tpu.memref_squeeze %dma_wait3A_56 : memref<1x32xi32, #tpu.memory_space<hbm>> -> memref<32xi32, #tpu.memory_space<hbm>>
      %dma_wait3A_58 = tpu.memref_slice %arg3[%run_scoped3A_28, %add3A_27] : memref<2x2048xi32, #tpu.memory_space<hbm>> -> memref<1x32xi32, #tpu.memory_space<hbm>>
      %dma_wait3A_59 = tpu.memref_squeeze %dma_wait3A_58 : memref<1x32xi32, #tpu.memory_space<hbm>> -> memref<32xi32, #tpu.memory_space<hbm>>
      tpu.wait_dma2 semaphore(%run_scoped3A_51 : memref<!tpu.dma_semaphore, #tpu.memory_space<semaphore_mem>>) src(%dma_wait3A_59 : memref<32xi32, #tpu.memory_space<hbm>>) dst(%arg8 : memref<32xi32, #tpu.memory_space<vmem>>)
      tpu.yield
    }) : () -> ()
    %run_scoped3A_29 = arith.constant 1 : i32
    "tpu.region"() ({
      %run_scoped3A_51 = tpu.sem_alloc : memref<!tpu.dma_semaphore, #tpu.memory_space<semaphore_mem>>
      %dma_start3A_52 = tpu.memref_slice %arg3[%run_scoped3A_29, %add3A_27] : memref<2x2048xi32, #tpu.memory_space<hbm>> -> memref<1x32xi32, #tpu.memory_space<hbm>>
      %dma_start3A_53 = tpu.memref_squeeze %dma_start3A_52 : memref<1x32xi32, #tpu.memory_space<hbm>> -> memref<32xi32, #tpu.memory_space<hbm>>
      %dma_start3A_54 = tpu.memref_slice %arg3[%run_scoped3A_29, %add3A_27] : memref<2x2048xi32, #tpu.memory_space<hbm>> -> memref<1x32xi32, #tpu.memory_space<hbm>>
      %dma_start3A_55 = tpu.memref_squeeze %dma_start3A_54 : memref<1x32xi32, #tpu.memory_space<hbm>> -> memref<32xi32, #tpu.memory_space<hbm>>
      tpu.enqueue_dma source(%dma_start3A_55 : memref<32xi32, #tpu.memory_space<hbm>>) target(%arg9 : memref<32xi32, #tpu.memory_space<vmem>>) target_semaphore(%run_scoped3A_51 : memref<!tpu.dma_semaphore, #tpu.memory_space<semaphore_mem>>)
      %dma_wait3A_56 = tpu.memref_slice %arg3[%run_scoped3A_29, %add3A_27] : memref<2x2048xi32, #tpu.memory_space<hbm>> -> memref<1x32xi32, #tpu.memory_space<hbm>>
      %dma_wait3A_57 = tpu.memref_squeeze %dma_wait3A_56 : memref<1x32xi32, #tpu.memory_space<hbm>> -> memref<32xi32, #tpu.memory_space<hbm>>
      %dma_wait3A_58 = tpu.memref_slice %arg3[%run_scoped3A_29, %add3A_27] : memref<2x2048xi32, #tpu.memory_space<hbm>> -> memref<1x32xi32, #tpu.memory_space<hbm>>
      %dma_wait3A_59 = tpu.memref_squeeze %dma_wait3A_58 : memref<1x32xi32, #tpu.memory_space<hbm>> -> memref<32xi32, #tpu.memory_space<hbm>>
      tpu.wait_dma2 semaphore(%run_scoped3A_51 : memref<!tpu.dma_semaphore, #tpu.memory_space<semaphore_mem>>) src(%dma_wait3A_59 : memref<32xi32, #tpu.memory_space<hbm>>) dst(%arg9 : memref<32xi32, #tpu.memory_space<vmem>>)
      tpu.yield
    }) : () -> ()
    %run_scoped3A_30 = arith.constant 0 : i32
    "tpu.region"() ({
      %run_scoped3A_51 = tpu.sem_alloc : memref<!tpu.dma_semaphore, #tpu.memory_space<semaphore_mem>>
      %dma_start3A_52 = arith.constant 0 : i32
      %dma_start3A_53 = tpu.memref_slice %arg4[%run_scoped3A_30, %add3A_27, %dma_start3A_52] : memref<2x2048x16xf32, #tpu.memory_space<hbm>> -> memref<1x32x16xf32, #tpu.memory_space<hbm>>
      %dma_start3A_54 = tpu.memref_squeeze %dma_start3A_53 : memref<1x32x16xf32, #tpu.memory_space<hbm>> -> memref<32x16xf32, #tpu.memory_space<hbm>>
      %dma_start3A_55 = arith.constant 0 : i32
      %dma_start3A_56 = tpu.memref_slice %arg4[%run_scoped3A_30, %add3A_27, %dma_start3A_55] : memref<2x2048x16xf32, #tpu.memory_space<hbm>> -> memref<1x32x16xf32, #tpu.memory_space<hbm>>
      %dma_start3A_57 = tpu.memref_squeeze %dma_start3A_56 : memref<1x32x16xf32, #tpu.memory_space<hbm>> -> memref<32x16xf32, #tpu.memory_space<hbm>>
      tpu.enqueue_dma source(%dma_start3A_57 : memref<32x16xf32, #tpu.memory_space<hbm>>) target(%arg10 : memref<32x16xf32, #tpu.memory_space<vmem>>) target_semaphore(%run_scoped3A_51 : memref<!tpu.dma_semaphore, #tpu.memory_space<semaphore_mem>>)
      %dma_wait3A_58 = arith.constant 0 : i32
      %dma_wait3A_59 = tpu.memref_slice %arg4[%run_scoped3A_30, %add3A_27, %dma_wait3A_58] : memref<2x2048x16xf32, #tpu.memory_space<hbm>> -> memref<1x32x16xf32, #tpu.memory_space<hbm>>
      %dma_wait3A_60 = tpu.memref_squeeze %dma_wait3A_59 : memref<1x32x16xf32, #tpu.memory_space<hbm>> -> memref<32x16xf32, #tpu.memory_space<hbm>>
      %dma_wait3A_61 = arith.constant 0 : i32
      %dma_wait3A_62 = tpu.memref_slice %arg4[%run_scoped3A_30, %add3A_27, %dma_wait3A_61] : memref<2x2048x16xf32, #tpu.memory_space<hbm>> -> memref<1x32x16xf32, #tpu.memory_space<hbm>>
      %dma_wait3A_63 = tpu.memref_squeeze %dma_wait3A_62 : memref<1x32x16xf32, #tpu.memory_space<hbm>> -> memref<32x16xf32, #tpu.memory_space<hbm>>
      tpu.wait_dma2 semaphore(%run_scoped3A_51 : memref<!tpu.dma_semaphore, #tpu.memory_space<semaphore_mem>>) src(%dma_wait3A_63 : memref<32x16xf32, #tpu.memory_space<hbm>>) dst(%arg10 : memref<32x16xf32, #tpu.memory_space<vmem>>)
      tpu.yield
    }) : () -> ()
    %run_scoped3A_31 = arith.constant 1 : i32
    "tpu.region"() ({
      %run_scoped3A_51 = tpu.sem_alloc : memref<!tpu.dma_semaphore, #tpu.memory_space<semaphore_mem>>
      %dma_start3A_52 = arith.constant 0 : i32
      %dma_start3A_53 = tpu.memref_slice %arg4[%run_scoped3A_31, %add3A_27, %dma_start3A_52] : memref<2x2048x16xf32, #tpu.memory_space<hbm>> -> memref<1x32x16xf32, #tpu.memory_space<hbm>>
      %dma_start3A_54 = tpu.memref_squeeze %dma_start3A_53 : memref<1x32x16xf32, #tpu.memory_space<hbm>> -> memref<32x16xf32, #tpu.memory_space<hbm>>
      %dma_start3A_55 = arith.constant 0 : i32
      %dma_start3A_56 = tpu.memref_slice %arg4[%run_scoped3A_31, %add3A_27, %dma_start3A_55] : memref<2x2048x16xf32, #tpu.memory_space<hbm>> -> memref<1x32x16xf32, #tpu.memory_space<hbm>>
      %dma_start3A_57 = tpu.memref_squeeze %dma_start3A_56 : memref<1x32x16xf32, #tpu.memory_space<hbm>> -> memref<32x16xf32, #tpu.memory_space<hbm>>
      tpu.enqueue_dma source(%dma_start3A_57 : memref<32x16xf32, #tpu.memory_space<hbm>>) target(%arg11 : memref<32x16xf32, #tpu.memory_space<vmem>>) target_semaphore(%run_scoped3A_51 : memref<!tpu.dma_semaphore, #tpu.memory_space<semaphore_mem>>)
      %dma_wait3A_58 = arith.constant 0 : i32
      %dma_wait3A_59 = tpu.memref_slice %arg4[%run_scoped3A_31, %add3A_27, %dma_wait3A_58] : memref<2x2048x16xf32, #tpu.memory_space<hbm>> -> memref<1x32x16xf32, #tpu.memory_space<hbm>>
      %dma_wait3A_60 = tpu.memref_squeeze %dma_wait3A_59 : memref<1x32x16xf32, #tpu.memory_space<hbm>> -> memref<32x16xf32, #tpu.memory_space<hbm>>
      %dma_wait3A_61 = arith.constant 0 : i32
      %dma_wait3A_62 = tpu.memref_slice %arg4[%run_scoped3A_31, %add3A_27, %dma_wait3A_61] : memref<2x2048x16xf32, #tpu.memory_space<hbm>> -> memref<1x32x16xf32, #tpu.memory_space<hbm>>
      %dma_wait3A_63 = tpu.memref_squeeze %dma_wait3A_62 : memref<1x32x16xf32, #tpu.memory_space<hbm>> -> memref<32x16xf32, #tpu.memory_space<hbm>>
      tpu.wait_dma2 semaphore(%run_scoped3A_51 : memref<!tpu.dma_semaphore, #tpu.memory_space<semaphore_mem>>) src(%dma_wait3A_63 : memref<32x16xf32, #tpu.memory_space<hbm>>) dst(%arg11 : memref<32x16xf32, #tpu.memory_space<vmem>>)
      tpu.yield
    }) : () -> ()
    %dma_start3A_32 = arith.constant 0 : i32
    %dma_start3A_33 = arith.constant 0 : i32
    %dma_start3A_34 = tpu.memref_slice %arg2[%dma_start3A_32, %dma_start3A_33] : memref<5120x768xf32, #tpu.memory_space<hbm>> -> memref<5120x768xf32, #tpu.memory_space<hbm>>
    tpu.enqueue_indirect_dma source(%dma_start3A_34 : memref<5120x768xf32, #tpu.memory_space<hbm>>) target(%arg6 : memref<32x768xf32, #tpu.memory_space<vmem>>) offsets(%arg8 : memref<32xi32, #tpu.memory_space<vmem>>) semaphore(%arg12 : memref<!tpu.dma_semaphore, #tpu.memory_space<semaphore_mem>>)
    %dma_start3A_35 = arith.constant 0 : i32
    %dma_start3A_36 = arith.constant 0 : i32
    %dma_start3A_37 = tpu.memref_slice %arg2[%dma_start3A_35, %dma_start3A_36] : memref<5120x768xf32, #tpu.memory_space<hbm>> -> memref<5120x768xf32, #tpu.memory_space<hbm>>
    tpu.enqueue_indirect_dma source(%dma_start3A_37 : memref<5120x768xf32, #tpu.memory_space<hbm>>) target(%arg7 : memref<32x768xf32, #tpu.memory_space<vmem>>) offsets(%arg9 : memref<32xi32, #tpu.memory_space<vmem>>) semaphore(%arg13 : memref<!tpu.dma_semaphore, #tpu.memory_space<semaphore_mem>>)
    %dma_wait3A_38 = arith.constant 0 : i32
    %dma_wait3A_39 = arith.constant 0 : i32
    %dma_wait3A_40 = tpu.memref_slice %arg2[%dma_wait3A_38, %dma_wait3A_39] : memref<5120x768xf32, #tpu.memory_space<hbm>> -> memref<5120x768xf32, #tpu.memory_space<hbm>>
    tpu.wait_indirect_dma semaphore(%arg12 : memref<!tpu.dma_semaphore, #tpu.memory_space<semaphore_mem>>) src(%dma_wait3A_40 : memref<5120x768xf32, #tpu.memory_space<hbm>>) dst(%arg6 : memref<32x768xf32, #tpu.memory_space<vmem>>)
    %dma_wait3A_41 = arith.constant 0 : i32
    %dma_wait3A_42 = arith.constant 0 : i32
    %dma_wait3A_43 = tpu.memref_slice %arg2[%dma_wait3A_41, %dma_wait3A_42] : memref<5120x768xf32, #tpu.memory_space<hbm>> -> memref<5120x768xf32, #tpu.memory_space<hbm>>
    tpu.wait_indirect_dma semaphore(%arg13 : memref<!tpu.dma_semaphore, #tpu.memory_space<semaphore_mem>>) src(%dma_wait3A_43 : memref<5120x768xf32, #tpu.memory_space<hbm>>) dst(%arg7 : memref<32x768xf32, #tpu.memory_space<vmem>>)
    %scan3A_44 = arith.constant 0 : i32
    %scan3A_45 = arith.constant 0 : i32
    %scan3A_46 = arith.constant 32 : i32
    %scan3A_47 = arith.addi %scan3A_45, %scan3A_46 : i32
    %scan3A_48 = arith.constant 1 : i32
    %scan3A_49 = scf.for %scan3A_51 = %scan3A_45 to %scan3A_47 step %scan3A_48 iter_args(%scan3A_52 = %scan3A_44) -> (i32)  : i32 {
      %get3A = arith.index_cast %scan3A_51 : i32 to index
      %get3A_53 = arith.constant 0 : index
      %get3A_54 = tpu.vector_load %arg10[%get3A, %get3A_53] {strides = array<i32>} : memref<32x16xf32, #tpu.memory_space<vmem>>, vector<1x16xf32>,
      %get3A_55 = vector.shape_cast %get3A_54 : vector<1x16xf32> to vector<16xf32>
      %get3A_56 = arith.index_cast %scan3A_51 : i32 to index
      %get3A_57 = arith.constant 0 : index
      %get3A_58 = tpu.vector_load %arg11[%get3A_56, %get3A_57] {strides = array<i32>} : memref<32x16xf32, #tpu.memory_space<vmem>>, vector<1x16xf32>,
      %get3A_59 = vector.shape_cast %get3A_58 : vector<1x16xf32> to vector<16xf32>
      %get3A_60 = arith.index_cast %scan3A_51 : i32 to index
      %get3A_61 = arith.constant 0 : index
      %get3A_62 = tpu.vector_load %arg6[%get3A_60, %get3A_61] {strides = array<i32>} : memref<32x768xf32, #tpu.memory_space<vmem>>, vector<1x16xf32>,
      %get3A_63 = vector.shape_cast %get3A_62 : vector<1x16xf32> to vector<16xf32>
      %mul3A_64 = arith.mulf %get3A_55, %get3A_63 : vector<16xf32>
      %get3A_65 = arith.index_cast %scan3A_51 : i32 to index
      %get3A_66 = arith.constant 0 : index
      %get3A_67 = tpu.vector_load %arg7[%get3A_65, %get3A_66] {strides = array<i32>} : memref<32x768xf32, #tpu.memory_space<vmem>>, vector<1x16xf32>,
      %get3A_68 = vector.shape_cast %get3A_67 : vector<1x16xf32> to vector<16xf32>
      %mul3A_69 = arith.mulf %get3A_59, %get3A_68 : vector<16xf32>
      %add3A_70 = arith.addf %mul3A_64, %mul3A_69 : vector<16xf32>
      %swap3A = arith.index_cast %scan3A_51 : i32 to index
      %swap3A_71 = arith.constant 0 : index
      %swap3A_72 = tpu.vector_load %arg6[%swap3A, %swap3A_71] {strides = array<i32>} : memref<32x768xf32, #tpu.memory_space<vmem>>, vector<1x16xf32>,
      %swap3A_73 = vector.shape_cast %swap3A_72 : vector<1x16xf32> to vector<16xf32>
      %swap3A_74 = vector.shape_cast %add3A_70 : vector<16xf32> to vector<1x16xf32>
      tpu.vector_store %arg6[%swap3A, %swap3A_71], %swap3A_74 {strides = array<i32>} : memref<32x768xf32, #tpu.memory_space<vmem>>, vector<1x16xf32>,
      %get3A_75 = arith.index_cast %scan3A_51 : i32 to index
      %get3A_76 = arith.constant 16 : index
      %get3A_77 = tpu.vector_load %arg6[%get3A_75, %get3A_76] {strides = array<i32>} : memref<32x768xf32, #tpu.memory_space<vmem>>, vector<1x16xf32>,
      %get3A_78 = vector.shape_cast %get3A_77 : vector<1x16xf32> to vector<16xf32>
      %mul3A_79 = arith.mulf %get3A_55, %get3A_78 : vector<16xf32>
      %get3A_80 = arith.index_cast %scan3A_51 : i32 to index
      %get3A_81 = arith.constant 16 : index
      %get3A_82 = tpu.vector_load %arg7[%get3A_80, %get3A_81] {strides = array<i32>} : memref<32x768xf32, #tpu.memory_space<vmem>>, vector<1x16xf32>,
      %get3A_83 = vector.shape_cast %get3A_82 : vector<1x16xf32> to vector<16xf32>
      %mul3A_84 = arith.mulf %get3A_59, %get3A_83 : vector<16xf32>
      %add3A_85 = arith.addf %mul3A_79, %mul3A_84 : vector<16xf32>
      %swap3A_86 = arith.index_cast %scan3A_51 : i32 to index
      %swap3A_87 = arith.constant 16 : index
      %swap3A_88 = tpu.vector_load %arg6[%swap3A_86, %swap3A_87] {strides = array<i32>} : memref<32x768xf32, #tpu.memory_space<vmem>>, vector<1x16xf32>,
      %swap3A_89 = vector.shape_cast %swap3A_88 : vector<1x16xf32> to vector<16xf32>
      %swap3A_90 = vector.shape_cast %add3A_85 : vector<16xf32> to vector<1x16xf32>
      tpu.vector_store %arg6[%swap3A_86, %swap3A_87], %swap3A_90 {strides = array<i32>} : memref<32x768xf32, #tpu.memory_space<vmem>>, vector<1x16xf32>,
      %get3A_91 = arith.index_cast %scan3A_51 : i32 to index
      %get3A_92 = arith.constant 32 : index
      %get3A_93 = tpu.vector_load %arg6[%get3A_91, %get3A_92] {strides = array<i32>} : memref<32x768xf32, #tpu.memory_space<vmem>>, vector<1x16xf32>,
      %get3A_94 = vector.shape_cast %get3A_93 : vector<1x16xf32> to vector<16xf32>
      %mul3A_95 = arith.mulf %get3A_55, %get3A_94 : vector<16xf32>
      %get3A_96 = arith.index_cast %scan3A_51 : i32 to index
      %get3A_97 = arith.constant 32 : index
      %get3A_98 = tpu.vector_load %arg7[%get3A_96, %get3A_97] {strides = array<i32>} : memref<32x768xf32, #tpu.memory_space<vmem>>, vector<1x16xf32>,
      %get3A_99 = vector.shape_cast %get3A_98 : vector<1x16xf32> to vector<16xf32>
      %mul3A_100 = arith.mulf %get3A_59, %get3A_99 : vector<16xf32>
      %add3A_101 = arith.addf %mul3A_95, %mul3A_100 : vector<16xf32>
      %swap3A_102 = arith.index_cast %scan3A_51 : i32 to index
      %swap3A_103 = arith.constant 32 : index
      %swap3A_104 = tpu.vector_load %arg6[%swap3A_102, %swap3A_103] {strides = array<i32>} : memref<32x768xf32, #tpu.memory_space<vmem>>, vector<1x16xf32>,
      %swap3A_105 = vector.shape_cast %swap3A_104 : vector<1x16xf32> to vector<16xf32>
      %swap3A_106 = vector.shape_cast %add3A_101 : vector<16xf32> to vector<1x16xf32>
      tpu.vector_store %arg6[%swap3A_102, %swap3A_103], %swap3A_106 {strides = array<i32>} : memref<32x768xf32, #tpu.memory_space<vmem>>, vector<1x16xf32>,
      %get3A_107 = arith.index_cast %scan3A_51 : i32 to index
      %get3A_108 = arith.constant 48 : index
      %get3A_109 = tpu.vector_load %arg6[%get3A_107, %get3A_108] {strides = array<i32>} : memref<32x768xf32, #tpu.memory_space<vmem>>, vector<1x16xf32>,
      %get3A_110 = vector.shape_cast %get3A_109 : vector<1x16xf32> to vector<16xf32>
      %mul3A_111 = arith.mulf %get3A_55, %get3A_110 : vector<16xf32>
      %get3A_112 = arith.index_cast %scan3A_51 : i32 to index
      %get3A_113 = arith.constant 48 : index
      %get3A_114 = tpu.vector_load %arg7[%get3A_112, %get3A_113] {strides = array<i32>} : memref<32x768xf32, #tpu.memory_space<vmem>>, vector<1x16xf32>,
      %get3A_115 = vector.shape_cast %get3A_114 : vector<1x16xf32> to vector<16xf32>
      %mul3A_116 = arith.mulf %get3A_59, %get3A_115 : vector<16xf32>
      %add3A_117 = arith.addf %mul3A_111, %mul3A_116 : vector<16xf32>
      %swap3A_118 = arith.index_cast %scan3A_51 : i32 to index
      %swap3A_119 = arith.constant 48 : index
      %swap3A_120 = tpu.vector_load %arg6[%swap3A_118, %swap3A_119] {strides = array<i32>} : memref<32x768xf32, #tpu.memory_space<vmem>>, vector<1x16xf32>,
      %swap3A_121 = vector.shape_cast %swap3A_120 : vector<1x16xf32> to vector<16xf32>
      %swap3A_122 = vector.shape_cast %add3A_117 : vector<16xf32> to vector<1x16xf32>
      tpu.vector_store %arg6[%swap3A_118, %swap3A_119], %swap3A_122 {strides = array<i32>} : memref<32x768xf32, #tpu.memory_space<vmem>>, vector<1x16xf32>,
      %get3A_123 = arith.index_cast %scan3A_51 : i32 to index
      %get3A_124 = arith.constant 64 : index
      %get3A_125 = tpu.vector_load %arg6[%get3A_123, %get3A_124] {strides = array<i32>} : memref<32x768xf32, #tpu.memory_space<vmem>>, vector<1x16xf32>,
      %get3A_126 = vector.shape_cast %get3A_125 : vector<1x16xf32> to vector<16xf32>
      %mul3A_127 = arith.mulf %get3A_55, %get3A_126 : vector<16xf32>
      %get3A_128 = arith.index_cast %scan3A_51 : i32 to index
      %get3A_129 = arith.constant 64 : index
      %get3A_130 = tpu.vector_load %arg7[%get3A_128, %get3A_129] {strides = array<i32>} : memref<32x768xf32, #tpu.memory_space<vmem>>, vector<1x16xf32>,
      %get3A_131 = vector.shape_cast %get3A_130 : vector<1x16xf32> to vector<16xf32>
      %mul3A_132 = arith.mulf %get3A_59, %get3A_131 : vector<16xf32>
      %add3A_133 = arith.addf %mul3A_127, %mul3A_132 : vector<16xf32>
      %swap3A_134 = arith.index_cast %scan3A_51 : i32 to index
      %swap3A_135 = arith.constant 64 : index
      %swap3A_136 = tpu.vector_load %arg6[%swap3A_134, %swap3A_135] {strides = array<i32>} : memref<32x768xf32, #tpu.memory_space<vmem>>, vector<1x16xf32>,
      %swap3A_137 = vector.shape_cast %swap3A_136 : vector<1x16xf32> to vector<16xf32>
      %swap3A_138 = vector.shape_cast %add3A_133 : vector<16xf32> to vector<1x16xf32>
      tpu.vector_store %arg6[%swap3A_134, %swap3A_135], %swap3A_138 {strides = array<i32>} : memref<32x768xf32, #tpu.memory_space<vmem>>, vector<1x16xf32>,
      %get3A_139 = arith.index_cast %scan3A_51 : i32 to index
      %get3A_140 = arith.constant 80 : index
      %get3A_141 = tpu.vector_load %arg6[%get3A_139, %get3A_140] {strides = array<i32>} : memref<32x768xf32, #tpu.memory_space<vmem>>, vector<1x16xf32>,
      %get3A_142 = vector.shape_cast %get3A_141 : vector<1x16xf32> to vector<16xf32>
      %mul3A_143 = arith.mulf %get3A_55, %get3A_142 : vector<16xf32>
      %get3A_144 = arith.index_cast %scan3A_51 : i32 to index
      %get3A_145 = arith.constant 80 : index
      %get3A_146 = tpu.vector_load %arg7[%get3A_144, %get3A_145] {strides = array<i32>} : memref<32x768xf32, #tpu.memory_space<vmem>>, vector<1x16xf32>,
      %get3A_147 = vector.shape_cast %get3A_146 : vector<1x16xf32> to vector<16xf32>
      %mul3A_148 = arith.mulf %get3A_59, %get3A_147 : vector<16xf32>
      %add3A_149 = arith.addf %mul3A_143, %mul3A_148 : vector<16xf32>
      %swap3A_150 = arith.index_cast %scan3A_51 : i32 to index
      %swap3A_151 = arith.constant 80 : index
      %swap3A_152 = tpu.vector_load %arg6[%swap3A_150, %swap3A_151] {strides = array<i32>} : memref<32x768xf32, #tpu.memory_space<vmem>>, vector<1x16xf32>,
      %swap3A_153 = vector.shape_cast %swap3A_152 : vector<1x16xf32> to vector<16xf32>
      %swap3A_154 = vector.shape_cast %add3A_149 : vector<16xf32> to vector<1x16xf32>
      tpu.vector_store %arg6[%swap3A_150, %swap3A_151], %swap3A_154 {strides = array<i32>} : memref<32x768xf32, #tpu.memory_space<vmem>>, vector<1x16xf32>,
      %get3A_155 = arith.index_cast %scan3A_51 : i32 to index
      %get3A_156 = arith.constant 96 : index
      %get3A_157 = tpu.vector_load %arg6[%get3A_155, %get3A_156] {strides = array<i32>} : memref<32x768xf32, #tpu.memory_space<vmem>>, vector<1x16xf32>,
      %get3A_158 = vector.shape_cast %get3A_157 : vector<1x16xf32> to vector<16xf32>
      %mul3A_159 = arith.mulf %get3A_55, %get3A_158 : vector<16xf32>
      %get3A_160 = arith.index_cast %scan3A_51 : i32 to index
      %get3A_161 = arith.constant 96 : index
      %get3A_162 = tpu.vector_load %arg7[%get3A_160, %get3A_161] {strides = array<i32>} : memref<32x768xf32, #tpu.memory_space<vmem>>, vector<1x16xf32>,
      %get3A_163 = vector.shape_cast %get3A_162 : vector<1x16xf32> to vector<16xf32>
      %mul3A_164 = arith.mulf %get3A_59, %get3A_163 : vector<16xf32>
      %add3A_165 = arith.addf %mul3A_159, %mul3A_164 : vector<16xf32>
      %swap3A_166 = arith.index_cast %scan3A_51 : i32 to index
      %swap3A_167 = arith.constant 96 : index
      %swap3A_168 = tpu.vector_load %arg6[%swap3A_166, %swap3A_167] {strides = array<i32>} : memref<32x768xf32, #tpu.memory_space<vmem>>, vector<1x16xf32>,
      %swap3A_169 = vector.shape_cast %swap3A_168 : vector<1x16xf32> to vector<16xf32>
      %swap3A_170 = vector.shape_cast %add3A_165 : vector<16xf32> to vector<1x16xf32>
      tpu.vector_store %arg6[%swap3A_166, %swap3A_167], %swap3A_170 {strides = array<i32>} : memref<32x768xf32, #tpu.memory_space<vmem>>, vector<1x16xf32>,
      %get3A_171 = arith.index_cast %scan3A_51 : i32 to index
      %get3A_172 = arith.constant 112 : index
      %get3A_173 = tpu.vector_load %arg6[%get3A_171, %get3A_172] {strides = array<i32>} : memref<32x768xf32, #tpu.memory_space<vmem>>, vector<1x16xf32>,
      %get3A_174 = vector.shape_cast %get3A_173 : vector<1x16xf32> to vector<16xf32>
      %mul3A_175 = arith.mulf %get3A_55, %get3A_174 : vector<16xf32>
      %get3A_176 = arith.index_cast %scan3A_51 : i32 to index
      %get3A_177 = arith.constant 112 : index
      %get3A_178 = tpu.vector_load %arg7[%get3A_176, %get3A_177] {strides = array<i32>} : memref<32x768xf32, #tpu.memory_space<vmem>>, vector<1x16xf32>,
      %get3A_179 = vector.shape_cast %get3A_178 : vector<1x16xf32> to vector<16xf32>
      %mul3A_180 = arith.mulf %get3A_59, %get3A_179 : vector<16xf32>
      %add3A_181 = arith.addf %mul3A_175, %mul3A_180 : vector<16xf32>
      %swap3A_182 = arith.index_cast %scan3A_51 : i32 to index
      %swap3A_183 = arith.constant 112 : index
      %swap3A_184 = tpu.vector_load %arg6[%swap3A_182, %swap3A_183] {strides = array<i32>} : memref<32x768xf32, #tpu.memory_space<vmem>>, vector<1x16xf32>,
      %swap3A_185 = vector.shape_cast %swap3A_184 : vector<1x16xf32> to vector<16xf32>
      %swap3A_186 = vector.shape_cast %add3A_181 : vector<16xf32> to vector<1x16xf32>
      tpu.vector_store %arg6[%swap3A_182, %swap3A_183], %swap3A_186 {strides = array<i32>} : memref<32x768xf32, #tpu.memory_space<vmem>>, vector<1x16xf32>,
      %get3A_187 = arith.index_cast %scan3A_51 : i32 to index
      %get3A_188 = arith.constant 128 : index
      %get3A_189 = tpu.vector_load %arg6[%get3A_187, %get3A_188] {strides = array<i32>} : memref<32x768xf32, #tpu.memory_space<vmem>>, vector<1x16xf32>,
      %get3A_190 = vector.shape_cast %get3A_189 : vector<1x16xf32> to vector<16xf32>
      %mul3A_191 = arith.mulf %get3A_55, %get3A_190 : vector<16xf32>
      %get3A_192 = arith.index_cast %scan3A_51 : i32 to index
      %get3A_193 = arith.constant 128 : index
      %get3A_194 = tpu.vector_load %arg7[%get3A_192, %get3A_193] {strides = array<i32>} : memref<32x768xf32, #tpu.memory_space<vmem>>, vector<1x16xf32>,
      %get3A_195 = vector.shape_cast %get3A_194 : vector<1x16xf32> to vector<16xf32>
      %mul3A_196 = arith.mulf %get3A_59, %get3A_195 : vector<16xf32>
      %add3A_197 = arith.addf %mul3A_191, %mul3A_196 : vector<16xf32>
      %swap3A_198 = arith.index_cast %scan3A_51 : i32 to index
      %swap3A_199 = arith.constant 128 : index
      %swap3A_200 = tpu.vector_load %arg6[%swap3A_198, %swap3A_199] {strides = array<i32>} : memref<32x768xf32, #tpu.memory_space<vmem>>, vector<1x16xf32>,
      %swap3A_201 = vector.shape_cast %swap3A_200 : vector<1x16xf32> to vector<16xf32>
      %swap3A_202 = vector.shape_cast %add3A_197 : vector<16xf32> to vector<1x16xf32>
      tpu.vector_store %arg6[%swap3A_198, %swap3A_199], %swap3A_202 {strides = array<i32>} : memref<32x768xf32, #tpu.memory_space<vmem>>, vector<1x16xf32>,
      %get3A_203 = arith.index_cast %scan3A_51 : i32 to index
      %get3A_204 = arith.constant 144 : index
      %get3A_205 = tpu.vector_load %arg6[%get3A_203, %get3A_204] {strides = array<i32>} : memref<32x768xf32, #tpu.memory_space<vmem>>, vector<1x16xf32>,
      %get3A_206 = vector.shape_cast %get3A_205 : vector<1x16xf32> to vector<16xf32>
      %mul3A_207 = arith.mulf %get3A_55, %get3A_206 : vector<16xf32>
      %get3A_208 = arith.index_cast %scan3A_51 : i32 to index
      %get3A_209 = arith.constant 144 : index
      %get3A_210 = tpu.vector_load %arg7[%get3A_208, %get3A_209] {strides = array<i32>} : memref<32x768xf32, #tpu.memory_space<vmem>>, vector<1x16xf32>,
      %get3A_211 = vector.shape_cast %get3A_210 : vector<1x16xf32> to vector<16xf32>
      %mul3A_212 = arith.mulf %get3A_59, %get3A_211 : vector<16xf32>
      %add3A_213 = arith.addf %mul3A_207, %mul3A_212 : vector<16xf32>
      %swap3A_214 = arith.index_cast %scan3A_51 : i32 to index
      %swap3A_215 = arith.constant 144 : index
      %swap3A_216 = tpu.vector_load %arg6[%swap3A_214, %swap3A_215] {strides = array<i32>} : memref<32x768xf32, #tpu.memory_space<vmem>>, vector<1x16xf32>,
      %swap3A_217 = vector.shape_cast %swap3A_216 : vector<1x16xf32> to vector<16xf32>
      %swap3A_218 = vector.shape_cast %add3A_213 : vector<16xf32> to vector<1x16xf32>
      tpu.vector_store %arg6[%swap3A_214, %swap3A_215], %swap3A_218 {strides = array<i32>} : memref<32x768xf32, #tpu.memory_space<vmem>>, vector<1x16xf32>,
      %get3A_219 = arith.index_cast %scan3A_51 : i32 to index
      %get3A_220 = arith.constant 160 : index
      %get3A_221 = tpu.vector_load %arg6[%get3A_219, %get3A_220] {strides = array<i32>} : memref<32x768xf32, #tpu.memory_space<vmem>>, vector<1x16xf32>,
      %get3A_222 = vector.shape_cast %get3A_221 : vector<1x16xf32> to vector<16xf32>
      %mul3A_223 = arith.mulf %get3A_55, %get3A_222 : vector<16xf32>
      %get3A_224 = arith.index_cast %scan3A_51 : i32 to index
      %get3A_225 = arith.constant 160 : index
      %get3A_226 = tpu.vector_load %arg7[%get3A_224, %get3A_225] {strides = array<i32>} : memref<32x768xf32, #tpu.memory_space<vmem>>, vector<1x16xf32>,
      %get3A_227 = vector.shape_cast %get3A_226 : vector<1x16xf32> to vector<16xf32>
      %mul3A_228 = arith.mulf %get3A_59, %get3A_227 : vector<16xf32>
      %add3A_229 = arith.addf %mul3A_223, %mul3A_228 : vector<16xf32>
      %swap3A_230 = arith.index_cast %scan3A_51 : i32 to index
      %swap3A_231 = arith.constant 160 : index
      %swap3A_232 = tpu.vector_load %arg6[%swap3A_230, %swap3A_231] {strides = array<i32>} : memref<32x768xf32, #tpu.memory_space<vmem>>, vector<1x16xf32>,
      %swap3A_233 = vector.shape_cast %swap3A_232 : vector<1x16xf32> to vector<16xf32>
      %swap3A_234 = vector.shape_cast %add3A_229 : vector<16xf32> to vector<1x16xf32>
      tpu.vector_store %arg6[%swap3A_230, %swap3A_231], %swap3A_234 {strides = array<i32>} : memref<32x768xf32, #tpu.memory_space<vmem>>, vector<1x16xf32>,
      %get3A_235 = arith.index_cast %scan3A_51 : i32 to index
      %get3A_236 = arith.constant 176 : index
      %get3A_237 = tpu.vector_load %arg6[%get3A_235, %get3A_236] {strides = array<i32>} : memref<32x768xf32, #tpu.memory_space<vmem>>, vector<1x16xf32>,
      %get3A_238 = vector.shape_cast %get3A_237 : vector<1x16xf32> to vector<16xf32>
      %mul3A_239 = arith.mulf %get3A_55, %get3A_238 : vector<16xf32>
      %get3A_240 = arith.index_cast %scan3A_51 : i32 to index
      %get3A_241 = arith.constant 176 : index
      %get3A_242 = tpu.vector_load %arg7[%get3A_240, %get3A_241] {strides = array<i32>} : memref<32x768xf32, #tpu.memory_space<vmem>>, vector<1x16xf32>,
      %get3A_243 = vector.shape_cast %get3A_242 : vector<1x16xf32> to vector<16xf32>
      %mul3A_244 = arith.mulf %get3A_59, %get3A_243 : vector<16xf32>
      %add3A_245 = arith.addf %mul3A_239, %mul3A_244 : vector<16xf32>
      %swap3A_246 = arith.index_cast %scan3A_51 : i32 to index
      %swap3A_247 = arith.constant 176 : index
      %swap3A_248 = tpu.vector_load %arg6[%swap3A_246, %swap3A_247] {strides = array<i32>} : memref<32x768xf32, #tpu.memory_space<vmem>>, vector<1x16xf32>,
      %swap3A_249 = vector.shape_cast %swap3A_248 : vector<1x16xf32> to vector<16xf32>
      %swap3A_250 = vector.shape_cast %add3A_245 : vector<16xf32> to vector<1x16xf32>
      tpu.vector_store %arg6[%swap3A_246, %swap3A_247], %swap3A_250 {strides = array<i32>} : memref<32x768xf32, #tpu.memory_space<vmem>>, vector<1x16xf32>,
      %get3A_251 = arith.index_cast %scan3A_51 : i32 to index
      %get3A_252 = arith.constant 192 : index
      %get3A_253 = tpu.vector_load %arg6[%get3A_251, %get3A_252] {strides = array<i32>} : memref<32x768xf32, #tpu.memory_space<vmem>>, vector<1x16xf32>,
      %get3A_254 = vector.shape_cast %get3A_253 : vector<1x16xf32> to vector<16xf32>
      %mul3A_255 = arith.mulf %get3A_55, %get3A_254 : vector<16xf32>
      %get3A_256 = arith.index_cast %scan3A_51 : i32 to index
      %get3A_257 = arith.constant 192 : index
      %get3A_258 = tpu.vector_load %arg7[%get3A_256, %get3A_257] {strides = array<i32>} : memref<32x768xf32, #tpu.memory_space<vmem>>, vector<1x16xf32>,
      %get3A_259 = vector.shape_cast %get3A_258 : vector<1x16xf32> to vector<16xf32>
      %mul3A_260 = arith.mulf %get3A_59, %get3A_259 : vector<16xf32>
      %add3A_261 = arith.addf %mul3A_255, %mul3A_260 : vector<16xf32>
      %swap3A_262 = arith.index_cast %scan3A_51 : i32 to index
      %swap3A_263 = arith.constant 192 : index
      %swap3A_264 = tpu.vector_load %arg6[%swap3A_262, %swap3A_263] {strides = array<i32>} : memref<32x768xf32, #tpu.memory_space<vmem>>, vector<1x16xf32>,
      %swap3A_265 = vector.shape_cast %swap3A_264 : vector<1x16xf32> to vector<16xf32>
      %swap3A_266 = vector.shape_cast %add3A_261 : vector<16xf32> to vector<1x16xf32>
      tpu.vector_store %arg6[%swap3A_262, %swap3A_263], %swap3A_266 {strides = array<i32>} : memref<32x768xf32, #tpu.memory_space<vmem>>, vector<1x16xf32>,
      %get3A_267 = arith.index_cast %scan3A_51 : i32 to index
      %get3A_268 = arith.constant 208 : index
      %get3A_269 = tpu.vector_load %arg6[%get3A_267, %get3A_268] {strides = array<i32>} : memref<32x768xf32, #tpu.memory_space<vmem>>, vector<1x16xf32>,
      %get3A_270 = vector.shape_cast %get3A_269 : vector<1x16xf32> to vector<16xf32>
      %mul3A_271 = arith.mulf %get3A_55, %get3A_270 : vector<16xf32>
      %get3A_272 = arith.index_cast %scan3A_51 : i32 to index
      %get3A_273 = arith.constant 208 : index
      %get3A_274 = tpu.vector_load %arg7[%get3A_272, %get3A_273] {strides = array<i32>} : memref<32x768xf32, #tpu.memory_space<vmem>>, vector<1x16xf32>,
      %get3A_275 = vector.shape_cast %get3A_274 : vector<1x16xf32> to vector<16xf32>
      %mul3A_276 = arith.mulf %get3A_59, %get3A_275 : vector<16xf32>
      %add3A_277 = arith.addf %mul3A_271, %mul3A_276 : vector<16xf32>
      %swap3A_278 = arith.index_cast %scan3A_51 : i32 to index
      %swap3A_279 = arith.constant 208 : index
      %swap3A_280 = tpu.vector_load %arg6[%swap3A_278, %swap3A_279] {strides = array<i32>} : memref<32x768xf32, #tpu.memory_space<vmem>>, vector<1x16xf32>,
      %swap3A_281 = vector.shape_cast %swap3A_280 : vector<1x16xf32> to vector<16xf32>
      %swap3A_282 = vector.shape_cast %add3A_277 : vector<16xf32> to vector<1x16xf32>
      tpu.vector_store %arg6[%swap3A_278, %swap3A_279], %swap3A_282 {strides = array<i32>} : memref<32x768xf32, #tpu.memory_space<vmem>>, vector<1x16xf32>,
      %get3A_283 = arith.index_cast %scan3A_51 : i32 to index
      %get3A_284 = arith.constant 224 : index
      %get3A_285 = tpu.vector_load %arg6[%get3A_283, %get3A_284] {strides = array<i32>} : memref<32x768xf32, #tpu.memory_space<vmem>>, vector<1x16xf32>,
      %get3A_286 = vector.shape_cast %get3A_285 : vector<1x16xf32> to vector<16xf32>
      %mul3A_287 = arith.mulf %get3A_55, %get3A_286 : vector<16xf32>
      %get3A_288 = arith.index_cast %scan3A_51 : i32 to index
      %get3A_289 = arith.constant 224 : index
      %get3A_290 = tpu.vector_load %arg7[%get3A_288, %get3A_289] {strides = array<i32>} : memref<32x768xf32, #tpu.memory_space<vmem>>, vector<1x16xf32>,
      %get3A_291 = vector.shape_cast %get3A_290 : vector<1x16xf32> to vector<16xf32>
      %mul3A_292 = arith.mulf %get3A_59, %get3A_291 : vector<16xf32>
      %add3A_293 = arith.addf %mul3A_287, %mul3A_292 : vector<16xf32>
      %swap3A_294 = arith.index_cast %scan3A_51 : i32 to index
      %swap3A_295 = arith.constant 224 : index
      %swap3A_296 = tpu.vector_load %arg6[%swap3A_294, %swap3A_295] {strides = array<i32>} : memref<32x768xf32, #tpu.memory_space<vmem>>, vector<1x16xf32>,
      %swap3A_297 = vector.shape_cast %swap3A_296 : vector<1x16xf32> to vector<16xf32>
      %swap3A_298 = vector.shape_cast %add3A_293 : vector<16xf32> to vector<1x16xf32>
      tpu.vector_store %arg6[%swap3A_294, %swap3A_295], %swap3A_298 {strides = array<i32>} : memref<32x768xf32, #tpu.memory_space<vmem>>, vector<1x16xf32>,
      %get3A_299 = arith.index_cast %scan3A_51 : i32 to index
      %get3A_300 = arith.constant 240 : index
      %get3A_301 = tpu.vector_load %arg6[%get3A_299, %get3A_300] {strides = array<i32>} : memref<32x768xf32, #tpu.memory_space<vmem>>, vector<1x16xf32>,
      %get3A_302 = vector.shape_cast %get3A_301 : vector<1x16xf32> to vector<16xf32>
      %mul3A_303 = arith.mulf %get3A_55, %get3A_302 : vector<16xf32>
      %get3A_304 = arith.index_cast %scan3A_51 : i32 to index
      %get3A_305 = arith.constant 240 : index
      %get3A_306 = tpu.vector_load %arg7[%get3A_304, %get3A_305] {strides = array<i32>} : memref<32x768xf32, #tpu.memory_space<vmem>>, vector<1x16xf32>,
      %get3A_307 = vector.shape_cast %get3A_306 : vector<1x16xf32> to vector<16xf32>
      %mul3A_308 = arith.mulf %get3A_59, %get3A_307 : vector<16xf32>
      %add3A_309 = arith.addf %mul3A_303, %mul3A_308 : vector<16xf32>
      %swap3A_310 = arith.index_cast %scan3A_51 : i32 to index
      %swap3A_311 = arith.constant 240 : index
      %swap3A_312 = tpu.vector_load %arg6[%swap3A_310, %swap3A_311] {strides = array<i32>} : memref<32x768xf32, #tpu.memory_space<vmem>>, vector<1x16xf32>,
      %swap3A_313 = vector.shape_cast %swap3A_312 : vector<1x16xf32> to vector<16xf32>
      %swap3A_314 = vector.shape_cast %add3A_309 : vector<16xf32> to vector<1x16xf32>
      tpu.vector_store %arg6[%swap3A_310, %swap3A_311], %swap3A_314 {strides = array<i32>} : memref<32x768xf32, #tpu.memory_space<vmem>>, vector<1x16xf32>,
      %get3A_315 = arith.index_cast %scan3A_51 : i32 to index
      %get3A_316 = arith.constant 256 : index
      %get3A_317 = tpu.vector_load %arg6[%get3A_315, %get3A_316] {strides = array<i32>} : memref<32x768xf32, #tpu.memory_space<vmem>>, vector<1x16xf32>,
      %get3A_318 = vector.shape_cast %get3A_317 : vector<1x16xf32> to vector<16xf32>
      %mul3A_319 = arith.mulf %get3A_55, %get3A_318 : vector<16xf32>
      %get3A_320 = arith.index_cast %scan3A_51 : i32 to index
      %get3A_321 = arith.constant 256 : index
      %get3A_322 = tpu.vector_load %arg7[%get3A_320, %get3A_321] {strides = array<i32>} : memref<32x768xf32, #tpu.memory_space<vmem>>, vector<1x16xf32>,
      %get3A_323 = vector.shape_cast %get3A_322 : vector<1x16xf32> to vector<16xf32>
      %mul3A_324 = arith.mulf %get3A_59, %get3A_323 : vector<16xf32>
      %add3A_325 = arith.addf %mul3A_319, %mul3A_324 : vector<16xf32>
      %swap3A_326 = arith.index_cast %scan3A_51 : i32 to index
      %swap3A_327 = arith.constant 256 : index
      %swap3A_328 = tpu.vector_load %arg6[%swap3A_326, %swap3A_327] {strides = array<i32>} : memref<32x768xf32, #tpu.memory_space<vmem>>, vector<1x16xf32>,
      %swap3A_329 = vector.shape_cast %swap3A_328 : vector<1x16xf32> to vector<16xf32>
      %swap3A_330 = vector.shape_cast %add3A_325 : vector<16xf32> to vector<1x16xf32>
      tpu.vector_store %arg6[%swap3A_326, %swap3A_327], %swap3A_330 {strides = array<i32>} : memref<32x768xf32, #tpu.memory_space<vmem>>, vector<1x16xf32>,
      %get3A_331 = arith.index_cast %scan3A_51 : i32 to index
      %get3A_332 = arith.constant 272 : index
      %get3A_333 = tpu.vector_load %arg6[%get3A_331, %get3A_332] {strides = array<i32>} : memref<32x768xf32, #tpu.memory_space<vmem>>, vector<1x16xf32>,
      %get3A_334 = vector.shape_cast %get3A_333 : vector<1x16xf32> to vector<16xf32>
      %mul3A_335 = arith.mulf %get3A_55, %get3A_334 : vector<16xf32>
      %get3A_336 = arith.index_cast %scan3A_51 : i32 to index
      %get3A_337 = arith.constant 272 : index
      %get3A_338 = tpu.vector_load %arg7[%get3A_336, %get3A_337] {strides = array<i32>} : memref<32x768xf32, #tpu.memory_space<vmem>>, vector<1x16xf32>,
      %get3A_339 = vector.shape_cast %get3A_338 : vector<1x16xf32> to vector<16xf32>
      %mul3A_340 = arith.mulf %get3A_59, %get3A_339 : vector<16xf32>
      %add3A_341 = arith.addf %mul3A_335, %mul3A_340 : vector<16xf32>
      %swap3A_342 = arith.index_cast %scan3A_51 : i32 to index
      %swap3A_343 = arith.constant 272 : index
      %swap3A_344 = tpu.vector_load %arg6[%swap3A_342, %swap3A_343] {strides = array<i32>} : memref<32x768xf32, #tpu.memory_space<vmem>>, vector<1x16xf32>,
      %swap3A_345 = vector.shape_cast %swap3A_344 : vector<1x16xf32> to vector<16xf32>
      %swap3A_346 = vector.shape_cast %add3A_341 : vector<16xf32> to vector<1x16xf32>
      tpu.vector_store %arg6[%swap3A_342, %swap3A_343], %swap3A_346 {strides = array<i32>} : memref<32x768xf32, #tpu.memory_space<vmem>>, vector<1x16xf32>,
      %get3A_347 = arith.index_cast %scan3A_51 : i32 to index
      %get3A_348 = arith.constant 288 : index
      %get3A_349 = tpu.vector_load %arg6[%get3A_347, %get3A_348] {strides = array<i32>} : memref<32x768xf32, #tpu.memory_space<vmem>>, vector<1x16xf32>,
      %get3A_350 = vector.shape_cast %get3A_349 : vector<1x16xf32> to vector<16xf32>
      %mul3A_351 = arith.mulf %get3A_55, %get3A_350 : vector<16xf32>
      %get3A_352 = arith.index_cast %scan3A_51 : i32 to index
      %get3A_353 = arith.constant 288 : index
      %get3A_354 = tpu.vector_load %arg7[%get3A_352, %get3A_353] {strides = array<i32>} : memref<32x768xf32, #tpu.memory_space<vmem>>, vector<1x16xf32>,
      %get3A_355 = vector.shape_cast %get3A_354 : vector<1x16xf32> to vector<16xf32>
      %mul3A_356 = arith.mulf %get3A_59, %get3A_355 : vector<16xf32>
      %add3A_357 = arith.addf %mul3A_351, %mul3A_356 : vector<16xf32>
      %swap3A_358 = arith.index_cast %scan3A_51 : i32 to index
      %swap3A_359 = arith.constant 288 : index
      %swap3A_360 = tpu.vector_load %arg6[%swap3A_358, %swap3A_359] {strides = array<i32>} : memref<32x768xf32, #tpu.memory_space<vmem>>, vector<1x16xf32>,
      %swap3A_361 = vector.shape_cast %swap3A_360 : vector<1x16xf32> to vector<16xf32>
      %swap3A_362 = vector.shape_cast %add3A_357 : vector<16xf32> to vector<1x16xf32>
      tpu.vector_store %arg6[%swap3A_358, %swap3A_359], %swap3A_362 {strides = array<i32>} : memref<32x768xf32, #tpu.memory_space<vmem>>, vector<1x16xf32>,
      %get3A_363 = arith.index_cast %scan3A_51 : i32 to index
      %get3A_364 = arith.constant 304 : index
      %get3A_365 = tpu.vector_load %arg6[%get3A_363, %get3A_364] {strides = array<i32>} : memref<32x768xf32, #tpu.memory_space<vmem>>, vector<1x16xf32>,
      %get3A_366 = vector.shape_cast %get3A_365 : vector<1x16xf32> to vector<16xf32>
      %mul3A_367 = arith.mulf %get3A_55, %get3A_366 : vector<16xf32>
      %get3A_368 = arith.index_cast %scan3A_51 : i32 to index
      %get3A_369 = arith.constant 304 : index
      %get3A_370 = tpu.vector_load %arg7[%get3A_368, %get3A_369] {strides = array<i32>} : memref<32x768xf32, #tpu.memory_space<vmem>>, vector<1x16xf32>,
      %get3A_371 = vector.shape_cast %get3A_370 : vector<1x16xf32> to vector<16xf32>
      %mul3A_372 = arith.mulf %get3A_59, %get3A_371 : vector<16xf32>
      %add3A_373 = arith.addf %mul3A_367, %mul3A_372 : vector<16xf32>
      %swap3A_374 = arith.index_cast %scan3A_51 : i32 to index
      %swap3A_375 = arith.constant 304 : index
      %swap3A_376 = tpu.vector_load %arg6[%swap3A_374, %swap3A_375] {strides = array<i32>} : memref<32x768xf32, #tpu.memory_space<vmem>>, vector<1x16xf32>,
      %swap3A_377 = vector.shape_cast %swap3A_376 : vector<1x16xf32> to vector<16xf32>
      %swap3A_378 = vector.shape_cast %add3A_373 : vector<16xf32> to vector<1x16xf32>
      tpu.vector_store %arg6[%swap3A_374, %swap3A_375], %swap3A_378 {strides = array<i32>} : memref<32x768xf32, #tpu.memory_space<vmem>>, vector<1x16xf32>,
      %get3A_379 = arith.index_cast %scan3A_51 : i32 to index
      %get3A_380 = arith.constant 320 : index
      %get3A_381 = tpu.vector_load %arg6[%get3A_379, %get3A_380] {strides = array<i32>} : memref<32x768xf32, #tpu.memory_space<vmem>>, vector<1x16xf32>,
      %get3A_382 = vector.shape_cast %get3A_381 : vector<1x16xf32> to vector<16xf32>
      %mul3A_383 = arith.mulf %get3A_55, %get3A_382 : vector<16xf32>
      %get3A_384 = arith.index_cast %scan3A_51 : i32 to index
      %get3A_385 = arith.constant 320 : index
      %get3A_386 = tpu.vector_load %arg7[%get3A_384, %get3A_385] {strides = array<i32>} : memref<32x768xf32, #tpu.memory_space<vmem>>, vector<1x16xf32>,
      %get3A_387 = vector.shape_cast %get3A_386 : vector<1x16xf32> to vector<16xf32>
      %mul3A_388 = arith.mulf %get3A_59, %get3A_387 : vector<16xf32>
      %add3A_389 = arith.addf %mul3A_383, %mul3A_388 : vector<16xf32>
      %swap3A_390 = arith.index_cast %scan3A_51 : i32 to index
      %swap3A_391 = arith.constant 320 : index
      %swap3A_392 = tpu.vector_load %arg6[%swap3A_390, %swap3A_391] {strides = array<i32>} : memref<32x768xf32, #tpu.memory_space<vmem>>, vector<1x16xf32>,
      %swap3A_393 = vector.shape_cast %swap3A_392 : vector<1x16xf32> to vector<16xf32>
      %swap3A_394 = vector.shape_cast %add3A_389 : vector<16xf32> to vector<1x16xf32>
      tpu.vector_store %arg6[%swap3A_390, %swap3A_391], %swap3A_394 {strides = array<i32>} : memref<32x768xf32, #tpu.memory_space<vmem>>, vector<1x16xf32>,
      %get3A_395 = arith.index_cast %scan3A_51 : i32 to index
      %get3A_396 = arith.constant 336 : index
      %get3A_397 = tpu.vector_load %arg6[%get3A_395, %get3A_396] {strides = array<i32>} : memref<32x768xf32, #tpu.memory_space<vmem>>, vector<1x16xf32>,
      %get3A_398 = vector.shape_cast %get3A_397 : vector<1x16xf32> to vector<16xf32>
      %mul3A_399 = arith.mulf %get3A_55, %get3A_398 : vector<16xf32>
      %get3A_400 = arith.index_cast %scan3A_51 : i32 to index
      %get3A_401 = arith.constant 336 : index
      %get3A_402 = tpu.vector_load %arg7[%get3A_400, %get3A_401] {strides = array<i32>} : memref<32x768xf32, #tpu.memory_space<vmem>>, vector<1x16xf32>,
      %get3A_403 = vector.shape_cast %get3A_402 : vector<1x16xf32> to vector<16xf32>
      %mul3A_404 = arith.mulf %get3A_59, %get3A_403 : vector<16xf32>
      %add3A_405 = arith.addf %mul3A_399, %mul3A_404 : vector<16xf32>
      %swap3A_406 = arith.index_cast %scan3A_51 : i32 to index
      %swap3A_407 = arith.constant 336 : index
      %swap3A_408 = tpu.vector_load %arg6[%swap3A_406, %swap3A_407] {strides = array<i32>} : memref<32x768xf32, #tpu.memory_space<vmem>>, vector<1x16xf32>,
      %swap3A_409 = vector.shape_cast %swap3A_408 : vector<1x16xf32> to vector<16xf32>
      %swap3A_410 = vector.shape_cast %add3A_405 : vector<16xf32> to vector<1x16xf32>
      tpu.vector_store %arg6[%swap3A_406, %swap3A_407], %swap3A_410 {strides = array<i32>} : memref<32x768xf32, #tpu.memory_space<vmem>>, vector<1x16xf32>,
      %get3A_411 = arith.index_cast %scan3A_51 : i32 to index
      %get3A_412 = arith.constant 352 : index
      %get3A_413 = tpu.vector_load %arg6[%get3A_411, %get3A_412] {strides = array<i32>} : memref<32x768xf32, #tpu.memory_space<vmem>>, vector<1x16xf32>,
      %get3A_414 = vector.shape_cast %get3A_413 : vector<1x16xf32> to vector<16xf32>
      %mul3A_415 = arith.mulf %get3A_55, %get3A_414 : vector<16xf32>
      %get3A_416 = arith.index_cast %scan3A_51 : i32 to index
      %get3A_417 = arith.constant 352 : index
      %get3A_418 = tpu.vector_load %arg7[%get3A_416, %get3A_417] {strides = array<i32>} : memref<32x768xf32, #tpu.memory_space<vmem>>, vector<1x16xf32>,
      %get3A_419 = vector.shape_cast %get3A_418 : vector<1x16xf32> to vector<16xf32>
      %mul3A_420 = arith.mulf %get3A_59, %get3A_419 : vector<16xf32>
      %add3A_421 = arith.addf %mul3A_415, %mul3A_420 : vector<16xf32>
      %swap3A_422 = arith.index_cast %scan3A_51 : i32 to index
      %swap3A_423 = arith.constant 352 : index
      %swap3A_424 = tpu.vector_load %arg6[%swap3A_422, %swap3A_423] {strides = array<i32>} : memref<32x768xf32, #tpu.memory_space<vmem>>, vector<1x16xf32>,
      %swap3A_425 = vector.shape_cast %swap3A_424 : vector<1x16xf32> to vector<16xf32>
      %swap3A_426 = vector.shape_cast %add3A_421 : vector<16xf32> to vector<1x16xf32>
      tpu.vector_store %arg6[%swap3A_422, %swap3A_423], %swap3A_426 {strides = array<i32>} : memref<32x768xf32, #tpu.memory_space<vmem>>, vector<1x16xf32>,
      %get3A_427 = arith.index_cast %scan3A_51 : i32 to index
      %get3A_428 = arith.constant 368 : index
      %get3A_429 = tpu.vector_load %arg6[%get3A_427, %get3A_428] {strides = array<i32>} : memref<32x768xf32, #tpu.memory_space<vmem>>, vector<1x16xf32>,
      %get3A_430 = vector.shape_cast %get3A_429 : vector<1x16xf32> to vector<16xf32>
      %mul3A_431 = arith.mulf %get3A_55, %get3A_430 : vector<16xf32>
      %get3A_432 = arith.index_cast %scan3A_51 : i32 to index
      %get3A_433 = arith.constant 368 : index
      %get3A_434 = tpu.vector_load %arg7[%get3A_432, %get3A_433] {strides = array<i32>} : memref<32x768xf32, #tpu.memory_space<vmem>>, vector<1x16xf32>,
      %get3A_435 = vector.shape_cast %get3A_434 : vector<1x16xf32> to vector<16xf32>
      %mul3A_436 = arith.mulf %get3A_59, %get3A_435 : vector<16xf32>
      %add3A_437 = arith.addf %mul3A_431, %mul3A_436 : vector<16xf32>
      %swap3A_438 = arith.index_cast %scan3A_51 : i32 to index
      %swap3A_439 = arith.constant 368 : index
      %swap3A_440 = tpu.vector_load %arg6[%swap3A_438, %swap3A_439] {strides = array<i32>} : memref<32x768xf32, #tpu.memory_space<vmem>>, vector<1x16xf32>,
      %swap3A_441 = vector.shape_cast %swap3A_440 : vector<1x16xf32> to vector<16xf32>
      %swap3A_442 = vector.shape_cast %add3A_437 : vector<16xf32> to vector<1x16xf32>
      tpu.vector_store %arg6[%swap3A_438, %swap3A_439], %swap3A_442 {strides = array<i32>} : memref<32x768xf32, #tpu.memory_space<vmem>>, vector<1x16xf32>,
      %get3A_443 = arith.index_cast %scan3A_51 : i32 to index
      %get3A_444 = arith.constant 384 : index
      %get3A_445 = tpu.vector_load %arg6[%get3A_443, %get3A_444] {strides = array<i32>} : memref<32x768xf32, #tpu.memory_space<vmem>>, vector<1x16xf32>,
      %get3A_446 = vector.shape_cast %get3A_445 : vector<1x16xf32> to vector<16xf32>
      %mul3A_447 = arith.mulf %get3A_55, %get3A_446 : vector<16xf32>
      %get3A_448 = arith.index_cast %scan3A_51 : i32 to index
      %get3A_449 = arith.constant 384 : index
      %get3A_450 = tpu.vector_load %arg7[%get3A_448, %get3A_449] {strides = array<i32>} : memref<32x768xf32, #tpu.memory_space<vmem>>, vector<1x16xf32>,
      %get3A_451 = vector.shape_cast %get3A_450 : vector<1x16xf32> to vector<16xf32>
      %mul3A_452 = arith.mulf %get3A_59, %get3A_451 : vector<16xf32>
      %add3A_453 = arith.addf %mul3A_447, %mul3A_452 : vector<16xf32>
      %swap3A_454 = arith.index_cast %scan3A_51 : i32 to index
      %swap3A_455 = arith.constant 384 : index
      %swap3A_456 = tpu.vector_load %arg6[%swap3A_454, %swap3A_455] {strides = array<i32>} : memref<32x768xf32, #tpu.memory_space<vmem>>, vector<1x16xf32>,
      %swap3A_457 = vector.shape_cast %swap3A_456 : vector<1x16xf32> to vector<16xf32>
      %swap3A_458 = vector.shape_cast %add3A_453 : vector<16xf32> to vector<1x16xf32>
      tpu.vector_store %arg6[%swap3A_454, %swap3A_455], %swap3A_458 {strides = array<i32>} : memref<32x768xf32, #tpu.memory_space<vmem>>, vector<1x16xf32>,
      %get3A_459 = arith.index_cast %scan3A_51 : i32 to index
      %get3A_460 = arith.constant 400 : index
      %get3A_461 = tpu.vector_load %arg6[%get3A_459, %get3A_460] {strides = array<i32>} : memref<32x768xf32, #tpu.memory_space<vmem>>, vector<1x16xf32>,
      %get3A_462 = vector.shape_cast %get3A_461 : vector<1x16xf32> to vector<16xf32>
      %mul3A_463 = arith.mulf %get3A_55, %get3A_462 : vector<16xf32>
      %get3A_464 = arith.index_cast %scan3A_51 : i32 to index
      %get3A_465 = arith.constant 400 : index
      %get3A_466 = tpu.vector_load %arg7[%get3A_464, %get3A_465] {strides = array<i32>} : memref<32x768xf32, #tpu.memory_space<vmem>>, vector<1x16xf32>,
      %get3A_467 = vector.shape_cast %get3A_466 : vector<1x16xf32> to vector<16xf32>
      %mul3A_468 = arith.mulf %get3A_59, %get3A_467 : vector<16xf32>
      %add3A_469 = arith.addf %mul3A_463, %mul3A_468 : vector<16xf32>
      %swap3A_470 = arith.index_cast %scan3A_51 : i32 to index
      %swap3A_471 = arith.constant 400 : index
      %swap3A_472 = tpu.vector_load %arg6[%swap3A_470, %swap3A_471] {strides = array<i32>} : memref<32x768xf32, #tpu.memory_space<vmem>>, vector<1x16xf32>,
      %swap3A_473 = vector.shape_cast %swap3A_472 : vector<1x16xf32> to vector<16xf32>
      %swap3A_474 = vector.shape_cast %add3A_469 : vector<16xf32> to vector<1x16xf32>
      tpu.vector_store %arg6[%swap3A_470, %swap3A_471], %swap3A_474 {strides = array<i32>} : memref<32x768xf32, #tpu.memory_space<vmem>>, vector<1x16xf32>,
      %get3A_475 = arith.index_cast %scan3A_51 : i32 to index
      %get3A_476 = arith.constant 416 : index
      %get3A_477 = tpu.vector_load %arg6[%get3A_475, %get3A_476] {strides = array<i32>} : memref<32x768xf32, #tpu.memory_space<vmem>>, vector<1x16xf32>,
      %get3A_478 = vector.shape_cast %get3A_477 : vector<1x16xf32> to vector<16xf32>
      %mul3A_479 = arith.mulf %get3A_55, %get3A_478 : vector<16xf32>
      %get3A_480 = arith.index_cast %scan3A_51 : i32 to index
      %get3A_481 = arith.constant 416 : index
      %get3A_482 = tpu.vector_load %arg7[%get3A_480, %get3A_481] {strides = array<i32>} : memref<32x768xf32, #tpu.memory_space<vmem>>, vector<1x16xf32>,
      %get3A_483 = vector.shape_cast %get3A_482 : vector<1x16xf32> to vector<16xf32>
      %mul3A_484 = arith.mulf %get3A_59, %get3A_483 : vector<16xf32>
      %add3A_485 = arith.addf %mul3A_479, %mul3A_484 : vector<16xf32>
      %swap3A_486 = arith.index_cast %scan3A_51 : i32 to index
      %swap3A_487 = arith.constant 416 : index
      %swap3A_488 = tpu.vector_load %arg6[%swap3A_486, %swap3A_487] {strides = array<i32>} : memref<32x768xf32, #tpu.memory_space<vmem>>, vector<1x16xf32>,
      %swap3A_489 = vector.shape_cast %swap3A_488 : vector<1x16xf32> to vector<16xf32>
      %swap3A_490 = vector.shape_cast %add3A_485 : vector<16xf32> to vector<1x16xf32>
      tpu.vector_store %arg6[%swap3A_486, %swap3A_487], %swap3A_490 {strides = array<i32>} : memref<32x768xf32, #tpu.memory_space<vmem>>, vector<1x16xf32>,
      %get3A_491 = arith.index_cast %scan3A_51 : i32 to index
      %get3A_492 = arith.constant 432 : index
      %get3A_493 = tpu.vector_load %arg6[%get3A_491, %get3A_492] {strides = array<i32>} : memref<32x768xf32, #tpu.memory_space<vmem>>, vector<1x16xf32>,
      %get3A_494 = vector.shape_cast %get3A_493 : vector<1x16xf32> to vector<16xf32>
      %mul3A_495 = arith.mulf %get3A_55, %get3A_494 : vector<16xf32>
      %get3A_496 = arith.index_cast %scan3A_51 : i32 to index
      %get3A_497 = arith.constant 432 : index
      %get3A_498 = tpu.vector_load %arg7[%get3A_496, %get3A_497] {strides = array<i32>} : memref<32x768xf32, #tpu.memory_space<vmem>>, vector<1x16xf32>,
      %get3A_499 = vector.shape_cast %get3A_498 : vector<1x16xf32> to vector<16xf32>
      %mul3A_500 = arith.mulf %get3A_59, %get3A_499 : vector<16xf32>
      %add3A_501 = arith.addf %mul3A_495, %mul3A_500 : vector<16xf32>
      %swap3A_502 = arith.index_cast %scan3A_51 : i32 to index
      %swap3A_503 = arith.constant 432 : index
      %swap3A_504 = tpu.vector_load %arg6[%swap3A_502, %swap3A_503] {strides = array<i32>} : memref<32x768xf32, #tpu.memory_space<vmem>>, vector<1x16xf32>,
      %swap3A_505 = vector.shape_cast %swap3A_504 : vector<1x16xf32> to vector<16xf32>
      %swap3A_506 = vector.shape_cast %add3A_501 : vector<16xf32> to vector<1x16xf32>
      tpu.vector_store %arg6[%swap3A_502, %swap3A_503], %swap3A_506 {strides = array<i32>} : memref<32x768xf32, #tpu.memory_space<vmem>>, vector<1x16xf32>,
      %get3A_507 = arith.index_cast %scan3A_51 : i32 to index
      %get3A_508 = arith.constant 448 : index
      %get3A_509 = tpu.vector_load %arg6[%get3A_507, %get3A_508] {strides = array<i32>} : memref<32x768xf32, #tpu.memory_space<vmem>>, vector<1x16xf32>,
      %get3A_510 = vector.shape_cast %get3A_509 : vector<1x16xf32> to vector<16xf32>
      %mul3A_511 = arith.mulf %get3A_55, %get3A_510 : vector<16xf32>
      %get3A_512 = arith.index_cast %scan3A_51 : i32 to index
      %get3A_513 = arith.constant 448 : index
      %get3A_514 = tpu.vector_load %arg7[%get3A_512, %get3A_513] {strides = array<i32>} : memref<32x768xf32, #tpu.memory_space<vmem>>, vector<1x16xf32>,
      %get3A_515 = vector.shape_cast %get3A_514 : vector<1x16xf32> to vector<16xf32>
      %mul3A_516 = arith.mulf %get3A_59, %get3A_515 : vector<16xf32>
      %add3A_517 = arith.addf %mul3A_511, %mul3A_516 : vector<16xf32>
      %swap3A_518 = arith.index_cast %scan3A_51 : i32 to index
      %swap3A_519 = arith.constant 448 : index
      %swap3A_520 = tpu.vector_load %arg6[%swap3A_518, %swap3A_519] {strides = array<i32>} : memref<32x768xf32, #tpu.memory_space<vmem>>, vector<1x16xf32>,
      %swap3A_521 = vector.shape_cast %swap3A_520 : vector<1x16xf32> to vector<16xf32>
      %swap3A_522 = vector.shape_cast %add3A_517 : vector<16xf32> to vector<1x16xf32>
      tpu.vector_store %arg6[%swap3A_518, %swap3A_519], %swap3A_522 {strides = array<i32>} : memref<32x768xf32, #tpu.memory_space<vmem>>, vector<1x16xf32>,
      %get3A_523 = arith.index_cast %scan3A_51 : i32 to index
      %get3A_524 = arith.constant 464 : index
      %get3A_525 = tpu.vector_load %arg6[%get3A_523, %get3A_524] {strides = array<i32>} : memref<32x768xf32, #tpu.memory_space<vmem>>, vector<1x16xf32>,
      %get3A_526 = vector.shape_cast %get3A_525 : vector<1x16xf32> to vector<16xf32>
      %mul3A_527 = arith.mulf %get3A_55, %get3A_526 : vector<16xf32>
      %get3A_528 = arith.index_cast %scan3A_51 : i32 to index
      %get3A_529 = arith.constant 464 : index
      %get3A_530 = tpu.vector_load %arg7[%get3A_528, %get3A_529] {strides = array<i32>} : memref<32x768xf32, #tpu.memory_space<vmem>>, vector<1x16xf32>,
      %get3A_531 = vector.shape_cast %get3A_530 : vector<1x16xf32> to vector<16xf32>
      %mul3A_532 = arith.mulf %get3A_59, %get3A_531 : vector<16xf32>
      %add3A_533 = arith.addf %mul3A_527, %mul3A_532 : vector<16xf32>
      %swap3A_534 = arith.index_cast %scan3A_51 : i32 to index
      %swap3A_535 = arith.constant 464 : index
      %swap3A_536 = tpu.vector_load %arg6[%swap3A_534, %swap3A_535] {strides = array<i32>} : memref<32x768xf32, #tpu.memory_space<vmem>>, vector<1x16xf32>,
      %swap3A_537 = vector.shape_cast %swap3A_536 : vector<1x16xf32> to vector<16xf32>
      %swap3A_538 = vector.shape_cast %add3A_533 : vector<16xf32> to vector<1x16xf32>
      tpu.vector_store %arg6[%swap3A_534, %swap3A_535], %swap3A_538 {strides = array<i32>} : memref<32x768xf32, #tpu.memory_space<vmem>>, vector<1x16xf32>,
      %get3A_539 = arith.index_cast %scan3A_51 : i32 to index
      %get3A_540 = arith.constant 480 : index
      %get3A_541 = tpu.vector_load %arg6[%get3A_539, %get3A_540] {strides = array<i32>} : memref<32x768xf32, #tpu.memory_space<vmem>>, vector<1x16xf32>,
      %get3A_542 = vector.shape_cast %get3A_541 : vector<1x16xf32> to vector<16xf32>
      %mul3A_543 = arith.mulf %get3A_55, %get3A_542 : vector<16xf32>
      %get3A_544 = arith.index_cast %scan3A_51 : i32 to index
      %get3A_545 = arith.constant 480 : index
      %get3A_546 = tpu.vector_load %arg7[%get3A_544, %get3A_545] {strides = array<i32>} : memref<32x768xf32, #tpu.memory_space<vmem>>, vector<1x16xf32>,
      %get3A_547 = vector.shape_cast %get3A_546 : vector<1x16xf32> to vector<16xf32>
      %mul3A_548 = arith.mulf %get3A_59, %get3A_547 : vector<16xf32>
      %add3A_549 = arith.addf %mul3A_543, %mul3A_548 : vector<16xf32>
      %swap3A_550 = arith.index_cast %scan3A_51 : i32 to index
      %swap3A_551 = arith.constant 480 : index
      %swap3A_552 = tpu.vector_load %arg6[%swap3A_550, %swap3A_551] {strides = array<i32>} : memref<32x768xf32, #tpu.memory_space<vmem>>, vector<1x16xf32>,
      %swap3A_553 = vector.shape_cast %swap3A_552 : vector<1x16xf32> to vector<16xf32>
      %swap3A_554 = vector.shape_cast %add3A_549 : vector<16xf32> to vector<1x16xf32>
      tpu.vector_store %arg6[%swap3A_550, %swap3A_551], %swap3A_554 {strides = array<i32>} : memref<32x768xf32, #tpu.memory_space<vmem>>, vector<1x16xf32>,
      %get3A_555 = arith.index_cast %scan3A_51 : i32 to index
      %get3A_556 = arith.constant 496 : index
      %get3A_557 = tpu.vector_load %arg6[%get3A_555, %get3A_556] {strides = array<i32>} : memref<32x768xf32, #tpu.memory_space<vmem>>, vector<1x16xf32>,
      %get3A_558 = vector.shape_cast %get3A_557 : vector<1x16xf32> to vector<16xf32>
      %mul3A_559 = arith.mulf %get3A_55, %get3A_558 : vector<16xf32>
      %get3A_560 = arith.index_cast %scan3A_51 : i32 to index
      %get3A_561 = arith.constant 496 : index
      %get3A_562 = tpu.vector_load %arg7[%get3A_560, %get3A_561] {strides = array<i32>} : memref<32x768xf32, #tpu.memory_space<vmem>>, vector<1x16xf32>,
      %get3A_563 = vector.shape_cast %get3A_562 : vector<1x16xf32> to vector<16xf32>
      %mul3A_564 = arith.mulf %get3A_59, %get3A_563 : vector<16xf32>
      %add3A_565 = arith.addf %mul3A_559, %mul3A_564 : vector<16xf32>
      %swap3A_566 = arith.index_cast %scan3A_51 : i32 to index
      %swap3A_567 = arith.constant 496 : index
      %swap3A_568 = tpu.vector_load %arg6[%swap3A_566, %swap3A_567] {strides = array<i32>} : memref<32x768xf32, #tpu.memory_space<vmem>>, vector<1x16xf32>,
      %swap3A_569 = vector.shape_cast %swap3A_568 : vector<1x16xf32> to vector<16xf32>
      %swap3A_570 = vector.shape_cast %add3A_565 : vector<16xf32> to vector<1x16xf32>
      tpu.vector_store %arg6[%swap3A_566, %swap3A_567], %swap3A_570 {strides = array<i32>} : memref<32x768xf32, #tpu.memory_space<vmem>>, vector<1x16xf32>,
      %get3A_571 = arith.index_cast %scan3A_51 : i32 to index
      %get3A_572 = arith.constant 512 : index
      %get3A_573 = tpu.vector_load %arg6[%get3A_571, %get3A_572] {strides = array<i32>} : memref<32x768xf32, #tpu.memory_space<vmem>>, vector<1x16xf32>,
      %get3A_574 = vector.shape_cast %get3A_573 : vector<1x16xf32> to vector<16xf32>
      %mul3A_575 = arith.mulf %get3A_55, %get3A_574 : vector<16xf32>
      %get3A_576 = arith.index_cast %scan3A_51 : i32 to index
      %get3A_577 = arith.constant 512 : index
      %get3A_578 = tpu.vector_load %arg7[%get3A_576, %get3A_577] {strides = array<i32>} : memref<32x768xf32, #tpu.memory_space<vmem>>, vector<1x16xf32>,
      %get3A_579 = vector.shape_cast %get3A_578 : vector<1x16xf32> to vector<16xf32>
      %mul3A_580 = arith.mulf %get3A_59, %get3A_579 : vector<16xf32>
      %add3A_581 = arith.addf %mul3A_575, %mul3A_580 : vector<16xf32>
      %swap3A_582 = arith.index_cast %scan3A_51 : i32 to index
      %swap3A_583 = arith.constant 512 : index
      %swap3A_584 = tpu.vector_load %arg6[%swap3A_582, %swap3A_583] {strides = array<i32>} : memref<32x768xf32, #tpu.memory_space<vmem>>, vector<1x16xf32>,
      %swap3A_585 = vector.shape_cast %swap3A_584 : vector<1x16xf32> to vector<16xf32>
      %swap3A_586 = vector.shape_cast %add3A_581 : vector<16xf32> to vector<1x16xf32>
      tpu.vector_store %arg6[%swap3A_582, %swap3A_583], %swap3A_586 {strides = array<i32>} : memref<32x768xf32, #tpu.memory_space<vmem>>, vector<1x16xf32>,
      %get3A_587 = arith.index_cast %scan3A_51 : i32 to index
      %get3A_588 = arith.constant 528 : index
      %get3A_589 = tpu.vector_load %arg6[%get3A_587, %get3A_588] {strides = array<i32>} : memref<32x768xf32, #tpu.memory_space<vmem>>, vector<1x16xf32>,
      %get3A_590 = vector.shape_cast %get3A_589 : vector<1x16xf32> to vector<16xf32>
      %mul3A_591 = arith.mulf %get3A_55, %get3A_590 : vector<16xf32>
      %get3A_592 = arith.index_cast %scan3A_51 : i32 to index
      %get3A_593 = arith.constant 528 : index
      %get3A_594 = tpu.vector_load %arg7[%get3A_592, %get3A_593] {strides = array<i32>} : memref<32x768xf32, #tpu.memory_space<vmem>>, vector<1x16xf32>,
      %get3A_595 = vector.shape_cast %get3A_594 : vector<1x16xf32> to vector<16xf32>
      %mul3A_596 = arith.mulf %get3A_59, %get3A_595 : vector<16xf32>
      %add3A_597 = arith.addf %mul3A_591, %mul3A_596 : vector<16xf32>
      %swap3A_598 = arith.index_cast %scan3A_51 : i32 to index
      %swap3A_599 = arith.constant 528 : index
      %swap3A_600 = tpu.vector_load %arg6[%swap3A_598, %swap3A_599] {strides = array<i32>} : memref<32x768xf32, #tpu.memory_space<vmem>>, vector<1x16xf32>,
      %swap3A_601 = vector.shape_cast %swap3A_600 : vector<1x16xf32> to vector<16xf32>
      %swap3A_602 = vector.shape_cast %add3A_597 : vector<16xf32> to vector<1x16xf32>
      tpu.vector_store %arg6[%swap3A_598, %swap3A_599], %swap3A_602 {strides = array<i32>} : memref<32x768xf32, #tpu.memory_space<vmem>>, vector<1x16xf32>,
      %get3A_603 = arith.index_cast %scan3A_51 : i32 to index
      %get3A_604 = arith.constant 544 : index
      %get3A_605 = tpu.vector_load %arg6[%get3A_603, %get3A_604] {strides = array<i32>} : memref<32x768xf32, #tpu.memory_space<vmem>>, vector<1x16xf32>,
      %get3A_606 = vector.shape_cast %get3A_605 : vector<1x16xf32> to vector<16xf32>
      %mul3A_607 = arith.mulf %get3A_55, %get3A_606 : vector<16xf32>
      %get3A_608 = arith.index_cast %scan3A_51 : i32 to index
      %get3A_609 = arith.constant 544 : index
      %get3A_610 = tpu.vector_load %arg7[%get3A_608, %get3A_609] {strides = array<i32>} : memref<32x768xf32, #tpu.memory_space<vmem>>, vector<1x16xf32>,
      %get3A_611 = vector.shape_cast %get3A_610 : vector<1x16xf32> to vector<16xf32>
      %mul3A_612 = arith.mulf %get3A_59, %get3A_611 : vector<16xf32>
      %add3A_613 = arith.addf %mul3A_607, %mul3A_612 : vector<16xf32>
      %swap3A_614 = arith.index_cast %scan3A_51 : i32 to index
      %swap3A_615 = arith.constant 544 : index
      %swap3A_616 = tpu.vector_load %arg6[%swap3A_614, %swap3A_615] {strides = array<i32>} : memref<32x768xf32, #tpu.memory_space<vmem>>, vector<1x16xf32>,
      %swap3A_617 = vector.shape_cast %swap3A_616 : vector<1x16xf32> to vector<16xf32>
      %swap3A_618 = vector.shape_cast %add3A_613 : vector<16xf32> to vector<1x16xf32>
      tpu.vector_store %arg6[%swap3A_614, %swap3A_615], %swap3A_618 {strides = array<i32>} : memref<32x768xf32, #tpu.memory_space<vmem>>, vector<1x16xf32>,
      %get3A_619 = arith.index_cast %scan3A_51 : i32 to index
      %get3A_620 = arith.constant 560 : index
      %get3A_621 = tpu.vector_load %arg6[%get3A_619, %get3A_620] {strides = array<i32>} : memref<32x768xf32, #tpu.memory_space<vmem>>, vector<1x16xf32>,
      %get3A_622 = vector.shape_cast %get3A_621 : vector<1x16xf32> to vector<16xf32>
      %mul3A_623 = arith.mulf %get3A_55, %get3A_622 : vector<16xf32>
      %get3A_624 = arith.index_cast %scan3A_51 : i32 to index
      %get3A_625 = arith.constant 560 : index
      %get3A_626 = tpu.vector_load %arg7[%get3A_624, %get3A_625] {strides = array<i32>} : memref<32x768xf32, #tpu.memory_space<vmem>>, vector<1x16xf32>,
      %get3A_627 = vector.shape_cast %get3A_626 : vector<1x16xf32> to vector<16xf32>
      %mul3A_628 = arith.mulf %get3A_59, %get3A_627 : vector<16xf32>
      %add3A_629 = arith.addf %mul3A_623, %mul3A_628 : vector<16xf32>
      %swap3A_630 = arith.index_cast %scan3A_51 : i32 to index
      %swap3A_631 = arith.constant 560 : index
      %swap3A_632 = tpu.vector_load %arg6[%swap3A_630, %swap3A_631] {strides = array<i32>} : memref<32x768xf32, #tpu.memory_space<vmem>>, vector<1x16xf32>,
      %swap3A_633 = vector.shape_cast %swap3A_632 : vector<1x16xf32> to vector<16xf32>
      %swap3A_634 = vector.shape_cast %add3A_629 : vector<16xf32> to vector<1x16xf32>
      tpu.vector_store %arg6[%swap3A_630, %swap3A_631], %swap3A_634 {strides = array<i32>} : memref<32x768xf32, #tpu.memory_space<vmem>>, vector<1x16xf32>,
      %get3A_635 = arith.index_cast %scan3A_51 : i32 to index
      %get3A_636 = arith.constant 576 : index
      %get3A_637 = tpu.vector_load %arg6[%get3A_635, %get3A_636] {strides = array<i32>} : memref<32x768xf32, #tpu.memory_space<vmem>>, vector<1x16xf32>,
      %get3A_638 = vector.shape_cast %get3A_637 : vector<1x16xf32> to vector<16xf32>
      %mul3A_639 = arith.mulf %get3A_55, %get3A_638 : vector<16xf32>
      %get3A_640 = arith.index_cast %scan3A_51 : i32 to index
      %get3A_641 = arith.constant 576 : index
      %get3A_642 = tpu.vector_load %arg7[%get3A_640, %get3A_641] {strides = array<i32>} : memref<32x768xf32, #tpu.memory_space<vmem>>, vector<1x16xf32>,
      %get3A_643 = vector.shape_cast %get3A_642 : vector<1x16xf32> to vector<16xf32>
      %mul3A_644 = arith.mulf %get3A_59, %get3A_643 : vector<16xf32>
      %add3A_645 = arith.addf %mul3A_639, %mul3A_644 : vector<16xf32>
      %swap3A_646 = arith.index_cast %scan3A_51 : i32 to index
      %swap3A_647 = arith.constant 576 : index
      %swap3A_648 = tpu.vector_load %arg6[%swap3A_646, %swap3A_647] {strides = array<i32>} : memref<32x768xf32, #tpu.memory_space<vmem>>, vector<1x16xf32>,
      %swap3A_649 = vector.shape_cast %swap3A_648 : vector<1x16xf32> to vector<16xf32>
      %swap3A_650 = vector.shape_cast %add3A_645 : vector<16xf32> to vector<1x16xf32>
      tpu.vector_store %arg6[%swap3A_646, %swap3A_647], %swap3A_650 {strides = array<i32>} : memref<32x768xf32, #tpu.memory_space<vmem>>, vector<1x16xf32>,
      %get3A_651 = arith.index_cast %scan3A_51 : i32 to index
      %get3A_652 = arith.constant 592 : index
      %get3A_653 = tpu.vector_load %arg6[%get3A_651, %get3A_652] {strides = array<i32>} : memref<32x768xf32, #tpu.memory_space<vmem>>, vector<1x16xf32>,
      %get3A_654 = vector.shape_cast %get3A_653 : vector<1x16xf32> to vector<16xf32>
      %mul3A_655 = arith.mulf %get3A_55, %get3A_654 : vector<16xf32>
      %get3A_656 = arith.index_cast %scan3A_51 : i32 to index
      %get3A_657 = arith.constant 592 : index
      %get3A_658 = tpu.vector_load %arg7[%get3A_656, %get3A_657] {strides = array<i32>} : memref<32x768xf32, #tpu.memory_space<vmem>>, vector<1x16xf32>,
      %get3A_659 = vector.shape_cast %get3A_658 : vector<1x16xf32> to vector<16xf32>
      %mul3A_660 = arith.mulf %get3A_59, %get3A_659 : vector<16xf32>
      %add3A_661 = arith.addf %mul3A_655, %mul3A_660 : vector<16xf32>
      %swap3A_662 = arith.index_cast %scan3A_51 : i32 to index
      %swap3A_663 = arith.constant 592 : index
      %swap3A_664 = tpu.vector_load %arg6[%swap3A_662, %swap3A_663] {strides = array<i32>} : memref<32x768xf32, #tpu.memory_space<vmem>>, vector<1x16xf32>,
      %swap3A_665 = vector.shape_cast %swap3A_664 : vector<1x16xf32> to vector<16xf32>
      %swap3A_666 = vector.shape_cast %add3A_661 : vector<16xf32> to vector<1x16xf32>
      tpu.vector_store %arg6[%swap3A_662, %swap3A_663], %swap3A_666 {strides = array<i32>} : memref<32x768xf32, #tpu.memory_space<vmem>>, vector<1x16xf32>,
      %get3A_667 = arith.index_cast %scan3A_51 : i32 to index
      %get3A_668 = arith.constant 608 : index
      %get3A_669 = tpu.vector_load %arg6[%get3A_667, %get3A_668] {strides = array<i32>} : memref<32x768xf32, #tpu.memory_space<vmem>>, vector<1x16xf32>,
      %get3A_670 = vector.shape_cast %get3A_669 : vector<1x16xf32> to vector<16xf32>
      %mul3A_671 = arith.mulf %get3A_55, %get3A_670 : vector<16xf32>
      %get3A_672 = arith.index_cast %scan3A_51 : i32 to index
      %get3A_673 = arith.constant 608 : index
      %get3A_674 = tpu.vector_load %arg7[%get3A_672, %get3A_673] {strides = array<i32>} : memref<32x768xf32, #tpu.memory_space<vmem>>, vector<1x16xf32>,
      %get3A_675 = vector.shape_cast %get3A_674 : vector<1x16xf32> to vector<16xf32>
      %mul3A_676 = arith.mulf %get3A_59, %get3A_675 : vector<16xf32>
      %add3A_677 = arith.addf %mul3A_671, %mul3A_676 : vector<16xf32>
      %swap3A_678 = arith.index_cast %scan3A_51 : i32 to index
      %swap3A_679 = arith.constant 608 : index
      %swap3A_680 = tpu.vector_load %arg6[%swap3A_678, %swap3A_679] {strides = array<i32>} : memref<32x768xf32, #tpu.memory_space<vmem>>, vector<1x16xf32>,
      %swap3A_681 = vector.shape_cast %swap3A_680 : vector<1x16xf32> to vector<16xf32>
      %swap3A_682 = vector.shape_cast %add3A_677 : vector<16xf32> to vector<1x16xf32>
      tpu.vector_store %arg6[%swap3A_678, %swap3A_679], %swap3A_682 {strides = array<i32>} : memref<32x768xf32, #tpu.memory_space<vmem>>, vector<1x16xf32>,
      %get3A_683 = arith.index_cast %scan3A_51 : i32 to index
      %get3A_684 = arith.constant 624 : index
      %get3A_685 = tpu.vector_load %arg6[%get3A_683, %get3A_684] {strides = array<i32>} : memref<32x768xf32, #tpu.memory_space<vmem>>, vector<1x16xf32>,
      %get3A_686 = vector.shape_cast %get3A_685 : vector<1x16xf32> to vector<16xf32>
      %mul3A_687 = arith.mulf %get3A_55, %get3A_686 : vector<16xf32>
      %get3A_688 = arith.index_cast %scan3A_51 : i32 to index
      %get3A_689 = arith.constant 624 : index
      %get3A_690 = tpu.vector_load %arg7[%get3A_688, %get3A_689] {strides = array<i32>} : memref<32x768xf32, #tpu.memory_space<vmem>>, vector<1x16xf32>,
      %get3A_691 = vector.shape_cast %get3A_690 : vector<1x16xf32> to vector<16xf32>
      %mul3A_692 = arith.mulf %get3A_59, %get3A_691 : vector<16xf32>
      %add3A_693 = arith.addf %mul3A_687, %mul3A_692 : vector<16xf32>
      %swap3A_694 = arith.index_cast %scan3A_51 : i32 to index
      %swap3A_695 = arith.constant 624 : index
      %swap3A_696 = tpu.vector_load %arg6[%swap3A_694, %swap3A_695] {strides = array<i32>} : memref<32x768xf32, #tpu.memory_space<vmem>>, vector<1x16xf32>,
      %swap3A_697 = vector.shape_cast %swap3A_696 : vector<1x16xf32> to vector<16xf32>
      %swap3A_698 = vector.shape_cast %add3A_693 : vector<16xf32> to vector<1x16xf32>
      tpu.vector_store %arg6[%swap3A_694, %swap3A_695], %swap3A_698 {strides = array<i32>} : memref<32x768xf32, #tpu.memory_space<vmem>>, vector<1x16xf32>,
      %get3A_699 = arith.index_cast %scan3A_51 : i32 to index
      %get3A_700 = arith.constant 640 : index
      %get3A_701 = tpu.vector_load %arg6[%get3A_699, %get3A_700] {strides = array<i32>} : memref<32x768xf32, #tpu.memory_space<vmem>>, vector<1x16xf32>,
      %get3A_702 = vector.shape_cast %get3A_701 : vector<1x16xf32> to vector<16xf32>
      %mul3A_703 = arith.mulf %get3A_55, %get3A_702 : vector<16xf32>
      %get3A_704 = arith.index_cast %scan3A_51 : i32 to index
      %get3A_705 = arith.constant 640 : index
      %get3A_706 = tpu.vector_load %arg7[%get3A_704, %get3A_705] {strides = array<i32>} : memref<32x768xf32, #tpu.memory_space<vmem>>, vector<1x16xf32>,
      %get3A_707 = vector.shape_cast %get3A_706 : vector<1x16xf32> to vector<16xf32>
      %mul3A_708 = arith.mulf %get3A_59, %get3A_707 : vector<16xf32>
      %add3A_709 = arith.addf %mul3A_703, %mul3A_708 : vector<16xf32>
      %swap3A_710 = arith.index_cast %scan3A_51 : i32 to index
      %swap3A_711 = arith.constant 640 : index
      %swap3A_712 = tpu.vector_load %arg6[%swap3A_710, %swap3A_711] {strides = array<i32>} : memref<32x768xf32, #tpu.memory_space<vmem>>, vector<1x16xf32>,
      %swap3A_713 = vector.shape_cast %swap3A_712 : vector<1x16xf32> to vector<16xf32>
      %swap3A_714 = vector.shape_cast %add3A_709 : vector<16xf32> to vector<1x16xf32>
      tpu.vector_store %arg6[%swap3A_710, %swap3A_711], %swap3A_714 {strides = array<i32>} : memref<32x768xf32, #tpu.memory_space<vmem>>, vector<1x16xf32>,
      %get3A_715 = arith.index_cast %scan3A_51 : i32 to index
      %get3A_716 = arith.constant 656 : index
      %get3A_717 = tpu.vector_load %arg6[%get3A_715, %get3A_716] {strides = array<i32>} : memref<32x768xf32, #tpu.memory_space<vmem>>, vector<1x16xf32>,
      %get3A_718 = vector.shape_cast %get3A_717 : vector<1x16xf32> to vector<16xf32>
      %mul3A_719 = arith.mulf %get3A_55, %get3A_718 : vector<16xf32>
      %get3A_720 = arith.index_cast %scan3A_51 : i32 to index
      %get3A_721 = arith.constant 656 : index
      %get3A_722 = tpu.vector_load %arg7[%get3A_720, %get3A_721] {strides = array<i32>} : memref<32x768xf32, #tpu.memory_space<vmem>>, vector<1x16xf32>,
      %get3A_723 = vector.shape_cast %get3A_722 : vector<1x16xf32> to vector<16xf32>
      %mul3A_724 = arith.mulf %get3A_59, %get3A_723 : vector<16xf32>
      %add3A_725 = arith.addf %mul3A_719, %mul3A_724 : vector<16xf32>
      %swap3A_726 = arith.index_cast %scan3A_51 : i32 to index
      %swap3A_727 = arith.constant 656 : index
      %swap3A_728 = tpu.vector_load %arg6[%swap3A_726, %swap3A_727] {strides = array<i32>} : memref<32x768xf32, #tpu.memory_space<vmem>>, vector<1x16xf32>,
      %swap3A_729 = vector.shape_cast %swap3A_728 : vector<1x16xf32> to vector<16xf32>
      %swap3A_730 = vector.shape_cast %add3A_725 : vector<16xf32> to vector<1x16xf32>
      tpu.vector_store %arg6[%swap3A_726, %swap3A_727], %swap3A_730 {strides = array<i32>} : memref<32x768xf32, #tpu.memory_space<vmem>>, vector<1x16xf32>,
      %get3A_731 = arith.index_cast %scan3A_51 : i32 to index
      %get3A_732 = arith.constant 672 : index
      %get3A_733 = tpu.vector_load %arg6[%get3A_731, %get3A_732] {strides = array<i32>} : memref<32x768xf32, #tpu.memory_space<vmem>>, vector<1x16xf32>,
      %get3A_734 = vector.shape_cast %get3A_733 : vector<1x16xf32> to vector<16xf32>
      %mul3A_735 = arith.mulf %get3A_55, %get3A_734 : vector<16xf32>
      %get3A_736 = arith.index_cast %scan3A_51 : i32 to index
      %get3A_737 = arith.constant 672 : index
      %get3A_738 = tpu.vector_load %arg7[%get3A_736, %get3A_737] {strides = array<i32>} : memref<32x768xf32, #tpu.memory_space<vmem>>, vector<1x16xf32>,
      %get3A_739 = vector.shape_cast %get3A_738 : vector<1x16xf32> to vector<16xf32>
      %mul3A_740 = arith.mulf %get3A_59, %get3A_739 : vector<16xf32>
      %add3A_741 = arith.addf %mul3A_735, %mul3A_740 : vector<16xf32>
      %swap3A_742 = arith.index_cast %scan3A_51 : i32 to index
      %swap3A_743 = arith.constant 672 : index
      %swap3A_744 = tpu.vector_load %arg6[%swap3A_742, %swap3A_743] {strides = array<i32>} : memref<32x768xf32, #tpu.memory_space<vmem>>, vector<1x16xf32>,
      %swap3A_745 = vector.shape_cast %swap3A_744 : vector<1x16xf32> to vector<16xf32>
      %swap3A_746 = vector.shape_cast %add3A_741 : vector<16xf32> to vector<1x16xf32>
      tpu.vector_store %arg6[%swap3A_742, %swap3A_743], %swap3A_746 {strides = array<i32>} : memref<32x768xf32, #tpu.memory_space<vmem>>, vector<1x16xf32>,
      %get3A_747 = arith.index_cast %scan3A_51 : i32 to index
      %get3A_748 = arith.constant 688 : index
      %get3A_749 = tpu.vector_load %arg6[%get3A_747, %get3A_748] {strides = array<i32>} : memref<32x768xf32, #tpu.memory_space<vmem>>, vector<1x16xf32>,
      %get3A_750 = vector.shape_cast %get3A_749 : vector<1x16xf32> to vector<16xf32>
      %mul3A_751 = arith.mulf %get3A_55, %get3A_750 : vector<16xf32>
      %get3A_752 = arith.index_cast %scan3A_51 : i32 to index
      %get3A_753 = arith.constant 688 : index
      %get3A_754 = tpu.vector_load %arg7[%get3A_752, %get3A_753] {strides = array<i32>} : memref<32x768xf32, #tpu.memory_space<vmem>>, vector<1x16xf32>,
      %get3A_755 = vector.shape_cast %get3A_754 : vector<1x16xf32> to vector<16xf32>
      %mul3A_756 = arith.mulf %get3A_59, %get3A_755 : vector<16xf32>
      %add3A_757 = arith.addf %mul3A_751, %mul3A_756 : vector<16xf32>
      %swap3A_758 = arith.index_cast %scan3A_51 : i32 to index
      %swap3A_759 = arith.constant 688 : index
      %swap3A_760 = tpu.vector_load %arg6[%swap3A_758, %swap3A_759] {strides = array<i32>} : memref<32x768xf32, #tpu.memory_space<vmem>>, vector<1x16xf32>,
      %swap3A_761 = vector.shape_cast %swap3A_760 : vector<1x16xf32> to vector<16xf32>
      %swap3A_762 = vector.shape_cast %add3A_757 : vector<16xf32> to vector<1x16xf32>
      tpu.vector_store %arg6[%swap3A_758, %swap3A_759], %swap3A_762 {strides = array<i32>} : memref<32x768xf32, #tpu.memory_space<vmem>>, vector<1x16xf32>,
      %get3A_763 = arith.index_cast %scan3A_51 : i32 to index
      %get3A_764 = arith.constant 704 : index
      %get3A_765 = tpu.vector_load %arg6[%get3A_763, %get3A_764] {strides = array<i32>} : memref<32x768xf32, #tpu.memory_space<vmem>>, vector<1x16xf32>,
      %get3A_766 = vector.shape_cast %get3A_765 : vector<1x16xf32> to vector<16xf32>
      %mul3A_767 = arith.mulf %get3A_55, %get3A_766 : vector<16xf32>
      %get3A_768 = arith.index_cast %scan3A_51 : i32 to index
      %get3A_769 = arith.constant 704 : index
      %get3A_770 = tpu.vector_load %arg7[%get3A_768, %get3A_769] {strides = array<i32>} : memref<32x768xf32, #tpu.memory_space<vmem>>, vector<1x16xf32>,
      %get3A_771 = vector.shape_cast %get3A_770 : vector<1x16xf32> to vector<16xf32>
      %mul3A_772 = arith.mulf %get3A_59, %get3A_771 : vector<16xf32>
      %add3A_773 = arith.addf %mul3A_767, %mul3A_772 : vector<16xf32>
      %swap3A_774 = arith.index_cast %scan3A_51 : i32 to index
      %swap3A_775 = arith.constant 704 : index
      %swap3A_776 = tpu.vector_load %arg6[%swap3A_774, %swap3A_775] {strides = array<i32>} : memref<32x768xf32, #tpu.memory_space<vmem>>, vector<1x16xf32>,
      %swap3A_777 = vector.shape_cast %swap3A_776 : vector<1x16xf32> to vector<16xf32>
      %swap3A_778 = vector.shape_cast %add3A_773 : vector<16xf32> to vector<1x16xf32>
      tpu.vector_store %arg6[%swap3A_774, %swap3A_775], %swap3A_778 {strides = array<i32>} : memref<32x768xf32, #tpu.memory_space<vmem>>, vector<1x16xf32>,
      %get3A_779 = arith.index_cast %scan3A_51 : i32 to index
      %get3A_780 = arith.constant 720 : index
      %get3A_781 = tpu.vector_load %arg6[%get3A_779, %get3A_780] {strides = array<i32>} : memref<32x768xf32, #tpu.memory_space<vmem>>, vector<1x16xf32>,
      %get3A_782 = vector.shape_cast %get3A_781 : vector<1x16xf32> to vector<16xf32>
      %mul3A_783 = arith.mulf %get3A_55, %get3A_782 : vector<16xf32>
      %get3A_784 = arith.index_cast %scan3A_51 : i32 to index
      %get3A_785 = arith.constant 720 : index
      %get3A_786 = tpu.vector_load %arg7[%get3A_784, %get3A_785] {strides = array<i32>} : memref<32x768xf32, #tpu.memory_space<vmem>>, vector<1x16xf32>,
      %get3A_787 = vector.shape_cast %get3A_786 : vector<1x16xf32> to vector<16xf32>
      %mul3A_788 = arith.mulf %get3A_59, %get3A_787 : vector<16xf32>
      %add3A_789 = arith.addf %mul3A_783, %mul3A_788 : vector<16xf32>
      %swap3A_790 = arith.index_cast %scan3A_51 : i32 to index
      %swap3A_791 = arith.constant 720 : index
      %swap3A_792 = tpu.vector_load %arg6[%swap3A_790, %swap3A_791] {strides = array<i32>} : memref<32x768xf32, #tpu.memory_space<vmem>>, vector<1x16xf32>,
      %swap3A_793 = vector.shape_cast %swap3A_792 : vector<1x16xf32> to vector<16xf32>
      %swap3A_794 = vector.shape_cast %add3A_789 : vector<16xf32> to vector<1x16xf32>
      tpu.vector_store %arg6[%swap3A_790, %swap3A_791], %swap3A_794 {strides = array<i32>} : memref<32x768xf32, #tpu.memory_space<vmem>>, vector<1x16xf32>,
      %get3A_795 = arith.index_cast %scan3A_51 : i32 to index
      %get3A_796 = arith.constant 736 : index
      %get3A_797 = tpu.vector_load %arg6[%get3A_795, %get3A_796] {strides = array<i32>} : memref<32x768xf32, #tpu.memory_space<vmem>>, vector<1x16xf32>,
      %get3A_798 = vector.shape_cast %get3A_797 : vector<1x16xf32> to vector<16xf32>
      %mul3A_799 = arith.mulf %get3A_55, %get3A_798 : vector<16xf32>
      %get3A_800 = arith.index_cast %scan3A_51 : i32 to index
      %get3A_801 = arith.constant 736 : index
      %get3A_802 = tpu.vector_load %arg7[%get3A_800, %get3A_801] {strides = array<i32>} : memref<32x768xf32, #tpu.memory_space<vmem>>, vector<1x16xf32>,
      %get3A_803 = vector.shape_cast %get3A_802 : vector<1x16xf32> to vector<16xf32>
      %mul3A_804 = arith.mulf %get3A_59, %get3A_803 : vector<16xf32>
      %add3A_805 = arith.addf %mul3A_799, %mul3A_804 : vector<16xf32>
      %swap3A_806 = arith.index_cast %scan3A_51 : i32 to index
      %swap3A_807 = arith.constant 736 : index
      %swap3A_808 = tpu.vector_load %arg6[%swap3A_806, %swap3A_807] {strides = array<i32>} : memref<32x768xf32, #tpu.memory_space<vmem>>, vector<1x16xf32>,
      %swap3A_809 = vector.shape_cast %swap3A_808 : vector<1x16xf32> to vector<16xf32>
      %swap3A_810 = vector.shape_cast %add3A_805 : vector<16xf32> to vector<1x16xf32>
      tpu.vector_store %arg6[%swap3A_806, %swap3A_807], %swap3A_810 {strides = array<i32>} : memref<32x768xf32, #tpu.memory_space<vmem>>, vector<1x16xf32>,
      %get3A_811 = arith.index_cast %scan3A_51 : i32 to index
      %get3A_812 = arith.constant 752 : index
      %get3A_813 = tpu.vector_load %arg6[%get3A_811, %get3A_812] {strides = array<i32>} : memref<32x768xf32, #tpu.memory_space<vmem>>, vector<1x16xf32>,
      %get3A_814 = vector.shape_cast %get3A_813 : vector<1x16xf32> to vector<16xf32>
      %mul3A_815 = arith.mulf %get3A_55, %get3A_814 : vector<16xf32>
      %get3A_816 = arith.index_cast %scan3A_51 : i32 to index
      %get3A_817 = arith.constant 752 : index
      %get3A_818 = tpu.vector_load %arg7[%get3A_816, %get3A_817] {strides = array<i32>} : memref<32x768xf32, #tpu.memory_space<vmem>>, vector<1x16xf32>,
      %get3A_819 = vector.shape_cast %get3A_818 : vector<1x16xf32> to vector<16xf32>
      %mul3A_820 = arith.mulf %get3A_59, %get3A_819 : vector<16xf32>
      %add3A_821 = arith.addf %mul3A_815, %mul3A_820 : vector<16xf32>
      %swap3A_822 = arith.index_cast %scan3A_51 : i32 to index
      %swap3A_823 = arith.constant 752 : index
      %swap3A_824 = tpu.vector_load %arg6[%swap3A_822, %swap3A_823] {strides = array<i32>} : memref<32x768xf32, #tpu.memory_space<vmem>>, vector<1x16xf32>,
      %swap3A_825 = vector.shape_cast %swap3A_824 : vector<1x16xf32> to vector<16xf32>
      %swap3A_826 = vector.shape_cast %add3A_821 : vector<16xf32> to vector<1x16xf32>
      tpu.vector_store %arg6[%swap3A_822, %swap3A_823], %swap3A_826 {strides = array<i32>} : memref<32x768xf32, #tpu.memory_space<vmem>>, vector<1x16xf32>,
      %scan3A_827 = arith.constant 0 : i32
      scf.yield %scan3A_827 : i32
    }
    %scan3A_50 = arith.constant 32 : i32
    "tpu.region"() ({
      %run_scoped3A_51 = tpu.sem_alloc : memref<!tpu.dma_semaphore, #tpu.memory_space<semaphore_mem>>
      %dma_start3A_52 = arith.constant 0 : i32
      %dma_start3A_53 = tpu.memref_slice %arg5[%add3A_27, %dma_start3A_52] : memref<2048x768xf32, #tpu.memory_space<hbm>> -> memref<32x768xf32, #tpu.memory_space<hbm>>
      %dma_start3A_54 = arith.constant 0 : i32
      %dma_start3A_55 = tpu.memref_slice %arg5[%add3A_27, %dma_start3A_54] : memref<2048x768xf32, #tpu.memory_space<hbm>> -> memref<32x768xf32, #tpu.memory_space<hbm>>
      tpu.enqueue_dma source(%arg6 : memref<32x768xf32, #tpu.memory_space<vmem>>) target(%dma_start3A_55 : memref<32x768xf32, #tpu.memory_space<hbm>>) target_semaphore(%run_scoped3A_51 : memref<!tpu.dma_semaphore, #tpu.memory_space<semaphore_mem>>)
      %dma_wait3A_56 = arith.constant 0 : i32
      %dma_wait3A_57 = tpu.memref_slice %arg5[%add3A_27, %dma_wait3A_56] : memref<2048x768xf32, #tpu.memory_space<hbm>> -> memref<32x768xf32, #tpu.memory_space<hbm>>
      %dma_wait3A_58 = arith.constant 0 : i32
      %dma_wait3A_59 = tpu.memref_slice %arg5[%add3A_27, %dma_wait3A_58] : memref<2048x768xf32, #tpu.memory_space<hbm>> -> memref<32x768xf32, #tpu.memory_space<hbm>>
      tpu.wait_dma2 semaphore(%run_scoped3A_51 : memref<!tpu.dma_semaphore, #tpu.memory_space<semaphore_mem>>) src(%arg6 : memref<32x768xf32, #tpu.memory_space<vmem>>) dst(%dma_wait3A_59 : memref<32x768xf32, #tpu.memory_space<hbm>>)
      tpu.yield
    }) : () -> ()
    return
  }
}

#map = affine_map<(d0, d1) -> (0, 0)>
module attributes {stable_mosaic.version = 14 : i64} {
  func.func @_scatter_x(%arg0: i32, %arg1: i32, %arg2: memref<2048x768xf32, #tpu.memory_space<hbm>>, %arg3: memref<2x2048xi32, #tpu.memory_space<hbm>>, %arg4: memref<5120x768xf32, #tpu.memory_space<hbm>>, %arg5: memref<64x768xf32, #tpu.memory_space<vmem>>, %arg6: memref<64xi32, #tpu.memory_space<vmem>>, %arg7: memref<64xi32, #tpu.memory_space<vmem>>, %arg8: memref<!tpu.dma_semaphore, #tpu.memory_space<semaphore_mem>>, %arg9: memref<!tpu.dma_semaphore, #tpu.memory_space<semaphore_mem>>) attributes {dimension_semantics = [#tpu.dimension_semantics<core_parallel>, #tpu.dimension_semantics<subcore_parallel>], iteration_bounds = array<i64: 2, 16>, scalar_prefetch = 0 : i64, scratch_operands = 5 : i64, tpu.core_type = #tpu.core_type<sc_vector_subcore>, window_params = [{transform_indices = #map}, {transform_indices = #map}, {transform_indices = #map}]} {
    %mul3A = arith.constant 2 : i32
    %mul3A_0 = arith.muli %arg1, %mul3A : i32
    %add3A = arith.addi %mul3A_0, %arg0 : i32
    %mul3A_1 = arith.constant 64 : i32
    %mul3A_2 = arith.muli %add3A, %mul3A_1 : i32
    %run_scoped3A = arith.constant 0 : i32
    "tpu.region"() ({
      %run_scoped3A_14 = tpu.sem_alloc : memref<!tpu.dma_semaphore, #tpu.memory_space<semaphore_mem>>
      %dma_start3A_15 = tpu.memref_slice %arg3[%run_scoped3A, %mul3A_2] : memref<2x2048xi32, #tpu.memory_space<hbm>> -> memref<1x64xi32, #tpu.memory_space<hbm>>
      %dma_start3A_16 = tpu.memref_squeeze %dma_start3A_15 : memref<1x64xi32, #tpu.memory_space<hbm>> -> memref<64xi32, #tpu.memory_space<hbm>>
      %dma_start3A_17 = tpu.memref_slice %arg3[%run_scoped3A, %mul3A_2] : memref<2x2048xi32, #tpu.memory_space<hbm>> -> memref<1x64xi32, #tpu.memory_space<hbm>>
      %dma_start3A_18 = tpu.memref_squeeze %dma_start3A_17 : memref<1x64xi32, #tpu.memory_space<hbm>> -> memref<64xi32, #tpu.memory_space<hbm>>
      tpu.enqueue_dma source(%dma_start3A_18 : memref<64xi32, #tpu.memory_space<hbm>>) target(%arg6 : memref<64xi32, #tpu.memory_space<vmem>>) target_semaphore(%run_scoped3A_14 : memref<!tpu.dma_semaphore, #tpu.memory_space<semaphore_mem>>)
      %dma_wait3A_19 = tpu.memref_slice %arg3[%run_scoped3A, %mul3A_2] : memref<2x2048xi32, #tpu.memory_space<hbm>> -> memref<1x64xi32, #tpu.memory_space<hbm>>
      %dma_wait3A_20 = tpu.memref_squeeze %dma_wait3A_19 : memref<1x64xi32, #tpu.memory_space<hbm>> -> memref<64xi32, #tpu.memory_space<hbm>>
      %dma_wait3A_21 = tpu.memref_slice %arg3[%run_scoped3A, %mul3A_2] : memref<2x2048xi32, #tpu.memory_space<hbm>> -> memref<1x64xi32, #tpu.memory_space<hbm>>
      %dma_wait3A_22 = tpu.memref_squeeze %dma_wait3A_21 : memref<1x64xi32, #tpu.memory_space<hbm>> -> memref<64xi32, #tpu.memory_space<hbm>>
      tpu.wait_dma2 semaphore(%run_scoped3A_14 : memref<!tpu.dma_semaphore, #tpu.memory_space<semaphore_mem>>) src(%dma_wait3A_22 : memref<64xi32, #tpu.memory_space<hbm>>) dst(%arg6 : memref<64xi32, #tpu.memory_space<vmem>>)
      tpu.yield
    }) : () -> ()
    %run_scoped3A_3 = arith.constant 1 : i32
    "tpu.region"() ({
      %run_scoped3A_14 = tpu.sem_alloc : memref<!tpu.dma_semaphore, #tpu.memory_space<semaphore_mem>>
      %dma_start3A_15 = tpu.memref_slice %arg3[%run_scoped3A_3, %mul3A_2] : memref<2x2048xi32, #tpu.memory_space<hbm>> -> memref<1x64xi32, #tpu.memory_space<hbm>>
      %dma_start3A_16 = tpu.memref_squeeze %dma_start3A_15 : memref<1x64xi32, #tpu.memory_space<hbm>> -> memref<64xi32, #tpu.memory_space<hbm>>
      %dma_start3A_17 = tpu.memref_slice %arg3[%run_scoped3A_3, %mul3A_2] : memref<2x2048xi32, #tpu.memory_space<hbm>> -> memref<1x64xi32, #tpu.memory_space<hbm>>
      %dma_start3A_18 = tpu.memref_squeeze %dma_start3A_17 : memref<1x64xi32, #tpu.memory_space<hbm>> -> memref<64xi32, #tpu.memory_space<hbm>>
      tpu.enqueue_dma source(%dma_start3A_18 : memref<64xi32, #tpu.memory_space<hbm>>) target(%arg7 : memref<64xi32, #tpu.memory_space<vmem>>) target_semaphore(%run_scoped3A_14 : memref<!tpu.dma_semaphore, #tpu.memory_space<semaphore_mem>>)
      %dma_wait3A_19 = tpu.memref_slice %arg3[%run_scoped3A_3, %mul3A_2] : memref<2x2048xi32, #tpu.memory_space<hbm>> -> memref<1x64xi32, #tpu.memory_space<hbm>>
      %dma_wait3A_20 = tpu.memref_squeeze %dma_wait3A_19 : memref<1x64xi32, #tpu.memory_space<hbm>> -> memref<64xi32, #tpu.memory_space<hbm>>
      %dma_wait3A_21 = tpu.memref_slice %arg3[%run_scoped3A_3, %mul3A_2] : memref<2x2048xi32, #tpu.memory_space<hbm>> -> memref<1x64xi32, #tpu.memory_space<hbm>>
      %dma_wait3A_22 = tpu.memref_squeeze %dma_wait3A_21 : memref<1x64xi32, #tpu.memory_space<hbm>> -> memref<64xi32, #tpu.memory_space<hbm>>
      tpu.wait_dma2 semaphore(%run_scoped3A_14 : memref<!tpu.dma_semaphore, #tpu.memory_space<semaphore_mem>>) src(%dma_wait3A_22 : memref<64xi32, #tpu.memory_space<hbm>>) dst(%arg7 : memref<64xi32, #tpu.memory_space<vmem>>)
      tpu.yield
    }) : () -> ()
    "tpu.region"() ({
      %run_scoped3A_14 = tpu.sem_alloc : memref<!tpu.dma_semaphore, #tpu.memory_space<semaphore_mem>>
      %dma_start3A_15 = arith.constant 0 : i32
      %dma_start3A_16 = tpu.memref_slice %arg2[%mul3A_2, %dma_start3A_15] : memref<2048x768xf32, #tpu.memory_space<hbm>> -> memref<64x768xf32, #tpu.memory_space<hbm>>
      %dma_start3A_17 = arith.constant 0 : i32
      %dma_start3A_18 = tpu.memref_slice %arg2[%mul3A_2, %dma_start3A_17] : memref<2048x768xf32, #tpu.memory_space<hbm>> -> memref<64x768xf32, #tpu.memory_space<hbm>>
      tpu.enqueue_dma source(%dma_start3A_18 : memref<64x768xf32, #tpu.memory_space<hbm>>) target(%arg5 : memref<64x768xf32, #tpu.memory_space<vmem>>) target_semaphore(%run_scoped3A_14 : memref<!tpu.dma_semaphore, #tpu.memory_space<semaphore_mem>>)
      %dma_wait3A_19 = arith.constant 0 : i32
      %dma_wait3A_20 = tpu.memref_slice %arg2[%mul3A_2, %dma_wait3A_19] : memref<2048x768xf32, #tpu.memory_space<hbm>> -> memref<64x768xf32, #tpu.memory_space<hbm>>
      %dma_wait3A_21 = arith.constant 0 : i32
      %dma_wait3A_22 = tpu.memref_slice %arg2[%mul3A_2, %dma_wait3A_21] : memref<2048x768xf32, #tpu.memory_space<hbm>> -> memref<64x768xf32, #tpu.memory_space<hbm>>
      tpu.wait_dma2 semaphore(%run_scoped3A_14 : memref<!tpu.dma_semaphore, #tpu.memory_space<semaphore_mem>>) src(%dma_wait3A_22 : memref<64x768xf32, #tpu.memory_space<hbm>>) dst(%arg5 : memref<64x768xf32, #tpu.memory_space<vmem>>)
      tpu.yield
    }) : () -> ()
    %dma_start3A = arith.constant 0 : i32
    %dma_start3A_4 = arith.constant 0 : i32
    %dma_start3A_5 = tpu.memref_slice %arg4[%dma_start3A, %dma_start3A_4] : memref<5120x768xf32, #tpu.memory_space<hbm>> -> memref<5120x768xf32, #tpu.memory_space<hbm>>
    tpu.enqueue_indirect_dma source(%arg5 : memref<64x768xf32, #tpu.memory_space<vmem>>) target(%dma_start3A_5 : memref<5120x768xf32, #tpu.memory_space<hbm>>) offsets(%arg6 : memref<64xi32, #tpu.memory_space<vmem>>) semaphore(%arg8 : memref<!tpu.dma_semaphore, #tpu.memory_space<semaphore_mem>>)
    %dma_start3A_6 = arith.constant 0 : i32
    %dma_start3A_7 = arith.constant 0 : i32
    %dma_start3A_8 = tpu.memref_slice %arg4[%dma_start3A_6, %dma_start3A_7] : memref<5120x768xf32, #tpu.memory_space<hbm>> -> memref<5120x768xf32, #tpu.memory_space<hbm>>
    tpu.enqueue_indirect_dma source(%arg5 : memref<64x768xf32, #tpu.memory_space<vmem>>) target(%dma_start3A_8 : memref<5120x768xf32, #tpu.memory_space<hbm>>) offsets(%arg7 : memref<64xi32, #tpu.memory_space<vmem>>) semaphore(%arg9 : memref<!tpu.dma_semaphore, #tpu.memory_space<semaphore_mem>>)
    %dma_wait3A = arith.constant 0 : i32
    %dma_wait3A_9 = arith.constant 0 : i32
    %dma_wait3A_10 = tpu.memref_slice %arg4[%dma_wait3A, %dma_wait3A_9] : memref<5120x768xf32, #tpu.memory_space<hbm>> -> memref<5120x768xf32, #tpu.memory_space<hbm>>
    tpu.wait_indirect_dma semaphore(%arg8 : memref<!tpu.dma_semaphore, #tpu.memory_space<semaphore_mem>>) src(%arg5 : memref<64x768xf32, #tpu.memory_space<vmem>>) dst(%dma_wait3A_10 : memref<5120x768xf32, #tpu.memory_space<hbm>>)
    %dma_wait3A_11 = arith.constant 0 : i32
    %dma_wait3A_12 = arith.constant 0 : i32
    %dma_wait3A_13 = tpu.memref_slice %arg4[%dma_wait3A_11, %dma_wait3A_12] : memref<5120x768xf32, #tpu.memory_space<hbm>> -> memref<5120x768xf32, #tpu.memory_space<hbm>>
    tpu.wait_indirect_dma semaphore(%arg9 : memref<!tpu.dma_semaphore, #tpu.memory_space<semaphore_mem>>) src(%arg5 : memref<64x768xf32, #tpu.memory_space<vmem>>) dst(%dma_wait3A_13 : memref<5120x768xf32, #tpu.memory_space<hbm>>)
    return
  }
}

module attributes {stable_mosaic.version = 14 : i64} {
  func.func @_router_body(%arg0: memref<2048x768xf32, #tpu.memory_space<vmem>>, %arg1: memref<8x768xf32, #tpu.memory_space<vmem>>, %arg2: memref<1x8xf32, #tpu.memory_space<vmem>>, %arg3: memref<2x2048xi32, #tpu.memory_space<vmem>>, %arg4: memref<2x2048xf32, #tpu.memory_space<vmem>>, %arg5: memref<1x64xi32, #tpu.memory_space<vmem>>) attributes {dimension_semantics = [], scalar_prefetch = 0 : i64, scratch_operands = 0 : i64, tpu.core_type = #tpu.core_type<tc>} {
    %get3A = arith.constant 0 : index
    %get3A_0 = arith.constant 0 : index
    %get3A_1 = vector.load %arg0[%get3A, %get3A_0] : memref<2048x768xf32, #tpu.memory_space<vmem>>, vector<2048x768xf32>
    %get3A_2 = arith.constant 0 : index
    %get3A_3 = arith.constant 0 : index
    %get3A_4 = vector.load %arg1[%get3A_2, %get3A_3] : memref<8x768xf32, #tpu.memory_space<vmem>>, vector<8x768xf32>
    %dot_general3A = arith.constant dense<0.000000e+00> : vector<2048x8xf32>
    %dot_general3A_5 = tpu.matmul %get3A_1, %get3A_4, %dot_general3A {dimension_numbers = #tpu.dot_dimension_numbers<[1], [1], [0], [0], [0, 0, 1, 0], [], []>, transpose_lhs_hint = false} : vector<2048x768xf32>, vector<8x768xf32>, vector<2048x8xf32> -> vector<2048x8xf32>
    %get3A_6 = arith.constant 0 : index
    %get3A_7 = arith.constant 0 : index
    %get3A_8 = vector.load %arg2[%get3A_6, %get3A_7] : memref<1x8xf32, #tpu.memory_space<vmem>>, vector<1x8xf32>
    %add3A = vector.broadcast %get3A_8 : vector<1x8xf32> to vector<2048x8xf32>
    %add3A_9 = arith.addf %dot_general3A_5, %add3A : vector<2048x8xf32>
    %reduce_max3A = arith.constant dense<0xFF800000> : vector<2048xf32>
    %reduce_max3A_10 = vector.multi_reduction <maximumf>, %add3A_9, %reduce_max3A [1] : vector<2048x8xf32> to vector<2048xf32>
    %broadcast_in_dim3A = vector.shape_cast %reduce_max3A_10 : vector<2048xf32> to vector<2048x1xf32>
    %sub3A = vector.broadcast %broadcast_in_dim3A : vector<2048x1xf32> to vector<2048x8xf32>
    %sub3A_11 = arith.subf %add3A_9, %sub3A : vector<2048x8xf32>
    %exp3A = math.exp %sub3A_11 : vector<2048x8xf32>
    %reduce_sum3A = arith.constant dense<0.000000e+00> : vector<2048xf32>
    %reduce_sum3A_12 = vector.multi_reduction <add>, %exp3A, %reduce_sum3A [1] : vector<2048x8xf32> to vector<2048xf32>
    %broadcast_in_dim3A_13 = vector.shape_cast %reduce_sum3A_12 : vector<2048xf32> to vector<2048x1xf32>
    %div3A = vector.broadcast %broadcast_in_dim3A_13 : vector<2048x1xf32> to vector<2048x8xf32>
    %div3A_14 = arith.divf %exp3A, %div3A : vector<2048x8xf32>
    %iota3A = tpu.iota {dimensions = array<i32: 1>} : vector<2048x8xi32>
    %argmax3A = tpu.reduce_index %div3A_14 {axis = 1 : i32, kind = #tpu.reduction_kind<arg_max>} : vector<2048x8xf32> -> vector<2048xi32>
    %reduce_max3A_15 = arith.constant dense<0xFF800000> : vector<2048xf32>
    %reduce_max3A_16 = vector.multi_reduction <maximumf>, %div3A_14, %reduce_max3A_15 [1] : vector<2048x8xf32> to vector<2048xf32>
    %broadcast_in_dim3A_17 = vector.shape_cast %argmax3A : vector<2048xi32> to vector<2048x1xi32>
    %eq3A = vector.broadcast %broadcast_in_dim3A_17 : vector<2048x1xi32> to vector<2048x8xi32>
    %eq3A_18 = arith.cmpi eq, %iota3A, %eq3A : vector<2048x8xi32>
    %jit3A = arith.constant -1.000000e+00 : f32
    %broadcast_in_dim3A_19 = vector.broadcast %jit3A : f32 to vector<2048x8xf32>
    %select_n3A = arith.select %eq3A_18, %broadcast_in_dim3A_19, %div3A_14 : vector<2048x8xi1>, vector<2048x8xf32>
    %argmax3A_20 = tpu.reduce_index %select_n3A {axis = 1 : i32, kind = #tpu.reduction_kind<arg_max>} : vector<2048x8xf32> -> vector<2048xi32>
    %reduce_max3A_21 = arith.constant dense<0xFF800000> : vector<2048xf32>
    %reduce_max3A_22 = vector.multi_reduction <maximumf>, %select_n3A, %reduce_max3A_21 [1] : vector<2048x8xf32> to vector<2048xf32>
    %broadcast_in_dim3A_23 = vector.shape_cast %argmax3A_20 : vector<2048xi32> to vector<2048x1xi32>
    %eq3A_24 = vector.broadcast %broadcast_in_dim3A_23 : vector<2048x1xi32> to vector<2048x8xi32>
    %eq3A_25 = arith.cmpi eq, %iota3A, %eq3A_24 : vector<2048x8xi32>
    %add3A_26 = arith.addf %reduce_max3A_16, %reduce_max3A_22 : vector<2048xf32>
    %add3A_27 = arith.constant 9.99999971E-10 : f32
    %add3A_28 = vector.broadcast %add3A_27 : f32 to vector<2048xf32>
    %add3A_29 = arith.addf %add3A_26, %add3A_28 : vector<2048xf32>
    %div3A_30 = arith.divf %reduce_max3A_16, %add3A_29 : vector<2048xf32>
    %div3A_31 = arith.divf %reduce_max3A_22, %add3A_29 : vector<2048xf32>
    %broadcast_in_dim3A_32 = vector.shape_cast %div3A_30 : vector<2048xf32> to vector<1x2048xf32>
    %broadcast_in_dim3A_33 = vector.shape_cast %div3A_31 : vector<2048xf32> to vector<1x2048xf32>
    %concatenate3A = tpu.concatenate %broadcast_in_dim3A_32, %broadcast_in_dim3A_33 in 0 : vector<1x2048xf32>, vector<1x2048xf32> -> vector<2x2048xf32>
    %swap3A = arith.constant 0 : index
    %swap3A_34 = arith.constant 0 : index
    %swap3A_35 = vector.load %arg4[%swap3A, %swap3A_34] : memref<2x2048xf32, #tpu.memory_space<vmem>>, vector<2x2048xf32>
    tpu.vector_store %arg4[%swap3A, %swap3A_34], %concatenate3A {strides = array<i32>} : memref<2x2048xf32, #tpu.memory_space<vmem>>, vector<2x2048xf32>,
    %convert_element_type3A = arith.extui %eq3A_18 : vector<2048x8xi1> to vector<2048x8xi32>
    %convert_element_type3A_36 = arith.sitofp %convert_element_type3A : vector<2048x8xi32> to vector<2048x8xf32>
    %convert_element_type3A_37 = arith.extui %eq3A_25 : vector<2048x8xi1> to vector<2048x8xi32>
    %convert_element_type3A_38 = arith.sitofp %convert_element_type3A_37 : vector<2048x8xi32> to vector<2048x8xf32>
    %add3A_39 = arith.addf %convert_element_type3A_36, %convert_element_type3A_38 : vector<2048x8xf32>
    %iota3A_40 = tpu.iota {dimensions = array<i32: 0>} : vector<2048x2048xi32>
    %iota3A_41 = tpu.iota {dimensions = array<i32: 1>} : vector<2048x2048xi32>
    %lt3A = arith.cmpi slt, %iota3A_41, %iota3A_40 : vector<2048x2048xi32>
    %convert_element_type3A_42 = arith.extui %lt3A : vector<2048x2048xi1> to vector<2048x2048xi32>
    %convert_element_type3A_43 = arith.sitofp %convert_element_type3A_42 : vector<2048x2048xi32> to vector<2048x2048xf32>
    %dot_general3A_44 = arith.constant dense<0.000000e+00> : vector<2048x8xf32>
    %dot_general3A_45 = tpu.matmul %convert_element_type3A_43, %add3A_39, %dot_general3A_44 {dimension_numbers = #tpu.dot_dimension_numbers<[1], [0], [0], [1], [0, 0, 1, 1], [], []>, transpose_lhs_hint = false} : vector<2048x2048xf32>, vector<2048x8xf32>, vector<2048x8xf32> -> vector<2048x8xf32>
    %reduce_sum3A_46 = arith.constant dense<0.000000e+00> : vector<8xf32>
    %reduce_sum3A_47 = vector.multi_reduction <add>, %add3A_39, %reduce_sum3A_46 [0] : vector<2048x8xf32> to vector<8xf32>
    %broadcast_in_dim3A_48 = vector.shape_cast %reduce_sum3A_47 : vector<8xf32> to vector<1x8xf32>
    %convert_element_type3A_49 = arith.fptosi %broadcast_in_dim3A_48 : vector<1x8xf32> to vector<1x8xi32>
    %add3A_50 = arith.constant 127 : i32
    %add3A_51 = vector.broadcast %add3A_50 : i32 to vector<1x8xi32>
    %add3A_52 = arith.addi %convert_element_type3A_49, %add3A_51 : vector<1x8xi32>
    %jit3A_53 = arith.constant 128 : i32
    %div3A_54 = vector.broadcast %jit3A_53 : i32 to vector<1x8xi32>
    %div3A_55 = arith.divsi %add3A_52, %div3A_54 : vector<1x8xi32>
    %sign3A = arith.constant 0 : i32
    %sign3A_56 = vector.broadcast %sign3A : i32 to vector<1x8xi32>
    %sign3A_57 = arith.cmpi sgt, %add3A_52, %sign3A_56 : vector<1x8xi32>
    %sign3A_58 = arith.extui %sign3A_57 : vector<1x8xi1> to vector<1x8xi32>
    %sign3A_59 = arith.constant 0 : i32
    %sign3A_60 = vector.broadcast %sign3A_59 : i32 to vector<1x8xi32>
    %sign3A_61 = arith.cmpi slt, %add3A_52, %sign3A_60 : vector<1x8xi32>
    %sign3A_62 = arith.extui %sign3A_61 : vector<1x8xi1> to vector<1x8xi32>
    %sign3A_63 = arith.subi %sign3A_58, %sign3A_62 : vector<1x8xi32>
    %sign3A_64 = arith.constant 0 : i32
    %sign3A_65 = arith.cmpi sgt, %jit3A_53, %sign3A_64 : i32
    %sign3A_66 = arith.extui %sign3A_65 : i1 to i32
    %sign3A_67 = arith.constant 0 : i32
    %sign3A_68 = arith.cmpi slt, %jit3A_53, %sign3A_67 : i32
    %sign3A_69 = arith.extui %sign3A_68 : i1 to i32
    %sign3A_70 = arith.subi %sign3A_66, %sign3A_69 : i32
    %ne3A = vector.broadcast %sign3A_70 : i32 to vector<1x8xi32>
    %ne3A_71 = arith.cmpi ne, %sign3A_63, %ne3A : vector<1x8xi32>
    %rem3A = vector.broadcast %jit3A_53 : i32 to vector<1x8xi32>
    %rem3A_72 = arith.remsi %add3A_52, %rem3A : vector<1x8xi32>
    %ne3A_73 = arith.constant 0 : i32
    %ne3A_74 = vector.broadcast %ne3A_73 : i32 to vector<1x8xi32>
    %ne3A_75 = arith.cmpi ne, %rem3A_72, %ne3A_74 : vector<1x8xi32>
    %and3A = arith.andi %ne3A_71, %ne3A_75 : vector<1x8xi1>
    %sub3A_76 = arith.constant 1 : i32
    %sub3A_77 = vector.broadcast %sub3A_76 : i32 to vector<1x8xi32>
    %sub3A_78 = arith.subi %div3A_55, %sub3A_77 : vector<1x8xi32>
    %select_n3A_79 = arith.select %and3A, %sub3A_78, %div3A_55 : vector<1x8xi1>, vector<1x8xi32>
    %iota3A_80 = tpu.iota {dimensions = array<i32: 0>} : vector<8x8xi32>
    %iota3A_81 = tpu.iota {dimensions = array<i32: 1>} : vector<8x8xi32>
    %le3A = arith.cmpi sle, %iota3A_80, %iota3A_81 : vector<8x8xi32>
    %convert_element_type3A_82 = arith.extui %le3A : vector<8x8xi1> to vector<8x8xi32>
    %convert_element_type3A_83 = arith.sitofp %convert_element_type3A_82 : vector<8x8xi32> to vector<8x8xf32>
    %convert_element_type3A_84 = arith.sitofp %select_n3A_79 : vector<1x8xi32> to vector<1x8xf32>
    %dot_general3A_85 = arith.constant dense<0.000000e+00> : vector<1x8xf32>
    %dot_general3A_86 = tpu.matmul %convert_element_type3A_84, %convert_element_type3A_83, %dot_general3A_85 {dimension_numbers = #tpu.dot_dimension_numbers<[1], [0], [0], [1], [0, 0, 1, 1], [], []>, transpose_lhs_hint = false} : vector<1x8xf32>, vector<8x8xf32>, vector<1x8xf32> -> vector<1x8xf32>
    %convert_element_type3A_87 = arith.sitofp %select_n3A_79 : vector<1x8xi32> to vector<1x8xf32>
    %sub3A_88 = arith.subf %dot_general3A_86, %convert_element_type3A_87 : vector<1x8xf32>
    %mul3A = arith.constant 1.280000e+02 : f32
    %mul3A_89 = vector.broadcast %mul3A : f32 to vector<1x8xf32>
    %mul3A_90 = arith.mulf %sub3A_88, %mul3A_89 : vector<1x8xf32>
    %jit3A_91 = arith.constant 0.000000e+00 : f32
    %broadcast_in_dim3A_92 = vector.broadcast %jit3A_91 : f32 to vector<2048x8xf32>
    %select_n3A_93 = arith.select %eq3A_18, %dot_general3A_45, %broadcast_in_dim3A_92 : vector<2048x8xi1>, vector<2048x8xf32>
    %reduce_sum3A_94 = arith.constant dense<0.000000e+00> : vector<2048xf32>
    %reduce_sum3A_95 = vector.multi_reduction <add>, %select_n3A_93, %reduce_sum3A_94 [1] : vector<2048x8xf32> to vector<2048xf32>
    %jit3A_96 = arith.constant 0.000000e+00 : f32
    %broadcast_in_dim3A_97 = vector.broadcast %jit3A_96 : f32 to vector<2048x8xf32>
    %select_n3A_98 = arith.select %eq3A_25, %dot_general3A_45, %broadcast_in_dim3A_97 : vector<2048x8xi1>, vector<2048x8xf32>
    %reduce_sum3A_99 = arith.constant dense<0.000000e+00> : vector<2048xf32>
    %reduce_sum3A_100 = vector.multi_reduction <add>, %select_n3A_98, %reduce_sum3A_99 [1] : vector<2048x8xf32> to vector<2048xf32>
    %jit3A_101 = arith.constant 0.000000e+00 : f32
    %broadcast_in_dim3A_102 = vector.shape_cast %mul3A_90 : vector<1x8xf32> to vector<1x8xf32>
    %broadcast_in_dim3A_103 = vector.broadcast %broadcast_in_dim3A_102 : vector<1x8xf32> to vector<2048x8xf32>
    %broadcast_in_dim3A_104 = vector.broadcast %jit3A_101 : f32 to vector<2048x8xf32>
    %select_n3A_105 = arith.select %eq3A_18, %broadcast_in_dim3A_103, %broadcast_in_dim3A_104 : vector<2048x8xi1>, vector<2048x8xf32>
    %reduce_sum3A_106 = arith.constant dense<0.000000e+00> : vector<2048xf32>
    %reduce_sum3A_107 = vector.multi_reduction <add>, %select_n3A_105, %reduce_sum3A_106 [1] : vector<2048x8xf32> to vector<2048xf32>
    %jit3A_108 = arith.constant 0.000000e+00 : f32
    %broadcast_in_dim3A_109 = vector.shape_cast %mul3A_90 : vector<1x8xf32> to vector<1x8xf32>
    %broadcast_in_dim3A_110 = vector.broadcast %broadcast_in_dim3A_109 : vector<1x8xf32> to vector<2048x8xf32>
    %broadcast_in_dim3A_111 = vector.broadcast %jit3A_108 : f32 to vector<2048x8xf32>
    %select_n3A_112 = arith.select %eq3A_25, %broadcast_in_dim3A_110, %broadcast_in_dim3A_111 : vector<2048x8xi1>, vector<2048x8xf32>
    %reduce_sum3A_113 = arith.constant dense<0.000000e+00> : vector<2048xf32>
    %reduce_sum3A_114 = vector.multi_reduction <add>, %select_n3A_112, %reduce_sum3A_113 [1] : vector<2048x8xf32> to vector<2048xf32>
    %add3A_115 = arith.addf %reduce_sum3A_107, %reduce_sum3A_95 : vector<2048xf32>
    %convert_element_type3A_116 = arith.fptosi %add3A_115 : vector<2048xf32> to vector<2048xi32>
    %add3A_117 = arith.addf %reduce_sum3A_114, %reduce_sum3A_100 : vector<2048xf32>
    %convert_element_type3A_118 = arith.fptosi %add3A_117 : vector<2048xf32> to vector<2048xi32>
    %broadcast_in_dim3A_119 = vector.shape_cast %convert_element_type3A_116 : vector<2048xi32> to vector<1x2048xi32>
    %broadcast_in_dim3A_120 = vector.shape_cast %convert_element_type3A_118 : vector<2048xi32> to vector<1x2048xi32>
    %concatenate3A_121 = tpu.concatenate %broadcast_in_dim3A_119, %broadcast_in_dim3A_120 in 0 : vector<1x2048xi32>, vector<1x2048xi32> -> vector<2x2048xi32>
    %swap3A_122 = arith.constant 0 : index
    %swap3A_123 = arith.constant 0 : index
    %swap3A_124 = vector.load %arg3[%swap3A_122, %swap3A_123] : memref<2x2048xi32, #tpu.memory_space<vmem>>, vector<2x2048xi32>
    tpu.vector_store %arg3[%swap3A_122, %swap3A_123], %concatenate3A_121 {strides = array<i32>} : memref<2x2048xi32, #tpu.memory_space<vmem>>, vector<2x2048xi32>,
    %convert_element_type3A_125 = arith.fptosi %dot_general3A_86 : vector<1x8xf32> to vector<1x8xi32>
    %iota3A_126 = tpu.iota {dimensions = array<i32: 0>} : vector<40x8xi32>
    %ge3A = vector.broadcast %convert_element_type3A_125 : vector<1x8xi32> to vector<40x8xi32>
    %ge3A_127 = arith.cmpi sge, %iota3A_126, %ge3A : vector<40x8xi32>
    %convert_element_type3A_128 = arith.extui %ge3A_127 : vector<40x8xi1> to vector<40x8xi32>
    %reduce_sum3A_129 = arith.constant dense<0> : vector<40xi32>
    %reduce_sum3A_130 = vector.multi_reduction <add>, %convert_element_type3A_128, %reduce_sum3A_129 [1] : vector<40x8xi32> to vector<40xi32>
    %iota3A_131 = tpu.iota {dimensions = array<i32: 1>} : vector<1x8xi32>
    %gt3A = arith.constant 0 : i32
    %gt3A_132 = vector.broadcast %gt3A : i32 to vector<1x8xi32>
    %gt3A_133 = arith.cmpi sgt, %convert_element_type3A_49, %gt3A_132 : vector<1x8xi32>
    %jit3A_134 = arith.constant 0 : i32
    %broadcast_in_dim3A_135 = vector.broadcast %jit3A_134 : i32 to vector<1x8xi32>
    %select_n3A_136 = arith.select %gt3A_133, %iota3A_131, %broadcast_in_dim3A_135 : vector<1x8xi1>, vector<1x8xi32>
    %reduce_max3A_137 = vector.shape_cast %select_n3A_136 : vector<1x8xi32> to vector<1x1x8xi32>
    %reduce_max3A_138 = arith.constant dense<-2147483648> : vector<1xi32>
    %reduce_max3A_139 = vector.multi_reduction <maxsi>, %reduce_max3A_137, %reduce_max3A_138 [1, 2] : vector<1x1x8xi32> to vector<1xi32>
    %reduce_max3A_140 = vector.shape_cast %reduce_max3A_139 : vector<1xi32> to vector<1x1x1xi32>
    %reduce_max3A_141 = vector.extract %reduce_max3A_140[0, 0, 0] : i32 from vector<1x1x1xi32>
    %min3A = vector.broadcast %reduce_max3A_141 : i32 to vector<40xi32>
    %min3A_142 = arith.minsi %reduce_sum3A_130, %min3A : vector<40xi32>
    %slice3A = vector.extract_strided_slice %convert_element_type3A_125 {offsets = [0, 7], sizes = [1, 1], strides = [1, 1]} : vector<1x8xi32> to vector<1x1xi32>
    %squeeze3A = vector.extract %slice3A[0, 0] : i32 from vector<1x1xi32>
    %broadcast_in_dim3A_143 = arith.constant 0 : i32
    %broadcast_in_dim3A_144 = vector.broadcast %broadcast_in_dim3A_143 : i32 to vector<24xi32>
    %concatenate3A_145 = tpu.concatenate %min3A_142, %broadcast_in_dim3A_144 in 0 : vector<40xi32>, vector<24xi32> -> vector<64xi32>
    %broadcast_in_dim3A_146 = vector.shape_cast %concatenate3A_145 : vector<64xi32> to vector<1x64xi32>
    %iota3A_147 = tpu.iota {dimensions = array<i32: 1>} : vector<1x64xi32>
    %eq3A_148 = arith.constant 40 : i32
    %eq3A_149 = vector.broadcast %eq3A_148 : i32 to vector<1x64xi32>
    %eq3A_150 = arith.cmpi eq, %iota3A_147, %eq3A_149 : vector<1x64xi32>
    %broadcast_in_dim3A_151 = vector.broadcast %squeeze3A : i32 to vector<1x64xi32>
    %select_n3A_152 = arith.select %eq3A_150, %broadcast_in_dim3A_151, %broadcast_in_dim3A_146 : vector<1x64xi1>, vector<1x64xi32>
    %swap3A_153 = arith.constant 0 : index
    %swap3A_154 = arith.constant 0 : index
    %swap3A_155 = vector.load %arg5[%swap3A_153, %swap3A_154] : memref<1x64xi32, #tpu.memory_space<vmem>>, vector<1x64xi32>
    tpu.vector_store %arg5[%swap3A_153, %swap3A_154], %select_n3A_152 {strides = array<i32>} : memref<1x64xi32, #tpu.memory_space<vmem>>, vector<1x64xi32>,
    return
  }
}

module attributes {stable_mosaic.version = 14 : i64} {
  func.func @_moe_body(%arg0: i32, %arg1: memref<41xi32, #tpu.memory_space<smem>>, %arg2: memref<128x768xf32, #tpu.memory_space<vmem>>, %arg3: memref<1x2048x768xbf16, #tpu.memory_space<vmem>>, %arg4: memref<1x2048x768xbf16, #tpu.memory_space<vmem>>, %arg5: memref<1x768x2048xbf16, #tpu.memory_space<vmem>>, %arg6: memref<128x768xf32, #tpu.memory_space<vmem>>) attributes {dimension_semantics = [#tpu.dimension_semantics<arbitrary>], iteration_bounds = array<i64: 40>, scalar_prefetch = 1 : i64, scratch_operands = 0 : i64, tpu.core_type = #tpu.core_type<tc>, window_params = [{transform_indices = @transform_0, window_bounds = array<i64: 128, 768>}, {transform_indices = @transform_1, window_bounds = array<i64: 1, 2048, 768>}, {transform_indices = @transform_2, window_bounds = array<i64: 1, 2048, 768>}, {transform_indices = @transform_3, window_bounds = array<i64: 1, 768, 2048>}, {transform_indices = @transform_4, window_bounds = array<i64: 128, 768>}]} {
    %get3A = arith.constant 40 : index
    %get3A_0 = memref.load %arg1[%get3A] : memref<41xi32, #tpu.memory_space<smem>>
    %lt3A = arith.cmpi slt, %arg0, %get3A_0 : i32
    %convert_element_type3A = arith.extui %lt3A : i1 to i32
    %cond3A = arith.constant 0 : i32
    %cond3A_1 = arith.cmpi ne, %convert_element_type3A, %cond3A : i32
    scf.if %cond3A_1 {
      %get3A_2 = arith.constant 0 : index
      %get3A_3 = arith.constant 0 : index
      %get3A_4 = vector.load %arg2[%get3A_2, %get3A_3] : memref<128x768xf32, #tpu.memory_space<vmem>>, vector<128x768xf32>
      %convert_element_type3A_5 = arith.truncf %get3A_4 : vector<128x768xf32> to vector<128x768xbf16>
      %get3A_6 = arith.constant 0 : index
      %get3A_7 = arith.constant 0 : index
      %get3A_8 = arith.constant 0 : index
      %get3A_9 = vector.load %arg3[%get3A_6, %get3A_7, %get3A_8] : memref<1x2048x768xbf16, #tpu.memory_space<vmem>>, vector<1x2048x768xbf16>
      %get3A_10 = vector.shape_cast %get3A_9 : vector<1x2048x768xbf16> to vector<2048x768xbf16>
      %dot_general3A = arith.constant dense<0.000000e+00> : vector<128x2048xf32>
      %dot_general3A_11 = tpu.matmul %convert_element_type3A_5, %get3A_10, %dot_general3A {dimension_numbers = #tpu.dot_dimension_numbers<[1], [1], [0], [0], [0, 0, 1, 0], [], []>, transpose_lhs_hint = false} : vector<128x768xbf16>, vector<2048x768xbf16>, vector<128x2048xf32> -> vector<128x2048xf32>
      %get3A_12 = arith.constant 0 : index
      %get3A_13 = arith.constant 0 : index
      %get3A_14 = arith.constant 0 : index
      %get3A_15 = vector.load %arg4[%get3A_12, %get3A_13, %get3A_14] : memref<1x2048x768xbf16, #tpu.memory_space<vmem>>, vector<1x2048x768xbf16>
      %get3A_16 = vector.shape_cast %get3A_15 : vector<1x2048x768xbf16> to vector<2048x768xbf16>
      %dot_general3A_17 = arith.constant dense<0.000000e+00> : vector<128x2048xf32>
      %dot_general3A_18 = tpu.matmul %convert_element_type3A_5, %get3A_16, %dot_general3A_17 {dimension_numbers = #tpu.dot_dimension_numbers<[1], [1], [0], [0], [0, 0, 1, 0], [], []>, transpose_lhs_hint = false} : vector<128x768xbf16>, vector<2048x768xbf16>, vector<128x2048xf32> -> vector<128x2048xf32>
      %logistic3A = arith.negf %dot_general3A_11 : vector<128x2048xf32>
      %logistic3A_19 = math.exp %logistic3A : vector<128x2048xf32>
      %logistic3A_20 = arith.constant 1.000000e+00 : f32
      %logistic3A_21 = vector.broadcast %logistic3A_20 : f32 to vector<128x2048xf32>
      %logistic3A_22 = arith.addf %logistic3A_21, %logistic3A_19 : vector<128x2048xf32>
      %logistic3A_23 = arith.divf %logistic3A_21, %logistic3A_22 : vector<128x2048xf32>
      %mul3A = arith.mulf %dot_general3A_11, %logistic3A_23 : vector<128x2048xf32>
      %mul3A_24 = arith.mulf %mul3A, %dot_general3A_18 : vector<128x2048xf32>
      %convert_element_type3A_25 = arith.truncf %mul3A_24 : vector<128x2048xf32> to vector<128x2048xbf16>
      %get3A_26 = arith.constant 0 : index
      %get3A_27 = arith.constant 0 : index
      %get3A_28 = arith.constant 0 : index
      %get3A_29 = vector.load %arg5[%get3A_26, %get3A_27, %get3A_28] : memref<1x768x2048xbf16, #tpu.memory_space<vmem>>, vector<1x768x2048xbf16>
      %get3A_30 = vector.shape_cast %get3A_29 : vector<1x768x2048xbf16> to vector<768x2048xbf16>
      %dot_general3A_31 = arith.constant dense<0.000000e+00> : vector<128x768xf32>
      %dot_general3A_32 = tpu.matmul %convert_element_type3A_25, %get3A_30, %dot_general3A_31 {dimension_numbers = #tpu.dot_dimension_numbers<[1], [1], [0], [0], [0, 0, 1, 0], [], []>, transpose_lhs_hint = false} : vector<128x2048xbf16>, vector<768x2048xbf16>, vector<128x768xf32> -> vector<128x768xf32>
      %swap3A = arith.constant 0 : index
      %swap3A_33 = arith.constant 0 : index
      %swap3A_34 = vector.load %arg6[%swap3A, %swap3A_33] : memref<128x768xf32, #tpu.memory_space<vmem>>, vector<128x768xf32>
      tpu.vector_store %arg6[%swap3A, %swap3A_33], %dot_general3A_32 {strides = array<i32>} : memref<128x768xf32, #tpu.memory_space<vmem>>, vector<128x768xf32>,
    } else {
    }
    return
  }
  func.func @transform_0(%arg0: i32, %arg1: memref<41xi32, #tpu.memory_space<smem>>) -> (i32, i32) {
    %c0_i32 = arith.constant 0 : i32
    %c0_i32_0 = arith.constant 0 : i32
    return %arg0, %c0_i32 : i32, i32
  }
  func.func @transform_1(%arg0: i32, %arg1: memref<41xi32, #tpu.memory_space<smem>>) -> (i32, i32, i32) {
    %get3A = arith.index_cast %arg0 : i32 to index
    %get3A_0 = memref.load %arg1[%get3A] : memref<41xi32, #tpu.memory_space<smem>>
    %c0_i32 = arith.constant 0 : i32
    %c0_i32_1 = arith.constant 0 : i32
    %c0_i32_2 = arith.constant 0 : i32
    return %get3A_0, %c0_i32, %c0_i32_1 : i32, i32, i32
  }
  func.func @transform_2(%arg0: i32, %arg1: memref<41xi32, #tpu.memory_space<smem>>) -> (i32, i32, i32) {
    %get3A = arith.index_cast %arg0 : i32 to index
    %get3A_0 = memref.load %arg1[%get3A] : memref<41xi32, #tpu.memory_space<smem>>
    %c0_i32 = arith.constant 0 : i32
    %c0_i32_1 = arith.constant 0 : i32
    %c0_i32_2 = arith.constant 0 : i32
    return %get3A_0, %c0_i32, %c0_i32_1 : i32, i32, i32
  }
  func.func @transform_3(%arg0: i32, %arg1: memref<41xi32, #tpu.memory_space<smem>>) -> (i32, i32, i32) {
    %get3A = arith.index_cast %arg0 : i32 to index
    %get3A_0 = memref.load %arg1[%get3A] : memref<41xi32, #tpu.memory_space<smem>>
    %c0_i32 = arith.constant 0 : i32
    %c0_i32_1 = arith.constant 0 : i32
    %c0_i32_2 = arith.constant 0 : i32
    return %get3A_0, %c0_i32, %c0_i32_1 : i32, i32, i32
  }
  func.func @transform_4(%arg0: i32, %arg1: memref<41xi32, #tpu.memory_space<smem>>) -> (i32, i32) {
    %c0_i32 = arith.constant 0 : i32
    %c0_i32_0 = arith.constant 0 : i32
    return %arg0, %c0_i32 : i32, i32
  }
}

</mosaic_0001>

<sc_bundles>
// kernel: kernel.6.cloned.1.call-start
scs
__scs_entry_jumppad:
0x0: {  	(pc) =	sbr.rel $0x88, $3  }
0x1: {  	(tag) =	ssettag $0x0;
	lr =	simm.s32 $0x1  }
0x2: {  	[smem:$0x3F9B] =	sst lr;
	_ =	strace $0xD0000000  }
0x3: {  	_ = 	snop  }
0x4: {  	_ = 	snop  }
0x5: {  	_ = 	snop  }
0x6: {  	_ = 	snop  }
0x7: {  	_ = 	snop  }
__scs_overlays_trampoline_lowered:
0x8: {  	[smem:$0x3FAA] =	sst s0  }
0x9: {  	[smem:$0x3FAB] =	sst s1  }
0xa: {  	[smem:$0x3FAC] =	sst s2  }
0xb: {  	[smem:$0x3FAD] =	sst s3  }
0xc: {  	[smem:$0x3FAE] =	sst s4  }
0xd: {  	[smem:$0x3FAF] =	sst s5  }
0xe: {  	[smem:$0x3FB0] =	sst s6  }
0xf: {  	[smem:$0x3FB1] =	sst s7  }
0x10: {  	[smem:$0x3FB2] =	sst s8  }
0x11: {  	[smem:$0x3FB3] =	sst s9;
	s0 =	simm.s32 @!p0 $0x0  }
0x12: {  	s1 =	sld [smem:$0x3F99];
	s0 =	simm.s32 @p0 $0x1  }
0x13: {  	[smem:$0x3FB4] =	sst s0;
	s0 =	simm.s32 @!p1 $0x0  }
0x14: {  	s2 =	sld [smem:$0x3F98];
	s0 =	simm.s32 @p1 $0x1  }
0x15: {  	[smem:$0x3FB5] =	sst s0;
	s0 =	simm.s32 @!p2 $0x0  }
0x16: {  	s3 =	sld [smem:$0x3FDB];
	s0 =	simm.s32 @p2 $0x1  }
0x17: {  	s4 =	simm.s32 $0x1BF5;
	[smem:$0x3FB7] =	sst s0  }
0x18: {  	s0 =	sld [smem:$0x3F9A];
	_ =	swait.ge [sflag:s4], $0x0  }
0x19: {  	s7 =	sld [smem:$0x3F9B]  }
0x1a: {  	s8 =	sadd.s32 $0xFFFFE003, lr  }
0x1b: {  	s9 =	sadd.s32 $0xFFFFFEF7, lr;
	s5 =	simm.s32 $0xFFFFFFFF;
	p2 =	slt.u32 s8, $0xFFFFF086  }
0x1c: {  	p1 =	slt.u32 s9, $0xF7A;
	s5 =	simm.s32 @!p2 $0x0  }
0x1d: {  	s5 =	simm.s32 @p1 $0x1;
	p0 =	seq.s32 s7, s2  }
0x1e: {  	s7 =	smul.u32 @!p0 $0xF7A, s2;
	p2 =	seq.s32 @!p0 s5, $0x0  }
0x1f: {  	s9 =	smul.u32 $0xF7A, s1;
	s8 =	simm.s32 @!p0 $0x1BF5;
	p2 =	por !p2, p0  }
0x20: {  	[sflag:s8] =	ssyncset.s32 @!p0 $0xFFFFF086;
	s6 =	sadd.s32 @!p0 s3, s7;
	s7 =	simm.s32 @!p0 $0x108  }
0x21: {  	s3 =	sadd.s32 s3, s9;
	s6 =	sadd.s32 @!p0 $0x88, s6;
	s7 =	simm.s32 @p2 $0x1082  }
0x22: {  	[simem:s7], [sflag:s8] =	dma.local @!p0 [hbm:s6], $0xF7A  }
0x23: {  	s9 =	sor.u32 $0xD0000000, s2;
	s6 =	simm.s32 $0x108;
	_ =	swait.ge @!p0 [sflag:s8], $0x0  }
0x24: {  	s3 =	sadd.s32 $0x88, s3;
	s6 =	simm.s32 @!p1 $0x1082;
	[sflag:s4] =	ssyncset.s32 $0xFFFFF086  }
0x25: {  	[simem:s6], [sflag:s4] =	dma.local [hbm:s3], $0xF7A  }
0x26: {  	[smem:$0x3F9B] =	sst s1;
	(tag) =	ssettag s2;
	_ =	strace s9  }
0x27: {  	s1 =	sld [smem:$0x3FAB]  }
0x28: {  	s2 =	sld [smem:$0x3FAC]  }
0x29: {  	s4 =	sld [smem:$0x3FAE]  }
0x2a: {  	p0 =	seq.s32 s5, $0x0;
	s5 =	sld [smem:$0x3FAF]  }
0x2b: {  	s6 =	sld [smem:$0x3FB0]  }
0x2c: {  	s7 =	sld [smem:$0x3FB1]  }
0x2d: {  	s3 =	simm.s32 $0x108;
	s8 =	sld [smem:$0x3FB2]  }
0x2e: {  	s3 =	simm.s32 @!p0 $0x1082;
	s9 =	sld [smem:$0x3FB3]  }
0x2f: {  	lr =	sadd.s32 s0, s3;
	s0 =	sld [smem:$0x3FAA]  }
0x30: {  	s3 =	sld [smem:$0x3FAD]  }
0x31: {  	[smem:$0x3FB6] =	sst s10  }
0x32: {  	s10 =	sld [smem:$0x3FB4];
	_ =	sdelay $0x3  }
0x33: {  	p0 =	seq.s32 s10, $0x1;
	s10 =	sld [smem:$0x3FB6];
	_ =	sdelay $0x3  }
0x34: {  	[smem:$0x3FB6] =	sst s10  }
0x35: {  	s10 =	sld [smem:$0x3FB5];
	_ =	sdelay $0x3  }
0x36: {  	p1 =	seq.s32 s10, $0x1;
	s10 =	sld [smem:$0x3FB6];
	_ =	sdelay $0x3  }
0x37: {  	[smem:$0x3FB6] =	sst s10  }
0x38: {  	s10 =	sld [smem:$0x3FB7]  }
0x39: {  	_ = 	snop;
	(pc) =	sbr.ind lr, $3  }
0x3a: {  	_ = 	snop  }
0x3b: {  	_ = 	snop  }
0x3c: {  	p2 =	seq.s32 s10, $0x1;
	s10 =	sld [smem:$0x3FB6]  }
0x3d: {  	_ =	shalt  }
0x3e: {  	_ =	shalt  }
0x3f: {  	_ =	shalt  }
0x40: {  	_ =	shalt  }
0x41: {  	_ =	shalt  }
0x42: {  	_ =	shalt  }
0x43: {  	_ =	shalt  }
0x44: {  	_ =	shalt  }
0x45: {  	_ =	shalt  }
0x46: {  	_ =	shalt  }
0x47: {  	_ =	shalt  }
0x48: {  	_ =	shalt  }
0x49: {  	_ =	shalt  }
0x4a: {  	_ =	shalt  }
0x4b: {  	_ =	shalt  }
0x4c: {  	_ =	shalt  }
0x4d: {  	_ =	shalt  }
0x4e: {  	_ =	shalt  }
0x4f: {  	_ =	shalt  }
0x50: {  	_ =	shalt  }
0x51: {  	_ =	shalt  }
0x52: {  	_ =	shalt  }
0x53: {  	_ =	shalt  }
0x54: {  	_ =	shalt  }
0x55: {  	_ =	shalt  }
0x56: {  	_ =	shalt  }
0x57: {  	_ =	shalt  }
0x58: {  	_ =	shalt  }
0x59: {  	_ =	shalt  }
0x5a: {  	_ =	shalt  }
0x5b: {  	_ =	shalt  }
0x5c: {  	_ =	shalt  }
0x5d: {  	_ =	shalt  }
0x5e: {  	_ =	shalt  }
0x5f: {  	_ =	shalt  }
0x60: {  	_ =	shalt  }
0x61: {  	_ =	shalt  }
0x62: {  	_ =	shalt  }
0x63: {  	_ =	shalt  }
0x64: {  	_ =	shalt  }
0x65: {  	_ =	shalt  }
0x66: {  	_ =	shalt  }
0x67: {  	_ =	shalt  }
0x68: {  	_ =	shalt  }
0x69: {  	_ =	shalt  }
0x6a: {  	_ =	shalt  }
0x6b: {  	_ =	shalt  }
0x6c: {  	_ =	shalt  }
0x6d: {  	_ =	shalt  }
0x6e: {  	_ =	shalt  }
0x6f: {  	_ =	shalt  }
0x70: {  	_ =	shalt  }
0x71: {  	_ =	shalt  }
0x72: {  	_ =	shalt  }
0x73: {  	_ =	shalt  }
0x74: {  	_ =	shalt  }
0x75: {  	_ =	shalt  }
0x76: {  	_ =	shalt  }
0x77: {  	_ =	shalt  }
0x78: {  	_ =	shalt  }
0x79: {  	_ =	shalt  }
0x7a: {  	_ =	shalt  }
0x7b: {  	_ =	shalt  }
0x7c: {  	_ =	shalt  }
0x7d: {  	_ =	shalt  }
0x7e: {  	_ =	shalt  }
0x7f: {  	_ =	shalt  }
0x80: {  	_ =	shalt  }
0x81: {  	_ =	shalt  }
0x82: {  	_ =	shalt  }
0x83: {  	_ =	shalt  }
0x84: {  	_ =	shalt  }
0x85: {  	_ =	shalt  }
0x86: {  	_ =	shalt  }
0x87: {  	_ =	shalt  }
.Lfunc_end0:
.L_simem_size_0:
called_computation_lowered:
.L_overlay_start_0:
0x88: {  	s2 =	sld [smem:$0x3FD9]  }
0x89: {  	s3 =	sld [smem:$0x3FFE];
	_ =	sdelay $0x1  }
0x8a: {  	s1 =	srdreg.scid  }
0x8b: {  	s0 =	sand.u32 $0x1, s1  }
0x8c: {  	s17 =	sshll.u32 s0, $0xA;
	s2 =	sadd.s32 s3, s2  }
0x8d: {  	s2 =	sadd.s32 s2, s17  }
0x8e: {  	[smem:$0x3FC2] =	sst s2  }
0x8f: {  	_ = 	snop  }
0x90: {  	s2 =	sld [smem:$0x3FC9];
	(tm) =	ssettm $0x1  }
0x91: {  	s18 =	sld [smem:$0x3FFB];
	_ =	sdelay $0x3  }
0x92: {  	_ =	strace s18  }
0x93: {  	s3 =	sld [smem:$0x3FFC];
	_ =	sdelay $0x3  }
0x94: {  	_ =	strace s3  }
0x95: {  	s3 =	sld [smem:$0x3FFD];
	_ =	sdelay $0x3  }
0x96: {  	_ =	strace s3  }
0x97: {  	_ =	strace $0x8FFFFFFF  }
0x98: {  	s19 =	sld [smem:$0x3FDB];
	_ =	sdelay $0x1  }
0x99: {  	s4 =	simm.s32 $_scs_section_size  }
0x9a: {  	s5 =	simm.s32 $_size__tile_overlayer_lowered;
	s6 =	simm.s32 $_tile_overlayer_lowered  }
0x9b: {  	s22 =	simm.s32 $0x1BFF;
	s21 =	sshll.u32 s6, $0x1;
	s3 =	sadd.s32 s4, s19  }
0x9c: {  	s7 =	simm.s32 $0x0;
	s20 =	sshll.u32 s5, $0x1;
	s5 =	sadd.s32 s21, s3  }
0x9d: {  	[timem:s7], [sflag:s22] =	dma.local [hbm:s5], s20  }
0x9e: {  	_ =	swait.ge [sflag:s22], s20  }
0x9f: {  	s4 =	ssub.s32 $0x0, s20;
	[sflag:s22] =	ssyncset.done $0x0  }
0xa0: {  	[sflag:s22] =	ssyncadd.s32 s4;
	_ =	sdelay $0x1  }
0xa1: {  	s23 =	simm.s32 $0x1B8B  }
0xa2: {  	_ =	swait.ge [sflag:s23], $0x1  }
0xa3: {  	[sflag:s23] =	ssyncset.done $0x0  }
0xa4: {  	s25 =	simm.s32 $0x1B8E;
	s24 =	sld [smem:$0x3FFE];
	[sflag:s23] =	ssyncadd.s32 $0xFFFFFFFF  }
0xa5: {  	s26 =	simm.s32 $execute0_lowered;
	[smem:$0x3FD2] =	sst s25  }
0xa6: {  	s5 =	sshll.u32 s26, $0x1;
	_ =	strace $0x80000046;
	[dreg:$0x1] =	wrdreg $0xFFFFFFFF  }
0xa7: {  	s28 =	simm.s32 $_size_execute0_lowered;
	s3 =	sadd.s32 s3, s5;
	[dreg:$0x0] =	wrdreg $0x0  }
0xa8: {  	s5 =	sshll.u32 s28, $0x1;
	[dreg:$0x2] =	wrdreg s3  }
0xa9: {  	[dreg:$0x3] =	wrdreg s5  }
0xaa: {  	[dreg:$0x4] =	wrdreg $0xC0  }
0xab: {  	_ =	task [dreg:s7], $0x5FFFF  }
0xac: {  	[dreg:$0x1] =	wrdreg $0xFFFFFFFF  }
0xad: {  	[dreg:$0x0] =	wrdreg $0x60  }
0xae: {  	[dreg:$0x2] =	wrdreg s2  }
0xaf: {  	[dreg:$0x3] =	wrdreg s24  }
0xb0: {  	[dreg:$0x4] =	wrdreg $0x9  }
0xb1: {  	_ =	task.clear_ibuf [dreg:s7], $0x5FFFF;
	_ =	strace $0x90000046  }
0xb2: {  	s29 =	simm.s32 $0x9;
	_ =	strace $0x80000048  }
0xb3: {  	_ =	swait.ge [sflag:s29], $0x1  }
0xb4: {  	[sflag:s29] =	ssyncadd.s32 $0xFFFFFFFF  }
0xb5: {  	_ =	strace $0x90000048  }
0xb6: {  	_ =	sfence  }
0xb7: {  	s30 =	sld [smem:$0x0];
	_ =	sdelay $0x2  }
0xb8: {  	s31 =	sshll.u32 s1, $0xD;
	s1 =	sshrl.u32 s1, $0x2  }
0xb9: {  	s3 =	sand.u32 $0x4000, s31;
	s1 =	sadd.s32 s1, s30  }
0xba: {  	s0 =	sor.u32 s3, s0;
	s1 =	sshll.u32 s1, $0x11  }
0xbb: {  	s0 =	sor.u32 s1, s0  }
0xbc: {  	s0 =	sadd.s32 $0x8F2B, s0  }
0xbd: {  	[sflag:s0] =	ssyncadd.remote.s32 $0x1  }
0xbe: {  	_ =	sfence.sel $0xFFFF  }
0xbf: {  	[dreg:$0x0] =	wrdreg $0xFFFFFFFF;
	(pc) =	sbr.abs _section_cstart, $3  }
0xc0: {  	[dreg:$0x1] =	wrdreg $0xFFFFFFFF  }
0xc1: {  	_ =	task.clear_ibuf [dreg:s7], $0x2FFFF;
	_ =	strace $0x9FFFFFFF  }
0xc2: {  	(tm) =	ssettm $0x7FFFFFFF  }
0xc3: {  	_ =	shalt  }
tec
execute0_lowered:
.L_overlay_start_1:
0x0: {  	(tag) =	ssettag $0x1  }
0x1: {  	s0 =	srdreg.scid;
	s1 =	rddreg [dreg:$0x0]  }
0x2: {  	s2 =	stileid.u32;
	s5 =	rddreg [dreg:$0x1];
	s25 =	simm.s32 $0xC000  }
0x3: {  	s26 =	simm.s32 $0xC080;
	s10 =	simm.s32 $0x1800;
	s11 =	simm.s32 $0x2000  }
0x4: {  	s12 =	simm.s32 $0x2800;
	s13 =	simm.s32 $0x3000;
	s14 =	simm.s32 $0x3800  }
0x5: {  	s15 =	simm.s32 $0x4000;
	s16 =	simm.s32 $0x4800;
	s17 =	simm.s32 $0x5000  }
0x6: {  	s18 =	simm.s32 $0x5800;
	s19 =	simm.s32 $0x6000;
	s20 =	simm.s32 $0x6800  }
0x7: {  	s21 =	simm.s32 $0x7000;
	s22 =	simm.s32 $0x7800;
	s28 =	simm.s32 $0xA000  }
0x8: {  	s29 =	simm.s32 $0xA800;
	s30 =	simm.s32 $0xB000;
	s31 =	simm.s32 $0xB800  }
0x9: {  	s0 =	sand.u32 $0x1, s0;
	s3 =	sshll.u32 s2, $0x7;
	s2 =	simm.s32 $0x0  }
0xa: {  	s8 =	sadd.s32 $0x1400, s5;
	s4 =	sshll.u32 s0, $0x6;
	[smem:$0x7FF] =	sst s2  }
0xb: {  	s0 =	ssub.s32 $0x2, s0;
	_ =	strace $0x80000047;
	[dreg:$0x6] =	wrdreg s25  }
0xc: {  	s3 =	sor.u32 s4, s3;
	s24 =	sshrl.u32 s0, $0x1;
	[dreg:$0x7] =	wrdreg s26  }
0xd: {  	s25 =	simm.s32 $0x9000;
	s26 =	simm.s32 $0x9800;
	s6 =	sshll.u32 s3, $0x1  }
0xe: {  	s3 =	sshrl.u32 s3, $0x3;
	s0 =	ssub.s32 s0, s24;
	s7 =	sand.u32 $0xF00, s6  }
0xf: {  	s3 =	smul.u32 $0x300, s3;
	s7 =	sor.u32 s4, s7;
	s4 =	sor.u32 s4, s6  }
0x10: {  	s24 =	simm.s32 $0x8800;
	s23 =	sshrl.u32 s7, $0x3;
	s4 =	sshrl.u32 s4, $0x3  }
0x11: {  	s1 =	sadd.s32 s1, s3;
	s3 =	sadd.s32 $0x1600, s5;
	s7 =	simm.s32 $0x3  }
0x12: {  	s6 =	sadd.s32 s8, s23;
	s4 =	sor.u32 $0x10, s4;
	[dreg:$0x5] =	wrdreg s1  }
0x13: {  	v2 =	vlaneseq.u32;
	s23 =	simm.s32 $0x8000;
	s1 =	simm.s32 $0x1;
	[dreg:$0x3] =	wrdreg s6  }
0x14: {  	vm0 =	vmmov $0xffff;
	v1 =	vshrl.u32 v2, $0x3;
	s4 =	sadd.s32 s8, s4;
	s6 =	smax.u32 s0, $0x1;
	s0 =	simm.s32 $0x2  }
0x15: {  	v0 =	vand.u32 $0x7, v2;
	v2 =	vor.u32 $0x8, v2;
	v1 =	vmul.u32 $0x8, v1;
	[dreg:$0x4] =	wrdreg s4;
	s4 =	sadd.s32 $0x1700, s5;
	s5 =	sadd.s32 $0x1800, s5  }
.LBB2_1:
0x16: {  	s8 =	rddreg [dreg:$0x3]  }
0x17: {  	s9 =	rddreg [dreg:$0x6]  }
0x18: {  	[tilespmem:s9], [sflag:$0x3] =	stream.linear.gather [hbm4b:s8+s2], $0x40, $0x38;
	[tilespmem:$0xC100] =	vst v63  }
0x19: {  	_ =	swait.ge [sflag:s7], $0x40  }
0x1a: {  	s8 =	rddreg [dreg:$0x4];
	[sflag:s7] =	ssyncset.done $0x0  }
0x1b: {  	s9 =	rddreg [dreg:$0x7];
	[sflag:s7] =	ssyncadd.s32 $0xFFFFFFC0  }
0x1c: {  	[tilespmem:s9], [sflag:$0x3] =	stream.linear.gather [hbm4b:s8+s2], $0x40, $0x38;
	[tilespmem:$0xC100] =	vst v63  }
0x1d: {  	_ =	swait.ge [sflag:s7], $0x40  }
0x1e: {  	[sflag:s7] =	ssyncset.done $0x0  }
0x1f: {  	s9 =	rddreg [dreg:$0x5];
	[sflag:s7] =	ssyncadd.s32 $0xFFFFFFC0  }
0x20: {  	[tilespmem:s2], [sflag:$0x3] =	stream.linear.gather [hbm4b:s9+s2], $0xC000, $0x38;
	[tilespmem:$0xC100] =	vst v63  }
0x21: {  	_ =	swait.ge [sflag:s7], $0xC000  }
0x22: {  	[sflag:s7] =	ssyncset.done $0x0  }
0x23: {  	[sflag:s7] =	ssyncadd.s32 $0xFFFF4000  }
0x24: {  	v3 =	vld [tilespmem:$0xC000];
	_ =	sdelay $0x4  }
0x25: {  	v4 =	vshrl.u32 v3, $0x3  }
0x26: {  	v4 =	vmul.u32 $0x30, v4  }
0x27: {  	v3 =	vand.u32 $0x7, v3  }
0x28: {  	v3 =	vor.u32 v3, v4  }
0x29: {  	v4 =	vperm.xlane v3, v0;
	_ =	sdelay $0x1  }
0x2a: {  	v4 =	vadd.s32 v1, v4;
	_ =	sdelay $0x3  }
0x2b: {  	v3 =	vperm.xlane v3, v2  }
0x2c: {  	[hbm4b:s3+s2] =	stream.indirect_vreg.scatter [tilespmem:s2], [sflag:$0x1], $0x80, v4, vm0, $0xb8;
	[tilespmem:$0xC100] =	vst v63  }
0x2d: {  	s8 =	simm.s32 $0x800;
	v3 =	vadd.s32 v1, v3  }
0x2e: {  	[hbm4b:s4+s2] =	stream.indirect_vreg.scatter [tilespmem:s8], [sflag:$0x1], $0x80, v4, vm0, $0xb8;
	[tilespmem:$0xC100] =	vst v63  }
0x2f: {  	s9 =	simm.s32 $0x1000  }
0x30: {  	[hbm4b:s5+s2] =	stream.indirect_vreg.scatter [tilespmem:s9], [sflag:$0x1], $0x80, v4, vm0, $0xb8;
	[tilespmem:$0xC100] =	vst v63  }
0x31: {  	_ = 	snop  }
0x32: {  	[hbm4b:s3+s2] =	stream.indirect_vreg.scatter [tilespmem:s10], [sflag:$0x1], $0x80, v3, vm0, $0xb8;
	[tilespmem:$0xC100] =	vst v63  }
0x33: {  	_ = 	snop  }
0x34: {  	[hbm4b:s4+s2] =	stream.indirect_vreg.scatter [tilespmem:s11], [sflag:$0x1], $0x80, v3, vm0, $0xb8;
	[tilespmem:$0xC100] =	vst v63  }
0x35: {  	_ = 	snop  }
0x36: {  	[hbm4b:s5+s2] =	stream.indirect_vreg.scatter [tilespmem:s12], [sflag:$0x1], $0x80, v3, vm0, $0xb8;
	[tilespmem:$0xC100] =	vst v63  }
0x37: {  	v3 =	vld [tilespmem:$0xC010];
	_ =	sdelay $0x4  }
0x38: {  	v57 =	vshrl.u32 v3, $0x3  }
0x39: {  	v4 =	vmul.u32 $0x30, v57  }
0x3a: {  	v3 =	vand.u32 $0x7, v3  }
0x3b: {  	v3 =	vor.u32 v3, v4  }
0x3c: {  	v4 =	vperm.xlane v3, v0;
	_ =	sdelay $0x1  }
0x3d: {  	v4 =	vadd.s32 v1, v4;
	_ =	sdelay $0x3  }
0x3e: {  	v3 =	vperm.xlane v3, v2  }
0x3f: {  	[hbm4b:s3+s2] =	stream.indirect_vreg.scatter [tilespmem:s13], [sflag:$0x1], $0x80, v4, vm0, $0xb8;
	[tilespmem:$0xC100] =	vst v63  }
0x40: {  	v3 =	vadd.s32 v1, v3  }
0x41: {  	[hbm4b:s4+s2] =	stream.indirect_vreg.scatter [tilespmem:s14], [sflag:$0x1], $0x80, v4, vm0, $0xb8;
	[tilespmem:$0xC100] =	vst v63  }
0x42: {  	_ = 	snop  }
0x43: {  	[hbm4b:s5+s2] =	stream.indirect_vreg.scatter [tilespmem:s15], [sflag:$0x1], $0x80, v4, vm0, $0xb8;
	[tilespmem:$0xC100] =	vst v63  }
0x44: {  	_ = 	snop  }
0x45: {  	[hbm4b:s3+s2] =	stream.indirect_vreg.scatter [tilespmem:s16], [sflag:$0x1], $0x80, v3, vm0, $0xb8;
	[tilespmem:$0xC100] =	vst v63  }
0x46: {  	_ = 	snop  }
0x47: {  	[hbm4b:s4+s2] =	stream.indirect_vreg.scatter [tilespmem:s17], [sflag:$0x1], $0x80, v3, vm0, $0xb8;
	[tilespmem:$0xC100] =	vst v63  }
0x48: {  	_ = 	snop  }
0x49: {  	[hbm4b:s5+s2] =	stream.indirect_vreg.scatter [tilespmem:s18], [sflag:$0x1], $0x80, v3, vm0, $0xb8;
	[tilespmem:$0xC100] =	vst v63  }
0x4a: {  	v3 =	vld [tilespmem:$0xC020];
	_ =	sdelay $0x4  }
0x4b: {  	v58 =	vshrl.u32 v3, $0x3  }
0x4c: {  	v4 =	vmul.u32 $0x30, v58  }
0x4d: {  	v3 =	vand.u32 $0x7, v3  }
0x4e: {  	v3 =	vor.u32 v3, v4  }
0x4f: {  	v4 =	vperm.xlane v3, v0;
	_ =	sdelay $0x1  }
0x50: {  	v4 =	vadd.s32 v1, v4;
	_ =	sdelay $0x3  }
0x51: {  	v3 =	vperm.xlane v3, v2  }
0x52: {  	[hbm4b:s3+s2] =	stream.indirect_vreg.scatter [tilespmem:s19], [sflag:$0x1], $0x80, v4, vm0, $0xb8;
	[tilespmem:$0xC100] =	vst v63  }
0x53: {  	v3 =	vadd.s32 v1, v3  }
0x54: {  	[hbm4b:s4+s2] =	stream.indirect_vreg.scatter [tilespmem:s20], [sflag:$0x1], $0x80, v4, vm0, $0xb8;
	[tilespmem:$0xC100] =	vst v63  }
0x55: {  	_ = 	snop  }
0x56: {  	[hbm4b:s5+s2] =	stream.indirect_vreg.scatter [tilespmem:s21], [sflag:$0x1], $0x80, v4, vm0, $0xb8;
	[tilespmem:$0xC100] =	vst v63  }
0x57: {  	_ = 	snop  }
0x58: {  	[hbm4b:s3+s2] =	stream.indirect_vreg.scatter [tilespmem:s22], [sflag:$0x1], $0x80, v3, vm0, $0xb8;
	[tilespmem:$0xC100] =	vst v63  }
0x59: {  	_ = 	snop  }
0x5a: {  	[hbm4b:s4+s2] =	stream.indirect_vreg.scatter [tilespmem:s23], [sflag:$0x1], $0x80, v3, vm0, $0xb8;
	[tilespmem:$0xC100] =	vst v63  }
0x5b: {  	_ = 	snop  }
0x5c: {  	[hbm4b:s5+s2] =	stream.indirect_vreg.scatter [tilespmem:s24], [sflag:$0x1], $0x80, v3, vm0, $0xb8;
	[tilespmem:$0xC100] =	vst v63  }
0x5d: {  	v3 =	vld [tilespmem:$0xC030];
	_ =	sdelay $0x4  }
0x5e: {  	v59 =	vshrl.u32 v3, $0x3  }
0x5f: {  	v4 =	vmul.u32 $0x30, v59  }
0x60: {  	v3 =	vand.u32 $0x7, v3  }
0x61: {  	v3 =	vor.u32 v3, v4  }
0x62: {  	v4 =	vperm.xlane v3, v0;
	_ =	sdelay $0x1  }
0x63: {  	v4 =	vadd.s32 v1, v4;
	_ =	sdelay $0x3  }
0x64: {  	v3 =	vperm.xlane v3, v2  }
0x65: {  	[hbm4b:s3+s2] =	stream.indirect_vreg.scatter [tilespmem:s25], [sflag:$0x1], $0x80, v4, vm0, $0xb8;
	[tilespmem:$0xC100] =	vst v63  }
0x66: {  	v3 =	vadd.s32 v1, v3  }
0x67: {  	[hbm4b:s4+s2] =	stream.indirect_vreg.scatter [tilespmem:s26], [sflag:$0x1], $0x80, v4, vm0, $0xb8;
	[tilespmem:$0xC100] =	vst v63  }
0x68: {  	_ = 	snop  }
0x69: {  	[hbm4b:s5+s2] =	stream.indirect_vreg.scatter [tilespmem:s28], [sflag:$0x1], $0x80, v4, vm0, $0xb8;
	[tilespmem:$0xC100] =	vst v63  }
0x6a: {  	_ = 	snop  }
0x6b: {  	[hbm4b:s3+s2] =	stream.indirect_vreg.scatter [tilespmem:s29], [sflag:$0x1], $0x80, v3, vm0, $0xb8;
	[tilespmem:$0xC100] =	vst v63  }
0x6c: {  	_ = 	snop  }
0x6d: {  	[hbm4b:s4+s2] =	stream.indirect_vreg.scatter [tilespmem:s30], [sflag:$0x1], $0x80, v3, vm0, $0xb8;
	[tilespmem:$0xC100] =	vst v63  }
0x6e: {  	_ = 	snop  }
0x6f: {  	[hbm4b:s5+s2] =	stream.indirect_vreg.scatter [tilespmem:s31], [sflag:$0x1], $0x80, v3, vm0, $0xb8;
	[tilespmem:$0xC100] =	vst v63  }
0x70: {  	v3 =	vld [tilespmem:$0xC080];
	_ =	sdelay $0x4  }
0x71: {  	v60 =	vshrl.u32 v3, $0x3  }
0x72: {  	v4 =	vmul.u32 $0x30, v60  }
0x73: {  	v3 =	vand.u32 $0x7, v3  }
0x74: {  	v3 =	vor.u32 v3, v4  }
0x75: {  	v4 =	vperm.xlane v3, v0;
	_ =	sdelay $0x1  }
0x76: {  	v4 =	vadd.s32 v1, v4;
	_ =	sdelay $0x3  }
0x77: {  	v3 =	vperm.xlane v3, v2  }
0x78: {  	[hbm4b:s3+s2] =	stream.indirect_vreg.scatter [tilespmem:s2], [sflag:$0x2], $0x80, v4, vm0, $0xb8;
	[tilespmem:$0xC100] =	vst v63  }
0x79: {  	v3 =	vadd.s32 v1, v3  }
0x7a: {  	[hbm4b:s4+s2] =	stream.indirect_vreg.scatter [tilespmem:s8], [sflag:$0x2], $0x80, v4, vm0, $0xb8;
	[tilespmem:$0xC100] =	vst v63  }
0x7b: {  	_ = 	snop  }
0x7c: {  	[hbm4b:s5+s2] =	stream.indirect_vreg.scatter [tilespmem:s9], [sflag:$0x2], $0x80, v4, vm0, $0xb8;
	[tilespmem:$0xC100] =	vst v63  }
0x7d: {  	_ = 	snop  }
0x7e: {  	[hbm4b:s3+s2] =	stream.indirect_vreg.scatter [tilespmem:s10], [sflag:$0x2], $0x80, v3, vm0, $0xb8;
	[tilespmem:$0xC100] =	vst v63  }
0x7f: {  	_ = 	snop  }
0x80: {  	[hbm4b:s4+s2] =	stream.indirect_vreg.scatter [tilespmem:s11], [sflag:$0x2], $0x80, v3, vm0, $0xb8;
	[tilespmem:$0xC100] =	vst v63  }
0x81: {  	_ = 	snop  }
0x82: {  	[hbm4b:s5+s2] =	stream.indirect_vreg.scatter [tilespmem:s12], [sflag:$0x2], $0x80, v3, vm0, $0xb8;
	[tilespmem:$0xC100] =	vst v63  }
0x83: {  	v3 =	vld [tilespmem:$0xC090];
	_ =	sdelay $0x4  }
0x84: {  	v61 =	vshrl.u32 v3, $0x3  }
0x85: {  	v4 =	vmul.u32 $0x30, v61  }
0x86: {  	v3 =	vand.u32 $0x7, v3  }
0x87: {  	v3 =	vor.u32 v3, v4  }
0x88: {  	v4 =	vperm.xlane v3, v0;
	_ =	sdelay $0x1  }
0x89: {  	v4 =	vadd.s32 v1, v4;
	_ =	sdelay $0x3  }
0x8a: {  	v3 =	vperm.xlane v3, v2  }
0x8b: {  	[hbm4b:s3+s2] =	stream.indirect_vreg.scatter [tilespmem:s13], [sflag:$0x2], $0x80, v4, vm0, $0xb8;
	[tilespmem:$0xC100] =	vst v63  }
0x8c: {  	v3 =	vadd.s32 v1, v3  }
0x8d: {  	[hbm4b:s4+s2] =	stream.indirect_vreg.scatter [tilespmem:s14], [sflag:$0x2], $0x80, v4, vm0, $0xb8;
	[tilespmem:$0xC100] =	vst v63  }
0x8e: {  	_ = 	snop  }
0x8f: {  	[hbm4b:s5+s2] =	stream.indirect_vreg.scatter [tilespmem:s15], [sflag:$0x2], $0x80, v4, vm0, $0xb8;
	[tilespmem:$0xC100] =	vst v63  }
0x90: {  	_ = 	snop  }
0x91: {  	[hbm4b:s3+s2] =	stream.indirect_vreg.scatter [tilespmem:s16], [sflag:$0x2], $0x80, v3, vm0, $0xb8;
	[tilespmem:$0xC100] =	vst v63  }
0x92: {  	_ = 	snop  }
0x93: {  	[hbm4b:s4+s2] =	stream.indirect_vreg.scatter [tilespmem:s17], [sflag:$0x2], $0x80, v3, vm0, $0xb8;
	[tilespmem:$0xC100] =	vst v63  }
0x94: {  	_ = 	snop  }
0x95: {  	[hbm4b:s5+s2] =	stream.indirect_vreg.scatter [tilespmem:s18], [sflag:$0x2], $0x80, v3, vm0, $0xb8;
	[tilespmem:$0xC100] =	vst v63  }
0x96: {  	v3 =	vld [tilespmem:$0xC0A0];
	_ =	sdelay $0x4  }
0x97: {  	v62 =	vshrl.u32 v3, $0x3  }
0x98: {  	v4 =	vmul.u32 $0x30, v62  }
0x99: {  	v3 =	vand.u32 $0x7, v3  }
0x9a: {  	v3 =	vor.u32 v3, v4  }
0x9b: {  	v4 =	vperm.xlane v3, v0;
	_ =	sdelay $0x1  }
0x9c: {  	v4 =	vadd.s32 v1, v4;
	_ =	sdelay $0x3  }
0x9d: {  	v3 =	vperm.xlane v3, v2  }
0x9e: {  	[hbm4b:s3+s2] =	stream.indirect_vreg.scatter [tilespmem:s19], [sflag:$0x2], $0x80, v4, vm0, $0xb8;
	[tilespmem:$0xC100] =	vst v63  }
0x9f: {  	v3 =	vadd.s32 v1, v3  }
0xa0: {  	[hbm4b:s4+s2] =	stream.indirect_vreg.scatter [tilespmem:s20], [sflag:$0x2], $0x80, v4, vm0, $0xb8;
	[tilespmem:$0xC100] =	vst v63  }
0xa1: {  	_ = 	snop  }
0xa2: {  	[hbm4b:s5+s2] =	stream.indirect_vreg.scatter [tilespmem:s21], [sflag:$0x2], $0x80, v4, vm0, $0xb8;
	[tilespmem:$0xC100] =	vst v63  }
0xa3: {  	_ = 	snop  }
0xa4: {  	[hbm4b:s3+s2] =	stream.indirect_vreg.scatter [tilespmem:s22], [sflag:$0x2], $0x80, v3, vm0, $0xb8;
	[tilespmem:$0xC100] =	vst v63  }
0xa5: {  	_ = 	snop  }
0xa6: {  	[hbm4b:s4+s2] =	stream.indirect_vreg.scatter [tilespmem:s23], [sflag:$0x2], $0x80, v3, vm0, $0xb8;
	[tilespmem:$0xC100] =	vst v63  }
0xa7: {  	_ = 	snop  }
0xa8: {  	[hbm4b:s5+s2] =	stream.indirect_vreg.scatter [tilespmem:s24], [sflag:$0x2], $0x80, v3, vm0, $0xb8;
	[tilespmem:$0xC100] =	vst v63  }
0xa9: {  	v3 =	vld [tilespmem:$0xC0B0];
	_ =	sdelay $0x4  }
0xaa: {  	v63 =	vshrl.u32 v3, $0x3  }
0xab: {  	v4 =	vmul.u32 $0x30, v63  }
0xac: {  	v3 =	vand.u32 $0x7, v3  }
0xad: {  	v3 =	vor.u32 v3, v4  }
0xae: {  	v4 =	vperm.xlane v3, v0;
	_ =	sdelay $0x1  }
0xaf: {  	v4 =	vadd.s32 v1, v4;
	_ =	sdelay $0x3  }
0xb0: {  	v3 =	vperm.xlane v3, v2  }
0xb1: {  	[hbm4b:s3+s2] =	stream.indirect_vreg.scatter [tilespmem:s25], [sflag:$0x2], $0x80, v4, vm0, $0xb8;
	[tilespmem:$0xC100] =	vst v63  }
0xb2: {  	v3 =	vadd.s32 v1, v3  }
0xb3: {  	[hbm4b:s4+s2] =	stream.indirect_vreg.scatter [tilespmem:s26], [sflag:$0x2], $0x80, v4, vm0, $0xb8;
	[tilespmem:$0xC100] =	vst v63  }
0xb4: {  	_ = 	snop  }
0xb5: {  	[hbm4b:s5+s2] =	stream.indirect_vreg.scatter [tilespmem:s28], [sflag:$0x2], $0x80, v4, vm0, $0xb8;
	[tilespmem:$0xC100] =	vst v63  }
0xb6: {  	_ = 	snop  }
0xb7: {  	[hbm4b:s3+s2] =	stream.indirect_vreg.scatter [tilespmem:s29], [sflag:$0x2], $0x80, v3, vm0, $0xb8;
	[tilespmem:$0xC100] =	vst v63  }
0xb8: {  	_ = 	snop  }
0xb9: {  	[hbm4b:s4+s2] =	stream.indirect_vreg.scatter [tilespmem:s30], [sflag:$0x2], $0x80, v3, vm0, $0xb8;
	[tilespmem:$0xC100] =	vst v63  }
0xba: {  	_ = 	snop  }
0xbb: {  	[hbm4b:s5+s2] =	stream.indirect_vreg.scatter [tilespmem:s31], [sflag:$0x2], $0x80, v3, vm0, $0xb8;
	[tilespmem:$0xC100] =	vst v63  }
0xbc: {  	p0 =	sne.s32 s6, $0x1;
	_ =	swait.ge [sflag:s1], $0xC000  }
.Ltmp0:
0xbd: {  	[sflag:s1] =	ssyncset.done $0x0;
	(pc) =	sbr.rel @p0 .LBB2_1-.Ltmp0, $4  }
0xbe: {  	[sflag:s1] =	ssyncadd.s32 $0xFFFF4000  }
0xbf: {  	_ =	swait.ge [sflag:s0], $0xC000  }
0xc0: {  	[sflag:s0] =	ssyncset.done $0x0  }
0xc1: {  	s6 =	sadd.s32 $0xFFFFFFFF, s6;
	[sflag:s0] =	ssyncadd.s32 $0xFFFF4000  }
0xc2: {  	_ =	sfence.sel $0x180000  }
0xc3: {  	[bflag:$0x0] =	sbarrier.arrive $0xFFFF  }
0xc4: {  	_ =	strace $0x90000047  }
0xc5: {  	s0 =	stileid.u32;
	[bflag:$0x2] =	sbarrier.arrive $0xFFFF  }
0xc6: {  	p0 =	sne.s32 s0, $0x0;
	s0 =	rddreg [dreg:$0x2]  }
0xc7: {  	s0 =	sadd.s32 @!p0 $0x100000, s0  }
0xc8: {  	[sflag:s0] =	ssyncadd.tile.s32 @!p0 $0x1;
	_ =	shalt  }
.Lfunc_end2:
_tile_overlayer_lowered:
.L_overlay_start_2:
0xc9: {  	(tag) =	ssettag $0x2  }
0xca: {  	s0 =	rddreg [dreg:$0x0];
	s2 =	stileid.u32  }
0xcb: {  	s1 =	rddreg [dreg:$0x1];
	p0 =	sne.s32 s2, $0x0  }
0xcc: {  	s3 =	rddreg [dreg:$0x2];
	[bflag:$0x3] =	sbarrier.arrive $0xFFFF;
	s2 =	simm.s32 @!p0 $0x1C03  }
0xcd: {  	[timem:s3], [sflag:s2] =	dma.local @!p0 [hbm:s0], s1  }
0xce: {  	s0 =	simm.s32 @!p0 $0x3  }
0xcf: {  	_ =	swait.ge @!p0 [sflag:s0], s1  }
0xd0: {  	s1 =	ssub.s32 @!p0 $0x0, s1;
	[sflag:s0] =	ssyncset.done @!p0 $0x0  }
0xd1: {  	[sflag:s0] =	ssyncadd.s32 @!p0 s1  }
0xd2: {  	[bflag:$0x3] =	sbarrier.arrive $0xFFFF  }
0xd3: {  	_ =	shalt  }

// kernel: kernel.9.cloned.1.call-start
scs
__scs_entry_jumppad:
0x0: {  	(pc) =	sbr.rel $0x88, $3  }
0x1: {  	(tag) =	ssettag $0x0;
	lr =	simm.s32 $0x1  }
0x2: {  	[smem:$0x3F9B] =	sst lr;
	_ =	strace $0xD0000000  }
0x3: {  	_ = 	snop  }
0x4: {  	_ = 	snop  }
0x5: {  	_ = 	snop  }
0x6: {  	_ = 	snop  }
0x7: {  	_ = 	snop  }
__scs_overlays_trampoline_lowered:
0x8: {  	[smem:$0x3FAA] =	sst s0  }
0x9: {  	[smem:$0x3FAB] =	sst s1  }
0xa: {  	[smem:$0x3FAC] =	sst s2  }
0xb: {  	[smem:$0x3FAD] =	sst s3  }
0xc: {  	[smem:$0x3FAE] =	sst s4  }
0xd: {  	[smem:$0x3FAF] =	sst s5  }
0xe: {  	[smem:$0x3FB0] =	sst s6  }
0xf: {  	[smem:$0x3FB1] =	sst s7  }
0x10: {  	[smem:$0x3FB2] =	sst s8  }
0x11: {  	[smem:$0x3FB3] =	sst s9;
	s0 =	simm.s32 @!p0 $0x0  }
0x12: {  	s1 =	sld [smem:$0x3F99];
	s0 =	simm.s32 @p0 $0x1  }
0x13: {  	[smem:$0x3FB4] =	sst s0;
	s0 =	simm.s32 @!p1 $0x0  }
0x14: {  	s2 =	sld [smem:$0x3F98];
	s0 =	simm.s32 @p1 $0x1  }
0x15: {  	[smem:$0x3FB5] =	sst s0;
	s0 =	simm.s32 @!p2 $0x0  }
0x16: {  	s3 =	sld [smem:$0x3FDB];
	s0 =	simm.s32 @p2 $0x1  }
0x17: {  	s4 =	simm.s32 $0x1BF5;
	[smem:$0x3FB7] =	sst s0  }
0x18: {  	s0 =	sld [smem:$0x3F9A];
	_ =	swait.ge [sflag:s4], $0x0  }
0x19: {  	s7 =	sld [smem:$0x3F9B]  }
0x1a: {  	s8 =	sadd.s32 $0xFFFFE003, lr  }
0x1b: {  	s9 =	sadd.s32 $0xFFFFFEF7, lr;
	s5 =	simm.s32 $0xFFFFFFFF;
	p2 =	slt.u32 s8, $0xFFFFF086  }
0x1c: {  	p1 =	slt.u32 s9, $0xF7A;
	s5 =	simm.s32 @!p2 $0x0  }
0x1d: {  	s5 =	simm.s32 @p1 $0x1;
	p0 =	seq.s32 s7, s2  }
0x1e: {  	s7 =	smul.u32 @!p0 $0xF7A, s2;
	p2 =	seq.s32 @!p0 s5, $0x0  }
0x1f: {  	s9 =	smul.u32 $0xF7A, s1;
	s8 =	simm.s32 @!p0 $0x1BF5;
	p2 =	por !p2, p0  }
0x20: {  	[sflag:s8] =	ssyncset.s32 @!p0 $0xFFFFF086;
	s6 =	sadd.s32 @!p0 s3, s7;
	s7 =	simm.s32 @!p0 $0x108  }
0x21: {  	s3 =	sadd.s32 s3, s9;
	s6 =	sadd.s32 @!p0 $0x88, s6;
	s7 =	simm.s32 @p2 $0x1082  }
0x22: {  	[simem:s7], [sflag:s8] =	dma.local @!p0 [hbm:s6], $0xF7A  }
0x23: {  	s9 =	sor.u32 $0xD0000000, s2;
	s6 =	simm.s32 $0x108;
	_ =	swait.ge @!p0 [sflag:s8], $0x0  }
0x24: {  	s3 =	sadd.s32 $0x88, s3;
	s6 =	simm.s32 @!p1 $0x1082;
	[sflag:s4] =	ssyncset.s32 $0xFFFFF086  }
0x25: {  	[simem:s6], [sflag:s4] =	dma.local [hbm:s3], $0xF7A  }
0x26: {  	[smem:$0x3F9B] =	sst s1;
	(tag) =	ssettag s2;
	_ =	strace s9  }
0x27: {  	s1 =	sld [smem:$0x3FAB]  }
0x28: {  	s2 =	sld [smem:$0x3FAC]  }
0x29: {  	s4 =	sld [smem:$0x3FAE]  }
0x2a: {  	p0 =	seq.s32 s5, $0x0;
	s5 =	sld [smem:$0x3FAF]  }
0x2b: {  	s6 =	sld [smem:$0x3FB0]  }
0x2c: {  	s7 =	sld [smem:$0x3FB1]  }
0x2d: {  	s3 =	simm.s32 $0x108;
	s8 =	sld [smem:$0x3FB2]  }
0x2e: {  	s3 =	simm.s32 @!p0 $0x1082;
	s9 =	sld [smem:$0x3FB3]  }
0x2f: {  	lr =	sadd.s32 s0, s3;
	s0 =	sld [smem:$0x3FAA]  }
0x30: {  	s3 =	sld [smem:$0x3FAD]  }
0x31: {  	[smem:$0x3FB6] =	sst s10  }
0x32: {  	s10 =	sld [smem:$0x3FB4];
	_ =	sdelay $0x3  }
0x33: {  	p0 =	seq.s32 s10, $0x1;
	s10 =	sld [smem:$0x3FB6];
	_ =	sdelay $0x3  }
0x34: {  	[smem:$0x3FB6] =	sst s10  }
0x35: {  	s10 =	sld [smem:$0x3FB5];
	_ =	sdelay $0x3  }
0x36: {  	p1 =	seq.s32 s10, $0x1;
	s10 =	sld [smem:$0x3FB6];
	_ =	sdelay $0x3  }
0x37: {  	[smem:$0x3FB6] =	sst s10  }
0x38: {  	s10 =	sld [smem:$0x3FB7]  }
0x39: {  	_ = 	snop;
	(pc) =	sbr.ind lr, $3  }
0x3a: {  	_ = 	snop  }
0x3b: {  	_ = 	snop  }
0x3c: {  	p2 =	seq.s32 s10, $0x1;
	s10 =	sld [smem:$0x3FB6]  }
0x3d: {  	_ =	shalt  }
0x3e: {  	_ =	shalt  }
0x3f: {  	_ =	shalt  }
0x40: {  	_ =	shalt  }
0x41: {  	_ =	shalt  }
0x42: {  	_ =	shalt  }
0x43: {  	_ =	shalt  }
0x44: {  	_ =	shalt  }
0x45: {  	_ =	shalt  }
0x46: {  	_ =	shalt  }
0x47: {  	_ =	shalt  }
0x48: {  	_ =	shalt  }
0x49: {  	_ =	shalt  }
0x4a: {  	_ =	shalt  }
0x4b: {  	_ =	shalt  }
0x4c: {  	_ =	shalt  }
0x4d: {  	_ =	shalt  }
0x4e: {  	_ =	shalt  }
0x4f: {  	_ =	shalt  }
0x50: {  	_ =	shalt  }
0x51: {  	_ =	shalt  }
0x52: {  	_ =	shalt  }
0x53: {  	_ =	shalt  }
0x54: {  	_ =	shalt  }
0x55: {  	_ =	shalt  }
0x56: {  	_ =	shalt  }
0x57: {  	_ =	shalt  }
0x58: {  	_ =	shalt  }
0x59: {  	_ =	shalt  }
0x5a: {  	_ =	shalt  }
0x5b: {  	_ =	shalt  }
0x5c: {  	_ =	shalt  }
0x5d: {  	_ =	shalt  }
0x5e: {  	_ =	shalt  }
0x5f: {  	_ =	shalt  }
0x60: {  	_ =	shalt  }
0x61: {  	_ =	shalt  }
0x62: {  	_ =	shalt  }
0x63: {  	_ =	shalt  }
0x64: {  	_ =	shalt  }
0x65: {  	_ =	shalt  }
0x66: {  	_ =	shalt  }
0x67: {  	_ =	shalt  }
0x68: {  	_ =	shalt  }
0x69: {  	_ =	shalt  }
0x6a: {  	_ =	shalt  }
0x6b: {  	_ =	shalt  }
0x6c: {  	_ =	shalt  }
0x6d: {  	_ =	shalt  }
0x6e: {  	_ =	shalt  }
0x6f: {  	_ =	shalt  }
0x70: {  	_ =	shalt  }
0x71: {  	_ =	shalt  }
0x72: {  	_ =	shalt  }
0x73: {  	_ =	shalt  }
0x74: {  	_ =	shalt  }
0x75: {  	_ =	shalt  }
0x76: {  	_ =	shalt  }
0x77: {  	_ =	shalt  }
0x78: {  	_ =	shalt  }
0x79: {  	_ =	shalt  }
0x7a: {  	_ =	shalt  }
0x7b: {  	_ =	shalt  }
0x7c: {  	_ =	shalt  }
0x7d: {  	_ =	shalt  }
0x7e: {  	_ =	shalt  }
0x7f: {  	_ =	shalt  }
0x80: {  	_ =	shalt  }
0x81: {  	_ =	shalt  }
0x82: {  	_ =	shalt  }
0x83: {  	_ =	shalt  }
0x84: {  	_ =	shalt  }
0x85: {  	_ =	shalt  }
0x86: {  	_ =	shalt  }
0x87: {  	_ =	shalt  }
.Lfunc_end0:
.L_simem_size_0:
called_computation.1_lowered:
.L_overlay_start_0:
0x88: {  	s2 =	sld [smem:$0x3FD9]  }
0x89: {  	s3 =	sld [smem:$0x3FFE];
	_ =	sdelay $0x1  }
0x8a: {  	s1 =	srdreg.scid  }
0x8b: {  	s0 =	sand.u32 $0x1, s1  }
0x8c: {  	s17 =	sshll.u32 s0, $0xA;
	s2 =	sadd.s32 s3, s2  }
0x8d: {  	s2 =	sadd.s32 s2, s17  }
0x8e: {  	[smem:$0x3FC2] =	sst s2  }
0x8f: {  	_ = 	snop  }
0x90: {  	s2 =	sld [smem:$0x3FD0];
	(tm) =	ssettm $0x1  }
0x91: {  	s18 =	sld [smem:$0x3FFB];
	_ =	sdelay $0x3  }
0x92: {  	_ =	strace s18  }
0x93: {  	s3 =	sld [smem:$0x3FFC];
	_ =	sdelay $0x3  }
0x94: {  	_ =	strace s3  }
0x95: {  	s3 =	sld [smem:$0x3FFD];
	_ =	sdelay $0x3  }
0x96: {  	_ =	strace s3  }
0x97: {  	_ =	strace $0x8FFFFFFF  }
0x98: {  	s19 =	sld [smem:$0x3FDB];
	_ =	sdelay $0x1  }
0x99: {  	s4 =	simm.s32 $_scs_section_size  }
0x9a: {  	s5 =	simm.s32 $_size__tile_overlayer_lowered;
	s6 =	simm.s32 $_tile_overlayer_lowered  }
0x9b: {  	s22 =	simm.s32 $0x1BFF;
	s21 =	sshll.u32 s6, $0x1;
	s3 =	sadd.s32 s4, s19  }
0x9c: {  	s7 =	simm.s32 $0x0;
	s20 =	sshll.u32 s5, $0x1;
	s5 =	sadd.s32 s21, s3  }
0x9d: {  	[timem:s7], [sflag:s22] =	dma.local [hbm:s5], s20  }
0x9e: {  	_ =	swait.ge [sflag:s22], s20  }
0x9f: {  	s4 =	ssub.s32 $0x0, s20;
	[sflag:s22] =	ssyncset.done $0x0  }
0xa0: {  	[sflag:s22] =	ssyncadd.s32 s4;
	_ =	sdelay $0x1  }
0xa1: {  	s23 =	simm.s32 $0x1B8B  }
0xa2: {  	_ =	swait.ge [sflag:s23], $0x1  }
0xa3: {  	[sflag:s23] =	ssyncset.done $0x0  }
0xa4: {  	s25 =	simm.s32 $0x1B8E;
	s24 =	sld [smem:$0x3FFE];
	[sflag:s23] =	ssyncadd.s32 $0xFFFFFFFF  }
0xa5: {  	s26 =	simm.s32 $execute0_lowered;
	[smem:$0x3FD2] =	sst s25  }
0xa6: {  	s5 =	sshll.u32 s26, $0x1;
	_ =	strace $0x80000049;
	[dreg:$0x1] =	wrdreg $0xFFFFFFFF  }
0xa7: {  	s28 =	simm.s32 $_size_execute0_lowered;
	s3 =	sadd.s32 s3, s5;
	[dreg:$0x0] =	wrdreg $0x0  }
0xa8: {  	s5 =	sshll.u32 s28, $0x1;
	[dreg:$0x2] =	wrdreg s3  }
0xa9: {  	[dreg:$0x3] =	wrdreg s5  }
0xaa: {  	[dreg:$0x4] =	wrdreg $0xC0  }
0xab: {  	_ =	task [dreg:s7], $0x5FFFF  }
0xac: {  	[dreg:$0x1] =	wrdreg $0xFFFFFFFF  }
0xad: {  	[dreg:$0x0] =	wrdreg $0x60  }
0xae: {  	[dreg:$0x2] =	wrdreg s24  }
0xaf: {  	[dreg:$0x3] =	wrdreg s2  }
0xb0: {  	[dreg:$0x4] =	wrdreg $0x9  }
0xb1: {  	_ =	task.clear_ibuf [dreg:s7], $0x5FFFF;
	_ =	strace $0x90000049  }
0xb2: {  	s29 =	simm.s32 $0x9;
	_ =	strace $0x8000004B  }
0xb3: {  	_ =	swait.ge [sflag:s29], $0x1  }
0xb4: {  	[sflag:s29] =	ssyncadd.s32 $0xFFFFFFFF  }
0xb5: {  	_ =	strace $0x9000004B  }
0xb6: {  	_ =	sfence  }
0xb7: {  	s30 =	sld [smem:$0x0];
	_ =	sdelay $0x2  }
0xb8: {  	s31 =	sshll.u32 s1, $0xD;
	s1 =	sshrl.u32 s1, $0x2  }
0xb9: {  	s3 =	sand.u32 $0x4000, s31;
	s1 =	sadd.s32 s1, s30  }
0xba: {  	s0 =	sor.u32 s3, s0;
	s1 =	sshll.u32 s1, $0x11  }
0xbb: {  	s0 =	sor.u32 s1, s0  }
0xbc: {  	s0 =	sadd.s32 $0x8F2B, s0  }
0xbd: {  	[sflag:s0] =	ssyncadd.remote.s32 $0x1  }
0xbe: {  	_ =	sfence.sel $0xFFFF  }
0xbf: {  	[dreg:$0x0] =	wrdreg $0xFFFFFFFF;
	(pc) =	sbr.abs _section_cstart, $3  }
0xc0: {  	[dreg:$0x1] =	wrdreg $0xFFFFFFFF  }
0xc1: {  	_ =	task.clear_ibuf [dreg:s7], $0x2FFFF;
	_ =	strace $0x9FFFFFFF  }
0xc2: {  	(tm) =	ssettm $0x7FFFFFFF  }
0xc3: {  	_ =	shalt  }
tec
execute0_lowered:
.L_overlay_start_1:
0x0: {  	(tag) =	ssettag $0x1  }
0x1: {  	s0 =	rddreg [dreg:$0x0]  }
0x2: {  	s1 =	rddreg [dreg:$0x1]  }
0x3: {  	s3 =	srdreg.scid;
	s2 =	simm.s32 $0x0;
	s5 =	stileid.u32  }
0x4: {  	s28 =	simm.s32 $0x2;
	s29 =	simm.s32 $0x0;
	s4 =	sand.u32 $0x1, s3  }
0x5: {  	[smem:$0x7FF] =	sst s2;
	s18 =	sshll.u32 s5, $0x7;
	s3 =	sadd.s32 $0x1600, s0  }
0x6: {  	s12 =	sadd.s32 $0x1400, s0;
	s13 =	sadd.s32 $0x79600, s0;
	s15 =	sadd.s32 $0x81600, s0  }
0x7: {  	s9 =	sadd.s32 $0x1800, s0;
	s19 =	sshll.u32 s4, $0x6;
	s4 =	ssub.s32 $0x2, s4  }
0x8: {  	_ =	strace $0x8000004A;
	s6 =	sor.u32 s19, s18;
	s7 =	sshrl.u32 s4, $0x1  }
0x9: {  	s18 =	simm.s32 $0x3;
	s11 =	sshll.u32 s6, $0x1;
	s4 =	ssub.s32 s4, s7  }
0xa: {  	s21 =	sshll.u32 s6, $0x4;
	s22 =	sshrl.u32 s6, $0x3;
	s6 =	sor.u32 $0x20, s6  }
0xb: {  	s14 =	sand.u32 $0xF00, s11;
	s5 =	sor.u32 s19, s11;
	s23 =	sadd.s32 s13, s21  }
0xc: {  	s16 =	sand.u32 $0x60, s6;
	s26 =	sshrl.u32 s6, $0x3;
	s31 =	sshll.u32 s6, $0x4  }
0xd: {  	s8 =	sor.u32 s19, s14;
	s5 =	sshrl.u32 s5, $0x3;
	[dreg:$0x5] =	wrdreg s23  }
0xe: {  	s24 =	sor.u32 s11, s16;
	s25 =	sor.u32 s16, s14;
	s30 =	smul.u32 $0x300, s26  }
0xf: {  	s13 =	sadd.s32 s13, s31;
	s14 =	sadd.s32 s31, s15;
	s16 =	smax.u32 s4, $0x1  }
0x10: {  	s19 =	simm.s32 $0x7800;
	s23 =	simm.s32 $0x9800;
	s4 =	simm.s32 $0xA000  }
0x11: {  	s26 =	simm.s32 $0xB800;
	s20 =	sshrl.u32 s8, $0x3;
	s5 =	sor.u32 $0x10, s5  }
0x12: {  	s8 =	sadd.s32 $0x1700, s0;
	s0 =	sshrl.u32 s24, $0x3;
	s7 =	sadd.s32 s12, s20  }
0x13: {  	s24 =	simm.s32 $0xA800;
	s5 =	sadd.s32 s12, s5;
	[dreg:$0x3] =	wrdreg s7  }
0x14: {  	s0 =	sor.u32 $0x10, s0;
	s20 =	simm.s32 $0x8000;
	[dreg:$0x4] =	wrdreg s5  }
0x15: {  	s5 =	smul.u32 $0x300, s22;
	s7 =	sadd.s32 s21, s15;
	s15 =	sadd.s32 s1, s30  }
0x16: {  	v2 =	vlaneseq.u32;
	s21 =	simm.s32 $0x8800;
	s22 =	simm.s32 $0x9000;
	[dreg:$0x6] =	wrdreg s7  }
0x17: {  	vm0 =	vmmov $0xffff;
	v1 =	vshrl.u32 v2, $0x3;
	s10 =	sadd.s32 s1, s5;
	s5 =	sshrl.u32 s25, $0x3;
	s25 =	simm.s32 $0xB000  }
0x18: {  	v0 =	vand.u32 $0x7, v2;
	v2 =	vor.u32 $0x8, v2;
	v1 =	vmul.u32 $0x8, v1;
	s11 =	sadd.s32 s12, s5;
	s12 =	sadd.s32 s12, s0;
	s5 =	simm.s32 $0x1  }
.LBB2_1:
0x19: {  	s0 =	rddreg [dreg:$0x3];
	s1 =	simm.s32 $0xC000  }
0x1a: {  	[tilespmem:s1], [sflag:$0x3] =	stream.linear.gather [hbm4b:s0+s2], $0x20, $0x38;
	[tilespmem:$0xE100] =	vst v63  }
0x1b: {  	_ =	swait.ge [sflag:s18], $0x20  }
0x1c: {  	[sflag:s18] =	ssyncset.done $0x0  }
0x1d: {  	s7 =	simm.s32 $0xC080;
	s6 =	rddreg [dreg:$0x4];
	[sflag:s18] =	ssyncadd.s32 $0xFFFFFFE0  }
0x1e: {  	[tilespmem:s7], [sflag:$0x3] =	stream.linear.gather [hbm4b:s6+s2], $0x20, $0x38;
	[tilespmem:$0xE100] =	vst v63  }
0x1f: {  	_ =	swait.ge [sflag:s18], $0x20  }
0x20: {  	[sflag:s18] =	ssyncset.done $0x0  }
0x21: {  	s6 =	simm.s32 $0xC100;
	s17 =	rddreg [dreg:$0x5];
	[sflag:s18] =	ssyncadd.s32 $0xFFFFFFE0  }
0x22: {  	[tilespmem:s6], [sflag:$0x3] =	stream.linear.gather [hbm4b:s17+s2], $0x1000, $0x38;
	[tilespmem:$0xE100] =	vst v63  }
0x23: {  	_ =	swait.ge [sflag:s18], $0x1000  }
0x24: {  	[sflag:s18] =	ssyncset.done $0x0  }
0x25: {  	s30 =	simm.s32 $0xD100;
	s1 =	rddreg [dreg:$0x6];
	[sflag:s18] =	ssyncadd.s32 $0xFFFFF000  }
0x26: {  	[tilespmem:s30], [sflag:$0x3] =	stream.linear.gather [hbm4b:s1+s2], $0x1000, $0x38;
	[tilespmem:$0xE100] =	vst v63  }
0x27: {  	_ =	swait.ge [sflag:s18], $0x1000  }
0x28: {  	[sflag:s18] =	ssyncset.done $0x0  }
0x29: {  	[sflag:s18] =	ssyncadd.s32 $0xFFFFF000  }
0x2a: {  	v3 =	vld [tilespmem:$0xC000];
	_ =	sdelay $0x4  }
0x2b: {  	v4 =	vshrl.u32 v3, $0x3  }
0x2c: {  	v4 =	vmul.u32 $0x30, v4  }
0x2d: {  	v3 =	vand.u32 $0x7, v3  }
0x2e: {  	v3 =	vor.u32 v3, v4  }
0x2f: {  	v4 =	vperm.xlane v3, v0;
	_ =	sdelay $0x1  }
0x30: {  	v4 =	vadd.s32 v1, v4;
	_ =	sdelay $0x3  }
0x31: {  	v3 =	vperm.xlane v3, v2  }
0x32: {  	[tilespmem:s2], [sflag:$0x1] =	stream.indirect_vreg.gather [hbm4b:s3+s2], $0x80, v4, vm0, $0xb8;
	[tilespmem:$0xE100] =	vst v63  }
0x33: {  	s7 =	simm.s32 $0x800;
	v3 =	vadd.s32 v1, v3  }
0x34: {  	[tilespmem:s7], [sflag:$0x1] =	stream.indirect_vreg.gather [hbm4b:s8+s2], $0x80, v4, vm0, $0xb8;
	[tilespmem:$0xE100] =	vst v63  }
0x35: {  	s17 =	simm.s32 $0x1000  }
0x36: {  	[tilespmem:s17], [sflag:$0x1] =	stream.indirect_vreg.gather [hbm4b:s9+s2], $0x80, v4, vm0, $0xb8;
	[tilespmem:$0xE100] =	vst v63  }
0x37: {  	s1 =	simm.s32 $0x1800  }
0x38: {  	[tilespmem:s1], [sflag:$0x1] =	stream.indirect_vreg.gather [hbm4b:s3+s2], $0x80, v3, vm0, $0xb8;
	[tilespmem:$0xE100] =	vst v63  }
0x39: {  	s7 =	simm.s32 $0x2000  }
0x3a: {  	[tilespmem:s7], [sflag:$0x1] =	stream.indirect_vreg.gather [hbm4b:s8+s2], $0x80, v3, vm0, $0xb8;
	[tilespmem:$0xE100] =	vst v63  }
0x3b: {  	s17 =	simm.s32 $0x2800  }
0x3c: {  	[tilespmem:s17], [sflag:$0x1] =	stream.indirect_vreg.gather [hbm4b:s9+s2], $0x80, v3, vm0, $0xb8;
	[tilespmem:$0xE100] =	vst v63  }
0x3d: {  	v3 =	vld [tilespmem:$0xC010];
	_ =	sdelay $0x4  }
0x3e: {  	v4 =	vshrl.u32 v3, $0x3  }
0x3f: {  	v4 =	vmul.u32 $0x30, v4  }
0x40: {  	v3 =	vand.u32 $0x7, v3  }
0x41: {  	v3 =	vor.u32 v3, v4  }
0x42: {  	v4 =	vperm.xlane v3, v0;
	_ =	sdelay $0x1  }
0x43: {  	v4 =	vadd.s32 v1, v4;
	_ =	sdelay $0x3  }
0x44: {  	s1 =	simm.s32 $0x3000;
	v3 =	vperm.xlane v3, v2  }
0x45: {  	[tilespmem:s1], [sflag:$0x1] =	stream.indirect_vreg.gather [hbm4b:s3+s2], $0x80, v4, vm0, $0xb8;
	[tilespmem:$0xE100] =	vst v63  }
0x46: {  	s7 =	simm.s32 $0x3800;
	v3 =	vadd.s32 v1, v3  }
0x47: {  	[tilespmem:s7], [sflag:$0x1] =	stream.indirect_vreg.gather [hbm4b:s8+s2], $0x80, v4, vm0, $0xb8;
	[tilespmem:$0xE100] =	vst v63  }
0x48: {  	s17 =	simm.s32 $0x4000  }
0x49: {  	[tilespmem:s17], [sflag:$0x1] =	stream.indirect_vreg.gather [hbm4b:s9+s2], $0x80, v4, vm0, $0xb8;
	[tilespmem:$0xE100] =	vst v63  }
0x4a: {  	s1 =	simm.s32 $0x4800  }
0x4b: {  	[tilespmem:s1], [sflag:$0x1] =	stream.indirect_vreg.gather [hbm4b:s3+s2], $0x80, v3, vm0, $0xb8;
	[tilespmem:$0xE100] =	vst v63  }
0x4c: {  	s7 =	simm.s32 $0x5000  }
0x4d: {  	[tilespmem:s7], [sflag:$0x1] =	stream.indirect_vreg.gather [hbm4b:s8+s2], $0x80, v3, vm0, $0xb8;
	[tilespmem:$0xE100] =	vst v63  }
0x4e: {  	s17 =	simm.s32 $0x5800  }
0x4f: {  	[tilespmem:s17], [sflag:$0x1] =	stream.indirect_vreg.gather [hbm4b:s9+s2], $0x80, v3, vm0, $0xb8;
	[tilespmem:$0xE100] =	vst v63  }
0x50: {  	v3 =	vld [tilespmem:$0xC080];
	_ =	sdelay $0x4  }
0x51: {  	v4 =	vshrl.u32 v3, $0x3  }
0x52: {  	v4 =	vmul.u32 $0x30, v4  }
0x53: {  	v3 =	vand.u32 $0x7, v3  }
0x54: {  	v3 =	vor.u32 v3, v4  }
0x55: {  	v4 =	vperm.xlane v3, v0;
	_ =	sdelay $0x1  }
0x56: {  	v4 =	vadd.s32 v1, v4;
	_ =	sdelay $0x3  }
0x57: {  	s1 =	simm.s32 $0x6000;
	v3 =	vperm.xlane v3, v2  }
0x58: {  	[tilespmem:s1], [sflag:$0x2] =	stream.indirect_vreg.gather [hbm4b:s3+s2], $0x80, v4, vm0, $0xb8;
	[tilespmem:$0xE100] =	vst v63  }
0x59: {  	s7 =	simm.s32 $0x6800;
	v3 =	vadd.s32 v1, v3  }
0x5a: {  	[tilespmem:s7], [sflag:$0x2] =	stream.indirect_vreg.gather [hbm4b:s8+s2], $0x80, v4, vm0, $0xb8;
	[tilespmem:$0xE100] =	vst v63  }
0x5b: {  	s17 =	simm.s32 $0x7000  }
0x5c: {  	[tilespmem:s17], [sflag:$0x2] =	stream.indirect_vreg.gather [hbm4b:s9+s2], $0x80, v4, vm0, $0xb8;
	[tilespmem:$0xE100] =	vst v63  }
0x5d: {  	_ = 	snop  }
0x5e: {  	[tilespmem:s19], [sflag:$0x2] =	stream.indirect_vreg.gather [hbm4b:s3+s2], $0x80, v3, vm0, $0xb8;
	[tilespmem:$0xE100] =	vst v63  }
0x5f: {  	_ = 	snop  }
0x60: {  	[tilespmem:s20], [sflag:$0x2] =	stream.indirect_vreg.gather [hbm4b:s8+s2], $0x80, v3, vm0, $0xb8;
	[tilespmem:$0xE100] =	vst v63  }
0x61: {  	_ = 	snop  }
0x62: {  	[tilespmem:s21], [sflag:$0x2] =	stream.indirect_vreg.gather [hbm4b:s9+s2], $0x80, v3, vm0, $0xb8;
	[tilespmem:$0xE100] =	vst v63  }
0x63: {  	v3 =	vld [tilespmem:$0xC090];
	_ =	sdelay $0x4  }
0x64: {  	v4 =	vshrl.u32 v3, $0x3  }
0x65: {  	v4 =	vmul.u32 $0x30, v4  }
0x66: {  	v3 =	vand.u32 $0x7, v3  }
0x67: {  	v3 =	vor.u32 v3, v4  }
0x68: {  	v4 =	vperm.xlane v3, v0;
	_ =	sdelay $0x1  }
0x69: {  	v4 =	vadd.s32 v1, v4;
	_ =	sdelay $0x3  }
0x6a: {  	v3 =	vperm.xlane v3, v2  }
0x6b: {  	[tilespmem:s22], [sflag:$0x2] =	stream.indirect_vreg.gather [hbm4b:s3+s2], $0x80, v4, vm0, $0xb8;
	[tilespmem:$0xE100] =	vst v63  }
0x6c: {  	v3 =	vadd.s32 v1, v3  }
0x6d: {  	[tilespmem:s23], [sflag:$0x2] =	stream.indirect_vreg.gather [hbm4b:s8+s2], $0x80, v4, vm0, $0xb8;
	[tilespmem:$0xE100] =	vst v63  }
0x6e: {  	_ = 	snop  }
0x6f: {  	[tilespmem:s4], [sflag:$0x2] =	stream.indirect_vreg.gather [hbm4b:s9+s2], $0x80, v4, vm0, $0xb8;
	[tilespmem:$0xE100] =	vst v63  }
0x70: {  	_ = 	snop  }
0x71: {  	[tilespmem:s24], [sflag:$0x2] =	stream.indirect_vreg.gather [hbm4b:s3+s2], $0x80, v3, vm0, $0xb8;
	[tilespmem:$0xE100] =	vst v63  }
0x72: {  	_ = 	snop  }
0x73: {  	[tilespmem:s25], [sflag:$0x2] =	stream.indirect_vreg.gather [hbm4b:s8+s2], $0x80, v3, vm0, $0xb8;
	[tilespmem:$0xE100] =	vst v63  }
0x74: {  	_ = 	snop  }
0x75: {  	[tilespmem:s26], [sflag:$0x2] =	stream.indirect_vreg.gather [hbm4b:s9+s2], $0x80, v3, vm0, $0xb8;
	[tilespmem:$0xE100] =	vst v63  }
0x76: {  	_ =	swait.ge [sflag:s5], $0x6000  }
0x77: {  	[sflag:s5] =	ssyncset.done $0x0  }
0x78: {  	s1 =	simm.s32 $0x0;
	[sflag:s5] =	ssyncadd.s32 $0xFFFFA000  }
0x79: {  	s0 =	smul.u32 $0x1800, s1;
	_ =	swait.ge [sflag:s28], $0x6000  }
0x7a: {  	s7 =	sand.u32 $0x380, s2;
	[sflag:s28] =	ssyncset.done $0x0  }
0x7b: {  	s1 =	sor.u32 s7, s0;
	[sflag:s28] =	ssyncadd.s32 $0xFFFFA000  }
0x7c: {  	v4 =	vld [tilespmem:s1+$0x10]  }
0x7d: {  	v3 =	vld [tilespmem:s1+$0x6010]  }
0x7e: {  	v6 =	vld [tilespmem:s1+$0x20]  }
0x7f: {  	v5 =	vld [tilespmem:s1+$0x6020]  }
0x80: {  	v10 =	vld [tilespmem:s1+$0x30]  }
0x81: {  	v9 =	vld [tilespmem:s1+$0x6030]  }
0x82: {  	v12 =	vld [tilespmem:s1+$0x40]  }
0x83: {  	v11 =	vld [tilespmem:s1+$0x6040]  }
0x84: {  	v13 =	vld [tilespmem:s1+$0x60]  }
0x85: {  	v14 =	vld [tilespmem:s1+$0x70]  }
0x86: {  	v15 =	vld [tilespmem:s1+$0x400]  }
0x87: {  	v16 =	vld [tilespmem:s1+$0x410]  }
0x88: {  	v17 =	vld [tilespmem:s1+$0x420]  }
0x89: {  	v18 =	vld [tilespmem:s1+$0x430]  }
0x8a: {  	v19 =	vld [tilespmem:s1+$0x440]  }
0x8b: {  	v20 =	vld [tilespmem:s1+$0x450]  }
0x8c: {  	v21 =	vld [tilespmem:s1+$0x460]  }
0x8d: {  	v22 =	vld [tilespmem:s1+$0x470]  }
0x8e: {  	v23 =	vld [tilespmem:s1+$0x800]  }
0x8f: {  	v24 =	vld [tilespmem:s1+$0x810]  }
0x90: {  	v25 =	vld [tilespmem:s1+$0x820]  }
0x91: {  	v26 =	vld [tilespmem:s1+$0x830]  }
0x92: {  	v27 =	vld [tilespmem:s1+$0x840]  }
0x93: {  	v28 =	vld [tilespmem:s1+$0x850]  }
0x94: {  	v29 =	vld [tilespmem:s1+$0x860]  }
0x95: {  	v30 =	vld [tilespmem:s1+$0x870]  }
0x96: {  	v31 =	vld [tilespmem:s1+$0xC00]  }
0x97: {  	v32 =	vld [tilespmem:s1+$0xC10]  }
0x98: {  	v33 =	vld [tilespmem:s1+$0xC20]  }
0x99: {  	v34 =	vld [tilespmem:s1+$0xC30]  }
0x9a: {  	v35 =	vld [tilespmem:s1+$0xC40]  }
0x9b: {  	v36 =	vld [tilespmem:s1+$0xC50]  }
0x9c: {  	v37 =	vld [tilespmem:s1+$0xC60]  }
0x9d: {  	v38 =	vld [tilespmem:s1+$0xC70]  }
0x9e: {  	v39 =	vld [tilespmem:s1+$0x1000]  }
0x9f: {  	v40 =	vld [tilespmem:s1+$0x1010]  }
0xa0: {  	v41 =	vld [tilespmem:s1+$0x1020]  }
0xa1: {  	v42 =	vld [tilespmem:s1+$0x1030]  }
0xa2: {  	v43 =	vld [tilespmem:s1+$0x1040]  }
0xa3: {  	v44 =	vld [tilespmem:s1+$0x1050]  }
0xa4: {  	v45 =	vld [tilespmem:s1+$0x1060]  }
0xa5: {  	v46 =	vld [tilespmem:s1+$0x1400]  }
0xa6: {  	v47 =	vld [tilespmem:s1+$0x1410]  }
0xa7: {  	v48 =	vld [tilespmem:s1+$0x7410]  }
0xa8: {  	v49 =	vld [tilespmem:s1+$0x7430]  }
0xa9: {  	v50 =	vld [tilespmem:s1+$0x1430]  }
0xaa: {  	v51 =	vld [tilespmem:s1+$0x1420]  }
0xab: {  	v7 =	vld [tilespmem:s6+$0x0]  }
0xac: {  	v8 =	vld [tilespmem:s30+$0x0]  }
0xad: {  	v52 =	vld [tilespmem:s1+$0x7420]  }
0xae: {  	v53 =	vld [tilespmem:s1+$0x7400]  }
0xaf: {  	v54 =	vld [tilespmem:s1+$0x1070]  }
0xb0: {  	v55 =	vld [tilespmem:s1+$0x7070];
	v50 =	vmul.f32 v50, v7  }
0xb1: {  	v56 =	vld [tilespmem:s1+$0x7060];
	v49 =	vmul.f32 v49, v8;
	v51 =	vmul.f32 v51, v7  }
0xb2: {  	v57 =	vld [tilespmem:s1+$0x7050];
	v52 =	vmul.f32 v52, v8;
	v47 =	vmul.f32 v47, v7  }
0xb3: {  	v61 =	vld [tilespmem:s1+$0x7000];
	v48 =	vmul.f32 v48, v8;
	v46 =	vmul.f32 v46, v7  }
0xb4: {  	v58 =	vld [tilespmem:s1+$0x7040];
	v62 =	vmul.f32 v53, v8;
	v63 =	vmul.f32 v54, v7;
	v49 =	vadd.f32 v49, v50  }
0xb5: {  	v53 =	vld [tilespmem:s1+$0x7030];
	v59 =	vmul.f32 v55, v8;
	v45 =	vmul.f32 v45, v7;
	v51 =	vadd.f32 v52, v51  }
0xb6: {  	v60 =	vmul.f32 v56, v8;
	v44 =	vmul.f32 v44, v7;
	v56 =	vld [tilespmem:s1+$0x6C60];
	v47 =	vadd.f32 v48, v47;
	[tilespmem:s1+$0x1430] =	vst v49  }
0xb7: {  	v43 =	vmul.f32 v43, v7;
	v39 =	vmul.f32 v39, v7;
	v55 =	vld [tilespmem:s1+$0x6870];
	v46 =	vadd.f32 v62, v46;
	[tilespmem:s1+$0x1420] =	vst v51  }
0xb8: {  	v61 =	vmul.f32 v61, v8;
	v12 =	vmul.f32 v12, v7;
	v48 =	vld [tilespmem:s1+$0x7020];
	v52 =	vadd.f32 v59, v63;
	[tilespmem:s1+$0x1410] =	vst v47  }
0xb9: {  	v11 =	vmul.f32 v11, v8;
	v63 =	vmul.f32 v58, v8;
	v45 =	vadd.f32 v60, v45;
	v58 =	vld [tilespmem:s1+$0x6C50];
	[tilespmem:s1+$0x1400] =	vst v46  }
0xba: {  	v42 =	vmul.f32 v42, v7;
	v62 =	vmul.f32 v57, v8;
	v59 =	vld [tilespmem:s1+$0x6C40];
	v39 =	vadd.f32 v61, v39;
	[tilespmem:s1+$0x1070] =	vst v52  }
0xbb: {  	v41 =	vmul.f32 v41, v7;
	v40 =	vmul.f32 v40, v7;
	v60 =	vld [tilespmem:s1+$0x6C30];
	v11 =	vadd.f32 v11, v12;
	[tilespmem:s1+$0x1060] =	vst v45  }
0xbc: {  	v38 =	vmul.f32 v38, v7;
	v61 =	vld [tilespmem:s1+$0x6810];
	v44 =	vadd.f32 v62, v44;
	[tilespmem:s1+$0x1000] =	vst v39;
	v57 =	vmul.f32 v53, v8  }
0xbd: {  	v37 =	vmul.f32 v37, v7;
	v49 =	vld [tilespmem:s1+$0x7010];
	v43 =	vadd.f32 v63, v43;
	[tilespmem:s1+$0x40] =	vst v11;
	v46 =	vmul.f32 v56, v8  }
0xbe: {  	v36 =	vmul.f32 v36, v7;
	v47 =	vld [tilespmem:s1+$0x6C70];
	[tilespmem:s1+$0x1050] =	vst v44;
	v48 =	vmul.f32 v48, v8;
	v42 =	vadd.f32 v57, v42  }
0xbf: {  	v35 =	vmul.f32 v35, v7;
	v62 =	vld [tilespmem:s1+$0x6C20];
	[tilespmem:s1+$0x1040] =	vst v43;
	v54 =	vmul.f32 v58, v8;
	v37 =	vadd.f32 v46, v37  }
0xc0: {  	v34 =	vmul.f32 v34, v7;
	v63 =	vld [tilespmem:s1+$0x6C10];
	v45 =	vmul.f32 v59, v8;
	v41 =	vadd.f32 v48, v41;
	[tilespmem:s1+$0x1030] =	vst v42  }
0xc1: {  	v33 =	vmul.f32 v33, v7;
	v56 =	vld [tilespmem:s1+$0x6860];
	v44 =	vmul.f32 v60, v8;
	v36 =	vadd.f32 v54, v36;
	[tilespmem:s1+$0xC60] =	vst v37  }
0xc2: {  	v32 =	vmul.f32 v32, v7;
	v53 =	vld [tilespmem:s1+$0x6C00];
	v49 =	vmul.f32 v49, v8;
	v35 =	vadd.f32 v45, v35;
	[tilespmem:s1+$0x1020] =	vst v41  }
0xc3: {  	v6 =	vmul.f32 v6, v7;
	v12 =	vld [tilespmem:s1+$0x1460];
	v47 =	vmul.f32 v47, v8;
	v34 =	vadd.f32 v44, v34;
	[tilespmem:s1+$0xC50] =	vst v36  }
0xc4: {  	v5 =	vmul.f32 v5, v8;
	v58 =	vld [tilespmem:s1+$0x6840];
	v43 =	vmul.f32 v62, v8;
	v40 =	vadd.f32 v49, v40;
	[tilespmem:s1+$0xC40] =	vst v35  }
0xc5: {  	v29 =	vmul.f32 v29, v7;
	v59 =	vld [tilespmem:s1+$0x6830];
	v42 =	vmul.f32 v63, v8;
	v38 =	vadd.f32 v47, v38;
	[tilespmem:s1+$0xC30] =	vst v34  }
0xc6: {  	v5 =	vadd.f32 v5, v6;
	v6 =	vld [tilespmem:s1+$0x0];
	v39 =	vmul.f32 v56, v8;
	v33 =	vadd.f32 v43, v33;
	[tilespmem:s1+$0x1010] =	vst v40  }
0xc7: {  	v31 =	vmul.f32 v31, v7;
	v60 =	vld [tilespmem:s1+$0x6820];
	v41 =	vmul.f32 v53, v8;
	v32 =	vadd.f32 v42, v32;
	[tilespmem:s1+$0xC70] =	vst v38  }
0xc8: {  	v24 =	vmul.f32 v24, v7;
	v57 =	vld [tilespmem:s1+$0x6850];
	v34 =	vmul.f32 v61, v8;
	v29 =	vadd.f32 v39, v29;
	[tilespmem:s1+$0xC20] =	vst v33  }
0xc9: {  	v27 =	vmul.f32 v27, v7;
	v62 =	vld [tilespmem:s1+$0x6800];
	v37 =	vmul.f32 v58, v8;
	v31 =	vadd.f32 v41, v31;
	[tilespmem:s1+$0xC10] =	vst v32  }
0xca: {  	v26 =	vmul.f32 v26, v7;
	v63 =	vld [tilespmem:s1+$0x6470];
	v36 =	vmul.f32 v59, v8;
	v24 =	vadd.f32 v34, v24;
	[tilespmem:s1+$0x860] =	vst v29  }
0xcb: {  	v30 =	vmul.f32 v30, v7;
	v40 =	vmul.f32 v55, v8;
	v27 =	vadd.f32 v37, v27;
	v29 =	vld [tilespmem:s1+$0x6440];
	[tilespmem:s1+$0xC00] =	vst v31  }
0xcc: {  	v25 =	vmul.f32 v25, v7;
	v35 =	vmul.f32 v60, v8;
	v26 =	vadd.f32 v36, v26;
	v31 =	vld [tilespmem:s1+$0x6460];
	[tilespmem:s1+$0x810] =	vst v24  }
0xcd: {  	v28 =	vmul.f32 v28, v7;
	v38 =	vmul.f32 v57, v8;
	v30 =	vadd.f32 v40, v30;
	v24 =	vld [tilespmem:s1+$0x6070];
	[tilespmem:s1+$0x840] =	vst v27  }
0xce: {  	v23 =	vmul.f32 v23, v7;
	v33 =	vmul.f32 v62, v8;
	v25 =	vadd.f32 v35, v25;
	v27 =	vld [tilespmem:s1+$0x6420];
	[tilespmem:s1+$0x830] =	vst v26  }
0xcf: {  	v22 =	vmul.f32 v22, v7;
	v32 =	vmul.f32 v63, v8;
	v28 =	vadd.f32 v38, v28;
	[tilespmem:s1+$0x870] =	vst v30;
	v30 =	vld [tilespmem:s1+$0x6450]  }
0xd0: {  	v19 =	vmul.f32 v19, v7;
	v23 =	vadd.f32 v33, v23;
	[tilespmem:s1+$0x820] =	vst v25;
	v25 =	vld [tilespmem:s1+$0x6400];
	v29 =	vmul.f32 v29, v8  }
0xd1: {  	v21 =	vmul.f32 v21, v7;
	v22 =	vadd.f32 v32, v22;
	[tilespmem:s1+$0x850] =	vst v28;
	v28 =	vld [tilespmem:s1+$0x6430];
	v31 =	vmul.f32 v31, v8  }
0xd2: {  	v14 =	vmul.f32 v14, v7;
	[tilespmem:s1+$0x800] =	vst v23;
	v23 =	vld [tilespmem:s1+$0x6060];
	v24 =	vmul.f32 v24, v8;
	v19 =	vadd.f32 v29, v19  }
0xd3: {  	v17 =	vmul.f32 v17, v7;
	v26 =	vld [tilespmem:s1+$0x6410];
	[tilespmem:s1+$0x470] =	vst v22;
	v27 =	vmul.f32 v27, v8;
	v21 =	vadd.f32 v31, v21  }
0xd4: {  	v20 =	vmul.f32 v20, v7;
	v22 =	vld [tilespmem:s1+$0x50];
	v30 =	vmul.f32 v30, v8;
	v14 =	vadd.f32 v24, v14;
	[tilespmem:s1+$0x440] =	vst v19  }
0xd5: {  	v15 =	vmul.f32 v15, v7;
	v25 =	vmul.f32 v25, v8;
	v17 =	vadd.f32 v27, v17;
	v19 =	vld [tilespmem:s1+$0x7450];
	[tilespmem:s1+$0x460] =	vst v21  }
0xd6: {  	v18 =	vmul.f32 v18, v7;
	v28 =	vmul.f32 v28, v8;
	v20 =	vadd.f32 v30, v20;
	v21 =	vld [tilespmem:s1+$0x6050];
	[tilespmem:s1+$0x70] =	vst v14  }
0xd7: {  	v13 =	vmul.f32 v13, v7;
	v23 =	vmul.f32 v23, v8;
	v15 =	vadd.f32 v25, v15;
	[tilespmem:s1+$0x420] =	vst v17;
	v17 =	vld [tilespmem:s1+$0x1440]  }
0xd8: {  	v16 =	vmul.f32 v16, v7;
	v26 =	vmul.f32 v26, v8;
	v18 =	vadd.f32 v28, v18;
	[tilespmem:s1+$0x450] =	vst v20;
	v20 =	vld [tilespmem:s1+$0x7440]  }
0xd9: {  	v10 =	vmul.f32 v10, v7;
	v9 =	vmul.f32 v9, v8;
	v13 =	vadd.f32 v23, v13;
	[tilespmem:s1+$0x400] =	vst v15;
	v15 =	vld [tilespmem:s1+$0x1450]  }
0xda: {  	v4 =	vmul.f32 v4, v7;
	v3 =	vmul.f32 v3, v8;
	v16 =	vadd.f32 v26, v16;
	[tilespmem:s1+$0x430] =	vst v18;
	v18 =	vld [tilespmem:s1+$0x7460]  }
0xdb: {  	v9 =	vadd.f32 v9, v10;
	v10 =	vmul.f32 v22, v7;
	v14 =	vld [tilespmem:s1+$0x1470];
	[tilespmem:s1+$0x60] =	vst v13;
	v13 =	vmul.f32 v21, v8  }
0xdc: {  	v3 =	vadd.f32 v3, v4;
	[tilespmem:s1+$0x410] =	vst v16;
	v16 =	vld [tilespmem:s1+$0x7470]  }
0xdd: {  	s17 =	simm.s32 $0x0;
	[tilespmem:s1+$0x30] =	vst v9;
	v9 =	vld [tilespmem:s1+$0x6000];
	v11 =	vmul.f32 v17, v7;
	v17 =	vmul.f32 v20, v8;
	v4 =	vadd.f32 v13, v10  }
0xde: {  	s0 =	simm.s32 $0x80;
	s31 =	smul.u32 $0x1800, s17;
	[tilespmem:s1+$0x20] =	vst v5;
	v5 =	vmul.f32 v15, v7;
	v10 =	vmul.f32 v19, v8  }
0xdf: {  	s7 =	sand.u32 $0x380, s0;
	v11 =	vadd.f32 v17, v11;
	[tilespmem:s1+$0x50] =	vst v4;
	v4 =	vmul.f32 v12, v7;
	v12 =	vmul.f32 v18, v8  }
0xe0: {  	s31 =	sor.u32 s7, s31;
	[tilespmem:s1+$0x10] =	vst v3;
	v5 =	vadd.f32 v10, v5  }
0xe1: {  	v3 =	vld [tilespmem:s31+$0x10];
	v10 =	vmul.f32 v14, v7;
	[tilespmem:s1+$0x1440] =	vst v11;
	v11 =	vmul.f32 v16, v8;
	v12 =	vadd.f32 v12, v4  }
0xe2: {  	v7 =	vmul.f32 v6, v7;
	v8 =	vmul.f32 v9, v8;
	v4 =	vld [tilespmem:s31+$0x6010];
	[tilespmem:s1+$0x1450] =	vst v5  }
0xe3: {  	v9 =	vadd.f32 v11, v10;
	v6 =	vld [tilespmem:s31+$0x20];
	[tilespmem:s1+$0x1460] =	vst v12  }
0xe4: {  	v7 =	vadd.f32 v8, v7;
	v5 =	vld [tilespmem:s31+$0x6020]  }
0xe5: {  	v8 =	vld [tilespmem:s31+$0x30];
	[tilespmem:s1+$0x1470] =	vst v9  }
0xe6: {  	v18 =	vld [tilespmem:s31+$0x430];
	[tilespmem:s1+$0x0] =	vst v7  }
0xe7: {  	v7 =	vld [tilespmem:s31+$0x6030]  }
0xe8: {  	v10 =	vld [tilespmem:s31+$0x40]  }
0xe9: {  	v9 =	vld [tilespmem:s31+$0x6040]  }
0xea: {  	v12 =	vld [tilespmem:s31+$0x50]  }
0xeb: {  	v11 =	vld [tilespmem:s31+$0x6050]  }
0xec: {  	v13 =	vld [tilespmem:s31+$0x60]  }
0xed: {  	v14 =	vld [tilespmem:s31+$0x70]  }
0xee: {  	v15 =	vld [tilespmem:s31+$0x400]  }
0xef: {  	v16 =	vld [tilespmem:s31+$0x410]  }
0xf0: {  	v17 =	vld [tilespmem:s31+$0x420]  }
0xf1: {  	v19 =	vld [tilespmem:s31+$0x440]  }
0xf2: {  	v20 =	vld [tilespmem:s31+$0x450]  }
0xf3: {  	v21 =	vld [tilespmem:s31+$0x460]  }
0xf4: {  	v22 =	vld [tilespmem:s31+$0x470]  }
0xf5: {  	v23 =	vld [tilespmem:s31+$0x800]  }
0xf6: {  	v24 =	vld [tilespmem:s31+$0x810]  }
0xf7: {  	v25 =	vld [tilespmem:s31+$0x820]  }
0xf8: {  	v26 =	vld [tilespmem:s31+$0x830]  }
0xf9: {  	v27 =	vld [tilespmem:s31+$0x840]  }
0xfa: {  	v28 =	vld [tilespmem:s31+$0x850]  }
0xfb: {  	v29 =	vld [tilespmem:s31+$0x860]  }
0xfc: {  	v30 =	vld [tilespmem:s31+$0x870]  }
0xfd: {  	v31 =	vld [tilespmem:s31+$0xC00]  }
0xfe: {  	v34 =	vld [tilespmem:s31+$0xC10]  }
0xff: {  	v35 =	vld [tilespmem:s31+$0xC20]  }
0x100: {  	v36 =	vld [tilespmem:s31+$0xC30]  }
0x101: {  	v37 =	vld [tilespmem:s31+$0xC40]  }
0x102: {  	v38 =	vld [tilespmem:s31+$0xC50]  }
0x103: {  	v39 =	vld [tilespmem:s31+$0xC60]  }
0x104: {  	v40 =	vld [tilespmem:s31+$0xC70]  }
0x105: {  	v41 =	vld [tilespmem:s31+$0x1000]  }
0x106: {  	v42 =	vld [tilespmem:s31+$0x1010]  }
0x107: {  	v43 =	vld [tilespmem:s31+$0x1020]  }
0x108: {  	v44 =	vld [tilespmem:s31+$0x1030]  }
0x109: {  	v45 =	vld [tilespmem:s31+$0x1040]  }
0x10a: {  	v46 =	vld [tilespmem:s31+$0x1050]  }
0x10b: {  	v47 =	vld [tilespmem:s31+$0x1060]  }
0x10c: {  	v48 =	vld [tilespmem:s31+$0x1400]  }
0x10d: {  	v50 =	vld [tilespmem:s31+$0x1410]  }
0x10e: {  	v49 =	vld [tilespmem:s31+$0x7410]  }
0x10f: {  	s1 =	simm.s32 $0x2;
	v51 =	vld [tilespmem:s31+$0x7430]  }
.LBB2_2:
0x110: {  	p0 =	sne.s32 s1, $0x1F;
	v52 =	vld [tilespmem:s31+$0x1430]  }
0x111: {  	s6 =	sadd.s32 $0x80, s6;
	v53 =	vld [tilespmem:s31+$0x1420]  }
0x112: {  	s30 =	sadd.s32 $0x80, s30;
	v33 =	vld [tilespmem:s6+$0x0]  }
0x113: {  	v32 =	vld [tilespmem:s30+$0x0]  }
0x114: {  	v54 =	vld [tilespmem:s31+$0x7420]  }
0x115: {  	v55 =	vld [tilespmem:s31+$0x7400]  }
0x116: {  	v56 =	vld [tilespmem:s31+$0x1070]  }
0x117: {  	v57 =	vld [tilespmem:s31+$0x7070];
	v50 =	vmul.f32 v50, v33;
	v53 =	vmul.f32 v53, v33  }
0x118: {  	v52 =	vmul.f32 v52, v33;
	v58 =	vld [tilespmem:s31+$0x7060];
	v51 =	vmul.f32 v51, v32  }
0x119: {  	v49 =	vmul.f32 v49, v32;
	v59 =	vld [tilespmem:s31+$0x7050];
	v54 =	vmul.f32 v54, v32  }
0x11a: {  	v48 =	vmul.f32 v48, v33;
	v60 =	vld [tilespmem:s31+$0x7040];
	v55 =	vmul.f32 v55, v32;
	v51 =	vadd.f32 v51, v52  }
0x11b: {  	v49 =	vadd.f32 v49, v50;
	v52 =	vld [tilespmem:s31+$0x7030];
	v56 =	vmul.f32 v56, v33;
	v50 =	vadd.f32 v54, v53  }
0x11c: {  	v47 =	vmul.f32 v47, v33;
	v53 =	vld [tilespmem:s31+$0x7020];
	v54 =	vmul.f32 v57, v32;
	v48 =	vadd.f32 v55, v48;
	[tilespmem:s31+$0x1430] =	vst v51  }
0x11d: {  	v46 =	vmul.f32 v46, v33;
	v51 =	vld [tilespmem:s31+$0x7010];
	v55 =	vmul.f32 v58, v32;
	[tilespmem:s31+$0x1420] =	vst v50  }
0x11e: {  	v45 =	vmul.f32 v45, v33;
	v50 =	vld [tilespmem:s31+$0x7000];
	v57 =	vmul.f32 v59, v32;
	v54 =	vadd.f32 v54, v56;
	[tilespmem:s31+$0x1410] =	vst v49  }
0x11f: {  	v44 =	vmul.f32 v44, v33;
	v49 =	vld [tilespmem:s31+$0x6C70];
	v56 =	vmul.f32 v60, v32;
	v47 =	vadd.f32 v55, v47;
	[tilespmem:s31+$0x1400] =	vst v48  }
0x120: {  	v43 =	vmul.f32 v43, v33;
	v48 =	vld [tilespmem:s31+$0x6C60];
	v52 =	vmul.f32 v52, v32;
	v46 =	vadd.f32 v57, v46;
	[tilespmem:s31+$0x1070] =	vst v54  }
0x121: {  	v42 =	vmul.f32 v42, v33;
	v54 =	vld [tilespmem:s31+$0x6C50];
	v53 =	vmul.f32 v53, v32;
	v45 =	vadd.f32 v56, v45;
	[tilespmem:s31+$0x1060] =	vst v47  }
0x122: {  	v41 =	vmul.f32 v41, v33;
	v47 =	vld [tilespmem:s31+$0x6C40];
	v51 =	vmul.f32 v51, v32;
	v44 =	vadd.f32 v52, v44;
	[tilespmem:s31+$0x1050] =	vst v46  }
0x123: {  	v40 =	vmul.f32 v40, v33;
	v46 =	vld [tilespmem:s31+$0x6C30];
	v50 =	vmul.f32 v50, v32;
	v43 =	vadd.f32 v53, v43;
	[tilespmem:s31+$0x1040] =	vst v45  }
0x124: {  	v39 =	vmul.f32 v39, v33;
	v45 =	vld [tilespmem:s31+$0x6C20];
	v49 =	vmul.f32 v49, v32;
	v42 =	vadd.f32 v51, v42;
	[tilespmem:s31+$0x1030] =	vst v44  }
0x125: {  	v38 =	vmul.f32 v38, v33;
	v44 =	vld [tilespmem:s31+$0x6C10];
	v48 =	vmul.f32 v48, v32;
	v41 =	vadd.f32 v50, v41;
	[tilespmem:s31+$0x1020] =	vst v43  }
0x126: {  	v37 =	vmul.f32 v37, v33;
	v43 =	vld [tilespmem:s31+$0x6C00];
	v50 =	vmul.f32 v54, v32;
	v40 =	vadd.f32 v49, v40;
	[tilespmem:s31+$0x1010] =	vst v42  }
0x127: {  	v36 =	vmul.f32 v36, v33;
	v42 =	vld [tilespmem:s31+$0x6870];
	v47 =	vmul.f32 v47, v32;
	v39 =	vadd.f32 v48, v39;
	[tilespmem:s31+$0x1000] =	vst v41  }
0x128: {  	v35 =	vmul.f32 v35, v33;
	v41 =	vld [tilespmem:s31+$0x6860];
	v46 =	vmul.f32 v46, v32;
	v38 =	vadd.f32 v50, v38;
	[tilespmem:s31+$0xC70] =	vst v40  }
0x129: {  	v34 =	vmul.f32 v34, v33;
	v40 =	vld [tilespmem:s31+$0x6850];
	v45 =	vmul.f32 v45, v32;
	v37 =	vadd.f32 v47, v37;
	[tilespmem:s31+$0xC60] =	vst v39  }
0x12a: {  	v31 =	vmul.f32 v31, v33;
	v39 =	vld [tilespmem:s31+$0x6840];
	v44 =	vmul.f32 v44, v32;
	v36 =	vadd.f32 v46, v36;
	[tilespmem:s31+$0xC50] =	vst v38  }
0x12b: {  	v30 =	vmul.f32 v30, v33;
	v38 =	vld [tilespmem:s31+$0x6830];
	v43 =	vmul.f32 v43, v32;
	v35 =	vadd.f32 v45, v35;
	[tilespmem:s31+$0xC40] =	vst v37  }
0x12c: {  	v29 =	vmul.f32 v29, v33;
	v37 =	vld [tilespmem:s31+$0x6820];
	v42 =	vmul.f32 v42, v32;
	v34 =	vadd.f32 v44, v34;
	[tilespmem:s31+$0xC30] =	vst v36  }
0x12d: {  	v28 =	vmul.f32 v28, v33;
	v36 =	vld [tilespmem:s31+$0x6810];
	v41 =	vmul.f32 v41, v32;
	v31 =	vadd.f32 v43, v31;
	[tilespmem:s31+$0xC20] =	vst v35  }
0x12e: {  	v27 =	vmul.f32 v27, v33;
	v35 =	vld [tilespmem:s31+$0x6800];
	v40 =	vmul.f32 v40, v32;
	v30 =	vadd.f32 v42, v30;
	[tilespmem:s31+$0xC10] =	vst v34  }
0x12f: {  	v26 =	vmul.f32 v26, v33;
	v34 =	vld [tilespmem:s31+$0x6470];
	v39 =	vmul.f32 v39, v32;
	v29 =	vadd.f32 v41, v29;
	[tilespmem:s31+$0xC00] =	vst v31  }
0x130: {  	v25 =	vmul.f32 v25, v33;
	v31 =	vld [tilespmem:s31+$0x6460];
	v38 =	vmul.f32 v38, v32;
	v28 =	vadd.f32 v40, v28;
	[tilespmem:s31+$0x870] =	vst v30  }
0x131: {  	v24 =	vmul.f32 v24, v33;
	v30 =	vld [tilespmem:s31+$0x6450];
	v37 =	vmul.f32 v37, v32;
	v27 =	vadd.f32 v39, v27;
	[tilespmem:s31+$0x860] =	vst v29  }
0x132: {  	v23 =	vmul.f32 v23, v33;
	v29 =	vld [tilespmem:s31+$0x6440];
	v36 =	vmul.f32 v36, v32;
	v26 =	vadd.f32 v38, v26;
	[tilespmem:s31+$0x850] =	vst v28  }
0x133: {  	v22 =	vmul.f32 v22, v33;
	v28 =	vld [tilespmem:s31+$0x6430];
	v35 =	vmul.f32 v35, v32;
	v25 =	vadd.f32 v37, v25;
	[tilespmem:s31+$0x840] =	vst v27  }
0x134: {  	v21 =	vmul.f32 v21, v33;
	v27 =	vld [tilespmem:s31+$0x6420];
	v34 =	vmul.f32 v34, v32;
	v24 =	vadd.f32 v36, v24;
	[tilespmem:s31+$0x830] =	vst v26  }
0x135: {  	v20 =	vmul.f32 v20, v33;
	v26 =	vld [tilespmem:s31+$0x6410];
	v31 =	vmul.f32 v31, v32;
	v23 =	vadd.f32 v35, v23;
	[tilespmem:s31+$0x820] =	vst v25  }
0x136: {  	v19 =	vmul.f32 v19, v33;
	v25 =	vld [tilespmem:s31+$0x6400];
	v30 =	vmul.f32 v30, v32;
	v22 =	vadd.f32 v34, v22;
	[tilespmem:s31+$0x810] =	vst v24  }
0x137: {  	v18 =	vmul.f32 v18, v33;
	v24 =	vld [tilespmem:s31+$0x6070];
	v29 =	vmul.f32 v29, v32;
	v21 =	vadd.f32 v31, v21;
	[tilespmem:s31+$0x800] =	vst v23  }
0x138: {  	v17 =	vmul.f32 v17, v33;
	v23 =	vld [tilespmem:s31+$0x6060];
	v28 =	vmul.f32 v28, v32;
	v20 =	vadd.f32 v30, v20;
	[tilespmem:s31+$0x470] =	vst v22  }
0x139: {  	v16 =	vmul.f32 v16, v33;
	v22 =	vmul.f32 v27, v32;
	v19 =	vadd.f32 v29, v19;
	[tilespmem:s31+$0x460] =	vst v21;
	v21 =	vld [tilespmem:s31+$0x7440]  }
0x13a: {  	v15 =	vmul.f32 v15, v33;
	v26 =	vmul.f32 v26, v32;
	v18 =	vadd.f32 v28, v18;
	[tilespmem:s31+$0x450] =	vst v20;
	v20 =	vld [tilespmem:s31+$0x7450]  }
0x13b: {  	v14 =	vmul.f32 v14, v33;
	v25 =	vmul.f32 v25, v32;
	v17 =	vadd.f32 v22, v17;
	[tilespmem:s31+$0x440] =	vst v19;
	v19 =	vld [tilespmem:s31+$0x7460]  }
0x13c: {  	v13 =	vmul.f32 v13, v33;
	v22 =	vmul.f32 v24, v32;
	v16 =	vadd.f32 v26, v16;
	[tilespmem:s31+$0x430] =	vst v18;
	v18 =	vld [tilespmem:s31+$0x7470]  }
0x13d: {  	v12 =	vmul.f32 v12, v33;
	v23 =	vmul.f32 v23, v32;
	v15 =	vadd.f32 v25, v15;
	[tilespmem:s31+$0x420] =	vst v17;
	v17 =	vld [tilespmem:s31+$0x1440]  }
0x13e: {  	v10 =	vmul.f32 v10, v33;
	v11 =	vmul.f32 v11, v32;
	v14 =	vadd.f32 v22, v14;
	[tilespmem:s31+$0x410] =	vst v16;
	v16 =	vld [tilespmem:s31+$0x1450]  }
0x13f: {  	v8 =	vmul.f32 v8, v33;
	v9 =	vmul.f32 v9, v32;
	v13 =	vadd.f32 v23, v13;
	[tilespmem:s31+$0x400] =	vst v15;
	v15 =	vld [tilespmem:s31+$0x1460]  }
0x140: {  	v6 =	vmul.f32 v6, v33;
	v7 =	vmul.f32 v7, v32;
	v11 =	vadd.f32 v11, v12;
	[tilespmem:s31+$0x70] =	vst v14;
	v12 =	vld [tilespmem:s31+$0x1470]  }
0x141: {  	v3 =	vmul.f32 v3, v33;
	v5 =	vmul.f32 v5, v32;
	v9 =	vadd.f32 v9, v10;
	v14 =	vld [tilespmem:s31+$0x0];
	[tilespmem:s31+$0x60] =	vst v13  }
0x142: {  	v4 =	vmul.f32 v4, v32;
	v7 =	vadd.f32 v7, v8;
	v10 =	vld [tilespmem:s31+$0x6000];
	[tilespmem:s31+$0x50] =	vst v11;
	v8 =	vmul.f32 v17, v33  }
0x143: {  	s7 =	sshrl.u32 s1, $0x3;
	v5 =	vadd.f32 v5, v6;
	v6 =	vmul.f32 v21, v32;
	[tilespmem:s31+$0x40] =	vst v9;
	v9 =	vmul.f32 v16, v33  }
0x144: {  	s0 =	sadd.s32 $0x80, s0;
	s7 =	smul.u32 $0x1800, s7;
	v3 =	vadd.f32 v4, v3;
	v4 =	vmul.f32 v20, v32;
	[tilespmem:s31+$0x30] =	vst v7;
	v7 =	vmul.f32 v15, v33  }
0x145: {  	s17 =	sand.u32 $0x380, s0;
	[tilespmem:s31+$0x20] =	vst v5;
	v5 =	vadd.f32 v6, v8;
	v6 =	vmul.f32 v19, v32;
	v8 =	vmul.f32 v12, v33  }
0x146: {  	s7 =	sor.u32 s17, s7;
	v9 =	vadd.f32 v4, v9;
	v12 =	vmul.f32 v18, v32;
	v11 =	vmul.f32 v14, v33;
	[tilespmem:s31+$0x10] =	vst v3  }
0x147: {  	v3 =	vld [tilespmem:s7+$0x10];
	v10 =	vmul.f32 v10, v32;
	[tilespmem:s31+$0x1440] =	vst v5;
	v5 =	vadd.f32 v6, v7  }
0x148: {  	v7 =	vadd.f32 v12, v8;
	v4 =	vld [tilespmem:s7+$0x6010];
	[tilespmem:s31+$0x1450] =	vst v9  }
0x149: {  	v6 =	vld [tilespmem:s7+$0x20];
	v9 =	vadd.f32 v10, v11;
	[tilespmem:s31+$0x1460] =	vst v5  }
0x14a: {  	v5 =	vld [tilespmem:s7+$0x6020];
	[tilespmem:s31+$0x1470] =	vst v7  }
0x14b: {  	v8 =	vld [tilespmem:s7+$0x30];
	[tilespmem:s31+$0x0] =	vst v9;
	s31 =	smov.u32 s7  }
0x14c: {  	v7 =	vld [tilespmem:s31+$0x6030]  }
0x14d: {  	v10 =	vld [tilespmem:s31+$0x40]  }
0x14e: {  	v9 =	vld [tilespmem:s31+$0x6040]  }
0x14f: {  	v12 =	vld [tilespmem:s31+$0x50]  }
0x150: {  	v11 =	vld [tilespmem:s31+$0x6050]  }
0x151: {  	v13 =	vld [tilespmem:s31+$0x60]  }
0x152: {  	v14 =	vld [tilespmem:s31+$0x70]  }
0x153: {  	v15 =	vld [tilespmem:s31+$0x400]  }
0x154: {  	v16 =	vld [tilespmem:s31+$0x410]  }
0x155: {  	v17 =	vld [tilespmem:s31+$0x420]  }
0x156: {  	v18 =	vld [tilespmem:s31+$0x430]  }
0x157: {  	v19 =	vld [tilespmem:s31+$0x440]  }
0x158: {  	v20 =	vld [tilespmem:s31+$0x450]  }
0x159: {  	v21 =	vld [tilespmem:s31+$0x460]  }
0x15a: {  	v22 =	vld [tilespmem:s31+$0x470]  }
0x15b: {  	v23 =	vld [tilespmem:s31+$0x800]  }
0x15c: {  	v24 =	vld [tilespmem:s31+$0x810]  }
0x15d: {  	v25 =	vld [tilespmem:s31+$0x820]  }
0x15e: {  	v26 =	vld [tilespmem:s31+$0x830]  }
0x15f: {  	v27 =	vld [tilespmem:s31+$0x840]  }
0x160: {  	v28 =	vld [tilespmem:s31+$0x850]  }
0x161: {  	v29 =	vld [tilespmem:s31+$0x860]  }
0x162: {  	v30 =	vld [tilespmem:s31+$0x870]  }
0x163: {  	v31 =	vld [tilespmem:s31+$0xC00]  }
0x164: {  	v34 =	vld [tilespmem:s31+$0xC10]  }
0x165: {  	v35 =	vld [tilespmem:s31+$0xC20]  }
0x166: {  	v36 =	vld [tilespmem:s31+$0xC30]  }
0x167: {  	v37 =	vld [tilespmem:s31+$0xC40]  }
0x168: {  	v38 =	vld [tilespmem:s31+$0xC50]  }
0x169: {  	v39 =	vld [tilespmem:s31+$0xC60]  }
0x16a: {  	v40 =	vld [tilespmem:s31+$0xC70]  }
0x16b: {  	v41 =	vld [tilespmem:s31+$0x1000]  }
0x16c: {  	v42 =	vld [tilespmem:s31+$0x1010]  }
0x16d: {  	v43 =	vld [tilespmem:s31+$0x1020]  }
0x16e: {  	v44 =	vld [tilespmem:s31+$0x1030]  }
0x16f: {  	v45 =	vld [tilespmem:s31+$0x1040]  }
0x170: {  	v46 =	vld [tilespmem:s31+$0x1050]  }
.Ltmp0:
0x171: {  	v47 =	vld [tilespmem:s31+$0x1060];
	(pc) =	sbr.rel @p0 .LBB2_2-.Ltmp0, $4  }
0x172: {  	v48 =	vld [tilespmem:s31+$0x1400]  }
0x173: {  	v50 =	vld [tilespmem:s31+$0x1410]  }
0x174: {  	v49 =	vld [tilespmem:s31+$0x7410]  }
0x175: {  	s1 =	sadd.s32 $0x1, s1;
	v51 =	vld [tilespmem:s31+$0x7430]  }
0x176: {  	v52 =	vld [tilespmem:s31+$0x1430]  }
0x177: {  	v53 =	vld [tilespmem:s31+$0x1420];
	s0 =	sadd.s32 $0x80, s6  }
0x178: {  	s1 =	sadd.s32 $0x80, s30;
	v32 =	vld [tilespmem:s0+$0x0]  }
0x179: {  	v33 =	vld [tilespmem:s1+$0x0]  }
0x17a: {  	v54 =	vld [tilespmem:s31+$0x7420]  }
0x17b: {  	v55 =	vld [tilespmem:s31+$0x7400]  }
0x17c: {  	v56 =	vld [tilespmem:s31+$0x1070]  }
0x17d: {  	v57 =	vld [tilespmem:s31+$0x7070]  }
0x17e: {  	v58 =	vld [tilespmem:s31+$0x7060];
	v52 =	vmul.f32 v52, v32;
	v51 =	vmul.f32 v51, v33  }
0x17f: {  	v53 =	vmul.f32 v53, v32;
	v54 =	vmul.f32 v54, v33  }
0x180: {  	v59 =	vld [tilespmem:s31+$0x7050];
	v50 =	vmul.f32 v50, v32;
	v49 =	vmul.f32 v49, v33  }
0x181: {  	v61 =	vld [tilespmem:s31+$0x7020];
	v48 =	vmul.f32 v48, v32;
	v62 =	vmul.f32 v55, v33;
	v51 =	vadd.f32 v51, v52  }
0x182: {  	v60 =	vld [tilespmem:s31+$0x7040];
	v63 =	vmul.f32 v56, v32;
	v57 =	vmul.f32 v57, v33;
	v53 =	vadd.f32 v54, v53  }
0x183: {  	v47 =	vmul.f32 v47, v32;
	v58 =	vmul.f32 v58, v33;
	v52 =	vld [tilespmem:s31+$0x7030];
	v49 =	vadd.f32 v49, v50;
	[tilespmem:s31+$0x1430] =	vst v51  }
0x184: {  	v46 =	vmul.f32 v46, v32;
	v45 =	vmul.f32 v45, v32;
	v50 =	vld [tilespmem:s31+$0x7000];
	v48 =	vadd.f32 v62, v48;
	[tilespmem:s31+$0x1420] =	vst v53  }
0x185: {  	v44 =	vmul.f32 v44, v32;
	v62 =	vmul.f32 v59, v33;
	v47 =	vadd.f32 v58, v47;
	v58 =	vld [tilespmem:s31+$0x6C30];
	[tilespmem:s31+$0x1410] =	vst v49  }
0x186: {  	v43 =	vmul.f32 v43, v32;
	v59 =	vmul.f32 v61, v33;
	v51 =	vld [tilespmem:s31+$0x7010];
	v53 =	vadd.f32 v57, v63;
	[tilespmem:s31+$0x1400] =	vst v48  }
0x187: {  	v42 =	vmul.f32 v42, v32;
	v49 =	vld [tilespmem:s31+$0x6C70];
	v63 =	vmul.f32 v60, v33;
	v46 =	vadd.f32 v62, v46;
	[tilespmem:s31+$0x1060] =	vst v47  }
0x188: {  	v41 =	vmul.f32 v41, v32;
	v48 =	vld [tilespmem:s31+$0x6C60];
	v43 =	vadd.f32 v59, v43;
	[tilespmem:s31+$0x1070] =	vst v53;
	v52 =	vmul.f32 v52, v33  }
0x189: {  	v40 =	vmul.f32 v40, v32;
	v57 =	vld [tilespmem:s31+$0x6C40];
	v45 =	vadd.f32 v63, v45;
	[tilespmem:s31+$0x1050] =	vst v46;
	v50 =	vmul.f32 v50, v33  }
0x18a: {  	v36 =	vmul.f32 v36, v32;
	v60 =	vld [tilespmem:s31+$0x6C20];
	[tilespmem:s31+$0x1020] =	vst v43;
	v46 =	vmul.f32 v58, v33;
	v44 =	vadd.f32 v52, v44  }
0x18b: {  	v39 =	vmul.f32 v39, v32;
	v62 =	vld [tilespmem:s31+$0x6C00];
	[tilespmem:s31+$0x1040] =	vst v45;
	v51 =	vmul.f32 v51, v33;
	v41 =	vadd.f32 v50, v41  }
0x18c: {  	v38 =	vmul.f32 v38, v32;
	v53 =	vld [tilespmem:s31+$0x6C50];
	v49 =	vmul.f32 v49, v33;
	v36 =	vadd.f32 v46, v36;
	[tilespmem:s31+$0x1030] =	vst v44  }
0x18d: {  	v37 =	vmul.f32 v37, v32;
	v61 =	vld [tilespmem:s31+$0x6C10];
	v48 =	vmul.f32 v48, v33;
	v42 =	vadd.f32 v51, v42;
	[tilespmem:s31+$0x1000] =	vst v41  }
0x18e: {  	v35 =	vmul.f32 v35, v32;
	v59 =	vld [tilespmem:s31+$0x6810];
	v47 =	vmul.f32 v57, v33;
	v40 =	vadd.f32 v49, v40;
	[tilespmem:s31+$0xC30] =	vst v36  }
0x18f: {  	v34 =	vmul.f32 v34, v32;
	v63 =	vld [tilespmem:s31+$0x6870];
	v45 =	vmul.f32 v60, v33;
	v39 =	vadd.f32 v48, v39;
	[tilespmem:s31+$0x1010] =	vst v42  }
0x190: {  	v55 =	vld [tilespmem:s31+$0x6850];
	v31 =	vmul.f32 v31, v32;
	v43 =	vmul.f32 v62, v33;
	v37 =	vadd.f32 v47, v37;
	[tilespmem:s31+$0xC70] =	vst v40  }
0x191: {  	v30 =	vmul.f32 v30, v32;
	v52 =	vld [tilespmem:s31+$0x6860];
	v54 =	vmul.f32 v53, v33;
	v35 =	vadd.f32 v45, v35;
	[tilespmem:s31+$0xC60] =	vst v39  }
0x192: {  	v56 =	vld [tilespmem:s31+$0x6840];
	v29 =	vmul.f32 v29, v32;
	v44 =	vmul.f32 v61, v33;
	v31 =	vadd.f32 v43, v31;
	[tilespmem:s31+$0xC40] =	vst v37  }
0x193: {  	v24 =	vmul.f32 v24, v32;
	v58 =	vld [tilespmem:s31+$0x6820];
	v36 =	vmul.f32 v59, v33;
	v38 =	vadd.f32 v54, v38;
	[tilespmem:s31+$0xC20] =	vst v35  }
0x194: {  	v28 =	vmul.f32 v28, v32;
	v60 =	vld [tilespmem:s31+$0x6800];
	v34 =	vadd.f32 v44, v34;
	v42 =	vmul.f32 v63, v33;
	[tilespmem:s31+$0xC00] =	vst v31  }
0x195: {  	v27 =	vmul.f32 v27, v32;
	v57 =	vld [tilespmem:s31+$0x6830];
	v40 =	vmul.f32 v55, v33;
	v24 =	vadd.f32 v36, v24;
	[tilespmem:s31+$0xC50] =	vst v38  }
0x196: {  	v26 =	vmul.f32 v26, v32;
	v61 =	vld [tilespmem:s31+$0x6470];
	v41 =	vmul.f32 v52, v33;
	[tilespmem:s31+$0xC10] =	vst v34;
	v30 =	vadd.f32 v42, v30  }
0x197: {  	v25 =	vmul.f32 v25, v32;
	v39 =	vmul.f32 v56, v33;
	v28 =	vadd.f32 v40, v28;
	[tilespmem:s31+$0x810] =	vst v24  }
0x198: {  	v23 =	vmul.f32 v23, v32;
	v31 =	vld [tilespmem:s31+$0x6460];
	v37 =	vmul.f32 v58, v33;
	v29 =	vadd.f32 v41, v29;
	[tilespmem:s31+$0x870] =	vst v30  }
0x199: {  	v22 =	vmul.f32 v22, v32;
	v35 =	vmul.f32 v60, v33;
	v27 =	vadd.f32 v39, v27;
	v30 =	vld [tilespmem:s31+$0x6450];
	[tilespmem:s31+$0x850] =	vst v28  }
0x19a: {  	v10 =	vmul.f32 v10, v32;
	v38 =	vmul.f32 v57, v33;
	v25 =	vadd.f32 v37, v25;
	[tilespmem:s31+$0x860] =	vst v29;
	v29 =	vld [tilespmem:s31+$0x6440]  }
0x19b: {  	v9 =	vmul.f32 v9, v33;
	v34 =	vmul.f32 v61, v33;
	v23 =	vadd.f32 v35, v23;
	v28 =	vld [tilespmem:s31+$0x6430];
	[tilespmem:s31+$0x840] =	vst v27  }
0x19c: {  	v21 =	vmul.f32 v21, v32;
	v26 =	vadd.f32 v38, v26;
	v27 =	vld [tilespmem:s31+$0x6420];
	[tilespmem:s31+$0x820] =	vst v25  }
0x19d: {  	v9 =	vadd.f32 v9, v10;
	v10 =	vld [tilespmem:s31+$0x6000];
	v24 =	vmul.f32 v31, v33;
	v22 =	vadd.f32 v34, v22;
	[tilespmem:s31+$0x800] =	vst v23  }
0x19e: {  	v20 =	vmul.f32 v20, v32;
	[tilespmem:s31+$0x830] =	vst v26;
	v26 =	vld [tilespmem:s31+$0x6410];
	v23 =	vmul.f32 v30, v33  }
0x19f: {  	v19 =	vmul.f32 v19, v32;
	v25 =	vld [tilespmem:s31+$0x6400];
	v21 =	vadd.f32 v24, v21;
	[tilespmem:s31+$0x470] =	vst v22;
	v22 =	vmul.f32 v29, v33  }
0x1a0: {  	v18 =	vmul.f32 v18, v32;
	v31 =	vld [tilespmem:s31+$0x6070];
	v20 =	vadd.f32 v23, v20;
	v23 =	vmul.f32 v28, v33  }
0x1a1: {  	v17 =	vmul.f32 v17, v32;
	v24 =	vld [tilespmem:s31+$0x6060];
	[tilespmem:s31+$0x460] =	vst v21;
	v19 =	vadd.f32 v22, v19;
	v22 =	vmul.f32 v27, v33  }
0x1a2: {  	v12 =	vmul.f32 v12, v32;
	v11 =	vmul.f32 v11, v33;
	v21 =	vld [tilespmem:s31+$0x7440];
	[tilespmem:s31+$0x450] =	vst v20;
	v18 =	vadd.f32 v23, v18  }
0x1a3: {  	v16 =	vmul.f32 v16, v32;
	v20 =	vld [tilespmem:s31+$0x7450];
	v23 =	vmul.f32 v26, v33;
	[tilespmem:s31+$0x440] =	vst v19;
	v17 =	vadd.f32 v22, v17  }
0x1a4: {  	v15 =	vmul.f32 v15, v32;
	v11 =	vadd.f32 v11, v12;
	v19 =	vld [tilespmem:s31+$0x7460];
	[tilespmem:s31+$0x430] =	vst v18;
	v18 =	vmul.f32 v25, v33  }
0x1a5: {  	v14 =	vmul.f32 v14, v32;
	v22 =	vld [tilespmem:s31+$0x7470];
	v16 =	vadd.f32 v23, v16;
	[tilespmem:s31+$0x420] =	vst v17;
	v17 =	vmul.f32 v31, v33  }
0x1a6: {  	[tilespmem:s31+$0x50] =	vst v11;
	v15 =	vadd.f32 v18, v15;
	v18 =	vld [tilespmem:s31+$0x1440]  }
0x1a7: {  	v8 =	vmul.f32 v8, v32;
	v7 =	vmul.f32 v7, v33;
	[tilespmem:s31+$0x410] =	vst v16;
	v16 =	vld [tilespmem:s31+$0x1450];
	v14 =	vadd.f32 v17, v14  }
0x1a8: {  	v6 =	vmul.f32 v6, v32;
	v5 =	vmul.f32 v5, v33;
	[tilespmem:s31+$0x400] =	vst v15;
	v15 =	vld [tilespmem:s31+$0x1460]  }
0x1a9: {  	v3 =	vmul.f32 v3, v32;
	v4 =	vmul.f32 v4, v33;
	v7 =	vadd.f32 v7, v8;
	[tilespmem:s31+$0x70] =	vst v14;
	v14 =	vld [tilespmem:s31+$0x1470]  }
0x1aa: {  	v13 =	vmul.f32 v13, v32;
	v12 =	vld [tilespmem:s31+$0x0];
	v5 =	vadd.f32 v5, v6;
	[tilespmem:s31+$0x40] =	vst v9;
	v23 =	vmul.f32 v24, v33  }
0x1ab: {  	v3 =	vadd.f32 v4, v3;
	[tilespmem:s31+$0x30] =	vst v7;
	v6 =	vmul.f32 v21, v33;
	v8 =	vmul.f32 v18, v32  }
0x1ac: {  	[tilespmem:s31+$0x20] =	vst v5;
	v13 =	vadd.f32 v23, v13;
	v4 =	vmul.f32 v20, v33;
	v9 =	vmul.f32 v16, v32  }
0x1ad: {  	[tilespmem:s31+$0x10] =	vst v3;
	v7 =	vmul.f32 v15, v32;
	v5 =	vadd.f32 v6, v8;
	v6 =	vmul.f32 v19, v33  }
0x1ae: {  	[tilespmem:s31+$0x60] =	vst v13;
	v3 =	vadd.f32 v4, v9;
	v4 =	vmul.f32 v22, v33;
	v8 =	vmul.f32 v14, v32  }
0x1af: {  	v10 =	vmul.f32 v10, v33;
	v9 =	vmul.f32 v12, v32;
	[tilespmem:s31+$0x1440] =	vst v5;
	v5 =	vadd.f32 v6, v7  }
0x1b0: {  	[tilespmem:s31+$0x1450] =	vst v3;
	v3 =	vadd.f32 v4, v8  }
0x1b1: {  	v4 =	vadd.f32 v10, v9;
	[tilespmem:s31+$0x1460] =	vst v5  }
0x1b2: {  	[tilespmem:s31+$0x1470] =	vst v3  }
0x1b3: {  	s0 =	simm.s32 $0x0;
	[tilespmem:s31+$0x0] =	vst v4  }
0x1b4: {  	[hbm4b:s10+s0] =	stream.linear.scatter [tilespmem:s0], [sflag:$0x3], $0x6000, $0x38;
	[tilespmem:$0xE100] =	vst v63  }
0x1b5: {  	_ =	swait.ge [sflag:s18], $0x6000  }
0x1b6: {  	[sflag:s18] =	ssyncset.done $0x0  }
0x1b7: {  	s1 =	simm.s32 $0xC000;
	[sflag:s18] =	ssyncadd.s32 $0xFFFFA000  }
0x1b8: {  	[tilespmem:s1], [sflag:$0x3] =	stream.linear.gather [hbm4b:s11+s0], $0x20, $0x38;
	[tilespmem:$0xE100] =	vst v63  }
0x1b9: {  	_ =	swait.ge [sflag:s18], $0x20  }
0x1ba: {  	[sflag:s18] =	ssyncset.done $0x0  }
0x1bb: {  	s6 =	simm.s32 $0xC080;
	[sflag:s18] =	ssyncadd.s32 $0xFFFFFFE0  }
0x1bc: {  	[tilespmem:s6], [sflag:$0x3] =	stream.linear.gather [hbm4b:s12+s0], $0x20, $0x38;
	[tilespmem:$0xE100] =	vst v63  }
0x1bd: {  	_ =	swait.ge [sflag:s18], $0x20  }
0x1be: {  	[sflag:s18] =	ssyncset.done $0x0  }
0x1bf: {  	s6 =	simm.s32 $0xC100;
	[sflag:s18] =	ssyncadd.s32 $0xFFFFFFE0  }
0x1c0: {  	[tilespmem:s6], [sflag:$0x3] =	stream.linear.gather [hbm4b:s13+s0], $0x1000, $0x38;
	[tilespmem:$0xE100] =	vst v63  }
0x1c1: {  	_ =	swait.ge [sflag:s18], $0x1000  }
0x1c2: {  	[sflag:s18] =	ssyncset.done $0x0  }
0x1c3: {  	s30 =	simm.s32 $0xD100;
	[sflag:s18] =	ssyncadd.s32 $0xFFFFF000  }
0x1c4: {  	[tilespmem:s30], [sflag:$0x3] =	stream.linear.gather [hbm4b:s14+s0], $0x1000, $0x38;
	[tilespmem:$0xE100] =	vst v63  }
0x1c5: {  	_ =	swait.ge [sflag:s18], $0x1000  }
0x1c6: {  	[sflag:s18] =	ssyncset.done $0x0  }
0x1c7: {  	[sflag:s18] =	ssyncadd.s32 $0xFFFFF000  }
0x1c8: {  	v3 =	vld [tilespmem:$0xC000];
	_ =	sdelay $0x4  }
0x1c9: {  	v4 =	vshrl.u32 v3, $0x3  }
0x1ca: {  	v4 =	vmul.u32 $0x30, v4  }
0x1cb: {  	v3 =	vand.u32 $0x7, v3  }
0x1cc: {  	v3 =	vor.u32 v3, v4  }
0x1cd: {  	v4 =	vperm.xlane v3, v0;
	_ =	sdelay $0x1  }
0x1ce: {  	v4 =	vadd.s32 v1, v4;
	_ =	sdelay $0x3  }
0x1cf: {  	v3 =	vperm.xlane v3, v2  }
0x1d0: {  	[tilespmem:s0], [sflag:$0x1] =	stream.indirect_vreg.gather [hbm4b:s3+s0], $0x80, v4, vm0, $0xb8;
	[tilespmem:$0xE100] =	vst v63  }
0x1d1: {  	s7 =	simm.s32 $0x800;
	v3 =	vadd.s32 v1, v3  }
0x1d2: {  	[tilespmem:s7], [sflag:$0x1] =	stream.indirect_vreg.gather [hbm4b:s8+s0], $0x80, v4, vm0, $0xb8;
	[tilespmem:$0xE100] =	vst v63  }
0x1d3: {  	s17 =	simm.s32 $0x1000  }
0x1d4: {  	[tilespmem:s17], [sflag:$0x1] =	stream.indirect_vreg.gather [hbm4b:s9+s0], $0x80, v4, vm0, $0xb8;
	[tilespmem:$0xE100] =	vst v63  }
0x1d5: {  	s7 =	simm.s32 $0x1800  }
0x1d6: {  	[tilespmem:s7], [sflag:$0x1] =	stream.indirect_vreg.gather [hbm4b:s3+s0], $0x80, v3, vm0, $0xb8;
	[tilespmem:$0xE100] =	vst v63  }
0x1d7: {  	s17 =	simm.s32 $0x2000  }
0x1d8: {  	[tilespmem:s17], [sflag:$0x1] =	stream.indirect_vreg.gather [hbm4b:s8+s0], $0x80, v3, vm0, $0xb8;
	[tilespmem:$0xE100] =	vst v63  }
0x1d9: {  	s7 =	simm.s32 $0x2800  }
0x1da: {  	[tilespmem:s7], [sflag:$0x1] =	stream.indirect_vreg.gather [hbm4b:s9+s0], $0x80, v3, vm0, $0xb8;
	[tilespmem:$0xE100] =	vst v63  }
0x1db: {  	v3 =	vld [tilespmem:$0xC010];
	_ =	sdelay $0x4  }
0x1dc: {  	v4 =	vshrl.u32 v3, $0x3  }
0x1dd: {  	v4 =	vmul.u32 $0x30, v4  }
0x1de: {  	v3 =	vand.u32 $0x7, v3  }
0x1df: {  	v3 =	vor.u32 v3, v4  }
0x1e0: {  	v4 =	vperm.xlane v3, v0;
	_ =	sdelay $0x1  }
0x1e1: {  	v4 =	vadd.s32 v1, v4;
	_ =	sdelay $0x3  }
0x1e2: {  	s17 =	simm.s32 $0x3000;
	v3 =	vperm.xlane v3, v2  }
0x1e3: {  	[tilespmem:s17], [sflag:$0x1] =	stream.indirect_vreg.gather [hbm4b:s3+s0], $0x80, v4, vm0, $0xb8;
	[tilespmem:$0xE100] =	vst v63  }
0x1e4: {  	s7 =	simm.s32 $0x3800;
	v3 =	vadd.s32 v1, v3  }
0x1e5: {  	[tilespmem:s7], [sflag:$0x1] =	stream.indirect_vreg.gather [hbm4b:s8+s0], $0x80, v4, vm0, $0xb8;
	[tilespmem:$0xE100] =	vst v63  }
0x1e6: {  	s17 =	simm.s32 $0x4000  }
0x1e7: {  	[tilespmem:s17], [sflag:$0x1] =	stream.indirect_vreg.gather [hbm4b:s9+s0], $0x80, v4, vm0, $0xb8;
	[tilespmem:$0xE100] =	vst v63  }
0x1e8: {  	s7 =	simm.s32 $0x4800  }
0x1e9: {  	[tilespmem:s7], [sflag:$0x1] =	stream.indirect_vreg.gather [hbm4b:s3+s0], $0x80, v3, vm0, $0xb8;
	[tilespmem:$0xE100] =	vst v63  }
0x1ea: {  	s17 =	simm.s32 $0x5000  }
0x1eb: {  	[tilespmem:s17], [sflag:$0x1] =	stream.indirect_vreg.gather [hbm4b:s8+s0], $0x80, v3, vm0, $0xb8;
	[tilespmem:$0xE100] =	vst v63  }
0x1ec: {  	s7 =	simm.s32 $0x5800  }
0x1ed: {  	[tilespmem:s7], [sflag:$0x1] =	stream.indirect_vreg.gather [hbm4b:s9+s0], $0x80, v3, vm0, $0xb8;
	[tilespmem:$0xE100] =	vst v63  }
0x1ee: {  	v3 =	vld [tilespmem:$0xC080];
	_ =	sdelay $0x4  }
0x1ef: {  	v4 =	vshrl.u32 v3, $0x3  }
0x1f0: {  	v4 =	vmul.u32 $0x30, v4  }
0x1f1: {  	v3 =	vand.u32 $0x7, v3  }
0x1f2: {  	v3 =	vor.u32 v3, v4  }
0x1f3: {  	v4 =	vperm.xlane v3, v0;
	_ =	sdelay $0x1  }
0x1f4: {  	v4 =	vadd.s32 v1, v4;
	_ =	sdelay $0x3  }
0x1f5: {  	s17 =	simm.s32 $0x6000;
	v3 =	vperm.xlane v3, v2  }
0x1f6: {  	[tilespmem:s17], [sflag:$0x2] =	stream.indirect_vreg.gather [hbm4b:s3+s0], $0x80, v4, vm0, $0xb8;
	[tilespmem:$0xE100] =	vst v63  }
0x1f7: {  	s7 =	simm.s32 $0x6800;
	v3 =	vadd.s32 v1, v3  }
0x1f8: {  	[tilespmem:s7], [sflag:$0x2] =	stream.indirect_vreg.gather [hbm4b:s8+s0], $0x80, v4, vm0, $0xb8;
	[tilespmem:$0xE100] =	vst v63  }
0x1f9: {  	s17 =	simm.s32 $0x7000  }
0x1fa: {  	[tilespmem:s17], [sflag:$0x2] =	stream.indirect_vreg.gather [hbm4b:s9+s0], $0x80, v4, vm0, $0xb8;
	[tilespmem:$0xE100] =	vst v63  }
0x1fb: {  	_ = 	snop  }
0x1fc: {  	[tilespmem:s19], [sflag:$0x2] =	stream.indirect_vreg.gather [hbm4b:s3+s0], $0x80, v3, vm0, $0xb8;
	[tilespmem:$0xE100] =	vst v63  }
0x1fd: {  	_ = 	snop  }
0x1fe: {  	[tilespmem:s20], [sflag:$0x2] =	stream.indirect_vreg.gather [hbm4b:s8+s0], $0x80, v3, vm0, $0xb8;
	[tilespmem:$0xE100] =	vst v63  }
0x1ff: {  	_ = 	snop  }
0x200: {  	[tilespmem:s21], [sflag:$0x2] =	stream.indirect_vreg.gather [hbm4b:s9+s0], $0x80, v3, vm0, $0xb8;
	[tilespmem:$0xE100] =	vst v63  }
0x201: {  	v3 =	vld [tilespmem:$0xC090];
	_ =	sdelay $0x4  }
0x202: {  	v4 =	vshrl.u32 v3, $0x3  }
0x203: {  	v4 =	vmul.u32 $0x30, v4  }
0x204: {  	v3 =	vand.u32 $0x7, v3  }
0x205: {  	v3 =	vor.u32 v3, v4  }
0x206: {  	v4 =	vperm.xlane v3, v0;
	_ =	sdelay $0x1  }
0x207: {  	v4 =	vadd.s32 v1, v4;
	_ =	sdelay $0x3  }
0x208: {  	v3 =	vperm.xlane v3, v2  }
0x209: {  	[tilespmem:s22], [sflag:$0x2] =	stream.indirect_vreg.gather [hbm4b:s3+s0], $0x80, v4, vm0, $0xb8;
	[tilespmem:$0xE100] =	vst v63  }
0x20a: {  	v3 =	vadd.s32 v1, v3  }
0x20b: {  	[tilespmem:s23], [sflag:$0x2] =	stream.indirect_vreg.gather [hbm4b:s8+s0], $0x80, v4, vm0, $0xb8;
	[tilespmem:$0xE100] =	vst v63  }
0x20c: {  	_ = 	snop  }
0x20d: {  	[tilespmem:s4], [sflag:$0x2] =	stream.indirect_vreg.gather [hbm4b:s9+s0], $0x80, v4, vm0, $0xb8;
	[tilespmem:$0xE100] =	vst v63  }
0x20e: {  	_ = 	snop  }
0x20f: {  	[tilespmem:s24], [sflag:$0x2] =	stream.indirect_vreg.gather [hbm4b:s3+s0], $0x80, v3, vm0, $0xb8;
	[tilespmem:$0xE100] =	vst v63  }
0x210: {  	_ = 	snop  }
0x211: {  	[tilespmem:s25], [sflag:$0x2] =	stream.indirect_vreg.gather [hbm4b:s8+s0], $0x80, v3, vm0, $0xb8;
	[tilespmem:$0xE100] =	vst v63  }
0x212: {  	_ = 	snop  }
0x213: {  	[tilespmem:s26], [sflag:$0x2] =	stream.indirect_vreg.gather [hbm4b:s9+s0], $0x80, v3, vm0, $0xb8;
	[tilespmem:$0xE100] =	vst v63  }
0x214: {  	_ =	swait.ge [sflag:s5], $0x6000  }
0x215: {  	[sflag:s5] =	ssyncset.done $0x0  }
0x216: {  	s7 =	simm.s32 $0x0;
	[sflag:s5] =	ssyncadd.s32 $0xFFFFA000  }
0x217: {  	s1 =	smul.u32 $0x1800, s7;
	_ =	swait.ge [sflag:s28], $0x6000  }
0x218: {  	s0 =	sand.u32 $0x380, s0;
	[sflag:s28] =	ssyncset.done $0x0  }
0x219: {  	s1 =	sor.u32 s0, s1;
	[sflag:s28] =	ssyncadd.s32 $0xFFFFA000  }
0x21a: {  	v4 =	vld [tilespmem:s1+$0x10]  }
0x21b: {  	v3 =	vld [tilespmem:s1+$0x6010]  }
0x21c: {  	v6 =	vld [tilespmem:s1+$0x20]  }
0x21d: {  	v5 =	vld [tilespmem:s1+$0x6020]  }
0x21e: {  	v10 =	vld [tilespmem:s1+$0x30]  }
0x21f: {  	v9 =	vld [tilespmem:s1+$0x6030]  }
0x220: {  	v12 =	vld [tilespmem:s1+$0x40]  }
0x221: {  	v11 =	vld [tilespmem:s1+$0x6040]  }
0x222: {  	v13 =	vld [tilespmem:s1+$0x60]  }
0x223: {  	v14 =	vld [tilespmem:s1+$0x70]  }
0x224: {  	v15 =	vld [tilespmem:s1+$0x400]  }
0x225: {  	v16 =	vld [tilespmem:s1+$0x410]  }
0x226: {  	v17 =	vld [tilespmem:s1+$0x420]  }
0x227: {  	v18 =	vld [tilespmem:s1+$0x430]  }
0x228: {  	v19 =	vld [tilespmem:s1+$0x440]  }
0x229: {  	v20 =	vld [tilespmem:s1+$0x450]  }
0x22a: {  	v21 =	vld [tilespmem:s1+$0x460]  }
0x22b: {  	v22 =	vld [tilespmem:s1+$0x470]  }
0x22c: {  	v23 =	vld [tilespmem:s1+$0x800]  }
0x22d: {  	v24 =	vld [tilespmem:s1+$0x810]  }
0x22e: {  	v25 =	vld [tilespmem:s1+$0x820]  }
0x22f: {  	v26 =	vld [tilespmem:s1+$0x830]  }
0x230: {  	v27 =	vld [tilespmem:s1+$0x840]  }
0x231: {  	v28 =	vld [tilespmem:s1+$0x850]  }
0x232: {  	v29 =	vld [tilespmem:s1+$0x860]  }
0x233: {  	v30 =	vld [tilespmem:s1+$0x870]  }
0x234: {  	v31 =	vld [tilespmem:s1+$0xC00]  }
0x235: {  	v32 =	vld [tilespmem:s1+$0xC10]  }
0x236: {  	v33 =	vld [tilespmem:s1+$0xC20]  }
0x237: {  	v34 =	vld [tilespmem:s1+$0xC30]  }
0x238: {  	v35 =	vld [tilespmem:s1+$0xC40]  }
0x239: {  	v36 =	vld [tilespmem:s1+$0xC50]  }
0x23a: {  	v37 =	vld [tilespmem:s1+$0xC60]  }
0x23b: {  	v38 =	vld [tilespmem:s1+$0xC70]  }
0x23c: {  	v39 =	vld [tilespmem:s1+$0x1000]  }
0x23d: {  	v40 =	vld [tilespmem:s1+$0x1010]  }
0x23e: {  	v41 =	vld [tilespmem:s1+$0x1020]  }
0x23f: {  	v42 =	vld [tilespmem:s1+$0x1030]  }
0x240: {  	v43 =	vld [tilespmem:s1+$0x1040]  }
0x241: {  	v44 =	vld [tilespmem:s1+$0x1050]  }
0x242: {  	v45 =	vld [tilespmem:s1+$0x1060]  }
0x243: {  	v46 =	vld [tilespmem:s1+$0x1400]  }
0x244: {  	v47 =	vld [tilespmem:s1+$0x1410]  }
0x245: {  	v48 =	vld [tilespmem:s1+$0x7410]  }
0x246: {  	v49 =	vld [tilespmem:s1+$0x7430]  }
0x247: {  	v50 =	vld [tilespmem:s1+$0x1430]  }
0x248: {  	v51 =	vld [tilespmem:s1+$0x1420]  }
0x249: {  	v7 =	vld [tilespmem:s6+$0x0]  }
0x24a: {  	v8 =	vld [tilespmem:s30+$0x0]  }
0x24b: {  	v52 =	vld [tilespmem:s1+$0x7420]  }
0x24c: {  	v62 =	vld [tilespmem:s1+$0x7400]  }
0x24d: {  	v63 =	vld [tilespmem:s1+$0x1070]  }
0x24e: {  	v60 =	vld [tilespmem:s1+$0x7070];
	v50 =	vmul.f32 v50, v7  }
0x24f: {  	v61 =	vld [tilespmem:s1+$0x7060];
	v49 =	vmul.f32 v49, v8;
	v51 =	vmul.f32 v51, v7  }
0x250: {  	v57 =	vld [tilespmem:s1+$0x7050];
	v52 =	vmul.f32 v52, v8;
	v47 =	vmul.f32 v47, v7  }
0x251: {  	v58 =	vld [tilespmem:s1+$0x7040];
	v48 =	vmul.f32 v48, v8;
	v46 =	vmul.f32 v46, v7  }
0x252: {  	v53 =	vld [tilespmem:s1+$0x7030];
	v62 =	vmul.f32 v62, v8;
	v63 =	vmul.f32 v63, v7;
	v49 =	vadd.f32 v49, v50  }
0x253: {  	v56 =	vld [tilespmem:s1+$0x6C60];
	v59 =	vmul.f32 v60, v8;
	v45 =	vmul.f32 v45, v7;
	v51 =	vadd.f32 v52, v51  }
0x254: {  	v55 =	vld [tilespmem:s1+$0x6870];
	v60 =	vmul.f32 v61, v8;
	v44 =	vmul.f32 v44, v7;
	v47 =	vadd.f32 v48, v47;
	[tilespmem:s1+$0x1430] =	vst v49  }
0x255: {  	v61 =	vld [tilespmem:s1+$0x7000];
	v43 =	vmul.f32 v43, v7;
	v42 =	vmul.f32 v42, v7;
	v46 =	vadd.f32 v62, v46;
	[tilespmem:s1+$0x1420] =	vst v51  }
0x256: {  	v12 =	vmul.f32 v12, v7;
	v11 =	vmul.f32 v11, v8;
	v48 =	vld [tilespmem:s1+$0x7020];
	v52 =	vadd.f32 v59, v63;
	[tilespmem:s1+$0x1410] =	vst v47  }
0x257: {  	v62 =	vmul.f32 v57, v8;
	v63 =	vmul.f32 v58, v8;
	v45 =	vadd.f32 v60, v45;
	v58 =	vld [tilespmem:s1+$0x6C50];
	[tilespmem:s1+$0x1400] =	vst v46  }
0x258: {  	v41 =	vmul.f32 v41, v7;
	v40 =	vmul.f32 v40, v7;
	v59 =	vld [tilespmem:s1+$0x6C40];
	v11 =	vadd.f32 v11, v12;
	[tilespmem:s1+$0x1070] =	vst v52  }
0x259: {  	v39 =	vmul.f32 v39, v7;
	v57 =	vmul.f32 v53, v8;
	v60 =	vld [tilespmem:s1+$0x6C30];
	v44 =	vadd.f32 v62, v44;
	[tilespmem:s1+$0x1060] =	vst v45  }
0x25a: {  	v37 =	vmul.f32 v37, v7;
	v53 =	vld [tilespmem:s1+$0x6C00];
	v43 =	vadd.f32 v63, v43;
	v46 =	vmul.f32 v56, v8;
	[tilespmem:s1+$0x40] =	vst v11  }
0x25b: {  	v38 =	vmul.f32 v38, v7;
	v49 =	vld [tilespmem:s1+$0x7010];
	v42 =	vadd.f32 v57, v42;
	v61 =	vmul.f32 v61, v8;
	[tilespmem:s1+$0x1050] =	vst v44  }
0x25c: {  	v36 =	vmul.f32 v36, v7;
	v47 =	vld [tilespmem:s1+$0x6C70];
	[tilespmem:s1+$0x1040] =	vst v43;
	v37 =	vadd.f32 v46, v37;
	v48 =	vmul.f32 v48, v8  }
0x25d: {  	v35 =	vmul.f32 v35, v7;
	v62 =	vld [tilespmem:s1+$0x6C20];
	[tilespmem:s1+$0x1030] =	vst v42;
	v39 =	vadd.f32 v61, v39;
	v54 =	vmul.f32 v58, v8  }
0x25e: {  	v34 =	vmul.f32 v34, v7;
	v63 =	vld [tilespmem:s1+$0x6C10];
	v45 =	vmul.f32 v59, v8;
	[tilespmem:s1+$0xC60] =	vst v37;
	v41 =	vadd.f32 v48, v41  }
0x25f: {  	v33 =	vmul.f32 v33, v7;
	v56 =	vld [tilespmem:s1+$0x6860];
	v44 =	vmul.f32 v60, v8;
	[tilespmem:s1+$0x1000] =	vst v39;
	v36 =	vadd.f32 v54, v36  }
0x260: {  	v32 =	vmul.f32 v32, v7;
	v12 =	vld [tilespmem:s1+$0x1460];
	v49 =	vmul.f32 v49, v8;
	v35 =	vadd.f32 v45, v35;
	[tilespmem:s1+$0x1020] =	vst v41  }
0x261: {  	v6 =	vmul.f32 v6, v7;
	v58 =	vld [tilespmem:s1+$0x6840];
	v47 =	vmul.f32 v47, v8;
	v34 =	vadd.f32 v44, v34;
	[tilespmem:s1+$0xC50] =	vst v36  }
0x262: {  	v5 =	vmul.f32 v5, v8;
	v59 =	vld [tilespmem:s1+$0x6830];
	v43 =	vmul.f32 v62, v8;
	v40 =	vadd.f32 v49, v40;
	[tilespmem:s1+$0xC40] =	vst v35  }
0x263: {  	v29 =	vmul.f32 v29, v7;
	v60 =	vld [tilespmem:s1+$0x6820];
	v42 =	vmul.f32 v63, v8;
	v38 =	vadd.f32 v47, v38;
	[tilespmem:s1+$0xC30] =	vst v34  }
0x264: {  	v5 =	vadd.f32 v5, v6;
	v6 =	vld [tilespmem:s1+$0x0];
	v39 =	vmul.f32 v56, v8;
	v33 =	vadd.f32 v43, v33;
	[tilespmem:s1+$0x1010] =	vst v40  }
0x265: {  	v31 =	vmul.f32 v31, v7;
	v61 =	vld [tilespmem:s1+$0x6810];
	v41 =	vmul.f32 v53, v8;
	v32 =	vadd.f32 v42, v32;
	[tilespmem:s1+$0xC70] =	vst v38  }
0x266: {  	v27 =	vmul.f32 v27, v7;
	v57 =	vld [tilespmem:s1+$0x6850];
	v29 =	vadd.f32 v39, v29;
	v37 =	vmul.f32 v58, v8;
	[tilespmem:s1+$0xC20] =	vst v33  }
0x267: {  	v26 =	vmul.f32 v26, v7;
	v62 =	vld [tilespmem:s1+$0x6800];
	v36 =	vmul.f32 v59, v8;
	v31 =	vadd.f32 v41, v31;
	[tilespmem:s1+$0xC10] =	vst v32  }
0x268: {  	v25 =	vmul.f32 v25, v7;
	v63 =	vld [tilespmem:s1+$0x6470];
	v35 =	vmul.f32 v60, v8;
	[tilespmem:s1+$0x860] =	vst v29;
	v27 =	vadd.f32 v37, v27  }
0x269: {  	v30 =	vmul.f32 v30, v7;
	v40 =	vmul.f32 v55, v8;
	v29 =	vld [tilespmem:s1+$0x6440];
	v26 =	vadd.f32 v36, v26;
	[tilespmem:s1+$0xC00] =	vst v31  }
0x26a: {  	v24 =	vmul.f32 v24, v7;
	v34 =	vmul.f32 v61, v8;
	v25 =	vadd.f32 v35, v25;
	v31 =	vld [tilespmem:s1+$0x6460];
	[tilespmem:s1+$0x840] =	vst v27  }
0x26b: {  	v28 =	vmul.f32 v28, v7;
	v38 =	vmul.f32 v57, v8;
	v30 =	vadd.f32 v40, v30;
	v27 =	vld [tilespmem:s1+$0x6420];
	[tilespmem:s1+$0x830] =	vst v26  }
0x26c: {  	v23 =	vmul.f32 v23, v7;
	v33 =	vmul.f32 v62, v8;
	v24 =	vadd.f32 v34, v24;
	v26 =	vld [tilespmem:s1+$0x6410];
	[tilespmem:s1+$0x820] =	vst v25  }
0x26d: {  	v22 =	vmul.f32 v22, v7;
	v32 =	vmul.f32 v63, v8;
	v28 =	vadd.f32 v38, v28;
	[tilespmem:s1+$0x870] =	vst v30;
	v30 =	vld [tilespmem:s1+$0x6450]  }
0x26e: {  	v19 =	vmul.f32 v19, v7;
	v23 =	vadd.f32 v33, v23;
	v25 =	vld [tilespmem:s1+$0x6400];
	[tilespmem:s1+$0x810] =	vst v24;
	v29 =	vmul.f32 v29, v8  }
0x26f: {  	v21 =	vmul.f32 v21, v7;
	v22 =	vadd.f32 v32, v22;
	[tilespmem:s1+$0x850] =	vst v28;
	v28 =	vld [tilespmem:s1+$0x6430];
	v31 =	vmul.f32 v31, v8  }
0x270: {  	v17 =	vmul.f32 v17, v7;
	[tilespmem:s1+$0x800] =	vst v23;
	v23 =	vld [tilespmem:s1+$0x6060];
	v19 =	vadd.f32 v29, v19;
	v27 =	vmul.f32 v27, v8  }
0x271: {  	v16 =	vmul.f32 v16, v7;
	v24 =	vld [tilespmem:s1+$0x6070];
	[tilespmem:s1+$0x470] =	vst v22;
	v26 =	vmul.f32 v26, v8;
	v21 =	vadd.f32 v31, v21  }
0x272: {  	v20 =	vmul.f32 v20, v7;
	v22 =	vld [tilespmem:s1+$0x50];
	v30 =	vmul.f32 v30, v8;
	[tilespmem:s1+$0x440] =	vst v19;
	v17 =	vadd.f32 v27, v17  }
0x273: {  	v15 =	vmul.f32 v15, v7;
	v25 =	vmul.f32 v25, v8;
	v19 =	vld [tilespmem:s1+$0x7450];
	v16 =	vadd.f32 v26, v16;
	[tilespmem:s1+$0x460] =	vst v21  }
0x274: {  	v18 =	vmul.f32 v18, v7;
	v28 =	vmul.f32 v28, v8;
	v20 =	vadd.f32 v30, v20;
	v21 =	vld [tilespmem:s1+$0x6050];
	[tilespmem:s1+$0x420] =	vst v17  }
0x275: {  	v13 =	vmul.f32 v13, v7;
	v23 =	vmul.f32 v23, v8;
	v15 =	vadd.f32 v25, v15;
	v17 =	vld [tilespmem:s1+$0x1440];
	[tilespmem:s1+$0x410] =	vst v16  }
0x276: {  	v14 =	vmul.f32 v14, v7;
	v24 =	vmul.f32 v24, v8;
	v18 =	vadd.f32 v28, v18;
	[tilespmem:s1+$0x450] =	vst v20;
	v20 =	vld [tilespmem:s1+$0x7440]  }
0x277: {  	v10 =	vmul.f32 v10, v7;
	v9 =	vmul.f32 v9, v8;
	v13 =	vadd.f32 v23, v13;
	[tilespmem:s1+$0x400] =	vst v15;
	v15 =	vld [tilespmem:s1+$0x1450]  }
0x278: {  	v4 =	vmul.f32 v4, v7;
	v3 =	vmul.f32 v3, v8;
	v14 =	vadd.f32 v24, v14;
	[tilespmem:s1+$0x430] =	vst v18;
	v18 =	vld [tilespmem:s1+$0x7460]  }
0x279: {  	v9 =	vadd.f32 v9, v10;
	v10 =	vmul.f32 v22, v7;
	v16 =	vld [tilespmem:s1+$0x7470];
	[tilespmem:s1+$0x60] =	vst v13;
	v13 =	vmul.f32 v21, v8  }
0x27a: {  	v3 =	vadd.f32 v3, v4;
	[tilespmem:s1+$0x70] =	vst v14;
	v14 =	vld [tilespmem:s1+$0x1470]  }
0x27b: {  	s17 =	simm.s32 $0x0;
	[tilespmem:s1+$0x30] =	vst v9;
	v9 =	vld [tilespmem:s1+$0x6000];
	v11 =	vmul.f32 v17, v7;
	v17 =	vmul.f32 v20, v8;
	v4 =	vadd.f32 v13, v10  }
0x27c: {  	s7 =	smul.u32 $0x1800, s17;
	s0 =	simm.s32 $0x80;
	[tilespmem:s1+$0x20] =	vst v5;
	v5 =	vmul.f32 v15, v7;
	v10 =	vmul.f32 v19, v8  }
0x27d: {  	s17 =	sand.u32 $0x380, s0;
	v11 =	vadd.f32 v17, v11;
	[tilespmem:s1+$0x50] =	vst v4;
	v4 =	vmul.f32 v12, v7;
	v12 =	vmul.f32 v18, v8  }
0x27e: {  	s31 =	sor.u32 s17, s7;
	[tilespmem:s1+$0x10] =	vst v3;
	v5 =	vadd.f32 v10, v5  }
0x27f: {  	v3 =	vld [tilespmem:s31+$0x10];
	v10 =	vmul.f32 v14, v7;
	[tilespmem:s1+$0x1440] =	vst v11;
	v11 =	vmul.f32 v16, v8;
	v12 =	vadd.f32 v12, v4  }
0x280: {  	v7 =	vmul.f32 v6, v7;
	v8 =	vmul.f32 v9, v8;
	v4 =	vld [tilespmem:s31+$0x6010];
	[tilespmem:s1+$0x1450] =	vst v5  }
0x281: {  	v9 =	vadd.f32 v11, v10;
	v6 =	vld [tilespmem:s31+$0x20];
	[tilespmem:s1+$0x1460] =	vst v12  }
0x282: {  	v7 =	vadd.f32 v8, v7;
	v5 =	vld [tilespmem:s31+$0x6020]  }
0x283: {  	v8 =	vld [tilespmem:s31+$0x30];
	[tilespmem:s1+$0x1470] =	vst v9  }
0x284: {  	v18 =	vld [tilespmem:s31+$0x430];
	[tilespmem:s1+$0x0] =	vst v7  }
0x285: {  	v7 =	vld [tilespmem:s31+$0x6030]  }
0x286: {  	v10 =	vld [tilespmem:s31+$0x40]  }
0x287: {  	v9 =	vld [tilespmem:s31+$0x6040]  }
0x288: {  	v12 =	vld [tilespmem:s31+$0x50]  }
0x289: {  	v11 =	vld [tilespmem:s31+$0x6050]  }
0x28a: {  	v13 =	vld [tilespmem:s31+$0x60]  }
0x28b: {  	v14 =	vld [tilespmem:s31+$0x70]  }
0x28c: {  	v15 =	vld [tilespmem:s31+$0x400]  }
0x28d: {  	v16 =	vld [tilespmem:s31+$0x410]  }
0x28e: {  	v17 =	vld [tilespmem:s31+$0x420]  }
0x28f: {  	v19 =	vld [tilespmem:s31+$0x440]  }
0x290: {  	v20 =	vld [tilespmem:s31+$0x450]  }
0x291: {  	v21 =	vld [tilespmem:s31+$0x460]  }
0x292: {  	v22 =	vld [tilespmem:s31+$0x470]  }
0x293: {  	v23 =	vld [tilespmem:s31+$0x800]  }
0x294: {  	v24 =	vld [tilespmem:s31+$0x810]  }
0x295: {  	v25 =	vld [tilespmem:s31+$0x820]  }
0x296: {  	v26 =	vld [tilespmem:s31+$0x830]  }
0x297: {  	v27 =	vld [tilespmem:s31+$0x840]  }
0x298: {  	v28 =	vld [tilespmem:s31+$0x850]  }
0x299: {  	v29 =	vld [tilespmem:s31+$0x860]  }
0x29a: {  	v30 =	vld [tilespmem:s31+$0x870]  }
0x29b: {  	v31 =	vld [tilespmem:s31+$0xC00]  }
0x29c: {  	v34 =	vld [tilespmem:s31+$0xC10]  }
0x29d: {  	v35 =	vld [tilespmem:s31+$0xC20]  }
0x29e: {  	v36 =	vld [tilespmem:s31+$0xC30]  }
0x29f: {  	v37 =	vld [tilespmem:s31+$0xC40]  }
0x2a0: {  	v38 =	vld [tilespmem:s31+$0xC50]  }
0x2a1: {  	v39 =	vld [tilespmem:s31+$0xC60]  }
0x2a2: {  	v40 =	vld [tilespmem:s31+$0xC70]  }
0x2a3: {  	v41 =	vld [tilespmem:s31+$0x1000]  }
0x2a4: {  	v42 =	vld [tilespmem:s31+$0x1010]  }
0x2a5: {  	v43 =	vld [tilespmem:s31+$0x1020]  }
0x2a6: {  	v44 =	vld [tilespmem:s31+$0x1030]  }
0x2a7: {  	v45 =	vld [tilespmem:s31+$0x1040]  }
0x2a8: {  	v46 =	vld [tilespmem:s31+$0x1050]  }
0x2a9: {  	v47 =	vld [tilespmem:s31+$0x1060]  }
0x2aa: {  	v48 =	vld [tilespmem:s31+$0x1400]  }
0x2ab: {  	v50 =	vld [tilespmem:s31+$0x1410]  }
0x2ac: {  	v49 =	vld [tilespmem:s31+$0x7410]  }
0x2ad: {  	s1 =	simm.s32 $0x2;
	v51 =	vld [tilespmem:s31+$0x7430]  }
.LBB2_4:
0x2ae: {  	p0 =	sne.s32 s1, $0x1F;
	v52 =	vld [tilespmem:s31+$0x1430]  }
0x2af: {  	s6 =	sadd.s32 $0x80, s6;
	v53 =	vld [tilespmem:s31+$0x1420]  }
0x2b0: {  	s30 =	sadd.s32 $0x80, s30;
	v33 =	vld [tilespmem:s6+$0x0]  }
0x2b1: {  	v32 =	vld [tilespmem:s30+$0x0]  }
0x2b2: {  	v54 =	vld [tilespmem:s31+$0x7420]  }
0x2b3: {  	v55 =	vld [tilespmem:s31+$0x7400]  }
0x2b4: {  	v56 =	vld [tilespmem:s31+$0x1070]  }
0x2b5: {  	v57 =	vld [tilespmem:s31+$0x7070];
	v50 =	vmul.f32 v50, v33;
	v53 =	vmul.f32 v53, v33  }
0x2b6: {  	v52 =	vmul.f32 v52, v33;
	v58 =	vld [tilespmem:s31+$0x7060];
	v51 =	vmul.f32 v51, v32  }
0x2b7: {  	v49 =	vmul.f32 v49, v32;
	v59 =	vld [tilespmem:s31+$0x7050];
	v54 =	vmul.f32 v54, v32  }
0x2b8: {  	v48 =	vmul.f32 v48, v33;
	v60 =	vld [tilespmem:s31+$0x7040];
	v55 =	vmul.f32 v55, v32;
	v51 =	vadd.f32 v51, v52  }
0x2b9: {  	v49 =	vadd.f32 v49, v50;
	v52 =	vld [tilespmem:s31+$0x7030];
	v56 =	vmul.f32 v56, v33;
	v50 =	vadd.f32 v54, v53  }
0x2ba: {  	v47 =	vmul.f32 v47, v33;
	v53 =	vld [tilespmem:s31+$0x7020];
	v54 =	vmul.f32 v57, v32;
	v48 =	vadd.f32 v55, v48;
	[tilespmem:s31+$0x1430] =	vst v51  }
0x2bb: {  	v46 =	vmul.f32 v46, v33;
	v51 =	vld [tilespmem:s31+$0x7010];
	v55 =	vmul.f32 v58, v32;
	[tilespmem:s31+$0x1420] =	vst v50  }
0x2bc: {  	v45 =	vmul.f32 v45, v33;
	v50 =	vld [tilespmem:s31+$0x7000];
	v57 =	vmul.f32 v59, v32;
	v54 =	vadd.f32 v54, v56;
	[tilespmem:s31+$0x1410] =	vst v49  }
0x2bd: {  	v44 =	vmul.f32 v44, v33;
	v49 =	vld [tilespmem:s31+$0x6C70];
	v56 =	vmul.f32 v60, v32;
	v47 =	vadd.f32 v55, v47;
	[tilespmem:s31+$0x1400] =	vst v48  }
0x2be: {  	v43 =	vmul.f32 v43, v33;
	v48 =	vld [tilespmem:s31+$0x6C60];
	v52 =	vmul.f32 v52, v32;
	v46 =	vadd.f32 v57, v46;
	[tilespmem:s31+$0x1070] =	vst v54  }
0x2bf: {  	v42 =	vmul.f32 v42, v33;
	v54 =	vld [tilespmem:s31+$0x6C50];
	v53 =	vmul.f32 v53, v32;
	v45 =	vadd.f32 v56, v45;
	[tilespmem:s31+$0x1060] =	vst v47  }
0x2c0: {  	v41 =	vmul.f32 v41, v33;
	v47 =	vld [tilespmem:s31+$0x6C40];
	v51 =	vmul.f32 v51, v32;
	v44 =	vadd.f32 v52, v44;
	[tilespmem:s31+$0x1050] =	vst v46  }
0x2c1: {  	v40 =	vmul.f32 v40, v33;
	v46 =	vld [tilespmem:s31+$0x6C30];
	v50 =	vmul.f32 v50, v32;
	v43 =	vadd.f32 v53, v43;
	[tilespmem:s31+$0x1040] =	vst v45  }
0x2c2: {  	v39 =	vmul.f32 v39, v33;
	v45 =	vld [tilespmem:s31+$0x6C20];
	v49 =	vmul.f32 v49, v32;
	v42 =	vadd.f32 v51, v42;
	[tilespmem:s31+$0x1030] =	vst v44  }
0x2c3: {  	v38 =	vmul.f32 v38, v33;
	v44 =	vld [tilespmem:s31+$0x6C10];
	v48 =	vmul.f32 v48, v32;
	v41 =	vadd.f32 v50, v41;
	[tilespmem:s31+$0x1020] =	vst v43  }
0x2c4: {  	v37 =	vmul.f32 v37, v33;
	v43 =	vld [tilespmem:s31+$0x6C00];
	v50 =	vmul.f32 v54, v32;
	v40 =	vadd.f32 v49, v40;
	[tilespmem:s31+$0x1010] =	vst v42  }
0x2c5: {  	v36 =	vmul.f32 v36, v33;
	v42 =	vld [tilespmem:s31+$0x6870];
	v47 =	vmul.f32 v47, v32;
	v39 =	vadd.f32 v48, v39;
	[tilespmem:s31+$0x1000] =	vst v41  }
0x2c6: {  	v35 =	vmul.f32 v35, v33;
	v41 =	vld [tilespmem:s31+$0x6860];
	v46 =	vmul.f32 v46, v32;
	v38 =	vadd.f32 v50, v38;
	[tilespmem:s31+$0xC70] =	vst v40  }
0x2c7: {  	v34 =	vmul.f32 v34, v33;
	v40 =	vld [tilespmem:s31+$0x6850];
	v45 =	vmul.f32 v45, v32;
	v37 =	vadd.f32 v47, v37;
	[tilespmem:s31+$0xC60] =	vst v39  }
0x2c8: {  	v31 =	vmul.f32 v31, v33;
	v39 =	vld [tilespmem:s31+$0x6840];
	v44 =	vmul.f32 v44, v32;
	v36 =	vadd.f32 v46, v36;
	[tilespmem:s31+$0xC50] =	vst v38  }
0x2c9: {  	v30 =	vmul.f32 v30, v33;
	v38 =	vld [tilespmem:s31+$0x6830];
	v43 =	vmul.f32 v43, v32;
	v35 =	vadd.f32 v45, v35;
	[tilespmem:s31+$0xC40] =	vst v37  }
0x2ca: {  	v29 =	vmul.f32 v29, v33;
	v37 =	vld [tilespmem:s31+$0x6820];
	v42 =	vmul.f32 v42, v32;
	v34 =	vadd.f32 v44, v34;
	[tilespmem:s31+$0xC30] =	vst v36  }
0x2cb: {  	v28 =	vmul.f32 v28, v33;
	v36 =	vld [tilespmem:s31+$0x6810];
	v41 =	vmul.f32 v41, v32;
	v31 =	vadd.f32 v43, v31;
	[tilespmem:s31+$0xC20] =	vst v35  }
0x2cc: {  	v27 =	vmul.f32 v27, v33;
	v35 =	vld [tilespmem:s31+$0x6800];
	v40 =	vmul.f32 v40, v32;
	v30 =	vadd.f32 v42, v30;
	[tilespmem:s31+$0xC10] =	vst v34  }
0x2cd: {  	v26 =	vmul.f32 v26, v33;
	v34 =	vld [tilespmem:s31+$0x6470];
	v39 =	vmul.f32 v39, v32;
	v29 =	vadd.f32 v41, v29;
	[tilespmem:s31+$0xC00] =	vst v31  }
0x2ce: {  	v25 =	vmul.f32 v25, v33;
	v31 =	vld [tilespmem:s31+$0x6460];
	v38 =	vmul.f32 v38, v32;
	v28 =	vadd.f32 v40, v28;
	[tilespmem:s31+$0x870] =	vst v30  }
0x2cf: {  	v24 =	vmul.f32 v24, v33;
	v30 =	vld [tilespmem:s31+$0x6450];
	v37 =	vmul.f32 v37, v32;
	v27 =	vadd.f32 v39, v27;
	[tilespmem:s31+$0x860] =	vst v29  }
0x2d0: {  	v23 =	vmul.f32 v23, v33;
	v29 =	vld [tilespmem:s31+$0x6440];
	v36 =	vmul.f32 v36, v32;
	v26 =	vadd.f32 v38, v26;
	[tilespmem:s31+$0x850] =	vst v28  }
0x2d1: {  	v22 =	vmul.f32 v22, v33;
	v28 =	vld [tilespmem:s31+$0x6430];
	v35 =	vmul.f32 v35, v32;
	v25 =	vadd.f32 v37, v25;
	[tilespmem:s31+$0x840] =	vst v27  }
0x2d2: {  	v21 =	vmul.f32 v21, v33;
	v27 =	vld [tilespmem:s31+$0x6420];
	v34 =	vmul.f32 v34, v32;
	v24 =	vadd.f32 v36, v24;
	[tilespmem:s31+$0x830] =	vst v26  }
0x2d3: {  	v20 =	vmul.f32 v20, v33;
	v26 =	vld [tilespmem:s31+$0x6410];
	v31 =	vmul.f32 v31, v32;
	v23 =	vadd.f32 v35, v23;
	[tilespmem:s31+$0x820] =	vst v25  }
0x2d4: {  	v19 =	vmul.f32 v19, v33;
	v25 =	vld [tilespmem:s31+$0x6400];
	v30 =	vmul.f32 v30, v32;
	v22 =	vadd.f32 v34, v22;
	[tilespmem:s31+$0x810] =	vst v24  }
0x2d5: {  	v18 =	vmul.f32 v18, v33;
	v24 =	vld [tilespmem:s31+$0x6070];
	v29 =	vmul.f32 v29, v32;
	v21 =	vadd.f32 v31, v21;
	[tilespmem:s31+$0x800] =	vst v23  }
0x2d6: {  	v17 =	vmul.f32 v17, v33;
	v23 =	vld [tilespmem:s31+$0x6060];
	v28 =	vmul.f32 v28, v32;
	v20 =	vadd.f32 v30, v20;
	[tilespmem:s31+$0x470] =	vst v22  }
0x2d7: {  	v16 =	vmul.f32 v16, v33;
	v22 =	vmul.f32 v27, v32;
	v19 =	vadd.f32 v29, v19;
	[tilespmem:s31+$0x460] =	vst v21;
	v21 =	vld [tilespmem:s31+$0x7440]  }
0x2d8: {  	v15 =	vmul.f32 v15, v33;
	v26 =	vmul.f32 v26, v32;
	v18 =	vadd.f32 v28, v18;
	[tilespmem:s31+$0x450] =	vst v20;
	v20 =	vld [tilespmem:s31+$0x7450]  }
0x2d9: {  	v14 =	vmul.f32 v14, v33;
	v25 =	vmul.f32 v25, v32;
	v17 =	vadd.f32 v22, v17;
	[tilespmem:s31+$0x440] =	vst v19;
	v19 =	vld [tilespmem:s31+$0x7460]  }
0x2da: {  	v13 =	vmul.f32 v13, v33;
	v22 =	vmul.f32 v24, v32;
	v16 =	vadd.f32 v26, v16;
	[tilespmem:s31+$0x430] =	vst v18;
	v18 =	vld [tilespmem:s31+$0x7470]  }
0x2db: {  	v12 =	vmul.f32 v12, v33;
	v23 =	vmul.f32 v23, v32;
	v15 =	vadd.f32 v25, v15;
	[tilespmem:s31+$0x420] =	vst v17;
	v17 =	vld [tilespmem:s31+$0x1440]  }
0x2dc: {  	v10 =	vmul.f32 v10, v33;
	v11 =	vmul.f32 v11, v32;
	v14 =	vadd.f32 v22, v14;
	[tilespmem:s31+$0x410] =	vst v16;
	v16 =	vld [tilespmem:s31+$0x1450]  }
0x2dd: {  	v8 =	vmul.f32 v8, v33;
	v9 =	vmul.f32 v9, v32;
	v13 =	vadd.f32 v23, v13;
	[tilespmem:s31+$0x400] =	vst v15;
	v15 =	vld [tilespmem:s31+$0x1460]  }
0x2de: {  	v6 =	vmul.f32 v6, v33;
	v7 =	vmul.f32 v7, v32;
	v11 =	vadd.f32 v11, v12;
	[tilespmem:s31+$0x70] =	vst v14;
	v12 =	vld [tilespmem:s31+$0x1470]  }
0x2df: {  	v3 =	vmul.f32 v3, v33;
	v5 =	vmul.f32 v5, v32;
	v9 =	vadd.f32 v9, v10;
	v14 =	vld [tilespmem:s31+$0x0];
	[tilespmem:s31+$0x60] =	vst v13  }
0x2e0: {  	v4 =	vmul.f32 v4, v32;
	v7 =	vadd.f32 v7, v8;
	v10 =	vld [tilespmem:s31+$0x6000];
	[tilespmem:s31+$0x50] =	vst v11;
	v8 =	vmul.f32 v17, v33  }
0x2e1: {  	s7 =	sshrl.u32 s1, $0x3;
	v5 =	vadd.f32 v5, v6;
	v6 =	vmul.f32 v21, v32;
	[tilespmem:s31+$0x40] =	vst v9;
	v9 =	vmul.f32 v16, v33  }
0x2e2: {  	s0 =	sadd.s32 $0x80, s0;
	s7 =	smul.u32 $0x1800, s7;
	v3 =	vadd.f32 v4, v3;
	v4 =	vmul.f32 v20, v32;
	[tilespmem:s31+$0x30] =	vst v7;
	v7 =	vmul.f32 v15, v33  }
0x2e3: {  	s17 =	sand.u32 $0x380, s0;
	[tilespmem:s31+$0x20] =	vst v5;
	v5 =	vadd.f32 v6, v8;
	v6 =	vmul.f32 v19, v32;
	v8 =	vmul.f32 v12, v33  }
0x2e4: {  	s7 =	sor.u32 s17, s7;
	v9 =	vadd.f32 v4, v9;
	v12 =	vmul.f32 v18, v32;
	v11 =	vmul.f32 v14, v33;
	[tilespmem:s31+$0x10] =	vst v3  }
0x2e5: {  	v3 =	vld [tilespmem:s7+$0x10];
	v10 =	vmul.f32 v10, v32;
	[tilespmem:s31+$0x1440] =	vst v5;
	v5 =	vadd.f32 v6, v7  }
0x2e6: {  	v7 =	vadd.f32 v12, v8;
	v4 =	vld [tilespmem:s7+$0x6010];
	[tilespmem:s31+$0x1450] =	vst v9  }
0x2e7: {  	v6 =	vld [tilespmem:s7+$0x20];
	v9 =	vadd.f32 v10, v11;
	[tilespmem:s31+$0x1460] =	vst v5  }
0x2e8: {  	v5 =	vld [tilespmem:s7+$0x6020];
	[tilespmem:s31+$0x1470] =	vst v7  }
0x2e9: {  	v8 =	vld [tilespmem:s7+$0x30];
	[tilespmem:s31+$0x0] =	vst v9;
	s31 =	smov.u32 s7  }
0x2ea: {  	v7 =	vld [tilespmem:s31+$0x6030]  }
0x2eb: {  	v10 =	vld [tilespmem:s31+$0x40]  }
0x2ec: {  	v9 =	vld [tilespmem:s31+$0x6040]  }
0x2ed: {  	v12 =	vld [tilespmem:s31+$0x50]  }
0x2ee: {  	v11 =	vld [tilespmem:s31+$0x6050]  }
0x2ef: {  	v13 =	vld [tilespmem:s31+$0x60]  }
0x2f0: {  	v14 =	vld [tilespmem:s31+$0x70]  }
0x2f1: {  	v15 =	vld [tilespmem:s31+$0x400]  }
0x2f2: {  	v16 =	vld [tilespmem:s31+$0x410]  }
0x2f3: {  	v17 =	vld [tilespmem:s31+$0x420]  }
0x2f4: {  	v18 =	vld [tilespmem:s31+$0x430]  }
0x2f5: {  	v19 =	vld [tilespmem:s31+$0x440]  }
0x2f6: {  	v20 =	vld [tilespmem:s31+$0x450]  }
0x2f7: {  	v21 =	vld [tilespmem:s31+$0x460]  }
0x2f8: {  	v22 =	vld [tilespmem:s31+$0x470]  }
0x2f9: {  	v23 =	vld [tilespmem:s31+$0x800]  }
0x2fa: {  	v24 =	vld [tilespmem:s31+$0x810]  }
0x2fb: {  	v25 =	vld [tilespmem:s31+$0x820]  }
0x2fc: {  	v26 =	vld [tilespmem:s31+$0x830]  }
0x2fd: {  	v27 =	vld [tilespmem:s31+$0x840]  }
0x2fe: {  	v28 =	vld [tilespmem:s31+$0x850]  }
0x2ff: {  	v29 =	vld [tilespmem:s31+$0x860]  }
0x300: {  	v30 =	vld [tilespmem:s31+$0x870]  }
0x301: {  	v31 =	vld [tilespmem:s31+$0xC00]  }
0x302: {  	v34 =	vld [tilespmem:s31+$0xC10]  }
0x303: {  	v35 =	vld [tilespmem:s31+$0xC20]  }
0x304: {  	v36 =	vld [tilespmem:s31+$0xC30]  }
0x305: {  	v37 =	vld [tilespmem:s31+$0xC40]  }
0x306: {  	v38 =	vld [tilespmem:s31+$0xC50]  }
0x307: {  	v39 =	vld [tilespmem:s31+$0xC60]  }
0x308: {  	v40 =	vld [tilespmem:s31+$0xC70]  }
0x309: {  	v41 =	vld [tilespmem:s31+$0x1000]  }
0x30a: {  	v42 =	vld [tilespmem:s31+$0x1010]  }
0x30b: {  	v43 =	vld [tilespmem:s31+$0x1020]  }
0x30c: {  	v44 =	vld [tilespmem:s31+$0x1030]  }
0x30d: {  	v45 =	vld [tilespmem:s31+$0x1040]  }
0x30e: {  	v46 =	vld [tilespmem:s31+$0x1050]  }
.Ltmp1:
0x30f: {  	v47 =	vld [tilespmem:s31+$0x1060];
	(pc) =	sbr.rel @p0 .LBB2_4-.Ltmp1, $4  }
0x310: {  	v48 =	vld [tilespmem:s31+$0x1400]  }
0x311: {  	v50 =	vld [tilespmem:s31+$0x1410]  }
0x312: {  	v49 =	vld [tilespmem:s31+$0x7410]  }
0x313: {  	s1 =	sadd.s32 $0x1, s1;
	v51 =	vld [tilespmem:s31+$0x7430]  }
0x314: {  	v52 =	vld [tilespmem:s31+$0x1430]  }
0x315: {  	v53 =	vld [tilespmem:s31+$0x1420];
	s0 =	sadd.s32 $0x80, s6  }
0x316: {  	s30 =	sadd.s32 $0x80, s30;
	v32 =	vld [tilespmem:s0+$0x0]  }
0x317: {  	v33 =	vld [tilespmem:s30+$0x0]  }
0x318: {  	v54 =	vld [tilespmem:s31+$0x7420];
	_ =	sdelay $0x1  }
0x319: {  	v55 =	vld [tilespmem:s31+$0x7400]  }
0x31a: {  	v56 =	vld [tilespmem:s31+$0x1070]  }
0x31b: {  	v58 =	vld [tilespmem:s31+$0x7060];
	v52 =	vmul.f32 v52, v32;
	v51 =	vmul.f32 v51, v33  }
0x31c: {  	v57 =	vld [tilespmem:s31+$0x7070];
	v53 =	vmul.f32 v53, v32;
	v54 =	vmul.f32 v54, v33  }
0x31d: {  	v59 =	vld [tilespmem:s31+$0x7050];
	v50 =	vmul.f32 v50, v32;
	v49 =	vmul.f32 v49, v33  }
0x31e: {  	v60 =	vld [tilespmem:s31+$0x7040];
	v48 =	vmul.f32 v48, v32;
	v62 =	vmul.f32 v55, v33;
	v51 =	vadd.f32 v51, v52  }
0x31f: {  	v61 =	vld [tilespmem:s31+$0x7020];
	v63 =	vmul.f32 v56, v32;
	v47 =	vmul.f32 v47, v32;
	v53 =	vadd.f32 v54, v53  }
0x320: {  	v58 =	vmul.f32 v58, v33;
	v55 =	vld [tilespmem:s31+$0x6460];
	v12 =	vmul.f32 v12, v32;
	v49 =	vadd.f32 v49, v50;
	[tilespmem:s31+$0x1430] =	vst v51  }
0x321: {  	v56 =	vld [tilespmem:s31+$0x6450];
	v11 =	vmul.f32 v11, v33;
	v10 =	vmul.f32 v10, v32;
	v48 =	vadd.f32 v62, v48;
	[tilespmem:s31+$0x1420] =	vst v53  }
0x322: {  	v9 =	vmul.f32 v9, v33;
	v8 =	vmul.f32 v8, v32;
	v52 =	vld [tilespmem:s31+$0x7030];
	v47 =	vadd.f32 v58, v47;
	[tilespmem:s31+$0x1410] =	vst v49  }
0x323: {  	v7 =	vmul.f32 v7, v33;
	v6 =	vmul.f32 v6, v32;
	v50 =	vld [tilespmem:s31+$0x7000];
	v11 =	vadd.f32 v11, v12;
	[tilespmem:s31+$0x1400] =	vst v48  }
0x324: {  	v5 =	vmul.f32 v5, v33;
	v3 =	vmul.f32 v3, v32;
	v58 =	vld [tilespmem:s31+$0x6C20];
	v9 =	vadd.f32 v9, v10;
	[tilespmem:s31+$0x1060] =	vst v47  }
0x325: {  	v4 =	vmul.f32 v4, v33;
	v62 =	vmul.f32 v59, v33;
	v59 =	vld [tilespmem:s31+$0x6C10];
	v7 =	vadd.f32 v7, v8;
	[tilespmem:s31+$0x50] =	vst v11  }
0x326: {  	v57 =	vmul.f32 v57, v33;
	v54 =	vld [tilespmem:s31+$0x6470];
	v5 =	vadd.f32 v5, v6;
	[tilespmem:s31+$0x40] =	vst v9  }
0x327: {  	v46 =	vmul.f32 v46, v32;
	v3 =	vadd.f32 v4, v3;
	v51 =	vld [tilespmem:s31+$0x7010];
	[tilespmem:s31+$0x30] =	vst v7  }
0x328: {  	v45 =	vmul.f32 v45, v32;
	v49 =	vld [tilespmem:s31+$0x6C70];
	v53 =	vadd.f32 v57, v63;
	v63 =	vmul.f32 v60, v33;
	[tilespmem:s31+$0x20] =	vst v5  }
0x329: {  	v43 =	vmul.f32 v43, v32;
	v48 =	vld [tilespmem:s31+$0x6C60];
	v46 =	vadd.f32 v62, v46;
	v57 =	vmul.f32 v61, v33;
	[tilespmem:s31+$0x10] =	vst v3  }
0x32a: {  	v44 =	vmul.f32 v44, v32;
	v47 =	vld [tilespmem:s31+$0x6C40];
	[tilespmem:s31+$0x1070] =	vst v53;
	v45 =	vadd.f32 v63, v45;
	v52 =	vmul.f32 v52, v33  }
0x32b: {  	v41 =	vmul.f32 v41, v32;
	v60 =	vld [tilespmem:s31+$0x6C00];
	[tilespmem:s31+$0x1050] =	vst v46;
	v43 =	vadd.f32 v57, v43;
	v50 =	vmul.f32 v50, v33  }
0x32c: {  	v35 =	vmul.f32 v35, v32;
	v61 =	vld [tilespmem:s31+$0x6870];
	[tilespmem:s31+$0x1040] =	vst v45;
	v45 =	vmul.f32 v58, v33;
	v44 =	vadd.f32 v52, v44  }
0x32d: {  	v42 =	vmul.f32 v42, v32;
	v53 =	vld [tilespmem:s31+$0x6C50];
	[tilespmem:s31+$0x1020] =	vst v43;
	v51 =	vmul.f32 v51, v33;
	v41 =	vadd.f32 v50, v41  }
0x32e: {  	v40 =	vmul.f32 v40, v32;
	v46 =	vld [tilespmem:s31+$0x6C30];
	v49 =	vmul.f32 v49, v33;
	v35 =	vadd.f32 v45, v35;
	[tilespmem:s31+$0x1030] =	vst v44  }
0x32f: {  	v39 =	vmul.f32 v39, v32;
	v62 =	vld [tilespmem:s31+$0x6860];
	v48 =	vmul.f32 v48, v33;
	v42 =	vadd.f32 v51, v42;
	[tilespmem:s31+$0x1000] =	vst v41  }
0x330: {  	v37 =	vmul.f32 v37, v32;
	v57 =	vld [tilespmem:s31+$0x6440];
	v47 =	vmul.f32 v47, v33;
	v40 =	vadd.f32 v49, v40;
	[tilespmem:s31+$0xC20] =	vst v35  }
0x331: {  	v31 =	vmul.f32 v31, v32;
	v58 =	vld [tilespmem:s31+$0x6430];
	v43 =	vmul.f32 v60, v33;
	v39 =	vadd.f32 v48, v39;
	[tilespmem:s31+$0x1010] =	vst v42  }
0x332: {  	v38 =	vmul.f32 v38, v32;
	v50 =	vld [tilespmem:s31+$0x6830];
	v63 =	vmul.f32 v53, v33;
	v37 =	vadd.f32 v47, v37;
	[tilespmem:s31+$0xC70] =	vst v40  }
0x333: {  	v36 =	vmul.f32 v36, v32;
	v60 =	vld [tilespmem:s31+$0x6410];
	v46 =	vmul.f32 v46, v33;
	v31 =	vadd.f32 v43, v31;
	[tilespmem:s31+$0xC60] =	vst v39  }
0x334: {  	v34 =	vmul.f32 v34, v32;
	v52 =	vld [tilespmem:s31+$0x6810];
	v44 =	vmul.f32 v59, v33;
	v38 =	vadd.f32 v63, v38;
	[tilespmem:s31+$0xC40] =	vst v37  }
0x335: {  	v29 =	vmul.f32 v29, v32;
	v45 =	vld [tilespmem:s31+$0x1440];
	v41 =	vmul.f32 v62, v33;
	v36 =	vadd.f32 v46, v36;
	[tilespmem:s31+$0xC00] =	vst v31  }
0x336: {  	v21 =	vmul.f32 v21, v32;
	v48 =	vld [tilespmem:s31+$0x6850];
	v62 =	vmul.f32 v55, v33;
	v34 =	vadd.f32 v44, v34;
	[tilespmem:s31+$0xC50] =	vst v38  }
0x337: {  	v30 =	vmul.f32 v30, v32;
	v49 =	vld [tilespmem:s31+$0x6840];
	v42 =	vmul.f32 v61, v33;
	v29 =	vadd.f32 v41, v29;
	[tilespmem:s31+$0xC30] =	vst v36  }
0x338: {  	v16 =	vmul.f32 v16, v32;
	v51 =	vld [tilespmem:s31+$0x6820];
	v21 =	vadd.f32 v62, v21;
	v41 =	vmul.f32 v60, v33;
	[tilespmem:s31+$0xC10] =	vst v34  }
0x339: {  	v26 =	vmul.f32 v26, v32;
	v53 =	vld [tilespmem:s31+$0x6800];
	v30 =	vadd.f32 v42, v30;
	[tilespmem:s31+$0x860] =	vst v29;
	v38 =	vmul.f32 v50, v33  }
0x33a: {  	v24 =	vmul.f32 v24, v32;
	v59 =	vld [tilespmem:s31+$0x6420];
	v36 =	vmul.f32 v52, v33;
	[tilespmem:s31+$0x460] =	vst v21;
	v16 =	vadd.f32 v41, v16  }
0x33b: {  	v22 =	vmul.f32 v22, v32;
	v43 =	vld [tilespmem:s31+$0x7470];
	v34 =	vmul.f32 v54, v33;
	[tilespmem:s31+$0x870] =	vst v30;
	v26 =	vadd.f32 v38, v26  }
0x33c: {  	v28 =	vmul.f32 v28, v32;
	v61 =	vld [tilespmem:s31+$0x6400];
	v40 =	vmul.f32 v48, v33;
	v24 =	vadd.f32 v36, v24;
	[tilespmem:s31+$0x410] =	vst v16  }
0x33d: {  	v27 =	vmul.f32 v27, v32;
	v63 =	vld [tilespmem:s31+$0x6070];
	v39 =	vmul.f32 v49, v33;
	v22 =	vadd.f32 v34, v22;
	[tilespmem:s31+$0x830] =	vst v26  }
0x33e: {  	v25 =	vmul.f32 v25, v32;
	v46 =	vld [tilespmem:s31+$0x1450];
	v37 =	vmul.f32 v51, v33;
	v28 =	vadd.f32 v40, v28;
	[tilespmem:s31+$0x810] =	vst v24  }
0x33f: {  	v23 =	vmul.f32 v23, v32;
	v50 =	vld [tilespmem:s31+$0x6000];
	v35 =	vmul.f32 v53, v33;
	v27 =	vadd.f32 v39, v27;
	[tilespmem:s31+$0x470] =	vst v22  }
0x340: {  	v20 =	vmul.f32 v20, v32;
	v48 =	vld [tilespmem:s31+$0x1460];
	v30 =	vmul.f32 v56, v33;
	v25 =	vadd.f32 v37, v25;
	[tilespmem:s31+$0x850] =	vst v28  }
0x341: {  	v19 =	vmul.f32 v19, v32;
	v51 =	vld [tilespmem:s31+$0x0];
	v23 =	vadd.f32 v35, v23;
	v35 =	vmul.f32 v57, v33;
	[tilespmem:s31+$0x840] =	vst v27  }
0x342: {  	v18 =	vmul.f32 v18, v32;
	v34 =	vld [tilespmem:s31+$0x6060];
	v37 =	vmul.f32 v58, v33;
	v20 =	vadd.f32 v30, v20;
	[tilespmem:s31+$0x820] =	vst v25  }
0x343: {  	v17 =	vmul.f32 v17, v32;
	v36 =	vld [tilespmem:s31+$0x7440];
	v39 =	vmul.f32 v59, v33;
	[tilespmem:s31+$0x800] =	vst v23;
	v19 =	vadd.f32 v35, v19  }
0x344: {  	v15 =	vmul.f32 v15, v32;
	v38 =	vld [tilespmem:s31+$0x7450];
	v42 =	vmul.f32 v61, v33;
	v18 =	vadd.f32 v37, v18;
	[tilespmem:s31+$0x450] =	vst v20  }
0x345: {  	v14 =	vmul.f32 v14, v32;
	v40 =	vld [tilespmem:s31+$0x7460];
	v44 =	vmul.f32 v63, v33;
	v17 =	vadd.f32 v39, v17;
	[tilespmem:s31+$0x440] =	vst v19  }
0x346: {  	v49 =	vld [tilespmem:s31+$0x1470];
	v15 =	vadd.f32 v42, v15;
	v10 =	vmul.f32 v50, v33;
	v61 =	vmul.f32 v51, v32;
	[tilespmem:s31+$0x430] =	vst v18  }
0x347: {  	v13 =	vmul.f32 v13, v32;
	v14 =	vadd.f32 v44, v14;
	[tilespmem:s31+$0x420] =	vst v17;
	v47 =	vmul.f32 v34, v33  }
0x348: {  	v52 =	vmul.f32 v45, v32;
	[tilespmem:s31+$0x400] =	vst v15;
	v53 =	vmul.f32 v36, v33;
	v63 =	vadd.f32 v10, v61  }
0x349: {  	v54 =	vmul.f32 v46, v32;
	[tilespmem:s31+$0x70] =	vst v14;
	v55 =	vmul.f32 v38, v33;
	v13 =	vadd.f32 v47, v13  }
0x34a: {  	v56 =	vmul.f32 v48, v32;
	v58 =	vmul.f32 v40, v33;
	v57 =	vadd.f32 v53, v52;
	[tilespmem:s31+$0x0] =	vst v63  }
0x34b: {  	v60 =	vmul.f32 v43, v33;
	v59 =	vmul.f32 v49, v32;
	v3 =	vadd.f32 v55, v54;
	[tilespmem:s31+$0x60] =	vst v13  }
0x34c: {  	v62 =	vadd.f32 v58, v56;
	[tilespmem:s31+$0x1440] =	vst v57  }
0x34d: {  	s29 =	sadd.s32 $0x1, s29;
	[tilespmem:s31+$0x1450] =	vst v3;
	v3 =	vadd.f32 v60, v59  }
0x34e: {  	p0 =	sne.s32 s29, s16;
	[tilespmem:s31+$0x1460] =	vst v62  }
.Ltmp2:
0x34f: {  	[tilespmem:s31+$0x1470] =	vst v3;
	(pc) =	sbr.rel @p0 .LBB2_1-.Ltmp2, $4  }
0x350: {  	[hbm4b:s15+s2] =	stream.linear.scatter [tilespmem:s2], [sflag:$0x3], $0x6000, $0x38;
	[tilespmem:$0xE100] =	vst v63  }
0x351: {  	_ =	swait.ge [sflag:s18], $0x6000  }
0x352: {  	[sflag:s18] =	ssyncset.done $0x0  }
0x353: {  	[sflag:s18] =	ssyncadd.s32 $0xFFFFA000  }
0x354: {  	_ =	sfence.sel $0x180000  }
0x355: {  	[bflag:$0x0] =	sbarrier.arrive $0xFFFF  }
0x356: {  	_ =	strace $0x9000004A  }
0x357: {  	s0 =	stileid.u32;
	[bflag:$0x2] =	sbarrier.arrive $0xFFFF  }
0x358: {  	p0 =	sne.s32 s0, $0x0;
	s0 =	rddreg [dreg:$0x2]  }
0x359: {  	s0 =	sadd.s32 @!p0 $0x100000, s0  }
0x35a: {  	[sflag:s0] =	ssyncadd.tile.s32 @!p0 $0x1;
	_ =	shalt  }
.Lfunc_end2:
_tile_overlayer_lowered:
.L_overlay_start_2:
0x35b: {  	(tag) =	ssettag $0x2  }
0x35c: {  	s0 =	rddreg [dreg:$0x0];
	s2 =	stileid.u32  }
0x35d: {  	s1 =	rddreg [dreg:$0x1];
	p0 =	sne.s32 s2, $0x0  }
0x35e: {  	s3 =	rddreg [dreg:$0x2];
	[bflag:$0x3] =	sbarrier.arrive $0xFFFF;
	s2 =	simm.s32 @!p0 $0x1C03  }
0x35f: {  	[timem:s3], [sflag:s2] =	dma.local @!p0 [hbm:s0], s1  }
0x360: {  	s0 =	simm.s32 @!p0 $0x3  }
0x361: {  	_ =	swait.ge @!p0 [sflag:s0], s1  }
0x362: {  	s1 =	ssub.s32 @!p0 $0x0, s1;
	[sflag:s0] =	ssyncset.done @!p0 $0x0  }
0x363: {  	[sflag:s0] =	ssyncadd.s32 @!p0 s1  }
0x364: {  	[bflag:$0x3] =	sbarrier.arrive $0xFFFF  }
0x365: {  	_ =	shalt  }

</sc_bundles>
